<compile_context>
chip_gen: v7x
topology: tpu7x:2x2x1
jax: 0.10.2.dev20260603
libtpu: 0.0.44.dev20260713+nightly
codegen_flags: <defaults>
</compile_context>

<pallas_src>
import jax
import jax.numpy as jnp
from jax import lax
from jax.experimental import pallas as pl
from jax.experimental.pallas import tpu as pltpu
from jax.experimental.pallas import tpu_sc as plsc

NC = 2
NS = 16
NW = NC * NS
L = 16

BINS = 256
NBANK = BINS * L

N_TOTAL = 64 * 3 * 512 * 512
ROWS = 64 * 3 * 512
COLS = 512
ROWS_PER_W = ROWS // NW
CHUNK_ROWS = 96
NCHUNK = ROWS_PER_W // CHUNK_ROWS
VPC = CHUNK_ROWS * COLS // L
UNROLL = 8


def _sc_hist_body(x_hbm, out_hbm, buf0, buf1, hist, sem0, sem1):
    wid = lax.axis_index("s") * NC + lax.axis_index("c")
    rbase = wid * ROWS_PER_W

    zeros = jnp.zeros((L,), jnp.float32)

    @plsc.parallel_loop(0, NBANK, L, unroll=8)
    def _(i):
        hist[pl.ds(i, L)] = zeros

    lane = lax.iota(jnp.int32, L)
    ones = jnp.ones((L,), jnp.float32)

    def run_chunk(buf):
        @plsc.parallel_loop(0, VPC, 1, unroll=UNROLL)
        def _(i):
            r = lax.shift_right_logical(i, 5)
            c = lax.shift_left(jnp.bitwise_and(i, 31), 4)
            xv = buf[r, pl.ds(c, L)]
            f = (xv * 256.0).astype(jnp.int32)
            addr = lax.shift_left(f, 4) + lane
            plsc.addupdate_scatter(hist, [addr], ones)

    bufs = (buf0, buf1)
    sems = (sem0, sem1)
    descs = [None, None]
    descs[0] = pltpu.async_copy(
        x_hbm.at[pl.ds(rbase, CHUNK_ROWS), :], buf0, sem0)
    for ci in range(NCHUNK):
        if ci + 1 < NCHUNK:
            nb = (ci + 1) % 2
            descs[nb] = pltpu.async_copy(
                x_hbm.at[pl.ds(rbase + (ci + 1) * CHUNK_ROWS, CHUNK_ROWS), :],
                bufs[nb], sems[nb])
        descs[ci % 2].wait()
        run_chunk(bufs[ci % 2])

    pltpu.sync_copy(hist, out_hbm.at[wid])


@jax.jit
def _sc_hist(x2d):
    mesh = plsc.VectorSubcoreMesh(core_axis_name="c", subcore_axis_name="s")
    return pl.kernel(
        _sc_hist_body,
        out_type=jax.ShapeDtypeStruct((NW, NBANK), jnp.float32),
        mesh=mesh,
        compiler_params=pltpu.CompilerParams(needs_layout_passes=False),
        scratch_types=[
            pltpu.VMEM((CHUNK_ROWS, COLS), jnp.float32),
            pltpu.VMEM((CHUNK_ROWS, COLS), jnp.float32),
            pltpu.VMEM((NBANK,), jnp.float32),
            pltpu.SemaphoreType.DMA,
            pltpu.SemaphoreType.DMA,
        ],
    )(x2d)


def _entropy_body(parts_ref, out_ref):
    h = jnp.sum(parts_ref[...], axis=(0, 2))
    hn = h * (1.0 / N_TOTAL)
    inv_ln2 = 1.4426950408889634
    en = -jnp.sum(hn * (jnp.log(hn + 1e-7) * inv_ln2))
    out_ref[...] = jnp.full((1, 1), en, jnp.float32)


@jax.jit
def _entropy(parts):
    out = pl.pallas_call(
        _entropy_body,
        out_shape=jax.ShapeDtypeStruct((1, 1), jnp.float32),
    )(parts)
    return out[0, 0]


def kernel(x):
    x2d = x.reshape(ROWS, COLS)
    parts = _sc_hist(x2d)
    return _entropy(parts.reshape(NW, BINS, L))

# --- scband reference (transcript-rebuilt; emitter-appended) ---
"""Pipeline reference for scband-calculate-en-32504312496129 (READ-ONLY COPY).

The authoritative reference and input builder live on the scoring server;
editing this copy changes nothing except your own understanding.
"""

import jax, jax.numpy as jnp
import numpy as np


def setup_inputs(seed: int = 0) -> dict:
    key = jax.random.key(seed)
    x = jax.random.uniform(key, (64, 3, 512, 512), dtype=jnp.float32)
    return {"x": x}


def reference(x):
    # torch.histc(x, bins=256, min=0.0, max=1.0) / x.numel()
    n = x.size
    xf = x.reshape(-1)
    # bin index: equal-width bins on [0, 1]; value == max falls into last bin
    idx = jnp.clip(jnp.floor(xf * 256.0).astype(jnp.int32), 0, 255)
    # torch.histc ignores values outside [min, max]
    inrange = (xf >= 0.0) & (xf <= 1.0)
    weights = jnp.where(inrange, jnp.float32(1.0), jnp.float32(0.0))
    hist = jnp.bincount(idx, weights=weights, length=256)
    hist = hist / n
    en = -jnp.sum(hist * jnp.log2(hist + 1e-07))
    return en

if __name__ == "__main__":
    import jax
    _d = setup_inputs()
    print(jax.jit(kernel)(*tuple(_d.values())))

</pallas_src>

<mosaic_0001>
#map = affine_map<(d0, d1) -> (0, 0)>
module attributes {stable_mosaic.version = 14 : i64} {
  func.func @_sc_hist_body(%arg0: i32, %arg1: i32, %arg2: memref<98304x512xf32, #tpu.memory_space<hbm>>, %arg3: memref<32x4096xf32, #tpu.memory_space<hbm>>, %arg4: memref<96x512xf32, #tpu.memory_space<vmem>>, %arg5: memref<96x512xf32, #tpu.memory_space<vmem>>, %arg6: memref<4096xf32, #tpu.memory_space<vmem>>, %arg7: memref<!tpu.dma_semaphore, #tpu.memory_space<semaphore_mem>>, %arg8: memref<!tpu.dma_semaphore, #tpu.memory_space<semaphore_mem>>) attributes {dimension_semantics = [#tpu.dimension_semantics<core_parallel>, #tpu.dimension_semantics<subcore_parallel>], iteration_bounds = array<i64: 2, 16>, scalar_prefetch = 0 : i64, scratch_operands = 5 : i64, tpu.core_type = #tpu.core_type<sc_vector_subcore>, window_params = [{transform_indices = #map}, {transform_indices = #map}]} {
    %mul3A = arith.constant 2 : i32
    %mul3A_0 = arith.muli %arg1, %mul3A : i32
    %add3A = arith.addi %mul3A_0, %arg0 : i32
    %mul3A_1 = arith.constant 3072 : i32
    %mul3A_2 = arith.muli %add3A, %mul3A_1 : i32
    %broadcast_in_dim3A = arith.constant 0.000000e+00 : f32
    %broadcast_in_dim3A_3 = vector.broadcast %broadcast_in_dim3A : f32 to vector<16xf32>
    %parallel_loop3A = arith.constant 0 : i32
    %parallel_loop3A_4 = arith.constant 4096 : i32
    %parallel_loop3A_5 = arith.constant 16 : i32
    scf.for %parallel_loop3A_420 = %parallel_loop3A to %parallel_loop3A_4 step %parallel_loop3A_5  : i32 {
      %parallel_loop3A_421 = arith.index_cast %parallel_loop3A_420 : i32 to index
      %parallel_loop3A_422 = tpu.vector_load %arg6[%parallel_loop3A_421] {strides = array<i32>} : memref<4096xf32, #tpu.memory_space<vmem>>, vector<16xf32>,
      tpu.vector_store %arg6[%parallel_loop3A_421], %broadcast_in_dim3A_3 {strides = array<i32>} : memref<4096xf32, #tpu.memory_space<vmem>>, vector<16xf32>,
    } {sc.loop_unroll_factor = 8 : i64, sc.parallel_access}
    %iota3A = tpu.iota {dimensions = array<i32: 0>} : vector<16xi32>
    %broadcast_in_dim3A_6 = arith.constant 1.000000e+00 : f32
    %broadcast_in_dim3A_7 = vector.broadcast %broadcast_in_dim3A_6 : f32 to vector<16xf32>
    %dma_start3A = arith.constant 0 : i32
    %dma_start3A_8 = tpu.memref_slice %arg2[%mul3A_2, %dma_start3A] : memref<98304x512xf32, #tpu.memory_space<hbm>> -> memref<96x512xf32, #tpu.memory_space<hbm>>
    %dma_start3A_9 = arith.constant 0 : i32
    %dma_start3A_10 = tpu.memref_slice %arg2[%mul3A_2, %dma_start3A_9] : memref<98304x512xf32, #tpu.memory_space<hbm>> -> memref<96x512xf32, #tpu.memory_space<hbm>>
    tpu.enqueue_dma source(%dma_start3A_10 : memref<96x512xf32, #tpu.memory_space<hbm>>) target(%arg4 : memref<96x512xf32, #tpu.memory_space<vmem>>) target_semaphore(%arg7 : memref<!tpu.dma_semaphore, #tpu.memory_space<semaphore_mem>>)
    %add3A_11 = arith.constant 96 : i32
    %add3A_12 = arith.addi %mul3A_2, %add3A_11 : i32
    %dma_start3A_13 = arith.constant 0 : i32
    %dma_start3A_14 = tpu.memref_slice %arg2[%add3A_12, %dma_start3A_13] : memref<98304x512xf32, #tpu.memory_space<hbm>> -> memref<96x512xf32, #tpu.memory_space<hbm>>
    %dma_start3A_15 = arith.constant 0 : i32
    %dma_start3A_16 = tpu.memref_slice %arg2[%add3A_12, %dma_start3A_15] : memref<98304x512xf32, #tpu.memory_space<hbm>> -> memref<96x512xf32, #tpu.memory_space<hbm>>
    tpu.enqueue_dma source(%dma_start3A_16 : memref<96x512xf32, #tpu.memory_space<hbm>>) target(%arg5 : memref<96x512xf32, #tpu.memory_space<vmem>>) target_semaphore(%arg8 : memref<!tpu.dma_semaphore, #tpu.memory_space<semaphore_mem>>)
    %dma_wait3A = arith.constant 0 : i32
    %dma_wait3A_17 = tpu.memref_slice %arg2[%mul3A_2, %dma_wait3A] : memref<98304x512xf32, #tpu.memory_space<hbm>> -> memref<96x512xf32, #tpu.memory_space<hbm>>
    %dma_wait3A_18 = arith.constant 0 : i32
    %dma_wait3A_19 = tpu.memref_slice %arg2[%mul3A_2, %dma_wait3A_18] : memref<98304x512xf32, #tpu.memory_space<hbm>> -> memref<96x512xf32, #tpu.memory_space<hbm>>
    tpu.wait_dma2 semaphore(%arg7 : memref<!tpu.dma_semaphore, #tpu.memory_space<semaphore_mem>>) src(%dma_wait3A_19 : memref<96x512xf32, #tpu.memory_space<hbm>>) dst(%arg4 : memref<96x512xf32, #tpu.memory_space<vmem>>)
    %parallel_loop3A_20 = arith.constant 0 : i32
    %parallel_loop3A_21 = arith.constant 3072 : i32
    %parallel_loop3A_22 = arith.constant 1 : i32
    scf.for %parallel_loop3A_420 = %parallel_loop3A_20 to %parallel_loop3A_21 step %parallel_loop3A_22  : i32 {
      %parallel_loop3A_421 = arith.constant 5 : i32
      %parallel_loop3A_422 = arith.shrui %parallel_loop3A_420, %parallel_loop3A_421 : i32
      %parallel_loop3A_423 = arith.constant 31 : i32
      %parallel_loop3A_424 = arith.andi %parallel_loop3A_420, %parallel_loop3A_423 : i32
      %parallel_loop3A_425 = arith.constant 4 : i32
      %parallel_loop3A_426 = arith.shli %parallel_loop3A_424, %parallel_loop3A_425 : i32
      %parallel_loop3A_427 = arith.index_cast %parallel_loop3A_422 : i32 to index
      %parallel_loop3A_428 = arith.index_cast %parallel_loop3A_426 : i32 to index
      %parallel_loop3A_429 = tpu.vector_load %arg4[%parallel_loop3A_427, %parallel_loop3A_428] {strides = array<i32>} : memref<96x512xf32, #tpu.memory_space<vmem>>, vector<16xf32>,
      %parallel_loop3A_430 = arith.constant 2.560000e+02 : f32
      %parallel_loop3A_431 = vector.broadcast %parallel_loop3A_430 : f32 to vector<16xf32>
      %parallel_loop3A_432 = arith.mulf %parallel_loop3A_429, %parallel_loop3A_431 : vector<16xf32>
      %parallel_loop3A_433 = arith.fptosi %parallel_loop3A_432 : vector<16xf32> to vector<16xi32>
      %parallel_loop3A_434 = arith.constant 4 : i32
      %parallel_loop3A_435 = vector.broadcast %parallel_loop3A_434 : i32 to vector<16xi32>
      %parallel_loop3A_436 = arith.shli %parallel_loop3A_433, %parallel_loop3A_435 : vector<16xi32>
      %parallel_loop3A_437 = arith.addi %parallel_loop3A_436, %iota3A : vector<16xi32>
      tpu.vector_store_idx %arg6[%parallel_loop3A_437], %broadcast_in_dim3A_7 {add = true} : memref<4096xf32, #tpu.memory_space<vmem>>[vector<16xi32>], vector<16xf32>,
    } {sc.loop_unroll_factor = 8 : i64, sc.parallel_access}
    %add3A_23 = arith.constant 192 : i32
    %add3A_24 = arith.addi %mul3A_2, %add3A_23 : i32
    %dma_start3A_25 = arith.constant 0 : i32
    %dma_start3A_26 = tpu.memref_slice %arg2[%add3A_24, %dma_start3A_25] : memref<98304x512xf32, #tpu.memory_space<hbm>> -> memref<96x512xf32, #tpu.memory_space<hbm>>
    %dma_start3A_27 = arith.constant 0 : i32
    %dma_start3A_28 = tpu.memref_slice %arg2[%add3A_24, %dma_start3A_27] : memref<98304x512xf32, #tpu.memory_space<hbm>> -> memref<96x512xf32, #tpu.memory_space<hbm>>
    tpu.enqueue_dma source(%dma_start3A_28 : memref<96x512xf32, #tpu.memory_space<hbm>>) target(%arg4 : memref<96x512xf32, #tpu.memory_space<vmem>>) target_semaphore(%arg7 : memref<!tpu.dma_semaphore, #tpu.memory_space<semaphore_mem>>)
    %dma_wait3A_29 = arith.constant 0 : i32
    %dma_wait3A_30 = tpu.memref_slice %arg2[%add3A_12, %dma_wait3A_29] : memref<98304x512xf32, #tpu.memory_space<hbm>> -> memref<96x512xf32, #tpu.memory_space<hbm>>
    %dma_wait3A_31 = arith.constant 0 : i32
    %dma_wait3A_32 = tpu.memref_slice %arg2[%add3A_12, %dma_wait3A_31] : memref<98304x512xf32, #tpu.memory_space<hbm>> -> memref<96x512xf32, #tpu.memory_space<hbm>>
    tpu.wait_dma2 semaphore(%arg8 : memref<!tpu.dma_semaphore, #tpu.memory_space<semaphore_mem>>) src(%dma_wait3A_32 : memref<96x512xf32, #tpu.memory_space<hbm>>) dst(%arg5 : memref<96x512xf32, #tpu.memory_space<vmem>>)
    %parallel_loop3A_33 = arith.constant 0 : i32
    %parallel_loop3A_34 = arith.constant 3072 : i32
    %parallel_loop3A_35 = arith.constant 1 : i32
    scf.for %parallel_loop3A_420 = %parallel_loop3A_33 to %parallel_loop3A_34 step %parallel_loop3A_35  : i32 {
      %parallel_loop3A_421 = arith.constant 5 : i32
      %parallel_loop3A_422 = arith.shrui %parallel_loop3A_420, %parallel_loop3A_421 : i32
      %parallel_loop3A_423 = arith.constant 31 : i32
      %parallel_loop3A_424 = arith.andi %parallel_loop3A_420, %parallel_loop3A_423 : i32
      %parallel_loop3A_425 = arith.constant 4 : i32
      %parallel_loop3A_426 = arith.shli %parallel_loop3A_424, %parallel_loop3A_425 : i32
      %parallel_loop3A_427 = arith.index_cast %parallel_loop3A_422 : i32 to index
      %parallel_loop3A_428 = arith.index_cast %parallel_loop3A_426 : i32 to index
      %parallel_loop3A_429 = tpu.vector_load %arg5[%parallel_loop3A_427, %parallel_loop3A_428] {strides = array<i32>} : memref<96x512xf32, #tpu.memory_space<vmem>>, vector<16xf32>,
      %parallel_loop3A_430 = arith.constant 2.560000e+02 : f32
      %parallel_loop3A_431 = vector.broadcast %parallel_loop3A_430 : f32 to vector<16xf32>
      %parallel_loop3A_432 = arith.mulf %parallel_loop3A_429, %parallel_loop3A_431 : vector<16xf32>
      %parallel_loop3A_433 = arith.fptosi %parallel_loop3A_432 : vector<16xf32> to vector<16xi32>
      %parallel_loop3A_434 = arith.constant 4 : i32
      %parallel_loop3A_435 = vector.broadcast %parallel_loop3A_434 : i32 to vector<16xi32>
      %parallel_loop3A_436 = arith.shli %parallel_loop3A_433, %parallel_loop3A_435 : vector<16xi32>
      %parallel_loop3A_437 = arith.addi %parallel_loop3A_436, %iota3A : vector<16xi32>
      tpu.vector_store_idx %arg6[%parallel_loop3A_437], %broadcast_in_dim3A_7 {add = true} : memref<4096xf32, #tpu.memory_space<vmem>>[vector<16xi32>], vector<16xf32>,
    } {sc.loop_unroll_factor = 8 : i64, sc.parallel_access}
    %add3A_36 = arith.constant 288 : i32
    %add3A_37 = arith.addi %mul3A_2, %add3A_36 : i32
    %dma_start3A_38 = arith.constant 0 : i32
    %dma_start3A_39 = tpu.memref_slice %arg2[%add3A_37, %dma_start3A_38] : memref<98304x512xf32, #tpu.memory_space<hbm>> -> memref<96x512xf32, #tpu.memory_space<hbm>>
    %dma_start3A_40 = arith.constant 0 : i32
    %dma_start3A_41 = tpu.memref_slice %arg2[%add3A_37, %dma_start3A_40] : memref<98304x512xf32, #tpu.memory_space<hbm>> -> memref<96x512xf32, #tpu.memory_space<hbm>>
    tpu.enqueue_dma source(%dma_start3A_41 : memref<96x512xf32, #tpu.memory_space<hbm>>) target(%arg5 : memref<96x512xf32, #tpu.memory_space<vmem>>) target_semaphore(%arg8 : memref<!tpu.dma_semaphore, #tpu.memory_space<semaphore_mem>>)
    %dma_wait3A_42 = arith.constant 0 : i32
    %dma_wait3A_43 = tpu.memref_slice %arg2[%add3A_24, %dma_wait3A_42] : memref<98304x512xf32, #tpu.memory_space<hbm>> -> memref<96x512xf32, #tpu.memory_space<hbm>>
    %dma_wait3A_44 = arith.constant 0 : i32
    %dma_wait3A_45 = tpu.memref_slice %arg2[%add3A_24, %dma_wait3A_44] : memref<98304x512xf32, #tpu.memory_space<hbm>> -> memref<96x512xf32, #tpu.memory_space<hbm>>
    tpu.wait_dma2 semaphore(%arg7 : memref<!tpu.dma_semaphore, #tpu.memory_space<semaphore_mem>>) src(%dma_wait3A_45 : memref<96x512xf32, #tpu.memory_space<hbm>>) dst(%arg4 : memref<96x512xf32, #tpu.memory_space<vmem>>)
    %parallel_loop3A_46 = arith.constant 0 : i32
    %parallel_loop3A_47 = arith.constant 3072 : i32
    %parallel_loop3A_48 = arith.constant 1 : i32
    scf.for %parallel_loop3A_420 = %parallel_loop3A_46 to %parallel_loop3A_47 step %parallel_loop3A_48  : i32 {
      %parallel_loop3A_421 = arith.constant 5 : i32
      %parallel_loop3A_422 = arith.shrui %parallel_loop3A_420, %parallel_loop3A_421 : i32
      %parallel_loop3A_423 = arith.constant 31 : i32
      %parallel_loop3A_424 = arith.andi %parallel_loop3A_420, %parallel_loop3A_423 : i32
      %parallel_loop3A_425 = arith.constant 4 : i32
      %parallel_loop3A_426 = arith.shli %parallel_loop3A_424, %parallel_loop3A_425 : i32
      %parallel_loop3A_427 = arith.index_cast %parallel_loop3A_422 : i32 to index
      %parallel_loop3A_428 = arith.index_cast %parallel_loop3A_426 : i32 to index
      %parallel_loop3A_429 = tpu.vector_load %arg4[%parallel_loop3A_427, %parallel_loop3A_428] {strides = array<i32>} : memref<96x512xf32, #tpu.memory_space<vmem>>, vector<16xf32>,
      %parallel_loop3A_430 = arith.constant 2.560000e+02 : f32
      %parallel_loop3A_431 = vector.broadcast %parallel_loop3A_430 : f32 to vector<16xf32>
      %parallel_loop3A_432 = arith.mulf %parallel_loop3A_429, %parallel_loop3A_431 : vector<16xf32>
      %parallel_loop3A_433 = arith.fptosi %parallel_loop3A_432 : vector<16xf32> to vector<16xi32>
      %parallel_loop3A_434 = arith.constant 4 : i32
      %parallel_loop3A_435 = vector.broadcast %parallel_loop3A_434 : i32 to vector<16xi32>
      %parallel_loop3A_436 = arith.shli %parallel_loop3A_433, %parallel_loop3A_435 : vector<16xi32>
      %parallel_loop3A_437 = arith.addi %parallel_loop3A_436, %iota3A : vector<16xi32>
      tpu.vector_store_idx %arg6[%parallel_loop3A_437], %broadcast_in_dim3A_7 {add = true} : memref<4096xf32, #tpu.memory_space<vmem>>[vector<16xi32>], vector<16xf32>,
    } {sc.loop_unroll_factor = 8 : i64, sc.parallel_access}
    %add3A_49 = arith.constant 384 : i32
    %add3A_50 = arith.addi %mul3A_2, %add3A_49 : i32
    %dma_start3A_51 = arith.constant 0 : i32
    %dma_start3A_52 = tpu.memref_slice %arg2[%add3A_50, %dma_start3A_51] : memref<98304x512xf32, #tpu.memory_space<hbm>> -> memref<96x512xf32, #tpu.memory_space<hbm>>
    %dma_start3A_53 = arith.constant 0 : i32
    %dma_start3A_54 = tpu.memref_slice %arg2[%add3A_50, %dma_start3A_53] : memref<98304x512xf32, #tpu.memory_space<hbm>> -> memref<96x512xf32, #tpu.memory_space<hbm>>
    tpu.enqueue_dma source(%dma_start3A_54 : memref<96x512xf32, #tpu.memory_space<hbm>>) target(%arg4 : memref<96x512xf32, #tpu.memory_space<vmem>>) target_semaphore(%arg7 : memref<!tpu.dma_semaphore, #tpu.memory_space<semaphore_mem>>)
    %dma_wait3A_55 = arith.constant 0 : i32
    %dma_wait3A_56 = tpu.memref_slice %arg2[%add3A_37, %dma_wait3A_55] : memref<98304x512xf32, #tpu.memory_space<hbm>> -> memref<96x512xf32, #tpu.memory_space<hbm>>
    %dma_wait3A_57 = arith.constant 0 : i32
    %dma_wait3A_58 = tpu.memref_slice %arg2[%add3A_37, %dma_wait3A_57] : memref<98304x512xf32, #tpu.memory_space<hbm>> -> memref<96x512xf32, #tpu.memory_space<hbm>>
    tpu.wait_dma2 semaphore(%arg8 : memref<!tpu.dma_semaphore, #tpu.memory_space<semaphore_mem>>) src(%dma_wait3A_58 : memref<96x512xf32, #tpu.memory_space<hbm>>) dst(%arg5 : memref<96x512xf32, #tpu.memory_space<vmem>>)
    %parallel_loop3A_59 = arith.constant 0 : i32
    %parallel_loop3A_60 = arith.constant 3072 : i32
    %parallel_loop3A_61 = arith.constant 1 : i32
    scf.for %parallel_loop3A_420 = %parallel_loop3A_59 to %parallel_loop3A_60 step %parallel_loop3A_61  : i32 {
      %parallel_loop3A_421 = arith.constant 5 : i32
      %parallel_loop3A_422 = arith.shrui %parallel_loop3A_420, %parallel_loop3A_421 : i32
      %parallel_loop3A_423 = arith.constant 31 : i32
      %parallel_loop3A_424 = arith.andi %parallel_loop3A_420, %parallel_loop3A_423 : i32
      %parallel_loop3A_425 = arith.constant 4 : i32
      %parallel_loop3A_426 = arith.shli %parallel_loop3A_424, %parallel_loop3A_425 : i32
      %parallel_loop3A_427 = arith.index_cast %parallel_loop3A_422 : i32 to index
      %parallel_loop3A_428 = arith.index_cast %parallel_loop3A_426 : i32 to index
      %parallel_loop3A_429 = tpu.vector_load %arg5[%parallel_loop3A_427, %parallel_loop3A_428] {strides = array<i32>} : memref<96x512xf32, #tpu.memory_space<vmem>>, vector<16xf32>,
      %parallel_loop3A_430 = arith.constant 2.560000e+02 : f32
      %parallel_loop3A_431 = vector.broadcast %parallel_loop3A_430 : f32 to vector<16xf32>
      %parallel_loop3A_432 = arith.mulf %parallel_loop3A_429, %parallel_loop3A_431 : vector<16xf32>
      %parallel_loop3A_433 = arith.fptosi %parallel_loop3A_432 : vector<16xf32> to vector<16xi32>
      %parallel_loop3A_434 = arith.constant 4 : i32
      %parallel_loop3A_435 = vector.broadcast %parallel_loop3A_434 : i32 to vector<16xi32>
      %parallel_loop3A_436 = arith.shli %parallel_loop3A_433, %parallel_loop3A_435 : vector<16xi32>
      %parallel_loop3A_437 = arith.addi %parallel_loop3A_436, %iota3A : vector<16xi32>
      tpu.vector_store_idx %arg6[%parallel_loop3A_437], %broadcast_in_dim3A_7 {add = true} : memref<4096xf32, #tpu.memory_space<vmem>>[vector<16xi32>], vector<16xf32>,
    } {sc.loop_unroll_factor = 8 : i64, sc.parallel_access}
    %add3A_62 = arith.constant 480 : i32
    %add3A_63 = arith.addi %mul3A_2, %add3A_62 : i32
    %dma_start3A_64 = arith.constant 0 : i32
    %dma_start3A_65 = tpu.memref_slice %arg2[%add3A_63, %dma_start3A_64] : memref<98304x512xf32, #tpu.memory_space<hbm>> -> memref<96x512xf32, #tpu.memory_space<hbm>>
    %dma_start3A_66 = arith.constant 0 : i32
    %dma_start3A_67 = tpu.memref_slice %arg2[%add3A_63, %dma_start3A_66] : memref<98304x512xf32, #tpu.memory_space<hbm>> -> memref<96x512xf32, #tpu.memory_space<hbm>>
    tpu.enqueue_dma source(%dma_start3A_67 : memref<96x512xf32, #tpu.memory_space<hbm>>) target(%arg5 : memref<96x512xf32, #tpu.memory_space<vmem>>) target_semaphore(%arg8 : memref<!tpu.dma_semaphore, #tpu.memory_space<semaphore_mem>>)
    %dma_wait3A_68 = arith.constant 0 : i32
    %dma_wait3A_69 = tpu.memref_slice %arg2[%add3A_50, %dma_wait3A_68] : memref<98304x512xf32, #tpu.memory_space<hbm>> -> memref<96x512xf32, #tpu.memory_space<hbm>>
    %dma_wait3A_70 = arith.constant 0 : i32
    %dma_wait3A_71 = tpu.memref_slice %arg2[%add3A_50, %dma_wait3A_70] : memref<98304x512xf32, #tpu.memory_space<hbm>> -> memref<96x512xf32, #tpu.memory_space<hbm>>
    tpu.wait_dma2 semaphore(%arg7 : memref<!tpu.dma_semaphore, #tpu.memory_space<semaphore_mem>>) src(%dma_wait3A_71 : memref<96x512xf32, #tpu.memory_space<hbm>>) dst(%arg4 : memref<96x512xf32, #tpu.memory_space<vmem>>)
    %parallel_loop3A_72 = arith.constant 0 : i32
    %parallel_loop3A_73 = arith.constant 3072 : i32
    %parallel_loop3A_74 = arith.constant 1 : i32
    scf.for %parallel_loop3A_420 = %parallel_loop3A_72 to %parallel_loop3A_73 step %parallel_loop3A_74  : i32 {
      %parallel_loop3A_421 = arith.constant 5 : i32
      %parallel_loop3A_422 = arith.shrui %parallel_loop3A_420, %parallel_loop3A_421 : i32
      %parallel_loop3A_423 = arith.constant 31 : i32
      %parallel_loop3A_424 = arith.andi %parallel_loop3A_420, %parallel_loop3A_423 : i32
      %parallel_loop3A_425 = arith.constant 4 : i32
      %parallel_loop3A_426 = arith.shli %parallel_loop3A_424, %parallel_loop3A_425 : i32
      %parallel_loop3A_427 = arith.index_cast %parallel_loop3A_422 : i32 to index
      %parallel_loop3A_428 = arith.index_cast %parallel_loop3A_426 : i32 to index
      %parallel_loop3A_429 = tpu.vector_load %arg4[%parallel_loop3A_427, %parallel_loop3A_428] {strides = array<i32>} : memref<96x512xf32, #tpu.memory_space<vmem>>, vector<16xf32>,
      %parallel_loop3A_430 = arith.constant 2.560000e+02 : f32
      %parallel_loop3A_431 = vector.broadcast %parallel_loop3A_430 : f32 to vector<16xf32>
      %parallel_loop3A_432 = arith.mulf %parallel_loop3A_429, %parallel_loop3A_431 : vector<16xf32>
      %parallel_loop3A_433 = arith.fptosi %parallel_loop3A_432 : vector<16xf32> to vector<16xi32>
      %parallel_loop3A_434 = arith.constant 4 : i32
      %parallel_loop3A_435 = vector.broadcast %parallel_loop3A_434 : i32 to vector<16xi32>
      %parallel_loop3A_436 = arith.shli %parallel_loop3A_433, %parallel_loop3A_435 : vector<16xi32>
      %parallel_loop3A_437 = arith.addi %parallel_loop3A_436, %iota3A : vector<16xi32>
      tpu.vector_store_idx %arg6[%parallel_loop3A_437], %broadcast_in_dim3A_7 {add = true} : memref<4096xf32, #tpu.memory_space<vmem>>[vector<16xi32>], vector<16xf32>,
    } {sc.loop_unroll_factor = 8 : i64, sc.parallel_access}
    %add3A_75 = arith.constant 576 : i32
    %add3A_76 = arith.addi %mul3A_2, %add3A_75 : i32
    %dma_start3A_77 = arith.constant 0 : i32
    %dma_start3A_78 = tpu.memref_slice %arg2[%add3A_76, %dma_start3A_77] : memref<98304x512xf32, #tpu.memory_space<hbm>> -> memref<96x512xf32, #tpu.memory_space<hbm>>
    %dma_start3A_79 = arith.constant 0 : i32
    %dma_start3A_80 = tpu.memref_slice %arg2[%add3A_76, %dma_start3A_79] : memref<98304x512xf32, #tpu.memory_space<hbm>> -> memref<96x512xf32, #tpu.memory_space<hbm>>
    tpu.enqueue_dma source(%dma_start3A_80 : memref<96x512xf32, #tpu.memory_space<hbm>>) target(%arg4 : memref<96x512xf32, #tpu.memory_space<vmem>>) target_semaphore(%arg7 : memref<!tpu.dma_semaphore, #tpu.memory_space<semaphore_mem>>)
    %dma_wait3A_81 = arith.constant 0 : i32
    %dma_wait3A_82 = tpu.memref_slice %arg2[%add3A_63, %dma_wait3A_81] : memref<98304x512xf32, #tpu.memory_space<hbm>> -> memref<96x512xf32, #tpu.memory_space<hbm>>
    %dma_wait3A_83 = arith.constant 0 : i32
    %dma_wait3A_84 = tpu.memref_slice %arg2[%add3A_63, %dma_wait3A_83] : memref<98304x512xf32, #tpu.memory_space<hbm>> -> memref<96x512xf32, #tpu.memory_space<hbm>>
    tpu.wait_dma2 semaphore(%arg8 : memref<!tpu.dma_semaphore, #tpu.memory_space<semaphore_mem>>) src(%dma_wait3A_84 : memref<96x512xf32, #tpu.memory_space<hbm>>) dst(%arg5 : memref<96x512xf32, #tpu.memory_space<vmem>>)
    %parallel_loop3A_85 = arith.constant 0 : i32
    %parallel_loop3A_86 = arith.constant 3072 : i32
    %parallel_loop3A_87 = arith.constant 1 : i32
    scf.for %parallel_loop3A_420 = %parallel_loop3A_85 to %parallel_loop3A_86 step %parallel_loop3A_87  : i32 {
      %parallel_loop3A_421 = arith.constant 5 : i32
      %parallel_loop3A_422 = arith.shrui %parallel_loop3A_420, %parallel_loop3A_421 : i32
      %parallel_loop3A_423 = arith.constant 31 : i32
      %parallel_loop3A_424 = arith.andi %parallel_loop3A_420, %parallel_loop3A_423 : i32
      %parallel_loop3A_425 = arith.constant 4 : i32
      %parallel_loop3A_426 = arith.shli %parallel_loop3A_424, %parallel_loop3A_425 : i32
      %parallel_loop3A_427 = arith.index_cast %parallel_loop3A_422 : i32 to index
      %parallel_loop3A_428 = arith.index_cast %parallel_loop3A_426 : i32 to index
      %parallel_loop3A_429 = tpu.vector_load %arg5[%parallel_loop3A_427, %parallel_loop3A_428] {strides = array<i32>} : memref<96x512xf32, #tpu.memory_space<vmem>>, vector<16xf32>,
      %parallel_loop3A_430 = arith.constant 2.560000e+02 : f32
      %parallel_loop3A_431 = vector.broadcast %parallel_loop3A_430 : f32 to vector<16xf32>
      %parallel_loop3A_432 = arith.mulf %parallel_loop3A_429, %parallel_loop3A_431 : vector<16xf32>
      %parallel_loop3A_433 = arith.fptosi %parallel_loop3A_432 : vector<16xf32> to vector<16xi32>
      %parallel_loop3A_434 = arith.constant 4 : i32
      %parallel_loop3A_435 = vector.broadcast %parallel_loop3A_434 : i32 to vector<16xi32>
      %parallel_loop3A_436 = arith.shli %parallel_loop3A_433, %parallel_loop3A_435 : vector<16xi32>
      %parallel_loop3A_437 = arith.addi %parallel_loop3A_436, %iota3A : vector<16xi32>
      tpu.vector_store_idx %arg6[%parallel_loop3A_437], %broadcast_in_dim3A_7 {add = true} : memref<4096xf32, #tpu.memory_space<vmem>>[vector<16xi32>], vector<16xf32>,
    } {sc.loop_unroll_factor = 8 : i64, sc.parallel_access}
    %add3A_88 = arith.constant 672 : i32
    %add3A_89 = arith.addi %mul3A_2, %add3A_88 : i32
    %dma_start3A_90 = arith.constant 0 : i32
    %dma_start3A_91 = tpu.memref_slice %arg2[%add3A_89, %dma_start3A_90] : memref<98304x512xf32, #tpu.memory_space<hbm>> -> memref<96x512xf32, #tpu.memory_space<hbm>>
    %dma_start3A_92 = arith.constant 0 : i32
    %dma_start3A_93 = tpu.memref_slice %arg2[%add3A_89, %dma_start3A_92] : memref<98304x512xf32, #tpu.memory_space<hbm>> -> memref<96x512xf32, #tpu.memory_space<hbm>>
    tpu.enqueue_dma source(%dma_start3A_93 : memref<96x512xf32, #tpu.memory_space<hbm>>) target(%arg5 : memref<96x512xf32, #tpu.memory_space<vmem>>) target_semaphore(%arg8 : memref<!tpu.dma_semaphore, #tpu.memory_space<semaphore_mem>>)
    %dma_wait3A_94 = arith.constant 0 : i32
    %dma_wait3A_95 = tpu.memref_slice %arg2[%add3A_76, %dma_wait3A_94] : memref<98304x512xf32, #tpu.memory_space<hbm>> -> memref<96x512xf32, #tpu.memory_space<hbm>>
    %dma_wait3A_96 = arith.constant 0 : i32
    %dma_wait3A_97 = tpu.memref_slice %arg2[%add3A_76, %dma_wait3A_96] : memref<98304x512xf32, #tpu.memory_space<hbm>> -> memref<96x512xf32, #tpu.memory_space<hbm>>
    tpu.wait_dma2 semaphore(%arg7 : memref<!tpu.dma_semaphore, #tpu.memory_space<semaphore_mem>>) src(%dma_wait3A_97 : memref<96x512xf32, #tpu.memory_space<hbm>>) dst(%arg4 : memref<96x512xf32, #tpu.memory_space<vmem>>)
    %parallel_loop3A_98 = arith.constant 0 : i32
    %parallel_loop3A_99 = arith.constant 3072 : i32
    %parallel_loop3A_100 = arith.constant 1 : i32
    scf.for %parallel_loop3A_420 = %parallel_loop3A_98 to %parallel_loop3A_99 step %parallel_loop3A_100  : i32 {
      %parallel_loop3A_421 = arith.constant 5 : i32
      %parallel_loop3A_422 = arith.shrui %parallel_loop3A_420, %parallel_loop3A_421 : i32
      %parallel_loop3A_423 = arith.constant 31 : i32
      %parallel_loop3A_424 = arith.andi %parallel_loop3A_420, %parallel_loop3A_423 : i32
      %parallel_loop3A_425 = arith.constant 4 : i32
      %parallel_loop3A_426 = arith.shli %parallel_loop3A_424, %parallel_loop3A_425 : i32
      %parallel_loop3A_427 = arith.index_cast %parallel_loop3A_422 : i32 to index
      %parallel_loop3A_428 = arith.index_cast %parallel_loop3A_426 : i32 to index
      %parallel_loop3A_429 = tpu.vector_load %arg4[%parallel_loop3A_427, %parallel_loop3A_428] {strides = array<i32>} : memref<96x512xf32, #tpu.memory_space<vmem>>, vector<16xf32>,
      %parallel_loop3A_430 = arith.constant 2.560000e+02 : f32
      %parallel_loop3A_431 = vector.broadcast %parallel_loop3A_430 : f32 to vector<16xf32>
      %parallel_loop3A_432 = arith.mulf %parallel_loop3A_429, %parallel_loop3A_431 : vector<16xf32>
      %parallel_loop3A_433 = arith.fptosi %parallel_loop3A_432 : vector<16xf32> to vector<16xi32>
      %parallel_loop3A_434 = arith.constant 4 : i32
      %parallel_loop3A_435 = vector.broadcast %parallel_loop3A_434 : i32 to vector<16xi32>
      %parallel_loop3A_436 = arith.shli %parallel_loop3A_433, %parallel_loop3A_435 : vector<16xi32>
      %parallel_loop3A_437 = arith.addi %parallel_loop3A_436, %iota3A : vector<16xi32>
      tpu.vector_store_idx %arg6[%parallel_loop3A_437], %broadcast_in_dim3A_7 {add = true} : memref<4096xf32, #tpu.memory_space<vmem>>[vector<16xi32>], vector<16xf32>,
    } {sc.loop_unroll_factor = 8 : i64, sc.parallel_access}
    %add3A_101 = arith.constant 768 : i32
    %add3A_102 = arith.addi %mul3A_2, %add3A_101 : i32
    %dma_start3A_103 = arith.constant 0 : i32
    %dma_start3A_104 = tpu.memref_slice %arg2[%add3A_102, %dma_start3A_103] : memref<98304x512xf32, #tpu.memory_space<hbm>> -> memref<96x512xf32, #tpu.memory_space<hbm>>
    %dma_start3A_105 = arith.constant 0 : i32
    %dma_start3A_106 = tpu.memref_slice %arg2[%add3A_102, %dma_start3A_105] : memref<98304x512xf32, #tpu.memory_space<hbm>> -> memref<96x512xf32, #tpu.memory_space<hbm>>
    tpu.enqueue_dma source(%dma_start3A_106 : memref<96x512xf32, #tpu.memory_space<hbm>>) target(%arg4 : memref<96x512xf32, #tpu.memory_space<vmem>>) target_semaphore(%arg7 : memref<!tpu.dma_semaphore, #tpu.memory_space<semaphore_mem>>)
    %dma_wait3A_107 = arith.constant 0 : i32
    %dma_wait3A_108 = tpu.memref_slice %arg2[%add3A_89, %dma_wait3A_107] : memref<98304x512xf32, #tpu.memory_space<hbm>> -> memref<96x512xf32, #tpu.memory_space<hbm>>
    %dma_wait3A_109 = arith.constant 0 : i32
    %dma_wait3A_110 = tpu.memref_slice %arg2[%add3A_89, %dma_wait3A_109] : memref<98304x512xf32, #tpu.memory_space<hbm>> -> memref<96x512xf32, #tpu.memory_space<hbm>>
    tpu.wait_dma2 semaphore(%arg8 : memref<!tpu.dma_semaphore, #tpu.memory_space<semaphore_mem>>) src(%dma_wait3A_110 : memref<96x512xf32, #tpu.memory_space<hbm>>) dst(%arg5 : memref<96x512xf32, #tpu.memory_space<vmem>>)
    %parallel_loop3A_111 = arith.constant 0 : i32
    %parallel_loop3A_112 = arith.constant 3072 : i32
    %parallel_loop3A_113 = arith.constant 1 : i32
    scf.for %parallel_loop3A_420 = %parallel_loop3A_111 to %parallel_loop3A_112 step %parallel_loop3A_113  : i32 {
      %parallel_loop3A_421 = arith.constant 5 : i32
      %parallel_loop3A_422 = arith.shrui %parallel_loop3A_420, %parallel_loop3A_421 : i32
      %parallel_loop3A_423 = arith.constant 31 : i32
      %parallel_loop3A_424 = arith.andi %parallel_loop3A_420, %parallel_loop3A_423 : i32
      %parallel_loop3A_425 = arith.constant 4 : i32
      %parallel_loop3A_426 = arith.shli %parallel_loop3A_424, %parallel_loop3A_425 : i32
      %parallel_loop3A_427 = arith.index_cast %parallel_loop3A_422 : i32 to index
      %parallel_loop3A_428 = arith.index_cast %parallel_loop3A_426 : i32 to index
      %parallel_loop3A_429 = tpu.vector_load %arg5[%parallel_loop3A_427, %parallel_loop3A_428] {strides = array<i32>} : memref<96x512xf32, #tpu.memory_space<vmem>>, vector<16xf32>,
      %parallel_loop3A_430 = arith.constant 2.560000e+02 : f32
      %parallel_loop3A_431 = vector.broadcast %parallel_loop3A_430 : f32 to vector<16xf32>
      %parallel_loop3A_432 = arith.mulf %parallel_loop3A_429, %parallel_loop3A_431 : vector<16xf32>
      %parallel_loop3A_433 = arith.fptosi %parallel_loop3A_432 : vector<16xf32> to vector<16xi32>
      %parallel_loop3A_434 = arith.constant 4 : i32
      %parallel_loop3A_435 = vector.broadcast %parallel_loop3A_434 : i32 to vector<16xi32>
      %parallel_loop3A_436 = arith.shli %parallel_loop3A_433, %parallel_loop3A_435 : vector<16xi32>
      %parallel_loop3A_437 = arith.addi %parallel_loop3A_436, %iota3A : vector<16xi32>
      tpu.vector_store_idx %arg6[%parallel_loop3A_437], %broadcast_in_dim3A_7 {add = true} : memref<4096xf32, #tpu.memory_space<vmem>>[vector<16xi32>], vector<16xf32>,
    } {sc.loop_unroll_factor = 8 : i64, sc.parallel_access}
    %add3A_114 = arith.constant 864 : i32
    %add3A_115 = arith.addi %mul3A_2, %add3A_114 : i32
    %dma_start3A_116 = arith.constant 0 : i32
    %dma_start3A_117 = tpu.memref_slice %arg2[%add3A_115, %dma_start3A_116] : memref<98304x512xf32, #tpu.memory_space<hbm>> -> memref<96x512xf32, #tpu.memory_space<hbm>>
    %dma_start3A_118 = arith.constant 0 : i32
    %dma_start3A_119 = tpu.memref_slice %arg2[%add3A_115, %dma_start3A_118] : memref<98304x512xf32, #tpu.memory_space<hbm>> -> memref<96x512xf32, #tpu.memory_space<hbm>>
    tpu.enqueue_dma source(%dma_start3A_119 : memref<96x512xf32, #tpu.memory_space<hbm>>) target(%arg5 : memref<96x512xf32, #tpu.memory_space<vmem>>) target_semaphore(%arg8 : memref<!tpu.dma_semaphore, #tpu.memory_space<semaphore_mem>>)
    %dma_wait3A_120 = arith.constant 0 : i32
    %dma_wait3A_121 = tpu.memref_slice %arg2[%add3A_102, %dma_wait3A_120] : memref<98304x512xf32, #tpu.memory_space<hbm>> -> memref<96x512xf32, #tpu.memory_space<hbm>>
    %dma_wait3A_122 = arith.constant 0 : i32
    %dma_wait3A_123 = tpu.memref_slice %arg2[%add3A_102, %dma_wait3A_122] : memref<98304x512xf32, #tpu.memory_space<hbm>> -> memref<96x512xf32, #tpu.memory_space<hbm>>
    tpu.wait_dma2 semaphore(%arg7 : memref<!tpu.dma_semaphore, #tpu.memory_space<semaphore_mem>>) src(%dma_wait3A_123 : memref<96x512xf32, #tpu.memory_space<hbm>>) dst(%arg4 : memref<96x512xf32, #tpu.memory_space<vmem>>)
    %parallel_loop3A_124 = arith.constant 0 : i32
    %parallel_loop3A_125 = arith.constant 3072 : i32
    %parallel_loop3A_126 = arith.constant 1 : i32
    scf.for %parallel_loop3A_420 = %parallel_loop3A_124 to %parallel_loop3A_125 step %parallel_loop3A_126  : i32 {
      %parallel_loop3A_421 = arith.constant 5 : i32
      %parallel_loop3A_422 = arith.shrui %parallel_loop3A_420, %parallel_loop3A_421 : i32
      %parallel_loop3A_423 = arith.constant 31 : i32
      %parallel_loop3A_424 = arith.andi %parallel_loop3A_420, %parallel_loop3A_423 : i32
      %parallel_loop3A_425 = arith.constant 4 : i32
      %parallel_loop3A_426 = arith.shli %parallel_loop3A_424, %parallel_loop3A_425 : i32
      %parallel_loop3A_427 = arith.index_cast %parallel_loop3A_422 : i32 to index
      %parallel_loop3A_428 = arith.index_cast %parallel_loop3A_426 : i32 to index
      %parallel_loop3A_429 = tpu.vector_load %arg4[%parallel_loop3A_427, %parallel_loop3A_428] {strides = array<i32>} : memref<96x512xf32, #tpu.memory_space<vmem>>, vector<16xf32>,
      %parallel_loop3A_430 = arith.constant 2.560000e+02 : f32
      %parallel_loop3A_431 = vector.broadcast %parallel_loop3A_430 : f32 to vector<16xf32>
      %parallel_loop3A_432 = arith.mulf %parallel_loop3A_429, %parallel_loop3A_431 : vector<16xf32>
      %parallel_loop3A_433 = arith.fptosi %parallel_loop3A_432 : vector<16xf32> to vector<16xi32>
      %parallel_loop3A_434 = arith.constant 4 : i32
      %parallel_loop3A_435 = vector.broadcast %parallel_loop3A_434 : i32 to vector<16xi32>
      %parallel_loop3A_436 = arith.shli %parallel_loop3A_433, %parallel_loop3A_435 : vector<16xi32>
      %parallel_loop3A_437 = arith.addi %parallel_loop3A_436, %iota3A : vector<16xi32>
      tpu.vector_store_idx %arg6[%parallel_loop3A_437], %broadcast_in_dim3A_7 {add = true} : memref<4096xf32, #tpu.memory_space<vmem>>[vector<16xi32>], vector<16xf32>,
    } {sc.loop_unroll_factor = 8 : i64, sc.parallel_access}
    %add3A_127 = arith.constant 960 : i32
    %add3A_128 = arith.addi %mul3A_2, %add3A_127 : i32
    %dma_start3A_129 = arith.constant 0 : i32
    %dma_start3A_130 = tpu.memref_slice %arg2[%add3A_128, %dma_start3A_129] : memref<98304x512xf32, #tpu.memory_space<hbm>> -> memref<96x512xf32, #tpu.memory_space<hbm>>
    %dma_start3A_131 = arith.constant 0 : i32
    %dma_start3A_132 = tpu.memref_slice %arg2[%add3A_128, %dma_start3A_131] : memref<98304x512xf32, #tpu.memory_space<hbm>> -> memref<96x512xf32, #tpu.memory_space<hbm>>
    tpu.enqueue_dma source(%dma_start3A_132 : memref<96x512xf32, #tpu.memory_space<hbm>>) target(%arg4 : memref<96x512xf32, #tpu.memory_space<vmem>>) target_semaphore(%arg7 : memref<!tpu.dma_semaphore, #tpu.memory_space<semaphore_mem>>)
    %dma_wait3A_133 = arith.constant 0 : i32
    %dma_wait3A_134 = tpu.memref_slice %arg2[%add3A_115, %dma_wait3A_133] : memref<98304x512xf32, #tpu.memory_space<hbm>> -> memref<96x512xf32, #tpu.memory_space<hbm>>
    %dma_wait3A_135 = arith.constant 0 : i32
    %dma_wait3A_136 = tpu.memref_slice %arg2[%add3A_115, %dma_wait3A_135] : memref<98304x512xf32, #tpu.memory_space<hbm>> -> memref<96x512xf32, #tpu.memory_space<hbm>>
    tpu.wait_dma2 semaphore(%arg8 : memref<!tpu.dma_semaphore, #tpu.memory_space<semaphore_mem>>) src(%dma_wait3A_136 : memref<96x512xf32, #tpu.memory_space<hbm>>) dst(%arg5 : memref<96x512xf32, #tpu.memory_space<vmem>>)
    %parallel_loop3A_137 = arith.constant 0 : i32
    %parallel_loop3A_138 = arith.constant 3072 : i32
    %parallel_loop3A_139 = arith.constant 1 : i32
    scf.for %parallel_loop3A_420 = %parallel_loop3A_137 to %parallel_loop3A_138 step %parallel_loop3A_139  : i32 {
      %parallel_loop3A_421 = arith.constant 5 : i32
      %parallel_loop3A_422 = arith.shrui %parallel_loop3A_420, %parallel_loop3A_421 : i32
      %parallel_loop3A_423 = arith.constant 31 : i32
      %parallel_loop3A_424 = arith.andi %parallel_loop3A_420, %parallel_loop3A_423 : i32
      %parallel_loop3A_425 = arith.constant 4 : i32
      %parallel_loop3A_426 = arith.shli %parallel_loop3A_424, %parallel_loop3A_425 : i32
      %parallel_loop3A_427 = arith.index_cast %parallel_loop3A_422 : i32 to index
      %parallel_loop3A_428 = arith.index_cast %parallel_loop3A_426 : i32 to index
      %parallel_loop3A_429 = tpu.vector_load %arg5[%parallel_loop3A_427, %parallel_loop3A_428] {strides = array<i32>} : memref<96x512xf32, #tpu.memory_space<vmem>>, vector<16xf32>,
      %parallel_loop3A_430 = arith.constant 2.560000e+02 : f32
      %parallel_loop3A_431 = vector.broadcast %parallel_loop3A_430 : f32 to vector<16xf32>
      %parallel_loop3A_432 = arith.mulf %parallel_loop3A_429, %parallel_loop3A_431 : vector<16xf32>
      %parallel_loop3A_433 = arith.fptosi %parallel_loop3A_432 : vector<16xf32> to vector<16xi32>
      %parallel_loop3A_434 = arith.constant 4 : i32
      %parallel_loop3A_435 = vector.broadcast %parallel_loop3A_434 : i32 to vector<16xi32>
      %parallel_loop3A_436 = arith.shli %parallel_loop3A_433, %parallel_loop3A_435 : vector<16xi32>
      %parallel_loop3A_437 = arith.addi %parallel_loop3A_436, %iota3A : vector<16xi32>
      tpu.vector_store_idx %arg6[%parallel_loop3A_437], %broadcast_in_dim3A_7 {add = true} : memref<4096xf32, #tpu.memory_space<vmem>>[vector<16xi32>], vector<16xf32>,
    } {sc.loop_unroll_factor = 8 : i64, sc.parallel_access}
    %add3A_140 = arith.constant 1056 : i32
    %add3A_141 = arith.addi %mul3A_2, %add3A_140 : i32
    %dma_start3A_142 = arith.constant 0 : i32
    %dma_start3A_143 = tpu.memref_slice %arg2[%add3A_141, %dma_start3A_142] : memref<98304x512xf32, #tpu.memory_space<hbm>> -> memref<96x512xf32, #tpu.memory_space<hbm>>
    %dma_start3A_144 = arith.constant 0 : i32
    %dma_start3A_145 = tpu.memref_slice %arg2[%add3A_141, %dma_start3A_144] : memref<98304x512xf32, #tpu.memory_space<hbm>> -> memref<96x512xf32, #tpu.memory_space<hbm>>
    tpu.enqueue_dma source(%dma_start3A_145 : memref<96x512xf32, #tpu.memory_space<hbm>>) target(%arg5 : memref<96x512xf32, #tpu.memory_space<vmem>>) target_semaphore(%arg8 : memref<!tpu.dma_semaphore, #tpu.memory_space<semaphore_mem>>)
    %dma_wait3A_146 = arith.constant 0 : i32
    %dma_wait3A_147 = tpu.memref_slice %arg2[%add3A_128, %dma_wait3A_146] : memref<98304x512xf32, #tpu.memory_space<hbm>> -> memref<96x512xf32, #tpu.memory_space<hbm>>
    %dma_wait3A_148 = arith.constant 0 : i32
    %dma_wait3A_149 = tpu.memref_slice %arg2[%add3A_128, %dma_wait3A_148] : memref<98304x512xf32, #tpu.memory_space<hbm>> -> memref<96x512xf32, #tpu.memory_space<hbm>>
    tpu.wait_dma2 semaphore(%arg7 : memref<!tpu.dma_semaphore, #tpu.memory_space<semaphore_mem>>) src(%dma_wait3A_149 : memref<96x512xf32, #tpu.memory_space<hbm>>) dst(%arg4 : memref<96x512xf32, #tpu.memory_space<vmem>>)
    %parallel_loop3A_150 = arith.constant 0 : i32
    %parallel_loop3A_151 = arith.constant 3072 : i32
    %parallel_loop3A_152 = arith.constant 1 : i32
    scf.for %parallel_loop3A_420 = %parallel_loop3A_150 to %parallel_loop3A_151 step %parallel_loop3A_152  : i32 {
      %parallel_loop3A_421 = arith.constant 5 : i32
      %parallel_loop3A_422 = arith.shrui %parallel_loop3A_420, %parallel_loop3A_421 : i32
      %parallel_loop3A_423 = arith.constant 31 : i32
      %parallel_loop3A_424 = arith.andi %parallel_loop3A_420, %parallel_loop3A_423 : i32
      %parallel_loop3A_425 = arith.constant 4 : i32
      %parallel_loop3A_426 = arith.shli %parallel_loop3A_424, %parallel_loop3A_425 : i32
      %parallel_loop3A_427 = arith.index_cast %parallel_loop3A_422 : i32 to index
      %parallel_loop3A_428 = arith.index_cast %parallel_loop3A_426 : i32 to index
      %parallel_loop3A_429 = tpu.vector_load %arg4[%parallel_loop3A_427, %parallel_loop3A_428] {strides = array<i32>} : memref<96x512xf32, #tpu.memory_space<vmem>>, vector<16xf32>,
      %parallel_loop3A_430 = arith.constant 2.560000e+02 : f32
      %parallel_loop3A_431 = vector.broadcast %parallel_loop3A_430 : f32 to vector<16xf32>
      %parallel_loop3A_432 = arith.mulf %parallel_loop3A_429, %parallel_loop3A_431 : vector<16xf32>
      %parallel_loop3A_433 = arith.fptosi %parallel_loop3A_432 : vector<16xf32> to vector<16xi32>
      %parallel_loop3A_434 = arith.constant 4 : i32
      %parallel_loop3A_435 = vector.broadcast %parallel_loop3A_434 : i32 to vector<16xi32>
      %parallel_loop3A_436 = arith.shli %parallel_loop3A_433, %parallel_loop3A_435 : vector<16xi32>
      %parallel_loop3A_437 = arith.addi %parallel_loop3A_436, %iota3A : vector<16xi32>
      tpu.vector_store_idx %arg6[%parallel_loop3A_437], %broadcast_in_dim3A_7 {add = true} : memref<4096xf32, #tpu.memory_space<vmem>>[vector<16xi32>], vector<16xf32>,
    } {sc.loop_unroll_factor = 8 : i64, sc.parallel_access}
    %add3A_153 = arith.constant 1152 : i32
    %add3A_154 = arith.addi %mul3A_2, %add3A_153 : i32
    %dma_start3A_155 = arith.constant 0 : i32
    %dma_start3A_156 = tpu.memref_slice %arg2[%add3A_154, %dma_start3A_155] : memref<98304x512xf32, #tpu.memory_space<hbm>> -> memref<96x512xf32, #tpu.memory_space<hbm>>
    %dma_start3A_157 = arith.constant 0 : i32
    %dma_start3A_158 = tpu.memref_slice %arg2[%add3A_154, %dma_start3A_157] : memref<98304x512xf32, #tpu.memory_space<hbm>> -> memref<96x512xf32, #tpu.memory_space<hbm>>
    tpu.enqueue_dma source(%dma_start3A_158 : memref<96x512xf32, #tpu.memory_space<hbm>>) target(%arg4 : memref<96x512xf32, #tpu.memory_space<vmem>>) target_semaphore(%arg7 : memref<!tpu.dma_semaphore, #tpu.memory_space<semaphore_mem>>)
    %dma_wait3A_159 = arith.constant 0 : i32
    %dma_wait3A_160 = tpu.memref_slice %arg2[%add3A_141, %dma_wait3A_159] : memref<98304x512xf32, #tpu.memory_space<hbm>> -> memref<96x512xf32, #tpu.memory_space<hbm>>
    %dma_wait3A_161 = arith.constant 0 : i32
    %dma_wait3A_162 = tpu.memref_slice %arg2[%add3A_141, %dma_wait3A_161] : memref<98304x512xf32, #tpu.memory_space<hbm>> -> memref<96x512xf32, #tpu.memory_space<hbm>>
    tpu.wait_dma2 semaphore(%arg8 : memref<!tpu.dma_semaphore, #tpu.memory_space<semaphore_mem>>) src(%dma_wait3A_162 : memref<96x512xf32, #tpu.memory_space<hbm>>) dst(%arg5 : memref<96x512xf32, #tpu.memory_space<vmem>>)
    %parallel_loop3A_163 = arith.constant 0 : i32
    %parallel_loop3A_164 = arith.constant 3072 : i32
    %parallel_loop3A_165 = arith.constant 1 : i32
    scf.for %parallel_loop3A_420 = %parallel_loop3A_163 to %parallel_loop3A_164 step %parallel_loop3A_165  : i32 {
      %parallel_loop3A_421 = arith.constant 5 : i32
      %parallel_loop3A_422 = arith.shrui %parallel_loop3A_420, %parallel_loop3A_421 : i32
      %parallel_loop3A_423 = arith.constant 31 : i32
      %parallel_loop3A_424 = arith.andi %parallel_loop3A_420, %parallel_loop3A_423 : i32
      %parallel_loop3A_425 = arith.constant 4 : i32
      %parallel_loop3A_426 = arith.shli %parallel_loop3A_424, %parallel_loop3A_425 : i32
      %parallel_loop3A_427 = arith.index_cast %parallel_loop3A_422 : i32 to index
      %parallel_loop3A_428 = arith.index_cast %parallel_loop3A_426 : i32 to index
      %parallel_loop3A_429 = tpu.vector_load %arg5[%parallel_loop3A_427, %parallel_loop3A_428] {strides = array<i32>} : memref<96x512xf32, #tpu.memory_space<vmem>>, vector<16xf32>,
      %parallel_loop3A_430 = arith.constant 2.560000e+02 : f32
      %parallel_loop3A_431 = vector.broadcast %parallel_loop3A_430 : f32 to vector<16xf32>
      %parallel_loop3A_432 = arith.mulf %parallel_loop3A_429, %parallel_loop3A_431 : vector<16xf32>
      %parallel_loop3A_433 = arith.fptosi %parallel_loop3A_432 : vector<16xf32> to vector<16xi32>
      %parallel_loop3A_434 = arith.constant 4 : i32
      %parallel_loop3A_435 = vector.broadcast %parallel_loop3A_434 : i32 to vector<16xi32>
      %parallel_loop3A_436 = arith.shli %parallel_loop3A_433, %parallel_loop3A_435 : vector<16xi32>
      %parallel_loop3A_437 = arith.addi %parallel_loop3A_436, %iota3A : vector<16xi32>
      tpu.vector_store_idx %arg6[%parallel_loop3A_437], %broadcast_in_dim3A_7 {add = true} : memref<4096xf32, #tpu.memory_space<vmem>>[vector<16xi32>], vector<16xf32>,
    } {sc.loop_unroll_factor = 8 : i64, sc.parallel_access}
    %add3A_166 = arith.constant 1248 : i32
    %add3A_167 = arith.addi %mul3A_2, %add3A_166 : i32
    %dma_start3A_168 = arith.constant 0 : i32
    %dma_start3A_169 = tpu.memref_slice %arg2[%add3A_167, %dma_start3A_168] : memref<98304x512xf32, #tpu.memory_space<hbm>> -> memref<96x512xf32, #tpu.memory_space<hbm>>
    %dma_start3A_170 = arith.constant 0 : i32
    %dma_start3A_171 = tpu.memref_slice %arg2[%add3A_167, %dma_start3A_170] : memref<98304x512xf32, #tpu.memory_space<hbm>> -> memref<96x512xf32, #tpu.memory_space<hbm>>
    tpu.enqueue_dma source(%dma_start3A_171 : memref<96x512xf32, #tpu.memory_space<hbm>>) target(%arg5 : memref<96x512xf32, #tpu.memory_space<vmem>>) target_semaphore(%arg8 : memref<!tpu.dma_semaphore, #tpu.memory_space<semaphore_mem>>)
    %dma_wait3A_172 = arith.constant 0 : i32
    %dma_wait3A_173 = tpu.memref_slice %arg2[%add3A_154, %dma_wait3A_172] : memref<98304x512xf32, #tpu.memory_space<hbm>> -> memref<96x512xf32, #tpu.memory_space<hbm>>
    %dma_wait3A_174 = arith.constant 0 : i32
    %dma_wait3A_175 = tpu.memref_slice %arg2[%add3A_154, %dma_wait3A_174] : memref<98304x512xf32, #tpu.memory_space<hbm>> -> memref<96x512xf32, #tpu.memory_space<hbm>>
    tpu.wait_dma2 semaphore(%arg7 : memref<!tpu.dma_semaphore, #tpu.memory_space<semaphore_mem>>) src(%dma_wait3A_175 : memref<96x512xf32, #tpu.memory_space<hbm>>) dst(%arg4 : memref<96x512xf32, #tpu.memory_space<vmem>>)
    %parallel_loop3A_176 = arith.constant 0 : i32
    %parallel_loop3A_177 = arith.constant 3072 : i32
    %parallel_loop3A_178 = arith.constant 1 : i32
    scf.for %parallel_loop3A_420 = %parallel_loop3A_176 to %parallel_loop3A_177 step %parallel_loop3A_178  : i32 {
      %parallel_loop3A_421 = arith.constant 5 : i32
      %parallel_loop3A_422 = arith.shrui %parallel_loop3A_420, %parallel_loop3A_421 : i32
      %parallel_loop3A_423 = arith.constant 31 : i32
      %parallel_loop3A_424 = arith.andi %parallel_loop3A_420, %parallel_loop3A_423 : i32
      %parallel_loop3A_425 = arith.constant 4 : i32
      %parallel_loop3A_426 = arith.shli %parallel_loop3A_424, %parallel_loop3A_425 : i32
      %parallel_loop3A_427 = arith.index_cast %parallel_loop3A_422 : i32 to index
      %parallel_loop3A_428 = arith.index_cast %parallel_loop3A_426 : i32 to index
      %parallel_loop3A_429 = tpu.vector_load %arg4[%parallel_loop3A_427, %parallel_loop3A_428] {strides = array<i32>} : memref<96x512xf32, #tpu.memory_space<vmem>>, vector<16xf32>,
      %parallel_loop3A_430 = arith.constant 2.560000e+02 : f32
      %parallel_loop3A_431 = vector.broadcast %parallel_loop3A_430 : f32 to vector<16xf32>
      %parallel_loop3A_432 = arith.mulf %parallel_loop3A_429, %parallel_loop3A_431 : vector<16xf32>
      %parallel_loop3A_433 = arith.fptosi %parallel_loop3A_432 : vector<16xf32> to vector<16xi32>
      %parallel_loop3A_434 = arith.constant 4 : i32
      %parallel_loop3A_435 = vector.broadcast %parallel_loop3A_434 : i32 to vector<16xi32>
      %parallel_loop3A_436 = arith.shli %parallel_loop3A_433, %parallel_loop3A_435 : vector<16xi32>
      %parallel_loop3A_437 = arith.addi %parallel_loop3A_436, %iota3A : vector<16xi32>
      tpu.vector_store_idx %arg6[%parallel_loop3A_437], %broadcast_in_dim3A_7 {add = true} : memref<4096xf32, #tpu.memory_space<vmem>>[vector<16xi32>], vector<16xf32>,
    } {sc.loop_unroll_factor = 8 : i64, sc.parallel_access}
    %add3A_179 = arith.constant 1344 : i32
    %add3A_180 = arith.addi %mul3A_2, %add3A_179 : i32
    %dma_start3A_181 = arith.constant 0 : i32
    %dma_start3A_182 = tpu.memref_slice %arg2[%add3A_180, %dma_start3A_181] : memref<98304x512xf32, #tpu.memory_space<hbm>> -> memref<96x512xf32, #tpu.memory_space<hbm>>
    %dma_start3A_183 = arith.constant 0 : i32
    %dma_start3A_184 = tpu.memref_slice %arg2[%add3A_180, %dma_start3A_183] : memref<98304x512xf32, #tpu.memory_space<hbm>> -> memref<96x512xf32, #tpu.memory_space<hbm>>
    tpu.enqueue_dma source(%dma_start3A_184 : memref<96x512xf32, #tpu.memory_space<hbm>>) target(%arg4 : memref<96x512xf32, #tpu.memory_space<vmem>>) target_semaphore(%arg7 : memref<!tpu.dma_semaphore, #tpu.memory_space<semaphore_mem>>)
    %dma_wait3A_185 = arith.constant 0 : i32
    %dma_wait3A_186 = tpu.memref_slice %arg2[%add3A_167, %dma_wait3A_185] : memref<98304x512xf32, #tpu.memory_space<hbm>> -> memref<96x512xf32, #tpu.memory_space<hbm>>
    %dma_wait3A_187 = arith.constant 0 : i32
    %dma_wait3A_188 = tpu.memref_slice %arg2[%add3A_167, %dma_wait3A_187] : memref<98304x512xf32, #tpu.memory_space<hbm>> -> memref<96x512xf32, #tpu.memory_space<hbm>>
    tpu.wait_dma2 semaphore(%arg8 : memref<!tpu.dma_semaphore, #tpu.memory_space<semaphore_mem>>) src(%dma_wait3A_188 : memref<96x512xf32, #tpu.memory_space<hbm>>) dst(%arg5 : memref<96x512xf32, #tpu.memory_space<vmem>>)
    %parallel_loop3A_189 = arith.constant 0 : i32
    %parallel_loop3A_190 = arith.constant 3072 : i32
    %parallel_loop3A_191 = arith.constant 1 : i32
    scf.for %parallel_loop3A_420 = %parallel_loop3A_189 to %parallel_loop3A_190 step %parallel_loop3A_191  : i32 {
      %parallel_loop3A_421 = arith.constant 5 : i32
      %parallel_loop3A_422 = arith.shrui %parallel_loop3A_420, %parallel_loop3A_421 : i32
      %parallel_loop3A_423 = arith.constant 31 : i32
      %parallel_loop3A_424 = arith.andi %parallel_loop3A_420, %parallel_loop3A_423 : i32
      %parallel_loop3A_425 = arith.constant 4 : i32
      %parallel_loop3A_426 = arith.shli %parallel_loop3A_424, %parallel_loop3A_425 : i32
      %parallel_loop3A_427 = arith.index_cast %parallel_loop3A_422 : i32 to index
      %parallel_loop3A_428 = arith.index_cast %parallel_loop3A_426 : i32 to index
      %parallel_loop3A_429 = tpu.vector_load %arg5[%parallel_loop3A_427, %parallel_loop3A_428] {strides = array<i32>} : memref<96x512xf32, #tpu.memory_space<vmem>>, vector<16xf32>,
      %parallel_loop3A_430 = arith.constant 2.560000e+02 : f32
      %parallel_loop3A_431 = vector.broadcast %parallel_loop3A_430 : f32 to vector<16xf32>
      %parallel_loop3A_432 = arith.mulf %parallel_loop3A_429, %parallel_loop3A_431 : vector<16xf32>
      %parallel_loop3A_433 = arith.fptosi %parallel_loop3A_432 : vector<16xf32> to vector<16xi32>
      %parallel_loop3A_434 = arith.constant 4 : i32
      %parallel_loop3A_435 = vector.broadcast %parallel_loop3A_434 : i32 to vector<16xi32>
      %parallel_loop3A_436 = arith.shli %parallel_loop3A_433, %parallel_loop3A_435 : vector<16xi32>
      %parallel_loop3A_437 = arith.addi %parallel_loop3A_436, %iota3A : vector<16xi32>
      tpu.vector_store_idx %arg6[%parallel_loop3A_437], %broadcast_in_dim3A_7 {add = true} : memref<4096xf32, #tpu.memory_space<vmem>>[vector<16xi32>], vector<16xf32>,
    } {sc.loop_unroll_factor = 8 : i64, sc.parallel_access}
    %add3A_192 = arith.constant 1440 : i32
    %add3A_193 = arith.addi %mul3A_2, %add3A_192 : i32
    %dma_start3A_194 = arith.constant 0 : i32
    %dma_start3A_195 = tpu.memref_slice %arg2[%add3A_193, %dma_start3A_194] : memref<98304x512xf32, #tpu.memory_space<hbm>> -> memref<96x512xf32, #tpu.memory_space<hbm>>
    %dma_start3A_196 = arith.constant 0 : i32
    %dma_start3A_197 = tpu.memref_slice %arg2[%add3A_193, %dma_start3A_196] : memref<98304x512xf32, #tpu.memory_space<hbm>> -> memref<96x512xf32, #tpu.memory_space<hbm>>
    tpu.enqueue_dma source(%dma_start3A_197 : memref<96x512xf32, #tpu.memory_space<hbm>>) target(%arg5 : memref<96x512xf32, #tpu.memory_space<vmem>>) target_semaphore(%arg8 : memref<!tpu.dma_semaphore, #tpu.memory_space<semaphore_mem>>)
    %dma_wait3A_198 = arith.constant 0 : i32
    %dma_wait3A_199 = tpu.memref_slice %arg2[%add3A_180, %dma_wait3A_198] : memref<98304x512xf32, #tpu.memory_space<hbm>> -> memref<96x512xf32, #tpu.memory_space<hbm>>
    %dma_wait3A_200 = arith.constant 0 : i32
    %dma_wait3A_201 = tpu.memref_slice %arg2[%add3A_180, %dma_wait3A_200] : memref<98304x512xf32, #tpu.memory_space<hbm>> -> memref<96x512xf32, #tpu.memory_space<hbm>>
    tpu.wait_dma2 semaphore(%arg7 : memref<!tpu.dma_semaphore, #tpu.memory_space<semaphore_mem>>) src(%dma_wait3A_201 : memref<96x512xf32, #tpu.memory_space<hbm>>) dst(%arg4 : memref<96x512xf32, #tpu.memory_space<vmem>>)
    %parallel_loop3A_202 = arith.constant 0 : i32
    %parallel_loop3A_203 = arith.constant 3072 : i32
    %parallel_loop3A_204 = arith.constant 1 : i32
    scf.for %parallel_loop3A_420 = %parallel_loop3A_202 to %parallel_loop3A_203 step %parallel_loop3A_204  : i32 {
      %parallel_loop3A_421 = arith.constant 5 : i32
      %parallel_loop3A_422 = arith.shrui %parallel_loop3A_420, %parallel_loop3A_421 : i32
      %parallel_loop3A_423 = arith.constant 31 : i32
      %parallel_loop3A_424 = arith.andi %parallel_loop3A_420, %parallel_loop3A_423 : i32
      %parallel_loop3A_425 = arith.constant 4 : i32
      %parallel_loop3A_426 = arith.shli %parallel_loop3A_424, %parallel_loop3A_425 : i32
      %parallel_loop3A_427 = arith.index_cast %parallel_loop3A_422 : i32 to index
      %parallel_loop3A_428 = arith.index_cast %parallel_loop3A_426 : i32 to index
      %parallel_loop3A_429 = tpu.vector_load %arg4[%parallel_loop3A_427, %parallel_loop3A_428] {strides = array<i32>} : memref<96x512xf32, #tpu.memory_space<vmem>>, vector<16xf32>,
      %parallel_loop3A_430 = arith.constant 2.560000e+02 : f32
      %parallel_loop3A_431 = vector.broadcast %parallel_loop3A_430 : f32 to vector<16xf32>
      %parallel_loop3A_432 = arith.mulf %parallel_loop3A_429, %parallel_loop3A_431 : vector<16xf32>
      %parallel_loop3A_433 = arith.fptosi %parallel_loop3A_432 : vector<16xf32> to vector<16xi32>
      %parallel_loop3A_434 = arith.constant 4 : i32
      %parallel_loop3A_435 = vector.broadcast %parallel_loop3A_434 : i32 to vector<16xi32>
      %parallel_loop3A_436 = arith.shli %parallel_loop3A_433, %parallel_loop3A_435 : vector<16xi32>
      %parallel_loop3A_437 = arith.addi %parallel_loop3A_436, %iota3A : vector<16xi32>
      tpu.vector_store_idx %arg6[%parallel_loop3A_437], %broadcast_in_dim3A_7 {add = true} : memref<4096xf32, #tpu.memory_space<vmem>>[vector<16xi32>], vector<16xf32>,
    } {sc.loop_unroll_factor = 8 : i64, sc.parallel_access}
    %add3A_205 = arith.constant 1536 : i32
    %add3A_206 = arith.addi %mul3A_2, %add3A_205 : i32
    %dma_start3A_207 = arith.constant 0 : i32
    %dma_start3A_208 = tpu.memref_slice %arg2[%add3A_206, %dma_start3A_207] : memref<98304x512xf32, #tpu.memory_space<hbm>> -> memref<96x512xf32, #tpu.memory_space<hbm>>
    %dma_start3A_209 = arith.constant 0 : i32
    %dma_start3A_210 = tpu.memref_slice %arg2[%add3A_206, %dma_start3A_209] : memref<98304x512xf32, #tpu.memory_space<hbm>> -> memref<96x512xf32, #tpu.memory_space<hbm>>
    tpu.enqueue_dma source(%dma_start3A_210 : memref<96x512xf32, #tpu.memory_space<hbm>>) target(%arg4 : memref<96x512xf32, #tpu.memory_space<vmem>>) target_semaphore(%arg7 : memref<!tpu.dma_semaphore, #tpu.memory_space<semaphore_mem>>)
    %dma_wait3A_211 = arith.constant 0 : i32
    %dma_wait3A_212 = tpu.memref_slice %arg2[%add3A_193, %dma_wait3A_211] : memref<98304x512xf32, #tpu.memory_space<hbm>> -> memref<96x512xf32, #tpu.memory_space<hbm>>
    %dma_wait3A_213 = arith.constant 0 : i32
    %dma_wait3A_214 = tpu.memref_slice %arg2[%add3A_193, %dma_wait3A_213] : memref<98304x512xf32, #tpu.memory_space<hbm>> -> memref<96x512xf32, #tpu.memory_space<hbm>>
    tpu.wait_dma2 semaphore(%arg8 : memref<!tpu.dma_semaphore, #tpu.memory_space<semaphore_mem>>) src(%dma_wait3A_214 : memref<96x512xf32, #tpu.memory_space<hbm>>) dst(%arg5 : memref<96x512xf32, #tpu.memory_space<vmem>>)
    %parallel_loop3A_215 = arith.constant 0 : i32
    %parallel_loop3A_216 = arith.constant 3072 : i32
    %parallel_loop3A_217 = arith.constant 1 : i32
    scf.for %parallel_loop3A_420 = %parallel_loop3A_215 to %parallel_loop3A_216 step %parallel_loop3A_217  : i32 {
      %parallel_loop3A_421 = arith.constant 5 : i32
      %parallel_loop3A_422 = arith.shrui %parallel_loop3A_420, %parallel_loop3A_421 : i32
      %parallel_loop3A_423 = arith.constant 31 : i32
      %parallel_loop3A_424 = arith.andi %parallel_loop3A_420, %parallel_loop3A_423 : i32
      %parallel_loop3A_425 = arith.constant 4 : i32
      %parallel_loop3A_426 = arith.shli %parallel_loop3A_424, %parallel_loop3A_425 : i32
      %parallel_loop3A_427 = arith.index_cast %parallel_loop3A_422 : i32 to index
      %parallel_loop3A_428 = arith.index_cast %parallel_loop3A_426 : i32 to index
      %parallel_loop3A_429 = tpu.vector_load %arg5[%parallel_loop3A_427, %parallel_loop3A_428] {strides = array<i32>} : memref<96x512xf32, #tpu.memory_space<vmem>>, vector<16xf32>,
      %parallel_loop3A_430 = arith.constant 2.560000e+02 : f32
      %parallel_loop3A_431 = vector.broadcast %parallel_loop3A_430 : f32 to vector<16xf32>
      %parallel_loop3A_432 = arith.mulf %parallel_loop3A_429, %parallel_loop3A_431 : vector<16xf32>
      %parallel_loop3A_433 = arith.fptosi %parallel_loop3A_432 : vector<16xf32> to vector<16xi32>
      %parallel_loop3A_434 = arith.constant 4 : i32
      %parallel_loop3A_435 = vector.broadcast %parallel_loop3A_434 : i32 to vector<16xi32>
      %parallel_loop3A_436 = arith.shli %parallel_loop3A_433, %parallel_loop3A_435 : vector<16xi32>
      %parallel_loop3A_437 = arith.addi %parallel_loop3A_436, %iota3A : vector<16xi32>
      tpu.vector_store_idx %arg6[%parallel_loop3A_437], %broadcast_in_dim3A_7 {add = true} : memref<4096xf32, #tpu.memory_space<vmem>>[vector<16xi32>], vector<16xf32>,
    } {sc.loop_unroll_factor = 8 : i64, sc.parallel_access}
    %add3A_218 = arith.constant 1632 : i32
    %add3A_219 = arith.addi %mul3A_2, %add3A_218 : i32
    %dma_start3A_220 = arith.constant 0 : i32
    %dma_start3A_221 = tpu.memref_slice %arg2[%add3A_219, %dma_start3A_220] : memref<98304x512xf32, #tpu.memory_space<hbm>> -> memref<96x512xf32, #tpu.memory_space<hbm>>
    %dma_start3A_222 = arith.constant 0 : i32
    %dma_start3A_223 = tpu.memref_slice %arg2[%add3A_219, %dma_start3A_222] : memref<98304x512xf32, #tpu.memory_space<hbm>> -> memref<96x512xf32, #tpu.memory_space<hbm>>
    tpu.enqueue_dma source(%dma_start3A_223 : memref<96x512xf32, #tpu.memory_space<hbm>>) target(%arg5 : memref<96x512xf32, #tpu.memory_space<vmem>>) target_semaphore(%arg8 : memref<!tpu.dma_semaphore, #tpu.memory_space<semaphore_mem>>)
    %dma_wait3A_224 = arith.constant 0 : i32
    %dma_wait3A_225 = tpu.memref_slice %arg2[%add3A_206, %dma_wait3A_224] : memref<98304x512xf32, #tpu.memory_space<hbm>> -> memref<96x512xf32, #tpu.memory_space<hbm>>
    %dma_wait3A_226 = arith.constant 0 : i32
    %dma_wait3A_227 = tpu.memref_slice %arg2[%add3A_206, %dma_wait3A_226] : memref<98304x512xf32, #tpu.memory_space<hbm>> -> memref<96x512xf32, #tpu.memory_space<hbm>>
    tpu.wait_dma2 semaphore(%arg7 : memref<!tpu.dma_semaphore, #tpu.memory_space<semaphore_mem>>) src(%dma_wait3A_227 : memref<96x512xf32, #tpu.memory_space<hbm>>) dst(%arg4 : memref<96x512xf32, #tpu.memory_space<vmem>>)
    %parallel_loop3A_228 = arith.constant 0 : i32
    %parallel_loop3A_229 = arith.constant 3072 : i32
    %parallel_loop3A_230 = arith.constant 1 : i32
    scf.for %parallel_loop3A_420 = %parallel_loop3A_228 to %parallel_loop3A_229 step %parallel_loop3A_230  : i32 {
      %parallel_loop3A_421 = arith.constant 5 : i32
      %parallel_loop3A_422 = arith.shrui %parallel_loop3A_420, %parallel_loop3A_421 : i32
      %parallel_loop3A_423 = arith.constant 31 : i32
      %parallel_loop3A_424 = arith.andi %parallel_loop3A_420, %parallel_loop3A_423 : i32
      %parallel_loop3A_425 = arith.constant 4 : i32
      %parallel_loop3A_426 = arith.shli %parallel_loop3A_424, %parallel_loop3A_425 : i32
      %parallel_loop3A_427 = arith.index_cast %parallel_loop3A_422 : i32 to index
      %parallel_loop3A_428 = arith.index_cast %parallel_loop3A_426 : i32 to index
      %parallel_loop3A_429 = tpu.vector_load %arg4[%parallel_loop3A_427, %parallel_loop3A_428] {strides = array<i32>} : memref<96x512xf32, #tpu.memory_space<vmem>>, vector<16xf32>,
      %parallel_loop3A_430 = arith.constant 2.560000e+02 : f32
      %parallel_loop3A_431 = vector.broadcast %parallel_loop3A_430 : f32 to vector<16xf32>
      %parallel_loop3A_432 = arith.mulf %parallel_loop3A_429, %parallel_loop3A_431 : vector<16xf32>
      %parallel_loop3A_433 = arith.fptosi %parallel_loop3A_432 : vector<16xf32> to vector<16xi32>
      %parallel_loop3A_434 = arith.constant 4 : i32
      %parallel_loop3A_435 = vector.broadcast %parallel_loop3A_434 : i32 to vector<16xi32>
      %parallel_loop3A_436 = arith.shli %parallel_loop3A_433, %parallel_loop3A_435 : vector<16xi32>
      %parallel_loop3A_437 = arith.addi %parallel_loop3A_436, %iota3A : vector<16xi32>
      tpu.vector_store_idx %arg6[%parallel_loop3A_437], %broadcast_in_dim3A_7 {add = true} : memref<4096xf32, #tpu.memory_space<vmem>>[vector<16xi32>], vector<16xf32>,
    } {sc.loop_unroll_factor = 8 : i64, sc.parallel_access}
    %add3A_231 = arith.constant 1728 : i32
    %add3A_232 = arith.addi %mul3A_2, %add3A_231 : i32
    %dma_start3A_233 = arith.constant 0 : i32
    %dma_start3A_234 = tpu.memref_slice %arg2[%add3A_232, %dma_start3A_233] : memref<98304x512xf32, #tpu.memory_space<hbm>> -> memref<96x512xf32, #tpu.memory_space<hbm>>
    %dma_start3A_235 = arith.constant 0 : i32
    %dma_start3A_236 = tpu.memref_slice %arg2[%add3A_232, %dma_start3A_235] : memref<98304x512xf32, #tpu.memory_space<hbm>> -> memref<96x512xf32, #tpu.memory_space<hbm>>
    tpu.enqueue_dma source(%dma_start3A_236 : memref<96x512xf32, #tpu.memory_space<hbm>>) target(%arg4 : memref<96x512xf32, #tpu.memory_space<vmem>>) target_semaphore(%arg7 : memref<!tpu.dma_semaphore, #tpu.memory_space<semaphore_mem>>)
    %dma_wait3A_237 = arith.constant 0 : i32
    %dma_wait3A_238 = tpu.memref_slice %arg2[%add3A_219, %dma_wait3A_237] : memref<98304x512xf32, #tpu.memory_space<hbm>> -> memref<96x512xf32, #tpu.memory_space<hbm>>
    %dma_wait3A_239 = arith.constant 0 : i32
    %dma_wait3A_240 = tpu.memref_slice %arg2[%add3A_219, %dma_wait3A_239] : memref<98304x512xf32, #tpu.memory_space<hbm>> -> memref<96x512xf32, #tpu.memory_space<hbm>>
    tpu.wait_dma2 semaphore(%arg8 : memref<!tpu.dma_semaphore, #tpu.memory_space<semaphore_mem>>) src(%dma_wait3A_240 : memref<96x512xf32, #tpu.memory_space<hbm>>) dst(%arg5 : memref<96x512xf32, #tpu.memory_space<vmem>>)
    %parallel_loop3A_241 = arith.constant 0 : i32
    %parallel_loop3A_242 = arith.constant 3072 : i32
    %parallel_loop3A_243 = arith.constant 1 : i32
    scf.for %parallel_loop3A_420 = %parallel_loop3A_241 to %parallel_loop3A_242 step %parallel_loop3A_243  : i32 {
      %parallel_loop3A_421 = arith.constant 5 : i32
      %parallel_loop3A_422 = arith.shrui %parallel_loop3A_420, %parallel_loop3A_421 : i32
      %parallel_loop3A_423 = arith.constant 31 : i32
      %parallel_loop3A_424 = arith.andi %parallel_loop3A_420, %parallel_loop3A_423 : i32
      %parallel_loop3A_425 = arith.constant 4 : i32
      %parallel_loop3A_426 = arith.shli %parallel_loop3A_424, %parallel_loop3A_425 : i32
      %parallel_loop3A_427 = arith.index_cast %parallel_loop3A_422 : i32 to index
      %parallel_loop3A_428 = arith.index_cast %parallel_loop3A_426 : i32 to index
      %parallel_loop3A_429 = tpu.vector_load %arg5[%parallel_loop3A_427, %parallel_loop3A_428] {strides = array<i32>} : memref<96x512xf32, #tpu.memory_space<vmem>>, vector<16xf32>,
      %parallel_loop3A_430 = arith.constant 2.560000e+02 : f32
      %parallel_loop3A_431 = vector.broadcast %parallel_loop3A_430 : f32 to vector<16xf32>
      %parallel_loop3A_432 = arith.mulf %parallel_loop3A_429, %parallel_loop3A_431 : vector<16xf32>
      %parallel_loop3A_433 = arith.fptosi %parallel_loop3A_432 : vector<16xf32> to vector<16xi32>
      %parallel_loop3A_434 = arith.constant 4 : i32
      %parallel_loop3A_435 = vector.broadcast %parallel_loop3A_434 : i32 to vector<16xi32>
      %parallel_loop3A_436 = arith.shli %parallel_loop3A_433, %parallel_loop3A_435 : vector<16xi32>
      %parallel_loop3A_437 = arith.addi %parallel_loop3A_436, %iota3A : vector<16xi32>
      tpu.vector_store_idx %arg6[%parallel_loop3A_437], %broadcast_in_dim3A_7 {add = true} : memref<4096xf32, #tpu.memory_space<vmem>>[vector<16xi32>], vector<16xf32>,
    } {sc.loop_unroll_factor = 8 : i64, sc.parallel_access}
    %add3A_244 = arith.constant 1824 : i32
    %add3A_245 = arith.addi %mul3A_2, %add3A_244 : i32
    %dma_start3A_246 = arith.constant 0 : i32
    %dma_start3A_247 = tpu.memref_slice %arg2[%add3A_245, %dma_start3A_246] : memref<98304x512xf32, #tpu.memory_space<hbm>> -> memref<96x512xf32, #tpu.memory_space<hbm>>
    %dma_start3A_248 = arith.constant 0 : i32
    %dma_start3A_249 = tpu.memref_slice %arg2[%add3A_245, %dma_start3A_248] : memref<98304x512xf32, #tpu.memory_space<hbm>> -> memref<96x512xf32, #tpu.memory_space<hbm>>
    tpu.enqueue_dma source(%dma_start3A_249 : memref<96x512xf32, #tpu.memory_space<hbm>>) target(%arg5 : memref<96x512xf32, #tpu.memory_space<vmem>>) target_semaphore(%arg8 : memref<!tpu.dma_semaphore, #tpu.memory_space<semaphore_mem>>)
    %dma_wait3A_250 = arith.constant 0 : i32
    %dma_wait3A_251 = tpu.memref_slice %arg2[%add3A_232, %dma_wait3A_250] : memref<98304x512xf32, #tpu.memory_space<hbm>> -> memref<96x512xf32, #tpu.memory_space<hbm>>
    %dma_wait3A_252 = arith.constant 0 : i32
    %dma_wait3A_253 = tpu.memref_slice %arg2[%add3A_232, %dma_wait3A_252] : memref<98304x512xf32, #tpu.memory_space<hbm>> -> memref<96x512xf32, #tpu.memory_space<hbm>>
    tpu.wait_dma2 semaphore(%arg7 : memref<!tpu.dma_semaphore, #tpu.memory_space<semaphore_mem>>) src(%dma_wait3A_253 : memref<96x512xf32, #tpu.memory_space<hbm>>) dst(%arg4 : memref<96x512xf32, #tpu.memory_space<vmem>>)
    %parallel_loop3A_254 = arith.constant 0 : i32
    %parallel_loop3A_255 = arith.constant 3072 : i32
    %parallel_loop3A_256 = arith.constant 1 : i32
    scf.for %parallel_loop3A_420 = %parallel_loop3A_254 to %parallel_loop3A_255 step %parallel_loop3A_256  : i32 {
      %parallel_loop3A_421 = arith.constant 5 : i32
      %parallel_loop3A_422 = arith.shrui %parallel_loop3A_420, %parallel_loop3A_421 : i32
      %parallel_loop3A_423 = arith.constant 31 : i32
      %parallel_loop3A_424 = arith.andi %parallel_loop3A_420, %parallel_loop3A_423 : i32
      %parallel_loop3A_425 = arith.constant 4 : i32
      %parallel_loop3A_426 = arith.shli %parallel_loop3A_424, %parallel_loop3A_425 : i32
      %parallel_loop3A_427 = arith.index_cast %parallel_loop3A_422 : i32 to index
      %parallel_loop3A_428 = arith.index_cast %parallel_loop3A_426 : i32 to index
      %parallel_loop3A_429 = tpu.vector_load %arg4[%parallel_loop3A_427, %parallel_loop3A_428] {strides = array<i32>} : memref<96x512xf32, #tpu.memory_space<vmem>>, vector<16xf32>,
      %parallel_loop3A_430 = arith.constant 2.560000e+02 : f32
      %parallel_loop3A_431 = vector.broadcast %parallel_loop3A_430 : f32 to vector<16xf32>
      %parallel_loop3A_432 = arith.mulf %parallel_loop3A_429, %parallel_loop3A_431 : vector<16xf32>
      %parallel_loop3A_433 = arith.fptosi %parallel_loop3A_432 : vector<16xf32> to vector<16xi32>
      %parallel_loop3A_434 = arith.constant 4 : i32
      %parallel_loop3A_435 = vector.broadcast %parallel_loop3A_434 : i32 to vector<16xi32>
      %parallel_loop3A_436 = arith.shli %parallel_loop3A_433, %parallel_loop3A_435 : vector<16xi32>
      %parallel_loop3A_437 = arith.addi %parallel_loop3A_436, %iota3A : vector<16xi32>
      tpu.vector_store_idx %arg6[%parallel_loop3A_437], %broadcast_in_dim3A_7 {add = true} : memref<4096xf32, #tpu.memory_space<vmem>>[vector<16xi32>], vector<16xf32>,
    } {sc.loop_unroll_factor = 8 : i64, sc.parallel_access}
    %add3A_257 = arith.constant 1920 : i32
    %add3A_258 = arith.addi %mul3A_2, %add3A_257 : i32
    %dma_start3A_259 = arith.constant 0 : i32
    %dma_start3A_260 = tpu.memref_slice %arg2[%add3A_258, %dma_start3A_259] : memref<98304x512xf32, #tpu.memory_space<hbm>> -> memref<96x512xf32, #tpu.memory_space<hbm>>
    %dma_start3A_261 = arith.constant 0 : i32
    %dma_start3A_262 = tpu.memref_slice %arg2[%add3A_258, %dma_start3A_261] : memref<98304x512xf32, #tpu.memory_space<hbm>> -> memref<96x512xf32, #tpu.memory_space<hbm>>
    tpu.enqueue_dma source(%dma_start3A_262 : memref<96x512xf32, #tpu.memory_space<hbm>>) target(%arg4 : memref<96x512xf32, #tpu.memory_space<vmem>>) target_semaphore(%arg7 : memref<!tpu.dma_semaphore, #tpu.memory_space<semaphore_mem>>)
    %dma_wait3A_263 = arith.constant 0 : i32
    %dma_wait3A_264 = tpu.memref_slice %arg2[%add3A_245, %dma_wait3A_263] : memref<98304x512xf32, #tpu.memory_space<hbm>> -> memref<96x512xf32, #tpu.memory_space<hbm>>
    %dma_wait3A_265 = arith.constant 0 : i32
    %dma_wait3A_266 = tpu.memref_slice %arg2[%add3A_245, %dma_wait3A_265] : memref<98304x512xf32, #tpu.memory_space<hbm>> -> memref<96x512xf32, #tpu.memory_space<hbm>>
    tpu.wait_dma2 semaphore(%arg8 : memref<!tpu.dma_semaphore, #tpu.memory_space<semaphore_mem>>) src(%dma_wait3A_266 : memref<96x512xf32, #tpu.memory_space<hbm>>) dst(%arg5 : memref<96x512xf32, #tpu.memory_space<vmem>>)
    %parallel_loop3A_267 = arith.constant 0 : i32
    %parallel_loop3A_268 = arith.constant 3072 : i32
    %parallel_loop3A_269 = arith.constant 1 : i32
    scf.for %parallel_loop3A_420 = %parallel_loop3A_267 to %parallel_loop3A_268 step %parallel_loop3A_269  : i32 {
      %parallel_loop3A_421 = arith.constant 5 : i32
      %parallel_loop3A_422 = arith.shrui %parallel_loop3A_420, %parallel_loop3A_421 : i32
      %parallel_loop3A_423 = arith.constant 31 : i32
      %parallel_loop3A_424 = arith.andi %parallel_loop3A_420, %parallel_loop3A_423 : i32
      %parallel_loop3A_425 = arith.constant 4 : i32
      %parallel_loop3A_426 = arith.shli %parallel_loop3A_424, %parallel_loop3A_425 : i32
      %parallel_loop3A_427 = arith.index_cast %parallel_loop3A_422 : i32 to index
      %parallel_loop3A_428 = arith.index_cast %parallel_loop3A_426 : i32 to index
      %parallel_loop3A_429 = tpu.vector_load %arg5[%parallel_loop3A_427, %parallel_loop3A_428] {strides = array<i32>} : memref<96x512xf32, #tpu.memory_space<vmem>>, vector<16xf32>,
      %parallel_loop3A_430 = arith.constant 2.560000e+02 : f32
      %parallel_loop3A_431 = vector.broadcast %parallel_loop3A_430 : f32 to vector<16xf32>
      %parallel_loop3A_432 = arith.mulf %parallel_loop3A_429, %parallel_loop3A_431 : vector<16xf32>
      %parallel_loop3A_433 = arith.fptosi %parallel_loop3A_432 : vector<16xf32> to vector<16xi32>
      %parallel_loop3A_434 = arith.constant 4 : i32
      %parallel_loop3A_435 = vector.broadcast %parallel_loop3A_434 : i32 to vector<16xi32>
      %parallel_loop3A_436 = arith.shli %parallel_loop3A_433, %parallel_loop3A_435 : vector<16xi32>
      %parallel_loop3A_437 = arith.addi %parallel_loop3A_436, %iota3A : vector<16xi32>
      tpu.vector_store_idx %arg6[%parallel_loop3A_437], %broadcast_in_dim3A_7 {add = true} : memref<4096xf32, #tpu.memory_space<vmem>>[vector<16xi32>], vector<16xf32>,
    } {sc.loop_unroll_factor = 8 : i64, sc.parallel_access}
    %add3A_270 = arith.constant 2016 : i32
    %add3A_271 = arith.addi %mul3A_2, %add3A_270 : i32
    %dma_start3A_272 = arith.constant 0 : i32
    %dma_start3A_273 = tpu.memref_slice %arg2[%add3A_271, %dma_start3A_272] : memref<98304x512xf32, #tpu.memory_space<hbm>> -> memref<96x512xf32, #tpu.memory_space<hbm>>
    %dma_start3A_274 = arith.constant 0 : i32
    %dma_start3A_275 = tpu.memref_slice %arg2[%add3A_271, %dma_start3A_274] : memref<98304x512xf32, #tpu.memory_space<hbm>> -> memref<96x512xf32, #tpu.memory_space<hbm>>
    tpu.enqueue_dma source(%dma_start3A_275 : memref<96x512xf32, #tpu.memory_space<hbm>>) target(%arg5 : memref<96x512xf32, #tpu.memory_space<vmem>>) target_semaphore(%arg8 : memref<!tpu.dma_semaphore, #tpu.memory_space<semaphore_mem>>)
    %dma_wait3A_276 = arith.constant 0 : i32
    %dma_wait3A_277 = tpu.memref_slice %arg2[%add3A_258, %dma_wait3A_276] : memref<98304x512xf32, #tpu.memory_space<hbm>> -> memref<96x512xf32, #tpu.memory_space<hbm>>
    %dma_wait3A_278 = arith.constant 0 : i32
    %dma_wait3A_279 = tpu.memref_slice %arg2[%add3A_258, %dma_wait3A_278] : memref<98304x512xf32, #tpu.memory_space<hbm>> -> memref<96x512xf32, #tpu.memory_space<hbm>>
    tpu.wait_dma2 semaphore(%arg7 : memref<!tpu.dma_semaphore, #tpu.memory_space<semaphore_mem>>) src(%dma_wait3A_279 : memref<96x512xf32, #tpu.memory_space<hbm>>) dst(%arg4 : memref<96x512xf32, #tpu.memory_space<vmem>>)
    %parallel_loop3A_280 = arith.constant 0 : i32
    %parallel_loop3A_281 = arith.constant 3072 : i32
    %parallel_loop3A_282 = arith.constant 1 : i32
    scf.for %parallel_loop3A_420 = %parallel_loop3A_280 to %parallel_loop3A_281 step %parallel_loop3A_282  : i32 {
      %parallel_loop3A_421 = arith.constant 5 : i32
      %parallel_loop3A_422 = arith.shrui %parallel_loop3A_420, %parallel_loop3A_421 : i32
      %parallel_loop3A_423 = arith.constant 31 : i32
      %parallel_loop3A_424 = arith.andi %parallel_loop3A_420, %parallel_loop3A_423 : i32
      %parallel_loop3A_425 = arith.constant 4 : i32
      %parallel_loop3A_426 = arith.shli %parallel_loop3A_424, %parallel_loop3A_425 : i32
      %parallel_loop3A_427 = arith.index_cast %parallel_loop3A_422 : i32 to index
      %parallel_loop3A_428 = arith.index_cast %parallel_loop3A_426 : i32 to index
      %parallel_loop3A_429 = tpu.vector_load %arg4[%parallel_loop3A_427, %parallel_loop3A_428] {strides = array<i32>} : memref<96x512xf32, #tpu.memory_space<vmem>>, vector<16xf32>,
      %parallel_loop3A_430 = arith.constant 2.560000e+02 : f32
      %parallel_loop3A_431 = vector.broadcast %parallel_loop3A_430 : f32 to vector<16xf32>
      %parallel_loop3A_432 = arith.mulf %parallel_loop3A_429, %parallel_loop3A_431 : vector<16xf32>
      %parallel_loop3A_433 = arith.fptosi %parallel_loop3A_432 : vector<16xf32> to vector<16xi32>
      %parallel_loop3A_434 = arith.constant 4 : i32
      %parallel_loop3A_435 = vector.broadcast %parallel_loop3A_434 : i32 to vector<16xi32>
      %parallel_loop3A_436 = arith.shli %parallel_loop3A_433, %parallel_loop3A_435 : vector<16xi32>
      %parallel_loop3A_437 = arith.addi %parallel_loop3A_436, %iota3A : vector<16xi32>
      tpu.vector_store_idx %arg6[%parallel_loop3A_437], %broadcast_in_dim3A_7 {add = true} : memref<4096xf32, #tpu.memory_space<vmem>>[vector<16xi32>], vector<16xf32>,
    } {sc.loop_unroll_factor = 8 : i64, sc.parallel_access}
    %add3A_283 = arith.constant 2112 : i32
    %add3A_284 = arith.addi %mul3A_2, %add3A_283 : i32
    %dma_start3A_285 = arith.constant 0 : i32
    %dma_start3A_286 = tpu.memref_slice %arg2[%add3A_284, %dma_start3A_285] : memref<98304x512xf32, #tpu.memory_space<hbm>> -> memref<96x512xf32, #tpu.memory_space<hbm>>
    %dma_start3A_287 = arith.constant 0 : i32
    %dma_start3A_288 = tpu.memref_slice %arg2[%add3A_284, %dma_start3A_287] : memref<98304x512xf32, #tpu.memory_space<hbm>> -> memref<96x512xf32, #tpu.memory_space<hbm>>
    tpu.enqueue_dma source(%dma_start3A_288 : memref<96x512xf32, #tpu.memory_space<hbm>>) target(%arg4 : memref<96x512xf32, #tpu.memory_space<vmem>>) target_semaphore(%arg7 : memref<!tpu.dma_semaphore, #tpu.memory_space<semaphore_mem>>)
    %dma_wait3A_289 = arith.constant 0 : i32
    %dma_wait3A_290 = tpu.memref_slice %arg2[%add3A_271, %dma_wait3A_289] : memref<98304x512xf32, #tpu.memory_space<hbm>> -> memref<96x512xf32, #tpu.memory_space<hbm>>
    %dma_wait3A_291 = arith.constant 0 : i32
    %dma_wait3A_292 = tpu.memref_slice %arg2[%add3A_271, %dma_wait3A_291] : memref<98304x512xf32, #tpu.memory_space<hbm>> -> memref<96x512xf32, #tpu.memory_space<hbm>>
    tpu.wait_dma2 semaphore(%arg8 : memref<!tpu.dma_semaphore, #tpu.memory_space<semaphore_mem>>) src(%dma_wait3A_292 : memref<96x512xf32, #tpu.memory_space<hbm>>) dst(%arg5 : memref<96x512xf32, #tpu.memory_space<vmem>>)
    %parallel_loop3A_293 = arith.constant 0 : i32
    %parallel_loop3A_294 = arith.constant 3072 : i32
    %parallel_loop3A_295 = arith.constant 1 : i32
    scf.for %parallel_loop3A_420 = %parallel_loop3A_293 to %parallel_loop3A_294 step %parallel_loop3A_295  : i32 {
      %parallel_loop3A_421 = arith.constant 5 : i32
      %parallel_loop3A_422 = arith.shrui %parallel_loop3A_420, %parallel_loop3A_421 : i32
      %parallel_loop3A_423 = arith.constant 31 : i32
      %parallel_loop3A_424 = arith.andi %parallel_loop3A_420, %parallel_loop3A_423 : i32
      %parallel_loop3A_425 = arith.constant 4 : i32
      %parallel_loop3A_426 = arith.shli %parallel_loop3A_424, %parallel_loop3A_425 : i32
      %parallel_loop3A_427 = arith.index_cast %parallel_loop3A_422 : i32 to index
      %parallel_loop3A_428 = arith.index_cast %parallel_loop3A_426 : i32 to index
      %parallel_loop3A_429 = tpu.vector_load %arg5[%parallel_loop3A_427, %parallel_loop3A_428] {strides = array<i32>} : memref<96x512xf32, #tpu.memory_space<vmem>>, vector<16xf32>,
      %parallel_loop3A_430 = arith.constant 2.560000e+02 : f32
      %parallel_loop3A_431 = vector.broadcast %parallel_loop3A_430 : f32 to vector<16xf32>
      %parallel_loop3A_432 = arith.mulf %parallel_loop3A_429, %parallel_loop3A_431 : vector<16xf32>
      %parallel_loop3A_433 = arith.fptosi %parallel_loop3A_432 : vector<16xf32> to vector<16xi32>
      %parallel_loop3A_434 = arith.constant 4 : i32
      %parallel_loop3A_435 = vector.broadcast %parallel_loop3A_434 : i32 to vector<16xi32>
      %parallel_loop3A_436 = arith.shli %parallel_loop3A_433, %parallel_loop3A_435 : vector<16xi32>
      %parallel_loop3A_437 = arith.addi %parallel_loop3A_436, %iota3A : vector<16xi32>
      tpu.vector_store_idx %arg6[%parallel_loop3A_437], %broadcast_in_dim3A_7 {add = true} : memref<4096xf32, #tpu.memory_space<vmem>>[vector<16xi32>], vector<16xf32>,
    } {sc.loop_unroll_factor = 8 : i64, sc.parallel_access}
    %add3A_296 = arith.constant 2208 : i32
    %add3A_297 = arith.addi %mul3A_2, %add3A_296 : i32
    %dma_start3A_298 = arith.constant 0 : i32
    %dma_start3A_299 = tpu.memref_slice %arg2[%add3A_297, %dma_start3A_298] : memref<98304x512xf32, #tpu.memory_space<hbm>> -> memref<96x512xf32, #tpu.memory_space<hbm>>
    %dma_start3A_300 = arith.constant 0 : i32
    %dma_start3A_301 = tpu.memref_slice %arg2[%add3A_297, %dma_start3A_300] : memref<98304x512xf32, #tpu.memory_space<hbm>> -> memref<96x512xf32, #tpu.memory_space<hbm>>
    tpu.enqueue_dma source(%dma_start3A_301 : memref<96x512xf32, #tpu.memory_space<hbm>>) target(%arg5 : memref<96x512xf32, #tpu.memory_space<vmem>>) target_semaphore(%arg8 : memref<!tpu.dma_semaphore, #tpu.memory_space<semaphore_mem>>)
    %dma_wait3A_302 = arith.constant 0 : i32
    %dma_wait3A_303 = tpu.memref_slice %arg2[%add3A_284, %dma_wait3A_302] : memref<98304x512xf32, #tpu.memory_space<hbm>> -> memref<96x512xf32, #tpu.memory_space<hbm>>
    %dma_wait3A_304 = arith.constant 0 : i32
    %dma_wait3A_305 = tpu.memref_slice %arg2[%add3A_284, %dma_wait3A_304] : memref<98304x512xf32, #tpu.memory_space<hbm>> -> memref<96x512xf32, #tpu.memory_space<hbm>>
    tpu.wait_dma2 semaphore(%arg7 : memref<!tpu.dma_semaphore, #tpu.memory_space<semaphore_mem>>) src(%dma_wait3A_305 : memref<96x512xf32, #tpu.memory_space<hbm>>) dst(%arg4 : memref<96x512xf32, #tpu.memory_space<vmem>>)
    %parallel_loop3A_306 = arith.constant 0 : i32
    %parallel_loop3A_307 = arith.constant 3072 : i32
    %parallel_loop3A_308 = arith.constant 1 : i32
    scf.for %parallel_loop3A_420 = %parallel_loop3A_306 to %parallel_loop3A_307 step %parallel_loop3A_308  : i32 {
      %parallel_loop3A_421 = arith.constant 5 : i32
      %parallel_loop3A_422 = arith.shrui %parallel_loop3A_420, %parallel_loop3A_421 : i32
      %parallel_loop3A_423 = arith.constant 31 : i32
      %parallel_loop3A_424 = arith.andi %parallel_loop3A_420, %parallel_loop3A_423 : i32
      %parallel_loop3A_425 = arith.constant 4 : i32
      %parallel_loop3A_426 = arith.shli %parallel_loop3A_424, %parallel_loop3A_425 : i32
      %parallel_loop3A_427 = arith.index_cast %parallel_loop3A_422 : i32 to index
      %parallel_loop3A_428 = arith.index_cast %parallel_loop3A_426 : i32 to index
      %parallel_loop3A_429 = tpu.vector_load %arg4[%parallel_loop3A_427, %parallel_loop3A_428] {strides = array<i32>} : memref<96x512xf32, #tpu.memory_space<vmem>>, vector<16xf32>,
      %parallel_loop3A_430 = arith.constant 2.560000e+02 : f32
      %parallel_loop3A_431 = vector.broadcast %parallel_loop3A_430 : f32 to vector<16xf32>
      %parallel_loop3A_432 = arith.mulf %parallel_loop3A_429, %parallel_loop3A_431 : vector<16xf32>
      %parallel_loop3A_433 = arith.fptosi %parallel_loop3A_432 : vector<16xf32> to vector<16xi32>
      %parallel_loop3A_434 = arith.constant 4 : i32
      %parallel_loop3A_435 = vector.broadcast %parallel_loop3A_434 : i32 to vector<16xi32>
      %parallel_loop3A_436 = arith.shli %parallel_loop3A_433, %parallel_loop3A_435 : vector<16xi32>
      %parallel_loop3A_437 = arith.addi %parallel_loop3A_436, %iota3A : vector<16xi32>
      tpu.vector_store_idx %arg6[%parallel_loop3A_437], %broadcast_in_dim3A_7 {add = true} : memref<4096xf32, #tpu.memory_space<vmem>>[vector<16xi32>], vector<16xf32>,
    } {sc.loop_unroll_factor = 8 : i64, sc.parallel_access}
    %add3A_309 = arith.constant 2304 : i32
    %add3A_310 = arith.addi %mul3A_2, %add3A_309 : i32
    %dma_start3A_311 = arith.constant 0 : i32
    %dma_start3A_312 = tpu.memref_slice %arg2[%add3A_310, %dma_start3A_311] : memref<98304x512xf32, #tpu.memory_space<hbm>> -> memref<96x512xf32, #tpu.memory_space<hbm>>
    %dma_start3A_313 = arith.constant 0 : i32
    %dma_start3A_314 = tpu.memref_slice %arg2[%add3A_310, %dma_start3A_313] : memref<98304x512xf32, #tpu.memory_space<hbm>> -> memref<96x512xf32, #tpu.memory_space<hbm>>
    tpu.enqueue_dma source(%dma_start3A_314 : memref<96x512xf32, #tpu.memory_space<hbm>>) target(%arg4 : memref<96x512xf32, #tpu.memory_space<vmem>>) target_semaphore(%arg7 : memref<!tpu.dma_semaphore, #tpu.memory_space<semaphore_mem>>)
    %dma_wait3A_315 = arith.constant 0 : i32
    %dma_wait3A_316 = tpu.memref_slice %arg2[%add3A_297, %dma_wait3A_315] : memref<98304x512xf32, #tpu.memory_space<hbm>> -> memref<96x512xf32, #tpu.memory_space<hbm>>
    %dma_wait3A_317 = arith.constant 0 : i32
    %dma_wait3A_318 = tpu.memref_slice %arg2[%add3A_297, %dma_wait3A_317] : memref<98304x512xf32, #tpu.memory_space<hbm>> -> memref<96x512xf32, #tpu.memory_space<hbm>>
    tpu.wait_dma2 semaphore(%arg8 : memref<!tpu.dma_semaphore, #tpu.memory_space<semaphore_mem>>) src(%dma_wait3A_318 : memref<96x512xf32, #tpu.memory_space<hbm>>) dst(%arg5 : memref<96x512xf32, #tpu.memory_space<vmem>>)
    %parallel_loop3A_319 = arith.constant 0 : i32
    %parallel_loop3A_320 = arith.constant 3072 : i32
    %parallel_loop3A_321 = arith.constant 1 : i32
    scf.for %parallel_loop3A_420 = %parallel_loop3A_319 to %parallel_loop3A_320 step %parallel_loop3A_321  : i32 {
      %parallel_loop3A_421 = arith.constant 5 : i32
      %parallel_loop3A_422 = arith.shrui %parallel_loop3A_420, %parallel_loop3A_421 : i32
      %parallel_loop3A_423 = arith.constant 31 : i32
      %parallel_loop3A_424 = arith.andi %parallel_loop3A_420, %parallel_loop3A_423 : i32
      %parallel_loop3A_425 = arith.constant 4 : i32
      %parallel_loop3A_426 = arith.shli %parallel_loop3A_424, %parallel_loop3A_425 : i32
      %parallel_loop3A_427 = arith.index_cast %parallel_loop3A_422 : i32 to index
      %parallel_loop3A_428 = arith.index_cast %parallel_loop3A_426 : i32 to index
      %parallel_loop3A_429 = tpu.vector_load %arg5[%parallel_loop3A_427, %parallel_loop3A_428] {strides = array<i32>} : memref<96x512xf32, #tpu.memory_space<vmem>>, vector<16xf32>,
      %parallel_loop3A_430 = arith.constant 2.560000e+02 : f32
      %parallel_loop3A_431 = vector.broadcast %parallel_loop3A_430 : f32 to vector<16xf32>
      %parallel_loop3A_432 = arith.mulf %parallel_loop3A_429, %parallel_loop3A_431 : vector<16xf32>
      %parallel_loop3A_433 = arith.fptosi %parallel_loop3A_432 : vector<16xf32> to vector<16xi32>
      %parallel_loop3A_434 = arith.constant 4 : i32
      %parallel_loop3A_435 = vector.broadcast %parallel_loop3A_434 : i32 to vector<16xi32>
      %parallel_loop3A_436 = arith.shli %parallel_loop3A_433, %parallel_loop3A_435 : vector<16xi32>
      %parallel_loop3A_437 = arith.addi %parallel_loop3A_436, %iota3A : vector<16xi32>
      tpu.vector_store_idx %arg6[%parallel_loop3A_437], %broadcast_in_dim3A_7 {add = true} : memref<4096xf32, #tpu.memory_space<vmem>>[vector<16xi32>], vector<16xf32>,
    } {sc.loop_unroll_factor = 8 : i64, sc.parallel_access}
    %add3A_322 = arith.constant 2400 : i32
    %add3A_323 = arith.addi %mul3A_2, %add3A_322 : i32
    %dma_start3A_324 = arith.constant 0 : i32
    %dma_start3A_325 = tpu.memref_slice %arg2[%add3A_323, %dma_start3A_324] : memref<98304x512xf32, #tpu.memory_space<hbm>> -> memref<96x512xf32, #tpu.memory_space<hbm>>
    %dma_start3A_326 = arith.constant 0 : i32
    %dma_start3A_327 = tpu.memref_slice %arg2[%add3A_323, %dma_start3A_326] : memref<98304x512xf32, #tpu.memory_space<hbm>> -> memref<96x512xf32, #tpu.memory_space<hbm>>
    tpu.enqueue_dma source(%dma_start3A_327 : memref<96x512xf32, #tpu.memory_space<hbm>>) target(%arg5 : memref<96x512xf32, #tpu.memory_space<vmem>>) target_semaphore(%arg8 : memref<!tpu.dma_semaphore, #tpu.memory_space<semaphore_mem>>)
    %dma_wait3A_328 = arith.constant 0 : i32
    %dma_wait3A_329 = tpu.memref_slice %arg2[%add3A_310, %dma_wait3A_328] : memref<98304x512xf32, #tpu.memory_space<hbm>> -> memref<96x512xf32, #tpu.memory_space<hbm>>
    %dma_wait3A_330 = arith.constant 0 : i32
    %dma_wait3A_331 = tpu.memref_slice %arg2[%add3A_310, %dma_wait3A_330] : memref<98304x512xf32, #tpu.memory_space<hbm>> -> memref<96x512xf32, #tpu.memory_space<hbm>>
    tpu.wait_dma2 semaphore(%arg7 : memref<!tpu.dma_semaphore, #tpu.memory_space<semaphore_mem>>) src(%dma_wait3A_331 : memref<96x512xf32, #tpu.memory_space<hbm>>) dst(%arg4 : memref<96x512xf32, #tpu.memory_space<vmem>>)
    %parallel_loop3A_332 = arith.constant 0 : i32
    %parallel_loop3A_333 = arith.constant 3072 : i32
    %parallel_loop3A_334 = arith.constant 1 : i32
    scf.for %parallel_loop3A_420 = %parallel_loop3A_332 to %parallel_loop3A_333 step %parallel_loop3A_334  : i32 {
      %parallel_loop3A_421 = arith.constant 5 : i32
      %parallel_loop3A_422 = arith.shrui %parallel_loop3A_420, %parallel_loop3A_421 : i32
      %parallel_loop3A_423 = arith.constant 31 : i32
      %parallel_loop3A_424 = arith.andi %parallel_loop3A_420, %parallel_loop3A_423 : i32
      %parallel_loop3A_425 = arith.constant 4 : i32
      %parallel_loop3A_426 = arith.shli %parallel_loop3A_424, %parallel_loop3A_425 : i32
      %parallel_loop3A_427 = arith.index_cast %parallel_loop3A_422 : i32 to index
      %parallel_loop3A_428 = arith.index_cast %parallel_loop3A_426 : i32 to index
      %parallel_loop3A_429 = tpu.vector_load %arg4[%parallel_loop3A_427, %parallel_loop3A_428] {strides = array<i32>} : memref<96x512xf32, #tpu.memory_space<vmem>>, vector<16xf32>,
      %parallel_loop3A_430 = arith.constant 2.560000e+02 : f32
      %parallel_loop3A_431 = vector.broadcast %parallel_loop3A_430 : f32 to vector<16xf32>
      %parallel_loop3A_432 = arith.mulf %parallel_loop3A_429, %parallel_loop3A_431 : vector<16xf32>
      %parallel_loop3A_433 = arith.fptosi %parallel_loop3A_432 : vector<16xf32> to vector<16xi32>
      %parallel_loop3A_434 = arith.constant 4 : i32
      %parallel_loop3A_435 = vector.broadcast %parallel_loop3A_434 : i32 to vector<16xi32>
      %parallel_loop3A_436 = arith.shli %parallel_loop3A_433, %parallel_loop3A_435 : vector<16xi32>
      %parallel_loop3A_437 = arith.addi %parallel_loop3A_436, %iota3A : vector<16xi32>
      tpu.vector_store_idx %arg6[%parallel_loop3A_437], %broadcast_in_dim3A_7 {add = true} : memref<4096xf32, #tpu.memory_space<vmem>>[vector<16xi32>], vector<16xf32>,
    } {sc.loop_unroll_factor = 8 : i64, sc.parallel_access}
    %add3A_335 = arith.constant 2496 : i32
    %add3A_336 = arith.addi %mul3A_2, %add3A_335 : i32
    %dma_start3A_337 = arith.constant 0 : i32
    %dma_start3A_338 = tpu.memref_slice %arg2[%add3A_336, %dma_start3A_337] : memref<98304x512xf32, #tpu.memory_space<hbm>> -> memref<96x512xf32, #tpu.memory_space<hbm>>
    %dma_start3A_339 = arith.constant 0 : i32
    %dma_start3A_340 = tpu.memref_slice %arg2[%add3A_336, %dma_start3A_339] : memref<98304x512xf32, #tpu.memory_space<hbm>> -> memref<96x512xf32, #tpu.memory_space<hbm>>
    tpu.enqueue_dma source(%dma_start3A_340 : memref<96x512xf32, #tpu.memory_space<hbm>>) target(%arg4 : memref<96x512xf32, #tpu.memory_space<vmem>>) target_semaphore(%arg7 : memref<!tpu.dma_semaphore, #tpu.memory_space<semaphore_mem>>)
    %dma_wait3A_341 = arith.constant 0 : i32
    %dma_wait3A_342 = tpu.memref_slice %arg2[%add3A_323, %dma_wait3A_341] : memref<98304x512xf32, #tpu.memory_space<hbm>> -> memref<96x512xf32, #tpu.memory_space<hbm>>
    %dma_wait3A_343 = arith.constant 0 : i32
    %dma_wait3A_344 = tpu.memref_slice %arg2[%add3A_323, %dma_wait3A_343] : memref<98304x512xf32, #tpu.memory_space<hbm>> -> memref<96x512xf32, #tpu.memory_space<hbm>>
    tpu.wait_dma2 semaphore(%arg8 : memref<!tpu.dma_semaphore, #tpu.memory_space<semaphore_mem>>) src(%dma_wait3A_344 : memref<96x512xf32, #tpu.memory_space<hbm>>) dst(%arg5 : memref<96x512xf32, #tpu.memory_space<vmem>>)
    %parallel_loop3A_345 = arith.constant 0 : i32
    %parallel_loop3A_346 = arith.constant 3072 : i32
    %parallel_loop3A_347 = arith.constant 1 : i32
    scf.for %parallel_loop3A_420 = %parallel_loop3A_345 to %parallel_loop3A_346 step %parallel_loop3A_347  : i32 {
      %parallel_loop3A_421 = arith.constant 5 : i32
      %parallel_loop3A_422 = arith.shrui %parallel_loop3A_420, %parallel_loop3A_421 : i32
      %parallel_loop3A_423 = arith.constant 31 : i32
      %parallel_loop3A_424 = arith.andi %parallel_loop3A_420, %parallel_loop3A_423 : i32
      %parallel_loop3A_425 = arith.constant 4 : i32
      %parallel_loop3A_426 = arith.shli %parallel_loop3A_424, %parallel_loop3A_425 : i32
      %parallel_loop3A_427 = arith.index_cast %parallel_loop3A_422 : i32 to index
      %parallel_loop3A_428 = arith.index_cast %parallel_loop3A_426 : i32 to index
      %parallel_loop3A_429 = tpu.vector_load %arg5[%parallel_loop3A_427, %parallel_loop3A_428] {strides = array<i32>} : memref<96x512xf32, #tpu.memory_space<vmem>>, vector<16xf32>,
      %parallel_loop3A_430 = arith.constant 2.560000e+02 : f32
      %parallel_loop3A_431 = vector.broadcast %parallel_loop3A_430 : f32 to vector<16xf32>
      %parallel_loop3A_432 = arith.mulf %parallel_loop3A_429, %parallel_loop3A_431 : vector<16xf32>
      %parallel_loop3A_433 = arith.fptosi %parallel_loop3A_432 : vector<16xf32> to vector<16xi32>
      %parallel_loop3A_434 = arith.constant 4 : i32
      %parallel_loop3A_435 = vector.broadcast %parallel_loop3A_434 : i32 to vector<16xi32>
      %parallel_loop3A_436 = arith.shli %parallel_loop3A_433, %parallel_loop3A_435 : vector<16xi32>
      %parallel_loop3A_437 = arith.addi %parallel_loop3A_436, %iota3A : vector<16xi32>
      tpu.vector_store_idx %arg6[%parallel_loop3A_437], %broadcast_in_dim3A_7 {add = true} : memref<4096xf32, #tpu.memory_space<vmem>>[vector<16xi32>], vector<16xf32>,
    } {sc.loop_unroll_factor = 8 : i64, sc.parallel_access}
    %add3A_348 = arith.constant 2592 : i32
    %add3A_349 = arith.addi %mul3A_2, %add3A_348 : i32
    %dma_start3A_350 = arith.constant 0 : i32
    %dma_start3A_351 = tpu.memref_slice %arg2[%add3A_349, %dma_start3A_350] : memref<98304x512xf32, #tpu.memory_space<hbm>> -> memref<96x512xf32, #tpu.memory_space<hbm>>
    %dma_start3A_352 = arith.constant 0 : i32
    %dma_start3A_353 = tpu.memref_slice %arg2[%add3A_349, %dma_start3A_352] : memref<98304x512xf32, #tpu.memory_space<hbm>> -> memref<96x512xf32, #tpu.memory_space<hbm>>
    tpu.enqueue_dma source(%dma_start3A_353 : memref<96x512xf32, #tpu.memory_space<hbm>>) target(%arg5 : memref<96x512xf32, #tpu.memory_space<vmem>>) target_semaphore(%arg8 : memref<!tpu.dma_semaphore, #tpu.memory_space<semaphore_mem>>)
    %dma_wait3A_354 = arith.constant 0 : i32
    %dma_wait3A_355 = tpu.memref_slice %arg2[%add3A_336, %dma_wait3A_354] : memref<98304x512xf32, #tpu.memory_space<hbm>> -> memref<96x512xf32, #tpu.memory_space<hbm>>
    %dma_wait3A_356 = arith.constant 0 : i32
    %dma_wait3A_357 = tpu.memref_slice %arg2[%add3A_336, %dma_wait3A_356] : memref<98304x512xf32, #tpu.memory_space<hbm>> -> memref<96x512xf32, #tpu.memory_space<hbm>>
    tpu.wait_dma2 semaphore(%arg7 : memref<!tpu.dma_semaphore, #tpu.memory_space<semaphore_mem>>) src(%dma_wait3A_357 : memref<96x512xf32, #tpu.memory_space<hbm>>) dst(%arg4 : memref<96x512xf32, #tpu.memory_space<vmem>>)
    %parallel_loop3A_358 = arith.constant 0 : i32
    %parallel_loop3A_359 = arith.constant 3072 : i32
    %parallel_loop3A_360 = arith.constant 1 : i32
    scf.for %parallel_loop3A_420 = %parallel_loop3A_358 to %parallel_loop3A_359 step %parallel_loop3A_360  : i32 {
      %parallel_loop3A_421 = arith.constant 5 : i32
      %parallel_loop3A_422 = arith.shrui %parallel_loop3A_420, %parallel_loop3A_421 : i32
      %parallel_loop3A_423 = arith.constant 31 : i32
      %parallel_loop3A_424 = arith.andi %parallel_loop3A_420, %parallel_loop3A_423 : i32
      %parallel_loop3A_425 = arith.constant 4 : i32
      %parallel_loop3A_426 = arith.shli %parallel_loop3A_424, %parallel_loop3A_425 : i32
      %parallel_loop3A_427 = arith.index_cast %parallel_loop3A_422 : i32 to index
      %parallel_loop3A_428 = arith.index_cast %parallel_loop3A_426 : i32 to index
      %parallel_loop3A_429 = tpu.vector_load %arg4[%parallel_loop3A_427, %parallel_loop3A_428] {strides = array<i32>} : memref<96x512xf32, #tpu.memory_space<vmem>>, vector<16xf32>,
      %parallel_loop3A_430 = arith.constant 2.560000e+02 : f32
      %parallel_loop3A_431 = vector.broadcast %parallel_loop3A_430 : f32 to vector<16xf32>
      %parallel_loop3A_432 = arith.mulf %parallel_loop3A_429, %parallel_loop3A_431 : vector<16xf32>
      %parallel_loop3A_433 = arith.fptosi %parallel_loop3A_432 : vector<16xf32> to vector<16xi32>
      %parallel_loop3A_434 = arith.constant 4 : i32
      %parallel_loop3A_435 = vector.broadcast %parallel_loop3A_434 : i32 to vector<16xi32>
      %parallel_loop3A_436 = arith.shli %parallel_loop3A_433, %parallel_loop3A_435 : vector<16xi32>
      %parallel_loop3A_437 = arith.addi %parallel_loop3A_436, %iota3A : vector<16xi32>
      tpu.vector_store_idx %arg6[%parallel_loop3A_437], %broadcast_in_dim3A_7 {add = true} : memref<4096xf32, #tpu.memory_space<vmem>>[vector<16xi32>], vector<16xf32>,
    } {sc.loop_unroll_factor = 8 : i64, sc.parallel_access}
    %add3A_361 = arith.constant 2688 : i32
    %add3A_362 = arith.addi %mul3A_2, %add3A_361 : i32
    %dma_start3A_363 = arith.constant 0 : i32
    %dma_start3A_364 = tpu.memref_slice %arg2[%add3A_362, %dma_start3A_363] : memref<98304x512xf32, #tpu.memory_space<hbm>> -> memref<96x512xf32, #tpu.memory_space<hbm>>
    %dma_start3A_365 = arith.constant 0 : i32
    %dma_start3A_366 = tpu.memref_slice %arg2[%add3A_362, %dma_start3A_365] : memref<98304x512xf32, #tpu.memory_space<hbm>> -> memref<96x512xf32, #tpu.memory_space<hbm>>
    tpu.enqueue_dma source(%dma_start3A_366 : memref<96x512xf32, #tpu.memory_space<hbm>>) target(%arg4 : memref<96x512xf32, #tpu.memory_space<vmem>>) target_semaphore(%arg7 : memref<!tpu.dma_semaphore, #tpu.memory_space<semaphore_mem>>)
    %dma_wait3A_367 = arith.constant 0 : i32
    %dma_wait3A_368 = tpu.memref_slice %arg2[%add3A_349, %dma_wait3A_367] : memref<98304x512xf32, #tpu.memory_space<hbm>> -> memref<96x512xf32, #tpu.memory_space<hbm>>
    %dma_wait3A_369 = arith.constant 0 : i32
    %dma_wait3A_370 = tpu.memref_slice %arg2[%add3A_349, %dma_wait3A_369] : memref<98304x512xf32, #tpu.memory_space<hbm>> -> memref<96x512xf32, #tpu.memory_space<hbm>>
    tpu.wait_dma2 semaphore(%arg8 : memref<!tpu.dma_semaphore, #tpu.memory_space<semaphore_mem>>) src(%dma_wait3A_370 : memref<96x512xf32, #tpu.memory_space<hbm>>) dst(%arg5 : memref<96x512xf32, #tpu.memory_space<vmem>>)
    %parallel_loop3A_371 = arith.constant 0 : i32
    %parallel_loop3A_372 = arith.constant 3072 : i32
    %parallel_loop3A_373 = arith.constant 1 : i32
    scf.for %parallel_loop3A_420 = %parallel_loop3A_371 to %parallel_loop3A_372 step %parallel_loop3A_373  : i32 {
      %parallel_loop3A_421 = arith.constant 5 : i32
      %parallel_loop3A_422 = arith.shrui %parallel_loop3A_420, %parallel_loop3A_421 : i32
      %parallel_loop3A_423 = arith.constant 31 : i32
      %parallel_loop3A_424 = arith.andi %parallel_loop3A_420, %parallel_loop3A_423 : i32
      %parallel_loop3A_425 = arith.constant 4 : i32
      %parallel_loop3A_426 = arith.shli %parallel_loop3A_424, %parallel_loop3A_425 : i32
      %parallel_loop3A_427 = arith.index_cast %parallel_loop3A_422 : i32 to index
      %parallel_loop3A_428 = arith.index_cast %parallel_loop3A_426 : i32 to index
      %parallel_loop3A_429 = tpu.vector_load %arg5[%parallel_loop3A_427, %parallel_loop3A_428] {strides = array<i32>} : memref<96x512xf32, #tpu.memory_space<vmem>>, vector<16xf32>,
      %parallel_loop3A_430 = arith.constant 2.560000e+02 : f32
      %parallel_loop3A_431 = vector.broadcast %parallel_loop3A_430 : f32 to vector<16xf32>
      %parallel_loop3A_432 = arith.mulf %parallel_loop3A_429, %parallel_loop3A_431 : vector<16xf32>
      %parallel_loop3A_433 = arith.fptosi %parallel_loop3A_432 : vector<16xf32> to vector<16xi32>
      %parallel_loop3A_434 = arith.constant 4 : i32
      %parallel_loop3A_435 = vector.broadcast %parallel_loop3A_434 : i32 to vector<16xi32>
      %parallel_loop3A_436 = arith.shli %parallel_loop3A_433, %parallel_loop3A_435 : vector<16xi32>
      %parallel_loop3A_437 = arith.addi %parallel_loop3A_436, %iota3A : vector<16xi32>
      tpu.vector_store_idx %arg6[%parallel_loop3A_437], %broadcast_in_dim3A_7 {add = true} : memref<4096xf32, #tpu.memory_space<vmem>>[vector<16xi32>], vector<16xf32>,
    } {sc.loop_unroll_factor = 8 : i64, sc.parallel_access}
    %add3A_374 = arith.constant 2784 : i32
    %add3A_375 = arith.addi %mul3A_2, %add3A_374 : i32
    %dma_start3A_376 = arith.constant 0 : i32
    %dma_start3A_377 = tpu.memref_slice %arg2[%add3A_375, %dma_start3A_376] : memref<98304x512xf32, #tpu.memory_space<hbm>> -> memref<96x512xf32, #tpu.memory_space<hbm>>
    %dma_start3A_378 = arith.constant 0 : i32
    %dma_start3A_379 = tpu.memref_slice %arg2[%add3A_375, %dma_start3A_378] : memref<98304x512xf32, #tpu.memory_space<hbm>> -> memref<96x512xf32, #tpu.memory_space<hbm>>
    tpu.enqueue_dma source(%dma_start3A_379 : memref<96x512xf32, #tpu.memory_space<hbm>>) target(%arg5 : memref<96x512xf32, #tpu.memory_space<vmem>>) target_semaphore(%arg8 : memref<!tpu.dma_semaphore, #tpu.memory_space<semaphore_mem>>)
    %dma_wait3A_380 = arith.constant 0 : i32
    %dma_wait3A_381 = tpu.memref_slice %arg2[%add3A_362, %dma_wait3A_380] : memref<98304x512xf32, #tpu.memory_space<hbm>> -> memref<96x512xf32, #tpu.memory_space<hbm>>
    %dma_wait3A_382 = arith.constant 0 : i32
    %dma_wait3A_383 = tpu.memref_slice %arg2[%add3A_362, %dma_wait3A_382] : memref<98304x512xf32, #tpu.memory_space<hbm>> -> memref<96x512xf32, #tpu.memory_space<hbm>>
    tpu.wait_dma2 semaphore(%arg7 : memref<!tpu.dma_semaphore, #tpu.memory_space<semaphore_mem>>) src(%dma_wait3A_383 : memref<96x512xf32, #tpu.memory_space<hbm>>) dst(%arg4 : memref<96x512xf32, #tpu.memory_space<vmem>>)
    %parallel_loop3A_384 = arith.constant 0 : i32
    %parallel_loop3A_385 = arith.constant 3072 : i32
    %parallel_loop3A_386 = arith.constant 1 : i32
    scf.for %parallel_loop3A_420 = %parallel_loop3A_384 to %parallel_loop3A_385 step %parallel_loop3A_386  : i32 {
      %parallel_loop3A_421 = arith.constant 5 : i32
      %parallel_loop3A_422 = arith.shrui %parallel_loop3A_420, %parallel_loop3A_421 : i32
      %parallel_loop3A_423 = arith.constant 31 : i32
      %parallel_loop3A_424 = arith.andi %parallel_loop3A_420, %parallel_loop3A_423 : i32
      %parallel_loop3A_425 = arith.constant 4 : i32
      %parallel_loop3A_426 = arith.shli %parallel_loop3A_424, %parallel_loop3A_425 : i32
      %parallel_loop3A_427 = arith.index_cast %parallel_loop3A_422 : i32 to index
      %parallel_loop3A_428 = arith.index_cast %parallel_loop3A_426 : i32 to index
      %parallel_loop3A_429 = tpu.vector_load %arg4[%parallel_loop3A_427, %parallel_loop3A_428] {strides = array<i32>} : memref<96x512xf32, #tpu.memory_space<vmem>>, vector<16xf32>,
      %parallel_loop3A_430 = arith.constant 2.560000e+02 : f32
      %parallel_loop3A_431 = vector.broadcast %parallel_loop3A_430 : f32 to vector<16xf32>
      %parallel_loop3A_432 = arith.mulf %parallel_loop3A_429, %parallel_loop3A_431 : vector<16xf32>
      %parallel_loop3A_433 = arith.fptosi %parallel_loop3A_432 : vector<16xf32> to vector<16xi32>
      %parallel_loop3A_434 = arith.constant 4 : i32
      %parallel_loop3A_435 = vector.broadcast %parallel_loop3A_434 : i32 to vector<16xi32>
      %parallel_loop3A_436 = arith.shli %parallel_loop3A_433, %parallel_loop3A_435 : vector<16xi32>
      %parallel_loop3A_437 = arith.addi %parallel_loop3A_436, %iota3A : vector<16xi32>
      tpu.vector_store_idx %arg6[%parallel_loop3A_437], %broadcast_in_dim3A_7 {add = true} : memref<4096xf32, #tpu.memory_space<vmem>>[vector<16xi32>], vector<16xf32>,
    } {sc.loop_unroll_factor = 8 : i64, sc.parallel_access}
    %add3A_387 = arith.constant 2880 : i32
    %add3A_388 = arith.addi %mul3A_2, %add3A_387 : i32
    %dma_start3A_389 = arith.constant 0 : i32
    %dma_start3A_390 = tpu.memref_slice %arg2[%add3A_388, %dma_start3A_389] : memref<98304x512xf32, #tpu.memory_space<hbm>> -> memref<96x512xf32, #tpu.memory_space<hbm>>
    %dma_start3A_391 = arith.constant 0 : i32
    %dma_start3A_392 = tpu.memref_slice %arg2[%add3A_388, %dma_start3A_391] : memref<98304x512xf32, #tpu.memory_space<hbm>> -> memref<96x512xf32, #tpu.memory_space<hbm>>
    tpu.enqueue_dma source(%dma_start3A_392 : memref<96x512xf32, #tpu.memory_space<hbm>>) target(%arg4 : memref<96x512xf32, #tpu.memory_space<vmem>>) target_semaphore(%arg7 : memref<!tpu.dma_semaphore, #tpu.memory_space<semaphore_mem>>)
    %dma_wait3A_393 = arith.constant 0 : i32
    %dma_wait3A_394 = tpu.memref_slice %arg2[%add3A_375, %dma_wait3A_393] : memref<98304x512xf32, #tpu.memory_space<hbm>> -> memref<96x512xf32, #tpu.memory_space<hbm>>
    %dma_wait3A_395 = arith.constant 0 : i32
    %dma_wait3A_396 = tpu.memref_slice %arg2[%add3A_375, %dma_wait3A_395] : memref<98304x512xf32, #tpu.memory_space<hbm>> -> memref<96x512xf32, #tpu.memory_space<hbm>>
    tpu.wait_dma2 semaphore(%arg8 : memref<!tpu.dma_semaphore, #tpu.memory_space<semaphore_mem>>) src(%dma_wait3A_396 : memref<96x512xf32, #tpu.memory_space<hbm>>) dst(%arg5 : memref<96x512xf32, #tpu.memory_space<vmem>>)
    %parallel_loop3A_397 = arith.constant 0 : i32
    %parallel_loop3A_398 = arith.constant 3072 : i32
    %parallel_loop3A_399 = arith.constant 1 : i32
    scf.for %parallel_loop3A_420 = %parallel_loop3A_397 to %parallel_loop3A_398 step %parallel_loop3A_399  : i32 {
      %parallel_loop3A_421 = arith.constant 5 : i32
      %parallel_loop3A_422 = arith.shrui %parallel_loop3A_420, %parallel_loop3A_421 : i32
      %parallel_loop3A_423 = arith.constant 31 : i32
      %parallel_loop3A_424 = arith.andi %parallel_loop3A_420, %parallel_loop3A_423 : i32
      %parallel_loop3A_425 = arith.constant 4 : i32
      %parallel_loop3A_426 = arith.shli %parallel_loop3A_424, %parallel_loop3A_425 : i32
      %parallel_loop3A_427 = arith.index_cast %parallel_loop3A_422 : i32 to index
      %parallel_loop3A_428 = arith.index_cast %parallel_loop3A_426 : i32 to index
      %parallel_loop3A_429 = tpu.vector_load %arg5[%parallel_loop3A_427, %parallel_loop3A_428] {strides = array<i32>} : memref<96x512xf32, #tpu.memory_space<vmem>>, vector<16xf32>,
      %parallel_loop3A_430 = arith.constant 2.560000e+02 : f32
      %parallel_loop3A_431 = vector.broadcast %parallel_loop3A_430 : f32 to vector<16xf32>
      %parallel_loop3A_432 = arith.mulf %parallel_loop3A_429, %parallel_loop3A_431 : vector<16xf32>
      %parallel_loop3A_433 = arith.fptosi %parallel_loop3A_432 : vector<16xf32> to vector<16xi32>
      %parallel_loop3A_434 = arith.constant 4 : i32
      %parallel_loop3A_435 = vector.broadcast %parallel_loop3A_434 : i32 to vector<16xi32>
      %parallel_loop3A_436 = arith.shli %parallel_loop3A_433, %parallel_loop3A_435 : vector<16xi32>
      %parallel_loop3A_437 = arith.addi %parallel_loop3A_436, %iota3A : vector<16xi32>
      tpu.vector_store_idx %arg6[%parallel_loop3A_437], %broadcast_in_dim3A_7 {add = true} : memref<4096xf32, #tpu.memory_space<vmem>>[vector<16xi32>], vector<16xf32>,
    } {sc.loop_unroll_factor = 8 : i64, sc.parallel_access}
    %add3A_400 = arith.constant 2976 : i32
    %add3A_401 = arith.addi %mul3A_2, %add3A_400 : i32
    %dma_start3A_402 = arith.constant 0 : i32
    %dma_start3A_403 = tpu.memref_slice %arg2[%add3A_401, %dma_start3A_402] : memref<98304x512xf32, #tpu.memory_space<hbm>> -> memref<96x512xf32, #tpu.memory_space<hbm>>
    %dma_start3A_404 = arith.constant 0 : i32
    %dma_start3A_405 = tpu.memref_slice %arg2[%add3A_401, %dma_start3A_404] : memref<98304x512xf32, #tpu.memory_space<hbm>> -> memref<96x512xf32, #tpu.memory_space<hbm>>
    tpu.enqueue_dma source(%dma_start3A_405 : memref<96x512xf32, #tpu.memory_space<hbm>>) target(%arg5 : memref<96x512xf32, #tpu.memory_space<vmem>>) target_semaphore(%arg8 : memref<!tpu.dma_semaphore, #tpu.memory_space<semaphore_mem>>)
    %dma_wait3A_406 = arith.constant 0 : i32
    %dma_wait3A_407 = tpu.memref_slice %arg2[%add3A_388, %dma_wait3A_406] : memref<98304x512xf32, #tpu.memory_space<hbm>> -> memref<96x512xf32, #tpu.memory_space<hbm>>
    %dma_wait3A_408 = arith.constant 0 : i32
    %dma_wait3A_409 = tpu.memref_slice %arg2[%add3A_388, %dma_wait3A_408] : memref<98304x512xf32, #tpu.memory_space<hbm>> -> memref<96x512xf32, #tpu.memory_space<hbm>>
    tpu.wait_dma2 semaphore(%arg7 : memref<!tpu.dma_semaphore, #tpu.memory_space<semaphore_mem>>) src(%dma_wait3A_409 : memref<96x512xf32, #tpu.memory_space<hbm>>) dst(%arg4 : memref<96x512xf32, #tpu.memory_space<vmem>>)
    %parallel_loop3A_410 = arith.constant 0 : i32
    %parallel_loop3A_411 = arith.constant 3072 : i32
    %parallel_loop3A_412 = arith.constant 1 : i32
    scf.for %parallel_loop3A_420 = %parallel_loop3A_410 to %parallel_loop3A_411 step %parallel_loop3A_412  : i32 {
      %parallel_loop3A_421 = arith.constant 5 : i32
      %parallel_loop3A_422 = arith.shrui %parallel_loop3A_420, %parallel_loop3A_421 : i32
      %parallel_loop3A_423 = arith.constant 31 : i32
      %parallel_loop3A_424 = arith.andi %parallel_loop3A_420, %parallel_loop3A_423 : i32
      %parallel_loop3A_425 = arith.constant 4 : i32
      %parallel_loop3A_426 = arith.shli %parallel_loop3A_424, %parallel_loop3A_425 : i32
      %parallel_loop3A_427 = arith.index_cast %parallel_loop3A_422 : i32 to index
      %parallel_loop3A_428 = arith.index_cast %parallel_loop3A_426 : i32 to index
      %parallel_loop3A_429 = tpu.vector_load %arg4[%parallel_loop3A_427, %parallel_loop3A_428] {strides = array<i32>} : memref<96x512xf32, #tpu.memory_space<vmem>>, vector<16xf32>,
      %parallel_loop3A_430 = arith.constant 2.560000e+02 : f32
      %parallel_loop3A_431 = vector.broadcast %parallel_loop3A_430 : f32 to vector<16xf32>
      %parallel_loop3A_432 = arith.mulf %parallel_loop3A_429, %parallel_loop3A_431 : vector<16xf32>
      %parallel_loop3A_433 = arith.fptosi %parallel_loop3A_432 : vector<16xf32> to vector<16xi32>
      %parallel_loop3A_434 = arith.constant 4 : i32
      %parallel_loop3A_435 = vector.broadcast %parallel_loop3A_434 : i32 to vector<16xi32>
      %parallel_loop3A_436 = arith.shli %parallel_loop3A_433, %parallel_loop3A_435 : vector<16xi32>
      %parallel_loop3A_437 = arith.addi %parallel_loop3A_436, %iota3A : vector<16xi32>
      tpu.vector_store_idx %arg6[%parallel_loop3A_437], %broadcast_in_dim3A_7 {add = true} : memref<4096xf32, #tpu.memory_space<vmem>>[vector<16xi32>], vector<16xf32>,
    } {sc.loop_unroll_factor = 8 : i64, sc.parallel_access}
    %dma_wait3A_413 = arith.constant 0 : i32
    %dma_wait3A_414 = tpu.memref_slice %arg2[%add3A_401, %dma_wait3A_413] : memref<98304x512xf32, #tpu.memory_space<hbm>> -> memref<96x512xf32, #tpu.memory_space<hbm>>
    %dma_wait3A_415 = arith.constant 0 : i32
    %dma_wait3A_416 = tpu.memref_slice %arg2[%add3A_401, %dma_wait3A_415] : memref<98304x512xf32, #tpu.memory_space<hbm>> -> memref<96x512xf32, #tpu.memory_space<hbm>>
    tpu.wait_dma2 semaphore(%arg8 : memref<!tpu.dma_semaphore, #tpu.memory_space<semaphore_mem>>) src(%dma_wait3A_416 : memref<96x512xf32, #tpu.memory_space<hbm>>) dst(%arg5 : memref<96x512xf32, #tpu.memory_space<vmem>>)
    %parallel_loop3A_417 = arith.constant 0 : i32
    %parallel_loop3A_418 = arith.constant 3072 : i32
    %parallel_loop3A_419 = arith.constant 1 : i32
    scf.for %parallel_loop3A_420 = %parallel_loop3A_417 to %parallel_loop3A_418 step %parallel_loop3A_419  : i32 {
      %parallel_loop3A_421 = arith.constant 5 : i32
      %parallel_loop3A_422 = arith.shrui %parallel_loop3A_420, %parallel_loop3A_421 : i32
      %parallel_loop3A_423 = arith.constant 31 : i32
      %parallel_loop3A_424 = arith.andi %parallel_loop3A_420, %parallel_loop3A_423 : i32
      %parallel_loop3A_425 = arith.constant 4 : i32
      %parallel_loop3A_426 = arith.shli %parallel_loop3A_424, %parallel_loop3A_425 : i32
      %parallel_loop3A_427 = arith.index_cast %parallel_loop3A_422 : i32 to index
      %parallel_loop3A_428 = arith.index_cast %parallel_loop3A_426 : i32 to index
      %parallel_loop3A_429 = tpu.vector_load %arg5[%parallel_loop3A_427, %parallel_loop3A_428] {strides = array<i32>} : memref<96x512xf32, #tpu.memory_space<vmem>>, vector<16xf32>,
      %parallel_loop3A_430 = arith.constant 2.560000e+02 : f32
      %parallel_loop3A_431 = vector.broadcast %parallel_loop3A_430 : f32 to vector<16xf32>
      %parallel_loop3A_432 = arith.mulf %parallel_loop3A_429, %parallel_loop3A_431 : vector<16xf32>
      %parallel_loop3A_433 = arith.fptosi %parallel_loop3A_432 : vector<16xf32> to vector<16xi32>
      %parallel_loop3A_434 = arith.constant 4 : i32
      %parallel_loop3A_435 = vector.broadcast %parallel_loop3A_434 : i32 to vector<16xi32>
      %parallel_loop3A_436 = arith.shli %parallel_loop3A_433, %parallel_loop3A_435 : vector<16xi32>
      %parallel_loop3A_437 = arith.addi %parallel_loop3A_436, %iota3A : vector<16xi32>
      tpu.vector_store_idx %arg6[%parallel_loop3A_437], %broadcast_in_dim3A_7 {add = true} : memref<4096xf32, #tpu.memory_space<vmem>>[vector<16xi32>], vector<16xf32>,
    } {sc.loop_unroll_factor = 8 : i64, sc.parallel_access}
    "tpu.region"() ({
      %run_scoped3A = tpu.sem_alloc : memref<!tpu.dma_semaphore, #tpu.memory_space<semaphore_mem>>
      %dma_start3A_420 = arith.constant 0 : i32
      %dma_start3A_421 = tpu.memref_slice %arg3[%add3A, %dma_start3A_420] : memref<32x4096xf32, #tpu.memory_space<hbm>> -> memref<1x4096xf32, #tpu.memory_space<hbm>>
      %dma_start3A_422 = tpu.memref_squeeze %dma_start3A_421 : memref<1x4096xf32, #tpu.memory_space<hbm>> -> memref<4096xf32, #tpu.memory_space<hbm>>
      %dma_start3A_423 = arith.constant 0 : i32
      %dma_start3A_424 = tpu.memref_slice %arg3[%add3A, %dma_start3A_423] : memref<32x4096xf32, #tpu.memory_space<hbm>> -> memref<1x4096xf32, #tpu.memory_space<hbm>>
      %dma_start3A_425 = tpu.memref_squeeze %dma_start3A_424 : memref<1x4096xf32, #tpu.memory_space<hbm>> -> memref<4096xf32, #tpu.memory_space<hbm>>
      tpu.enqueue_dma source(%arg6 : memref<4096xf32, #tpu.memory_space<vmem>>) target(%dma_start3A_425 : memref<4096xf32, #tpu.memory_space<hbm>>) target_semaphore(%run_scoped3A : memref<!tpu.dma_semaphore, #tpu.memory_space<semaphore_mem>>)
      %dma_wait3A_426 = arith.constant 0 : i32
      %dma_wait3A_427 = tpu.memref_slice %arg3[%add3A, %dma_wait3A_426] : memref<32x4096xf32, #tpu.memory_space<hbm>> -> memref<1x4096xf32, #tpu.memory_space<hbm>>
      %dma_wait3A_428 = tpu.memref_squeeze %dma_wait3A_427 : memref<1x4096xf32, #tpu.memory_space<hbm>> -> memref<4096xf32, #tpu.memory_space<hbm>>
      %dma_wait3A_429 = arith.constant 0 : i32
      %dma_wait3A_430 = tpu.memref_slice %arg3[%add3A, %dma_wait3A_429] : memref<32x4096xf32, #tpu.memory_space<hbm>> -> memref<1x4096xf32, #tpu.memory_space<hbm>>
      %dma_wait3A_431 = tpu.memref_squeeze %dma_wait3A_430 : memref<1x4096xf32, #tpu.memory_space<hbm>> -> memref<4096xf32, #tpu.memory_space<hbm>>
      tpu.wait_dma2 semaphore(%run_scoped3A : memref<!tpu.dma_semaphore, #tpu.memory_space<semaphore_mem>>) src(%arg6 : memref<4096xf32, #tpu.memory_space<vmem>>) dst(%dma_wait3A_431 : memref<4096xf32, #tpu.memory_space<hbm>>)
      tpu.yield
    }) : () -> ()
    return
  }
}

</mosaic_0001>

<sc_bundles>
// kernel: _sc_hist.3.cloned.1.call-start
scs
__scs_entry_jumppad:
0x0: {  	(pc) =	sbr.rel $0x88, $3  }
0x1: {  	(tag) =	ssettag $0x0;
	lr =	simm.s32 $0x1  }
0x2: {  	[smem:$0x3FA0] =	sst lr;
	_ =	strace $0xD0000000  }
0x3: {  	_ = 	snop  }
0x4: {  	_ = 	snop  }
0x5: {  	_ = 	snop  }
0x6: {  	_ = 	snop  }
0x7: {  	_ = 	snop  }
__scs_overlays_trampoline_lowered:
0x8: {  	[smem:$0x3FAF] =	sst s0  }
0x9: {  	[smem:$0x3FB0] =	sst s1  }
0xa: {  	[smem:$0x3FB1] =	sst s2  }
0xb: {  	[smem:$0x3FB2] =	sst s3  }
0xc: {  	[smem:$0x3FB3] =	sst s4  }
0xd: {  	[smem:$0x3FB4] =	sst s5  }
0xe: {  	[smem:$0x3FB5] =	sst s6  }
0xf: {  	[smem:$0x3FB6] =	sst s7  }
0x10: {  	[smem:$0x3FB7] =	sst s8  }
0x11: {  	[smem:$0x3FB8] =	sst s9;
	s0 =	simm.s32 @!p0 $0x0  }
0x12: {  	s1 =	sld [smem:$0x3F9E];
	s0 =	simm.s32 @p0 $0x1  }
0x13: {  	[smem:$0x3FB9] =	sst s0;
	s0 =	simm.s32 @!p1 $0x0  }
0x14: {  	s2 =	sld [smem:$0x3F9D];
	s0 =	simm.s32 @p1 $0x1  }
0x15: {  	[smem:$0x3FBA] =	sst s0;
	s0 =	simm.s32 @!p2 $0x0  }
0x16: {  	s3 =	sld [smem:$0x3FDB];
	s0 =	simm.s32 @p2 $0x1  }
0x17: {  	s4 =	simm.s32 $0x1BF5;
	[smem:$0x3FBC] =	sst s0  }
0x18: {  	s0 =	sld [smem:$0x3F9F];
	_ =	swait.ge [sflag:s4], $0x0  }
0x19: {  	s7 =	sld [smem:$0x3FA0]  }
0x1a: {  	s8 =	sadd.s32 $0xFFFFE003, lr  }
0x1b: {  	s9 =	sadd.s32 $0xFFFFFEF7, lr;
	s5 =	simm.s32 $0xFFFFFFFF;
	p2 =	slt.u32 s8, $0xFFFFF086  }
0x1c: {  	p1 =	slt.u32 s9, $0xF7A;
	s5 =	simm.s32 @!p2 $0x0  }
0x1d: {  	s5 =	simm.s32 @p1 $0x1;
	p0 =	seq.s32 s7, s2  }
0x1e: {  	s7 =	smul.u32 @!p0 $0xF7A, s2;
	p2 =	seq.s32 @!p0 s5, $0x0  }
0x1f: {  	s9 =	smul.u32 $0xF7A, s1;
	s8 =	simm.s32 @!p0 $0x1BF5;
	p2 =	por !p2, p0  }
0x20: {  	[sflag:s8] =	ssyncset.s32 @!p0 $0xFFFFF086;
	s6 =	sadd.s32 @!p0 s3, s7;
	s7 =	simm.s32 @!p0 $0x108  }
0x21: {  	s3 =	sadd.s32 s3, s9;
	s6 =	sadd.s32 @!p0 $0x88, s6;
	s7 =	simm.s32 @p2 $0x1082  }
0x22: {  	[simem:s7], [sflag:s8] =	dma.local @!p0 [hbm:s6], $0xF7A  }
0x23: {  	s9 =	sor.u32 $0xD0000000, s2;
	s6 =	simm.s32 $0x108;
	_ =	swait.ge @!p0 [sflag:s8], $0x0  }
0x24: {  	s3 =	sadd.s32 $0x88, s3;
	s6 =	simm.s32 @!p1 $0x1082;
	[sflag:s4] =	ssyncset.s32 $0xFFFFF086  }
0x25: {  	[simem:s6], [sflag:s4] =	dma.local [hbm:s3], $0xF7A  }
0x26: {  	[smem:$0x3FA0] =	sst s1;
	(tag) =	ssettag s2;
	_ =	strace s9  }
0x27: {  	s1 =	sld [smem:$0x3FB0]  }
0x28: {  	s2 =	sld [smem:$0x3FB1]  }
0x29: {  	s4 =	sld [smem:$0x3FB3]  }
0x2a: {  	p0 =	seq.s32 s5, $0x0;
	s5 =	sld [smem:$0x3FB4]  }
0x2b: {  	s6 =	sld [smem:$0x3FB5]  }
0x2c: {  	s7 =	sld [smem:$0x3FB6]  }
0x2d: {  	s3 =	simm.s32 $0x108;
	s8 =	sld [smem:$0x3FB7]  }
0x2e: {  	s3 =	simm.s32 @!p0 $0x1082;
	s9 =	sld [smem:$0x3FB8]  }
0x2f: {  	lr =	sadd.s32 s0, s3;
	s0 =	sld [smem:$0x3FAF]  }
0x30: {  	s3 =	sld [smem:$0x3FB2]  }
0x31: {  	[smem:$0x3FBB] =	sst s10  }
0x32: {  	s10 =	sld [smem:$0x3FB9];
	_ =	sdelay $0x3  }
0x33: {  	p0 =	seq.s32 s10, $0x1;
	s10 =	sld [smem:$0x3FBB];
	_ =	sdelay $0x3  }
0x34: {  	[smem:$0x3FBB] =	sst s10  }
0x35: {  	s10 =	sld [smem:$0x3FBA];
	_ =	sdelay $0x3  }
0x36: {  	p1 =	seq.s32 s10, $0x1;
	s10 =	sld [smem:$0x3FBB];
	_ =	sdelay $0x3  }
0x37: {  	[smem:$0x3FBB] =	sst s10  }
0x38: {  	s10 =	sld [smem:$0x3FBC]  }
0x39: {  	_ = 	snop;
	(pc) =	sbr.ind lr, $3  }
0x3a: {  	_ = 	snop  }
0x3b: {  	_ = 	snop  }
0x3c: {  	p2 =	seq.s32 s10, $0x1;
	s10 =	sld [smem:$0x3FBB]  }
0x3d: {  	_ =	shalt  }
0x3e: {  	_ =	shalt  }
0x3f: {  	_ =	shalt  }
0x40: {  	_ =	shalt  }
0x41: {  	_ =	shalt  }
0x42: {  	_ =	shalt  }
0x43: {  	_ =	shalt  }
0x44: {  	_ =	shalt  }
0x45: {  	_ =	shalt  }
0x46: {  	_ =	shalt  }
0x47: {  	_ =	shalt  }
0x48: {  	_ =	shalt  }
0x49: {  	_ =	shalt  }
0x4a: {  	_ =	shalt  }
0x4b: {  	_ =	shalt  }
0x4c: {  	_ =	shalt  }
0x4d: {  	_ =	shalt  }
0x4e: {  	_ =	shalt  }
0x4f: {  	_ =	shalt  }
0x50: {  	_ =	shalt  }
0x51: {  	_ =	shalt  }
0x52: {  	_ =	shalt  }
0x53: {  	_ =	shalt  }
0x54: {  	_ =	shalt  }
0x55: {  	_ =	shalt  }
0x56: {  	_ =	shalt  }
0x57: {  	_ =	shalt  }
0x58: {  	_ =	shalt  }
0x59: {  	_ =	shalt  }
0x5a: {  	_ =	shalt  }
0x5b: {  	_ =	shalt  }
0x5c: {  	_ =	shalt  }
0x5d: {  	_ =	shalt  }
0x5e: {  	_ =	shalt  }
0x5f: {  	_ =	shalt  }
0x60: {  	_ =	shalt  }
0x61: {  	_ =	shalt  }
0x62: {  	_ =	shalt  }
0x63: {  	_ =	shalt  }
0x64: {  	_ =	shalt  }
0x65: {  	_ =	shalt  }
0x66: {  	_ =	shalt  }
0x67: {  	_ =	shalt  }
0x68: {  	_ =	shalt  }
0x69: {  	_ =	shalt  }
0x6a: {  	_ =	shalt  }
0x6b: {  	_ =	shalt  }
0x6c: {  	_ =	shalt  }
0x6d: {  	_ =	shalt  }
0x6e: {  	_ =	shalt  }
0x6f: {  	_ =	shalt  }
0x70: {  	_ =	shalt  }
0x71: {  	_ =	shalt  }
0x72: {  	_ =	shalt  }
0x73: {  	_ =	shalt  }
0x74: {  	_ =	shalt  }
0x75: {  	_ =	shalt  }
0x76: {  	_ =	shalt  }
0x77: {  	_ =	shalt  }
0x78: {  	_ =	shalt  }
0x79: {  	_ =	shalt  }
0x7a: {  	_ =	shalt  }
0x7b: {  	_ =	shalt  }
0x7c: {  	_ =	shalt  }
0x7d: {  	_ =	shalt  }
0x7e: {  	_ =	shalt  }
0x7f: {  	_ =	shalt  }
0x80: {  	_ =	shalt  }
0x81: {  	_ =	shalt  }
0x82: {  	_ =	shalt  }
0x83: {  	_ =	shalt  }
0x84: {  	_ =	shalt  }
0x85: {  	_ =	shalt  }
0x86: {  	_ =	shalt  }
0x87: {  	_ =	shalt  }
.Lfunc_end0:
.L_simem_size_0:
called_computation_lowered:
.L_overlay_start_0:
0x88: {  	s2 =	sld [smem:$0x3FD9]  }
0x89: {  	s3 =	sld [smem:$0x3FFE];
	_ =	sdelay $0x1  }
0x8a: {  	s1 =	srdreg.scid  }
0x8b: {  	s0 =	sand.u32 $0x1, s1  }
0x8c: {  	s18 =	sshll.u32 s0, $0xA;
	s2 =	sadd.s32 s3, s2  }
0x8d: {  	s2 =	sadd.s32 s2, s18  }
0x8e: {  	[smem:$0x3FC7] =	sst s2  }
0x8f: {  	_ = 	snop  }
0x90: {  	s2 =	sld [smem:$0x3FC9]  }
0x91: {  	s19 =	sld [smem:$0x3FD0];
	(tm) =	ssettm $0x1  }
0x92: {  	s4 =	sld [smem:$0x3FFB];
	_ =	sdelay $0x3  }
0x93: {  	_ =	strace s4  }
0x94: {  	s4 =	sld [smem:$0x3FFC];
	_ =	sdelay $0x3  }
0x95: {  	_ =	strace s4  }
0x96: {  	s4 =	sld [smem:$0x3FFD];
	_ =	sdelay $0x3  }
0x97: {  	_ =	strace s4  }
0x98: {  	_ =	strace $0x8FFFFFFF  }
0x99: {  	s20 =	sld [smem:$0x3FDB];
	_ =	sdelay $0x1  }
0x9a: {  	s5 =	simm.s32 $_scs_section_size  }
0x9b: {  	s6 =	simm.s32 $_size__tile_overlayer_lowered;
	s7 =	simm.s32 $_tile_overlayer_lowered  }
0x9c: {  	s23 =	simm.s32 $0x1BFF;
	s22 =	sshll.u32 s7, $0x1;
	s4 =	sadd.s32 s5, s20  }
0x9d: {  	s8 =	simm.s32 $0x0;
	s21 =	sshll.u32 s6, $0x1;
	s6 =	sadd.s32 s22, s4  }
0x9e: {  	[timem:s8], [sflag:s23] =	dma.local [hbm:s6], s21  }
0x9f: {  	_ =	swait.ge [sflag:s23], s21  }
0xa0: {  	s5 =	ssub.s32 $0x0, s21;
	[sflag:s23] =	ssyncset.done $0x0  }
0xa1: {  	[sflag:s23] =	ssyncadd.s32 s5;
	_ =	sdelay $0x1  }
0xa2: {  	s24 =	simm.s32 $0x1B8B  }
0xa3: {  	_ =	swait.ge [sflag:s24], $0x1  }
0xa4: {  	[sflag:s24] =	ssyncset.done $0x0  }
0xa5: {  	s25 =	simm.s32 $0x1B8E;
	[sflag:s24] =	ssyncadd.s32 $0xFFFFFFFF  }
0xa6: {  	s26 =	simm.s32 $execute0_lowered;
	[smem:$0x3FD2] =	sst s25  }
0xa7: {  	s5 =	sshll.u32 s26, $0x1;
	_ =	strace $0x80000046;
	[dreg:$0x1] =	wrdreg $0xFFFFFFFF  }
0xa8: {  	s28 =	simm.s32 $_size_execute0_lowered;
	s4 =	sadd.s32 s4, s5;
	[dreg:$0x0] =	wrdreg $0x0  }
0xa9: {  	s5 =	sshll.u32 s28, $0x1;
	[dreg:$0x2] =	wrdreg s4  }
0xaa: {  	[dreg:$0x3] =	wrdreg s5  }
0xab: {  	[dreg:$0x4] =	wrdreg $0xC0  }
0xac: {  	_ =	task [dreg:s8], $0x5FFFF  }
0xad: {  	[dreg:$0x1] =	wrdreg $0xFFFFFFFF  }
0xae: {  	[dreg:$0x0] =	wrdreg $0x60  }
0xaf: {  	[dreg:$0x2] =	wrdreg s2  }
0xb0: {  	[dreg:$0x3] =	wrdreg s19  }
0xb1: {  	[dreg:$0x4] =	wrdreg $0x9  }
0xb2: {  	_ =	task.clear_ibuf [dreg:s8], $0x5FFFF;
	_ =	strace $0x90000046  }
0xb3: {  	s29 =	simm.s32 $0x9;
	_ =	strace $0x80000048  }
0xb4: {  	_ =	swait.ge [sflag:s29], $0x1  }
0xb5: {  	[sflag:s29] =	ssyncadd.s32 $0xFFFFFFFF  }
0xb6: {  	_ =	strace $0x90000048  }
0xb7: {  	_ =	sfence  }
0xb8: {  	s30 =	sld [smem:$0x0];
	_ =	sdelay $0x2  }
0xb9: {  	s31 =	sshll.u32 s1, $0xD;
	s1 =	sshrl.u32 s1, $0x2  }
0xba: {  	s3 =	sand.u32 $0x4000, s31;
	s1 =	sadd.s32 s1, s30  }
0xbb: {  	s0 =	sor.u32 s3, s0;
	s1 =	sshll.u32 s1, $0x11  }
0xbc: {  	s0 =	sor.u32 s1, s0  }
0xbd: {  	s0 =	sadd.s32 $0x8F2B, s0  }
0xbe: {  	[sflag:s0] =	ssyncadd.remote.s32 $0x1  }
0xbf: {  	_ =	sfence.sel $0xFFFF  }
0xc0: {  	[dreg:$0x0] =	wrdreg $0xFFFFFFFF;
	(pc) =	sbr.abs _section_cstart, $3  }
0xc1: {  	[dreg:$0x1] =	wrdreg $0xFFFFFFFF  }
0xc2: {  	_ =	task.clear_ibuf [dreg:s8], $0x2FFFF;
	_ =	strace $0x9FFFFFFF  }
0xc3: {  	(tm) =	ssettm $0x7FFFFFFF  }
tec
execute0_lowered:
.L_overlay_start_1:
0x0: {  	(tag) =	ssettag $0x1  }
0x1: {  	s0 =	srdreg.scid;
	s9 =	stileid.u32  }
0x2: {  	s0 =	sand.u32 $0x1, s0;
	s2 =	sshll.u32 s9, $0x1  }
0x3: {  	s5 =	sor.u32 s0, s2  }
0x4: {  	s3 =	smul.u32 $0x180000, s5  }
0x5: {  	s1 =	rddreg [dreg:$0x0];
	s6 =	smul.u32 $0x30000, s5  }
0x6: {  	s4 =	rddreg [dreg:$0x1];
	s24 =	sshll.u32 s9, $0xA;
	s8 =	sshrl.u32 s3, $0x3  }
0x7: {  	s2 =	simm.s32 $0x0;
	s3 =	sadd.s32 s1, s6;
	s1 =	sadd.s32 s1, s8  }
0x8: {  	s9 =	simm.s32 $0x1;
	[smem:$0x7FF] =	sst s2;
	s10 =	sadd.s32 $0x10800, s1  }
0x9: {  	_ =	strace $0x80000047;
	s11 =	sadd.s32 $0x12000, s1;
	[dreg:$0x3] =	wrdreg s10  }
0xa: {  	s0 =	ssub.s32 $0x2, s0;
	s12 =	sadd.s32 $0x13800, s1;
	[dreg:$0x4] =	wrdreg s11  }
0xb: {  	s7 =	sshrl.u32 s0, $0x1;
	s13 =	sadd.s32 $0x15000, s1;
	[dreg:$0x5] =	wrdreg s12  }
0xc: {  	s5 =	sshll.u32 s5, $0x4;
	s14 =	sadd.s32 $0x16800, s1;
	[dreg:$0x6] =	wrdreg s13  }
0xd: {  	s0 =	ssub.s32 s0, s7;
	s15 =	sadd.s32 $0x18000, s1;
	[dreg:$0x7] =	wrdreg s14  }
0xe: {  	s5 =	sand.u32 $0x70, s5;
	s16 =	sadd.s32 $0x19800, s1;
	[dreg:$0x8] =	wrdreg s15  }
0xf: {  	s6 =	sand.u32 $0x3000, s24;
	s17 =	sadd.s32 $0x1B000, s1;
	[dreg:$0x9] =	wrdreg s16  }
0x10: {  	s4 =	sadd.s32 s4, s6;
	s18 =	sadd.s32 $0x1C800, s1;
	[dreg:$0xa] =	wrdreg s17  }
0x11: {  	s28 =	sadd.s32 $0x1800, s3;
	s19 =	sadd.s32 $0x1E000, s1;
	[dreg:$0xb] =	wrdreg s18  }
0x12: {  	s29 =	sadd.s32 $0x3000, s3;
	s20 =	sadd.s32 $0x1F800, s1;
	[dreg:$0xc] =	wrdreg s19  }
0x13: {  	s30 =	sadd.s32 $0x4800, s3;
	s21 =	sadd.s32 $0x21000, s1;
	[dreg:$0xd] =	wrdreg s20  }
0x14: {  	s31 =	sadd.s32 $0x6000, s3;
	s22 =	sadd.s32 $0x22800, s1;
	[dreg:$0xe] =	wrdreg s21  }
0x15: {  	s6 =	sadd.s32 $0xD800, s3;
	s23 =	sadd.s32 $0x24000, s1;
	[dreg:$0xf] =	wrdreg s22  }
0x16: {  	s7 =	sadd.s32 $0xF000, s3;
	s25 =	sadd.s32 $0x25800, s1;
	[dreg:$0x10] =	wrdreg s23  }
0x17: {  	s8 =	simm.s32 $0xC000;
	s26 =	sadd.s32 $0x27000, s1;
	[dreg:$0x11] =	wrdreg s25  }
0x18: {  	s24 =	sadd.s32 $0x2D000, s1;
	[dreg:$0x12] =	wrdreg s26;
	s20 =	sadd.s32 $0x28800, s1  }
0x19: {  	s21 =	sadd.s32 $0x2A000, s1;
	s22 =	sadd.s32 s5, s4;
	s23 =	sadd.s32 $0x2B800, s1  }
0x1a: {  	s25 =	sadd.s32 $0x2E800, s1;
	s26 =	smax.u32 s0, $0x1;
	s1 =	sadd.s32 $0x7800, s3  }
0x1b: {  	s0 =	sadd.s32 $0x9000, s3;
	s4 =	sadd.s32 $0xA800, s3;
	s5 =	sadd.s32 $0xC000, s3  }
0x1c: {  	v0 =	vimm.f32 $0.0e+00;
	v1 =	vlaneseq.u32;
	v2 =	vimm.f32 $1.000000000e+00;
	s10 =	simm.s32 $0x18000;
	s11 =	simm.s32 $0x2;
	s12 =	simm.s32 $0x3  }
.LBB2_1:
0x1d: {  	s13 =	simm.s32 $0x18040  }
0x1e: {  	[tilespmem:s13+$0xFFFFFFC0] =	vst v0  }
0x1f: {  	[tilespmem:s13+$0x30] =	vst v0  }
0x20: {  	[tilespmem:s13+$0x20] =	vst v0  }
0x21: {  	[tilespmem:s13+$0x10] =	vst v0  }
0x22: {  	[tilespmem:s13+$0x0] =	vst v0  }
0x23: {  	[tilespmem:s13+$0xFFFFFFF0] =	vst v0  }
0x24: {  	s14 =	simm.s32 $0x0;
	[tilespmem:s13+$0xFFFFFFE0] =	vst v0  }
.LBB2_2:
0x25: {  	s14 =	sadd.s32 $0x80, s14;
	[tilespmem:s13+$0xFFFFFFD0] =	vst v0;
	s13 =	sadd.s32 $0x80, s13  }
0x26: {  	[tilespmem:s13+$0xFFFFFFC0] =	vst v0;
	p0 =	slt.u32 s14, $0xF80  }
0x27: {  	[tilespmem:s13+$0x30] =	vst v0  }
.Ltmp0:
0x28: {  	[tilespmem:s13+$0x20] =	vst v0;
	(pc) =	sbr.rel @p0 .LBB2_2-.Ltmp0, $4  }
0x29: {  	[tilespmem:s13+$0x10] =	vst v0  }
0x2a: {  	[tilespmem:s13+$0x0] =	vst v0  }
0x2b: {  	[tilespmem:s13+$0xFFFFFFF0] =	vst v0  }
0x2c: {  	[tilespmem:s13+$0xFFFFFFE0] =	vst v0  }
0x2d: {  	[tilespmem:s13+$0xFFFFFFD0] =	vst v0;
	s16 =	simm.s32 $0x0  }
0x2e: {  	[tilespmem:s16], [sflag:$0x1] =	stream.linear.gather [hbm4b:s3+s16], $0xC000, $0x38;
	[tilespmem:$0x19000] =	vst v63  }
0x2f: {  	_ = 	snop  }
0x30: {  	[tilespmem:s8], [sflag:$0x2] =	stream.linear.gather [hbm4b:s28+s16], $0xC000, $0x38;
	[tilespmem:$0x19000] =	vst v63  }
0x31: {  	s14 =	sand.u32 $0xF000, s16;
	s15 =	sand.u32 $0xC00, s16;
	_ =	swait.ge [sflag:s9], $0xC000  }
0x32: {  	s13 =	sand.u32 $0x380, s16;
	s14 =	sor.u32 s15, s14;
	[sflag:s9] =	ssyncset.done $0x0  }
0x33: {  	s13 =	sor.u32 s13, s14;
	[sflag:s9] =	ssyncadd.s32 $0xFFFF4000  }
0x34: {  	v3 =	vld [tilespmem:s13+$0x70]  }
0x35: {  	v4 =	vld [tilespmem:s13+$0x0]  }
0x36: {  	v5 =	vld [tilespmem:s13+$0x10]  }
0x37: {  	v6 =	vld [tilespmem:s13+$0x20]  }
0x38: {  	v7 =	vld [tilespmem:s13+$0x30]  }
0x39: {  	v8 =	vld [tilespmem:s13+$0x40]  }
0x3a: {  	v9 =	vld [tilespmem:s13+$0x50]  }
0x3b: {  	v10 =	vld [tilespmem:s13+$0x60]  }
0x3c: {  	v3 =	vmul.f32 $2.560000000e+02, v3;
	v4 =	vmul.f32 $2.560000000e+02, v4  }
0x3d: {  	v5 =	vmul.f32 $2.560000000e+02, v5;
	v6 =	vmul.f32 $2.560000000e+02, v6  }
0x3e: {  	v7 =	vmul.f32 $2.560000000e+02, v7;
	v3 =	vtrunc.f32 v3  }
0x3f: {  	s17 =	simm.s32 $0x400;
	s18 =	simm.s32 $0x80;
	v8 =	vmul.f32 $2.560000000e+02, v8;
	v3 =	vcvt.f32.s32 v3  }
0x40: {  	s19 =	sand.u32 $0xC00, s17;
	s14 =	sand.u32 $0xF000, s18;
	s13 =	simm.s32 $0x20;
	v9 =	vmul.f32 $2.560000000e+02, v9;
	v10 =	vmul.f32 $2.560000000e+02, v10  }
0x41: {  	s14 =	sor.u32 s19, s14;
	s16 =	sand.u32 $0x380, s13;
	v4 =	vtrunc.f32 v4;
	v5 =	vtrunc.f32 v5;
	v3 =	vshll.u32 v3, $0x4  }
0x42: {  	s14 =	sor.u32 s16, s14;
	v6 =	vtrunc.f32 v6;
	v7 =	vtrunc.f32 v7;
	v3 =	vor.u32 v1, v3  }
0x43: {  	v13 =	vld [tilespmem:s14+$0x20];
	v8 =	vtrunc.f32 v8;
	v9 =	vtrunc.f32 v9  }
0x44: {  	v10 =	vtrunc.f32 v10;
	v4 =	vcvt.f32.s32 v4  }
0x45: {  	v11 =	vld [tilespmem:s14+$0x70];
	v5 =	vcvt.f32.s32 v5;
	v8 =	vcvt.f32.s32 v8  }
0x46: {  	v12 =	vld [tilespmem:s14+$0x10];
	v9 =	vcvt.f32.s32 v9;
	v10 =	vcvt.f32.s32 v10  }
0x47: {  	v4 =	vshll.u32 v4, $0x4;
	[tilespmem:v3+s10+$0x0] =	vst.idx.add.f32.msk $0xffff, v2;
	v3 =	vcvt.f32.s32 v6;
	v6 =	vcvt.f32.s32 v7  }
0x48: {  	v18 =	vld [tilespmem:s14+$0x40];
	v13 =	vmul.f32 $2.560000000e+02, v13;
	v5 =	vshll.u32 v5, $0x4;
	v14 =	vor.u32 v1, v4  }
0x49: {  	v15 =	vor.u32 v1, v5;
	v7 =	vld [tilespmem:s14+$0x0];
	v3 =	vshll.u32 v3, $0x4;
	v4 =	vshll.u32 v6, $0x4  }
0x4a: {  	v6 =	vshll.u32 v8, $0x4;
	v8 =	vld [tilespmem:s14+$0x30];
	v17 =	vor.u32 v1, v3;
	v3 =	vmul.f32 $2.560000000e+02, v11  }
0x4b: {  	v20 =	vld [tilespmem:s14+$0x50];
	v16 =	vshll.u32 v9, $0x4;
	v10 =	vshll.u32 v10, $0x4;
	v19 =	vor.u32 v1, v4  }
0x4c: {  	v9 =	vld [tilespmem:s14+$0x60];
	v5 =	vor.u32 v1, v6;
	v6 =	vmul.f32 $2.560000000e+02, v12;
	v3 =	vtrunc.f32 v3  }
0x4d: {  	[tilespmem:v14+s10+$0x0] =	vst.idx.add.f32.msk $0xffff, v2;
	v4 =	vor.u32 v1, v16;
	v11 =	vmul.f32 $2.560000000e+02, v18;
	v63 =	vcvt.f32.s32 v3  }
0x4e: {  	[tilespmem:v15+s10+$0x0] =	vst.idx.add.f32.msk $0xffff, v2;
	v7 =	vmul.f32 $2.560000000e+02, v7;
	v3 =	vor.u32 v1, v10;
	v10 =	vtrunc.f32 v13  }
0x4f: {  	v12 =	vmul.f32 $2.560000000e+02, v8;
	v8 =	vtrunc.f32 v6;
	v6 =	vshll.u32 v63, $0x4;
	[tilespmem:v17+s10+$0x0] =	vst.idx.add.f32.msk $0xffff, v2  }
0x50: {  	s15 =	simm.s32 $0x800;
	s16 =	simm.s32 $0x100;
	s14 =	simm.s32 $0x8;
	v13 =	vmul.f32 $2.560000000e+02, v20;
	v7 =	vtrunc.f32 v7;
	[tilespmem:v19+s10+$0x0] =	vst.idx.add.f32.msk $0xffff, v2;
	v6 =	vor.u32 v1, v6  }
.LBB2_4:
0x51: {  	s17 =	sand.u32 $0xF000, s16;
	s18 =	sand.u32 $0xC00, s15;
	v12 =	vtrunc.f32 v12;
	v9 =	vmul.f32 $2.560000000e+02, v9;
	s13 =	sadd.s32 $0x20, s13;
	[tilespmem:v5+s10+$0x0] =	vst.idx.add.f32.msk $0xffff, v2  }
0x52: {  	s14 =	sadd.s32 $0x8, s14;
	v5 =	vtrunc.f32 v11;
	s19 =	sand.u32 $0x380, s13;
	s17 =	sor.u32 s18, s17;
	v11 =	vtrunc.f32 v13;
	[tilespmem:v4+s10+$0x0] =	vst.idx.add.f32.msk $0xffff, v2  }
0x53: {  	p0 =	slt.u32 s14, $0xBF8;
	v4 =	vcvt.f32.s32 v7;
	s17 =	sor.u32 s19, s17;
	v7 =	vtrunc.f32 v9;
	[tilespmem:v3+s10+$0x0] =	vst.idx.add.f32.msk $0xffff, v2  }
0x54: {  	v8 =	vcvt.f32.s32 v8;
	v9 =	vcvt.f32.s32 v10;
	v3 =	vld [tilespmem:s17+$0x70]  }
0x55: {  	v5 =	vcvt.f32.s32 v5;
	v10 =	vcvt.f32.s32 v12;
	v4 =	vshll.u32 v4, $0x4;
	[tilespmem:v6+s10+$0x0] =	vst.idx.add.f32.msk $0xffff, v2  }
0x56: {  	v8 =	vshll.u32 v8, $0x4;
	v11 =	vcvt.f32.s32 v11;
	v7 =	vcvt.f32.s32 v7;
	v6 =	vld [tilespmem:s17+$0x0]  }
0x57: {  	v5 =	vshll.u32 v5, $0x4;
	v9 =	vshll.u32 v9, $0x4;
	v10 =	vshll.u32 v10, $0x4;
	v12 =	vld [tilespmem:s17+$0x10]  }
0x58: {  	v14 =	vor.u32 v1, v4;
	v4 =	vshll.u32 v11, $0x4;
	v7 =	vshll.u32 v7, $0x4;
	v13 =	vld [tilespmem:s17+$0x20]  }
0x59: {  	v8 =	vor.u32 v1, v8;
	v15 =	vor.u32 v1, v9;
	v16 =	vor.u32 v1, v10;
	v11 =	vld [tilespmem:s17+$0x30]  }
0x5a: {  	v5 =	vor.u32 v1, v5;
	v4 =	vor.u32 v1, v4;
	v17 =	vmul.f32 $2.560000000e+02, v3;
	v10 =	vld [tilespmem:s17+$0x40]  }
0x5b: {  	v3 =	vor.u32 v1, v7;
	v6 =	vmul.f32 $2.560000000e+02, v6;
	v18 =	vld [tilespmem:s17+$0x50]  }
.Ltmp1:
0x5c: {  	v7 =	vtrunc.f32 v17;
	v19 =	vmul.f32 $2.560000000e+02, v12;
	v9 =	vld [tilespmem:s17+$0x60];
	(pc) =	sbr.rel @p0 .LBB2_4-.Ltmp1, $4  }
0x5d: {  	v17 =	vcvt.f32.s32 v7;
	v13 =	vmul.f32 $2.560000000e+02, v13;
	[tilespmem:v14+s10+$0x0] =	vst.idx.add.f32.msk $0xffff, v2  }
0x5e: {  	v7 =	vtrunc.f32 v6;
	v12 =	vmul.f32 $2.560000000e+02, v11;
	[tilespmem:v8+s10+$0x0] =	vst.idx.add.f32.msk $0xffff, v2  }
0x5f: {  	v8 =	vtrunc.f32 v19;
	v6 =	vshll.u32 v17, $0x4;
	v11 =	vmul.f32 $2.560000000e+02, v10;
	[tilespmem:v15+s10+$0x0] =	vst.idx.add.f32.msk $0xffff, v2  }
0x60: {  	s15 =	sadd.s32 $0x400, s15;
	s16 =	sadd.s32 $0x80, s16;
	v10 =	vtrunc.f32 v13;
	v6 =	vor.u32 v1, v6;
	v13 =	vmul.f32 $2.560000000e+02, v18;
	[tilespmem:v16+s10+$0x0] =	vst.idx.add.f32.msk $0xffff, v2  }
0x61: {  	v12 =	vtrunc.f32 v12;
	v9 =	vmul.f32 $2.560000000e+02, v9  }
0x62: {  	v11 =	vtrunc.f32 v11;
	v7 =	vcvt.f32.s32 v7  }
0x63: {  	v8 =	vcvt.f32.s32 v8;
	v10 =	vcvt.f32.s32 v10  }
0x64: {  	v13 =	vtrunc.f32 v13;
	v12 =	vcvt.f32.s32 v12;
	v7 =	vshll.u32 v7, $0x4  }
0x65: {  	[tilespmem:v5+s10+$0x0] =	vst.idx.add.f32.msk $0xffff, v2;
	v5 =	vcvt.f32.s32 v11;
	v8 =	vshll.u32 v8, $0x4;
	v7 =	vor.u32 v1, v7  }
0x66: {  	v9 =	vtrunc.f32 v9;
	v10 =	vshll.u32 v10, $0x4;
	v8 =	vor.u32 v1, v8  }
0x67: {  	[tilespmem:v4+s10+$0x0] =	vst.idx.add.f32.msk $0xffff, v2;
	v4 =	vcvt.f32.s32 v13;
	v11 =	vshll.u32 v12, $0x4;
	v10 =	vor.u32 v1, v10  }
0x68: {  	[tilespmem:v3+s10+$0x0] =	vst.idx.add.f32.msk $0xffff, v2;
	v3 =	vcvt.f32.s32 v9;
	v5 =	vshll.u32 v5, $0x4;
	v9 =	vor.u32 v1, v11  }
0x69: {  	[tilespmem:v6+s10+$0x0] =	vst.idx.add.f32.msk $0xffff, v2;
	v4 =	vshll.u32 v4, $0x4;
	v5 =	vor.u32 v1, v5  }
0x6a: {  	v3 =	vshll.u32 v3, $0x4;
	v4 =	vor.u32 v1, v4;
	[tilespmem:v7+s10+$0x0] =	vst.idx.add.f32.msk $0xffff, v2  }
0x6b: {  	v3 =	vor.u32 v1, v3;
	[tilespmem:v8+s10+$0x0] =	vst.idx.add.f32.msk $0xffff, v2  }
0x6c: {  	[tilespmem:v10+s10+$0x0] =	vst.idx.add.f32.msk $0xffff, v2  }
0x6d: {  	[tilespmem:v9+s10+$0x0] =	vst.idx.add.f32.msk $0xffff, v2  }
0x6e: {  	[tilespmem:v5+s10+$0x0] =	vst.idx.add.f32.msk $0xffff, v2  }
0x6f: {  	[tilespmem:v4+s10+$0x0] =	vst.idx.add.f32.msk $0xffff, v2  }
0x70: {  	s13 =	simm.s32 $0x0;
	[tilespmem:v3+s10+$0x0] =	vst.idx.add.f32.msk $0xffff, v2  }
0x71: {  	[tilespmem:s13], [sflag:$0x1] =	stream.linear.gather [hbm4b:s29+s13], $0xC000, $0x38;
	[tilespmem:$0x19000] =	vst v63  }
0x72: {  	s14 =	sand.u32 $0xF000, s13;
	s15 =	sand.u32 $0xC00, s13;
	_ =	swait.ge [sflag:s11], $0xC000  }
0x73: {  	s14 =	sor.u32 s15, s14;
	s13 =	sand.u32 $0x380, s13;
	[sflag:s11] =	ssyncset.done $0x0  }
0x74: {  	s13 =	sor.u32 s13, s14;
	[sflag:s11] =	ssyncadd.s32 $0xFFFF4000  }
0x75: {  	v3 =	vld [tilespmem:s13+$0xC070]  }
0x76: {  	v4 =	vld [tilespmem:s13+$0xC000]  }
0x77: {  	v5 =	vld [tilespmem:s13+$0xC010]  }
0x78: {  	v6 =	vld [tilespmem:s13+$0xC020]  }
0x79: {  	v7 =	vld [tilespmem:s13+$0xC030]  }
0x7a: {  	v8 =	vld [tilespmem:s13+$0xC040]  }
0x7b: {  	v9 =	vld [tilespmem:s13+$0xC050]  }
0x7c: {  	v10 =	vld [tilespmem:s13+$0xC060]  }
0x7d: {  	v3 =	vmul.f32 $2.560000000e+02, v3;
	v4 =	vmul.f32 $2.560000000e+02, v4  }
0x7e: {  	v5 =	vmul.f32 $2.560000000e+02, v5;
	v6 =	vmul.f32 $2.560000000e+02, v6  }
0x7f: {  	v7 =	vmul.f32 $2.560000000e+02, v7;
	v3 =	vtrunc.f32 v3  }
0x80: {  	s17 =	simm.s32 $0x400;
	s18 =	simm.s32 $0x80;
	v8 =	vmul.f32 $2.560000000e+02, v8;
	v3 =	vcvt.f32.s32 v3  }
0x81: {  	s19 =	sand.u32 $0xC00, s17;
	s14 =	sand.u32 $0xF000, s18;
	s13 =	simm.s32 $0x20;
	v9 =	vmul.f32 $2.560000000e+02, v9;
	v10 =	vmul.f32 $2.560000000e+02, v10  }
0x82: {  	s14 =	sor.u32 s19, s14;
	s16 =	sand.u32 $0x380, s13;
	v4 =	vtrunc.f32 v4;
	v5 =	vtrunc.f32 v5;
	v3 =	vshll.u32 v3, $0x4  }
0x83: {  	s14 =	sor.u32 s16, s14;
	v6 =	vtrunc.f32 v6;
	v7 =	vtrunc.f32 v7;
	v3 =	vor.u32 v1, v3  }
0x84: {  	v13 =	vld [tilespmem:s14+$0xC020];
	v8 =	vtrunc.f32 v8;
	v9 =	vtrunc.f32 v9  }
0x85: {  	v10 =	vtrunc.f32 v10;
	v4 =	vcvt.f32.s32 v4  }
0x86: {  	v11 =	vld [tilespmem:s14+$0xC070];
	v5 =	vcvt.f32.s32 v5;
	v8 =	vcvt.f32.s32 v8  }
0x87: {  	v12 =	vld [tilespmem:s14+$0xC010];
	v9 =	vcvt.f32.s32 v9;
	v10 =	vcvt.f32.s32 v10  }
0x88: {  	v4 =	vshll.u32 v4, $0x4;
	[tilespmem:v3+s10+$0x0] =	vst.idx.add.f32.msk $0xffff, v2;
	v3 =	vcvt.f32.s32 v6;
	v6 =	vcvt.f32.s32 v7  }
0x89: {  	v18 =	vld [tilespmem:s14+$0xC040];
	v13 =	vmul.f32 $2.560000000e+02, v13;
	v5 =	vshll.u32 v5, $0x4;
	v14 =	vor.u32 v1, v4  }
0x8a: {  	v15 =	vor.u32 v1, v5;
	v7 =	vld [tilespmem:s14+$0xC000];
	v3 =	vshll.u32 v3, $0x4;
	v4 =	vshll.u32 v6, $0x4  }
0x8b: {  	v6 =	vshll.u32 v8, $0x4;
	v8 =	vld [tilespmem:s14+$0xC030];
	v17 =	vor.u32 v1, v3;
	v3 =	vmul.f32 $2.560000000e+02, v11  }
0x8c: {  	v20 =	vld [tilespmem:s14+$0xC050];
	v16 =	vshll.u32 v9, $0x4;
	v10 =	vshll.u32 v10, $0x4;
	v19 =	vor.u32 v1, v4  }
0x8d: {  	v9 =	vld [tilespmem:s14+$0xC060];
	v5 =	vor.u32 v1, v6;
	v6 =	vmul.f32 $2.560000000e+02, v12;
	v3 =	vtrunc.f32 v3  }
0x8e: {  	[tilespmem:v14+s10+$0x0] =	vst.idx.add.f32.msk $0xffff, v2;
	v4 =	vor.u32 v1, v16;
	v11 =	vmul.f32 $2.560000000e+02, v18;
	v63 =	vcvt.f32.s32 v3  }
0x8f: {  	[tilespmem:v15+s10+$0x0] =	vst.idx.add.f32.msk $0xffff, v2;
	v7 =	vmul.f32 $2.560000000e+02, v7;
	v3 =	vor.u32 v1, v10;
	v10 =	vtrunc.f32 v13  }
0x90: {  	v12 =	vmul.f32 $2.560000000e+02, v8;
	v8 =	vtrunc.f32 v6;
	v6 =	vshll.u32 v63, $0x4;
	[tilespmem:v17+s10+$0x0] =	vst.idx.add.f32.msk $0xffff, v2  }
0x91: {  	s15 =	simm.s32 $0x800;
	s16 =	simm.s32 $0x100;
	s14 =	simm.s32 $0x8;
	v13 =	vmul.f32 $2.560000000e+02, v20;
	v7 =	vtrunc.f32 v7;
	[tilespmem:v19+s10+$0x0] =	vst.idx.add.f32.msk $0xffff, v2;
	v6 =	vor.u32 v1, v6  }
.LBB2_6:
0x92: {  	s17 =	sand.u32 $0xF000, s16;
	s18 =	sand.u32 $0xC00, s15;
	v12 =	vtrunc.f32 v12;
	v9 =	vmul.f32 $2.560000000e+02, v9;
	s13 =	sadd.s32 $0x20, s13;
	[tilespmem:v5+s10+$0x0] =	vst.idx.add.f32.msk $0xffff, v2  }
0x93: {  	s14 =	sadd.s32 $0x8, s14;
	v5 =	vtrunc.f32 v11;
	s19 =	sand.u32 $0x380, s13;
	s17 =	sor.u32 s18, s17;
	v11 =	vtrunc.f32 v13;
	[tilespmem:v4+s10+$0x0] =	vst.idx.add.f32.msk $0xffff, v2  }
0x94: {  	p0 =	slt.u32 s14, $0xBF8;
	v4 =	vcvt.f32.s32 v7;
	s17 =	sor.u32 s19, s17;
	v7 =	vtrunc.f32 v9;
	[tilespmem:v3+s10+$0x0] =	vst.idx.add.f32.msk $0xffff, v2  }
0x95: {  	v8 =	vcvt.f32.s32 v8;
	v9 =	vcvt.f32.s32 v10;
	v3 =	vld [tilespmem:s17+$0xC070]  }
0x96: {  	v5 =	vcvt.f32.s32 v5;
	v10 =	vcvt.f32.s32 v12;
	v4 =	vshll.u32 v4, $0x4;
	[tilespmem:v6+s10+$0x0] =	vst.idx.add.f32.msk $0xffff, v2  }
0x97: {  	v8 =	vshll.u32 v8, $0x4;
	v11 =	vcvt.f32.s32 v11;
	v7 =	vcvt.f32.s32 v7;
	v6 =	vld [tilespmem:s17+$0xC000]  }
0x98: {  	v5 =	vshll.u32 v5, $0x4;
	v9 =	vshll.u32 v9, $0x4;
	v10 =	vshll.u32 v10, $0x4;
	v12 =	vld [tilespmem:s17+$0xC010]  }
0x99: {  	v14 =	vor.u32 v1, v4;
	v4 =	vshll.u32 v11, $0x4;
	v7 =	vshll.u32 v7, $0x4;
	v13 =	vld [tilespmem:s17+$0xC020]  }
0x9a: {  	v8 =	vor.u32 v1, v8;
	v15 =	vor.u32 v1, v9;
	v16 =	vor.u32 v1, v10;
	v11 =	vld [tilespmem:s17+$0xC030]  }
0x9b: {  	v5 =	vor.u32 v1, v5;
	v4 =	vor.u32 v1, v4;
	v17 =	vmul.f32 $2.560000000e+02, v3;
	v10 =	vld [tilespmem:s17+$0xC040]  }
0x9c: {  	v3 =	vor.u32 v1, v7;
	v6 =	vmul.f32 $2.560000000e+02, v6;
	v18 =	vld [tilespmem:s17+$0xC050]  }
.Ltmp2:
0x9d: {  	v7 =	vtrunc.f32 v17;
	v19 =	vmul.f32 $2.560000000e+02, v12;
	v9 =	vld [tilespmem:s17+$0xC060];
	(pc) =	sbr.rel @p0 .LBB2_6-.Ltmp2, $4  }
0x9e: {  	v17 =	vcvt.f32.s32 v7;
	v13 =	vmul.f32 $2.560000000e+02, v13;
	[tilespmem:v14+s10+$0x0] =	vst.idx.add.f32.msk $0xffff, v2  }
0x9f: {  	v7 =	vtrunc.f32 v6;
	v12 =	vmul.f32 $2.560000000e+02, v11;
	[tilespmem:v8+s10+$0x0] =	vst.idx.add.f32.msk $0xffff, v2  }
0xa0: {  	v8 =	vtrunc.f32 v19;
	v6 =	vshll.u32 v17, $0x4;
	v11 =	vmul.f32 $2.560000000e+02, v10;
	[tilespmem:v15+s10+$0x0] =	vst.idx.add.f32.msk $0xffff, v2  }
0xa1: {  	s15 =	sadd.s32 $0x400, s15;
	s16 =	sadd.s32 $0x80, s16;
	v10 =	vtrunc.f32 v13;
	v6 =	vor.u32 v1, v6;
	v13 =	vmul.f32 $2.560000000e+02, v18;
	[tilespmem:v16+s10+$0x0] =	vst.idx.add.f32.msk $0xffff, v2  }
0xa2: {  	v12 =	vtrunc.f32 v12;
	v9 =	vmul.f32 $2.560000000e+02, v9  }
0xa3: {  	v11 =	vtrunc.f32 v11;
	v7 =	vcvt.f32.s32 v7  }
0xa4: {  	v8 =	vcvt.f32.s32 v8;
	v10 =	vcvt.f32.s32 v10  }
0xa5: {  	v13 =	vtrunc.f32 v13;
	v12 =	vcvt.f32.s32 v12;
	v7 =	vshll.u32 v7, $0x4  }
0xa6: {  	[tilespmem:v5+s10+$0x0] =	vst.idx.add.f32.msk $0xffff, v2;
	v5 =	vcvt.f32.s32 v11;
	v8 =	vshll.u32 v8, $0x4;
	v7 =	vor.u32 v1, v7  }
0xa7: {  	v9 =	vtrunc.f32 v9;
	v10 =	vshll.u32 v10, $0x4;
	v8 =	vor.u32 v1, v8  }
0xa8: {  	[tilespmem:v4+s10+$0x0] =	vst.idx.add.f32.msk $0xffff, v2;
	v4 =	vcvt.f32.s32 v13;
	v11 =	vshll.u32 v12, $0x4;
	v10 =	vor.u32 v1, v10  }
0xa9: {  	[tilespmem:v3+s10+$0x0] =	vst.idx.add.f32.msk $0xffff, v2;
	v3 =	vcvt.f32.s32 v9;
	v5 =	vshll.u32 v5, $0x4;
	v9 =	vor.u32 v1, v11  }
0xaa: {  	[tilespmem:v6+s10+$0x0] =	vst.idx.add.f32.msk $0xffff, v2;
	v4 =	vshll.u32 v4, $0x4;
	v5 =	vor.u32 v1, v5  }
0xab: {  	v3 =	vshll.u32 v3, $0x4;
	v4 =	vor.u32 v1, v4;
	[tilespmem:v7+s10+$0x0] =	vst.idx.add.f32.msk $0xffff, v2  }
0xac: {  	v3 =	vor.u32 v1, v3;
	[tilespmem:v8+s10+$0x0] =	vst.idx.add.f32.msk $0xffff, v2  }
0xad: {  	[tilespmem:v10+s10+$0x0] =	vst.idx.add.f32.msk $0xffff, v2  }
0xae: {  	[tilespmem:v9+s10+$0x0] =	vst.idx.add.f32.msk $0xffff, v2  }
0xaf: {  	[tilespmem:v5+s10+$0x0] =	vst.idx.add.f32.msk $0xffff, v2  }
0xb0: {  	[tilespmem:v4+s10+$0x0] =	vst.idx.add.f32.msk $0xffff, v2  }
0xb1: {  	s13 =	simm.s32 $0x0;
	[tilespmem:v3+s10+$0x0] =	vst.idx.add.f32.msk $0xffff, v2  }
0xb2: {  	[tilespmem:s8], [sflag:$0x2] =	stream.linear.gather [hbm4b:s30+s13], $0xC000, $0x38;
	[tilespmem:$0x19000] =	vst v63  }
0xb3: {  	s14 =	sand.u32 $0xF000, s13;
	s15 =	sand.u32 $0xC00, s13;
	_ =	swait.ge [sflag:s9], $0xC000  }
0xb4: {  	s14 =	sor.u32 s15, s14;
	s13 =	sand.u32 $0x380, s13;
	[sflag:s9] =	ssyncset.done $0x0  }
0xb5: {  	s13 =	sor.u32 s13, s14;
	[sflag:s9] =	ssyncadd.s32 $0xFFFF4000  }
0xb6: {  	v3 =	vld [tilespmem:s13+$0x70]  }
0xb7: {  	v4 =	vld [tilespmem:s13+$0x0]  }
0xb8: {  	v5 =	vld [tilespmem:s13+$0x10]  }
0xb9: {  	v6 =	vld [tilespmem:s13+$0x20]  }
0xba: {  	v7 =	vld [tilespmem:s13+$0x30]  }
0xbb: {  	v8 =	vld [tilespmem:s13+$0x40]  }
0xbc: {  	v9 =	vld [tilespmem:s13+$0x50]  }
0xbd: {  	v10 =	vld [tilespmem:s13+$0x60]  }
0xbe: {  	v3 =	vmul.f32 $2.560000000e+02, v3;
	v4 =	vmul.f32 $2.560000000e+02, v4  }
0xbf: {  	v5 =	vmul.f32 $2.560000000e+02, v5;
	v6 =	vmul.f32 $2.560000000e+02, v6  }
0xc0: {  	v7 =	vmul.f32 $2.560000000e+02, v7;
	v3 =	vtrunc.f32 v3  }
0xc1: {  	s17 =	simm.s32 $0x400;
	s18 =	simm.s32 $0x80;
	v8 =	vmul.f32 $2.560000000e+02, v8;
	v3 =	vcvt.f32.s32 v3  }
0xc2: {  	s19 =	sand.u32 $0xC00, s17;
	s14 =	sand.u32 $0xF000, s18;
	s13 =	simm.s32 $0x20;
	v9 =	vmul.f32 $2.560000000e+02, v9;
	v10 =	vmul.f32 $2.560000000e+02, v10  }
0xc3: {  	s14 =	sor.u32 s19, s14;
	s16 =	sand.u32 $0x380, s13;
	v4 =	vtrunc.f32 v4;
	v5 =	vtrunc.f32 v5;
	v3 =	vshll.u32 v3, $0x4  }
0xc4: {  	s14 =	sor.u32 s16, s14;
	v6 =	vtrunc.f32 v6;
	v7 =	vtrunc.f32 v7;
	v3 =	vor.u32 v1, v3  }
0xc5: {  	v13 =	vld [tilespmem:s14+$0x20];
	v8 =	vtrunc.f32 v8;
	v9 =	vtrunc.f32 v9  }
0xc6: {  	v10 =	vtrunc.f32 v10;
	v4 =	vcvt.f32.s32 v4  }
0xc7: {  	v11 =	vld [tilespmem:s14+$0x70];
	v5 =	vcvt.f32.s32 v5;
	v8 =	vcvt.f32.s32 v8  }
0xc8: {  	v12 =	vld [tilespmem:s14+$0x10];
	v9 =	vcvt.f32.s32 v9;
	v10 =	vcvt.f32.s32 v10  }
0xc9: {  	v4 =	vshll.u32 v4, $0x4;
	[tilespmem:v3+s10+$0x0] =	vst.idx.add.f32.msk $0xffff, v2;
	v3 =	vcvt.f32.s32 v6;
	v6 =	vcvt.f32.s32 v7  }
0xca: {  	v18 =	vld [tilespmem:s14+$0x40];
	v13 =	vmul.f32 $2.560000000e+02, v13;
	v5 =	vshll.u32 v5, $0x4;
	v14 =	vor.u32 v1, v4  }
0xcb: {  	v15 =	vor.u32 v1, v5;
	v7 =	vld [tilespmem:s14+$0x0];
	v3 =	vshll.u32 v3, $0x4;
	v4 =	vshll.u32 v6, $0x4  }
0xcc: {  	v6 =	vshll.u32 v8, $0x4;
	v8 =	vld [tilespmem:s14+$0x30];
	v17 =	vor.u32 v1, v3;
	v3 =	vmul.f32 $2.560000000e+02, v11  }
0xcd: {  	v20 =	vld [tilespmem:s14+$0x50];
	v16 =	vshll.u32 v9, $0x4;
	v10 =	vshll.u32 v10, $0x4;
	v19 =	vor.u32 v1, v4  }
0xce: {  	v9 =	vld [tilespmem:s14+$0x60];
	v5 =	vor.u32 v1, v6;
	v6 =	vmul.f32 $2.560000000e+02, v12;
	v3 =	vtrunc.f32 v3  }
0xcf: {  	[tilespmem:v14+s10+$0x0] =	vst.idx.add.f32.msk $0xffff, v2;
	v4 =	vor.u32 v1, v16;
	v11 =	vmul.f32 $2.560000000e+02, v18;
	v63 =	vcvt.f32.s32 v3  }
0xd0: {  	[tilespmem:v15+s10+$0x0] =	vst.idx.add.f32.msk $0xffff, v2;
	v7 =	vmul.f32 $2.560000000e+02, v7;
	v3 =	vor.u32 v1, v10;
	v10 =	vtrunc.f32 v13  }
0xd1: {  	v12 =	vmul.f32 $2.560000000e+02, v8;
	v8 =	vtrunc.f32 v6;
	v6 =	vshll.u32 v63, $0x4;
	[tilespmem:v17+s10+$0x0] =	vst.idx.add.f32.msk $0xffff, v2  }
0xd2: {  	s15 =	simm.s32 $0x800;
	s16 =	simm.s32 $0x100;
	s14 =	simm.s32 $0x8;
	v13 =	vmul.f32 $2.560000000e+02, v20;
	v7 =	vtrunc.f32 v7;
	[tilespmem:v19+s10+$0x0] =	vst.idx.add.f32.msk $0xffff, v2;
	v6 =	vor.u32 v1, v6  }
.LBB2_8:
0xd3: {  	s17 =	sand.u32 $0xF000, s16;
	s18 =	sand.u32 $0xC00, s15;
	v12 =	vtrunc.f32 v12;
	v9 =	vmul.f32 $2.560000000e+02, v9;
	s13 =	sadd.s32 $0x20, s13;
	[tilespmem:v5+s10+$0x0] =	vst.idx.add.f32.msk $0xffff, v2  }
0xd4: {  	s14 =	sadd.s32 $0x8, s14;
	v5 =	vtrunc.f32 v11;
	s19 =	sand.u32 $0x380, s13;
	s17 =	sor.u32 s18, s17;
	v11 =	vtrunc.f32 v13;
	[tilespmem:v4+s10+$0x0] =	vst.idx.add.f32.msk $0xffff, v2  }
0xd5: {  	p0 =	slt.u32 s14, $0xBF8;
	v4 =	vcvt.f32.s32 v7;
	s17 =	sor.u32 s19, s17;
	v7 =	vtrunc.f32 v9;
	[tilespmem:v3+s10+$0x0] =	vst.idx.add.f32.msk $0xffff, v2  }
0xd6: {  	v8 =	vcvt.f32.s32 v8;
	v9 =	vcvt.f32.s32 v10;
	v3 =	vld [tilespmem:s17+$0x70]  }
0xd7: {  	v5 =	vcvt.f32.s32 v5;
	v10 =	vcvt.f32.s32 v12;
	v4 =	vshll.u32 v4, $0x4;
	[tilespmem:v6+s10+$0x0] =	vst.idx.add.f32.msk $0xffff, v2  }
0xd8: {  	v8 =	vshll.u32 v8, $0x4;
	v11 =	vcvt.f32.s32 v11;
	v7 =	vcvt.f32.s32 v7;
	v6 =	vld [tilespmem:s17+$0x0]  }
0xd9: {  	v5 =	vshll.u32 v5, $0x4;
	v9 =	vshll.u32 v9, $0x4;
	v10 =	vshll.u32 v10, $0x4;
	v12 =	vld [tilespmem:s17+$0x10]  }
0xda: {  	v14 =	vor.u32 v1, v4;
	v4 =	vshll.u32 v11, $0x4;
	v7 =	vshll.u32 v7, $0x4;
	v13 =	vld [tilespmem:s17+$0x20]  }
0xdb: {  	v8 =	vor.u32 v1, v8;
	v15 =	vor.u32 v1, v9;
	v16 =	vor.u32 v1, v10;
	v11 =	vld [tilespmem:s17+$0x30]  }
0xdc: {  	v5 =	vor.u32 v1, v5;
	v4 =	vor.u32 v1, v4;
	v17 =	vmul.f32 $2.560000000e+02, v3;
	v10 =	vld [tilespmem:s17+$0x40]  }
0xdd: {  	v3 =	vor.u32 v1, v7;
	v6 =	vmul.f32 $2.560000000e+02, v6;
	v18 =	vld [tilespmem:s17+$0x50]  }
.Ltmp3:
0xde: {  	v7 =	vtrunc.f32 v17;
	v19 =	vmul.f32 $2.560000000e+02, v12;
	v9 =	vld [tilespmem:s17+$0x60];
	(pc) =	sbr.rel @p0 .LBB2_8-.Ltmp3, $4  }
0xdf: {  	v17 =	vcvt.f32.s32 v7;
	v13 =	vmul.f32 $2.560000000e+02, v13;
	[tilespmem:v14+s10+$0x0] =	vst.idx.add.f32.msk $0xffff, v2  }
0xe0: {  	v7 =	vtrunc.f32 v6;
	v12 =	vmul.f32 $2.560000000e+02, v11;
	[tilespmem:v8+s10+$0x0] =	vst.idx.add.f32.msk $0xffff, v2  }
0xe1: {  	v8 =	vtrunc.f32 v19;
	v6 =	vshll.u32 v17, $0x4;
	v11 =	vmul.f32 $2.560000000e+02, v10;
	[tilespmem:v15+s10+$0x0] =	vst.idx.add.f32.msk $0xffff, v2  }
0xe2: {  	s15 =	sadd.s32 $0x400, s15;
	s16 =	sadd.s32 $0x80, s16;
	v10 =	vtrunc.f32 v13;
	v6 =	vor.u32 v1, v6;
	v13 =	vmul.f32 $2.560000000e+02, v18;
	[tilespmem:v16+s10+$0x0] =	vst.idx.add.f32.msk $0xffff, v2  }
0xe3: {  	v12 =	vtrunc.f32 v12;
	v9 =	vmul.f32 $2.560000000e+02, v9  }
0xe4: {  	v11 =	vtrunc.f32 v11;
	v7 =	vcvt.f32.s32 v7  }
0xe5: {  	v8 =	vcvt.f32.s32 v8;
	v10 =	vcvt.f32.s32 v10  }
0xe6: {  	v13 =	vtrunc.f32 v13;
	v12 =	vcvt.f32.s32 v12;
	v7 =	vshll.u32 v7, $0x4  }
0xe7: {  	[tilespmem:v5+s10+$0x0] =	vst.idx.add.f32.msk $0xffff, v2;
	v5 =	vcvt.f32.s32 v11;
	v8 =	vshll.u32 v8, $0x4;
	v7 =	vor.u32 v1, v7  }
0xe8: {  	v9 =	vtrunc.f32 v9;
	v10 =	vshll.u32 v10, $0x4;
	v8 =	vor.u32 v1, v8  }
0xe9: {  	[tilespmem:v4+s10+$0x0] =	vst.idx.add.f32.msk $0xffff, v2;
	v4 =	vcvt.f32.s32 v13;
	v11 =	vshll.u32 v12, $0x4;
	v10 =	vor.u32 v1, v10  }
0xea: {  	[tilespmem:v3+s10+$0x0] =	vst.idx.add.f32.msk $0xffff, v2;
	v3 =	vcvt.f32.s32 v9;
	v5 =	vshll.u32 v5, $0x4;
	v9 =	vor.u32 v1, v11  }
0xeb: {  	[tilespmem:v6+s10+$0x0] =	vst.idx.add.f32.msk $0xffff, v2;
	v4 =	vshll.u32 v4, $0x4;
	v5 =	vor.u32 v1, v5  }
0xec: {  	v3 =	vshll.u32 v3, $0x4;
	v4 =	vor.u32 v1, v4;
	[tilespmem:v7+s10+$0x0] =	vst.idx.add.f32.msk $0xffff, v2  }
0xed: {  	v3 =	vor.u32 v1, v3;
	[tilespmem:v8+s10+$0x0] =	vst.idx.add.f32.msk $0xffff, v2  }
0xee: {  	[tilespmem:v10+s10+$0x0] =	vst.idx.add.f32.msk $0xffff, v2  }
0xef: {  	[tilespmem:v9+s10+$0x0] =	vst.idx.add.f32.msk $0xffff, v2  }
0xf0: {  	[tilespmem:v5+s10+$0x0] =	vst.idx.add.f32.msk $0xffff, v2  }
0xf1: {  	[tilespmem:v4+s10+$0x0] =	vst.idx.add.f32.msk $0xffff, v2  }
0xf2: {  	s13 =	simm.s32 $0x0;
	[tilespmem:v3+s10+$0x0] =	vst.idx.add.f32.msk $0xffff, v2  }
0xf3: {  	[tilespmem:s13], [sflag:$0x1] =	stream.linear.gather [hbm4b:s31+s13], $0xC000, $0x38;
	[tilespmem:$0x19000] =	vst v63  }
0xf4: {  	s14 =	sand.u32 $0xF000, s13;
	s15 =	sand.u32 $0xC00, s13;
	_ =	swait.ge [sflag:s11], $0xC000  }
0xf5: {  	s14 =	sor.u32 s15, s14;
	s13 =	sand.u32 $0x380, s13;
	[sflag:s11] =	ssyncset.done $0x0  }
0xf6: {  	s13 =	sor.u32 s13, s14;
	[sflag:s11] =	ssyncadd.s32 $0xFFFF4000  }
0xf7: {  	v3 =	vld [tilespmem:s13+$0xC070]  }
0xf8: {  	v4 =	vld [tilespmem:s13+$0xC000]  }
0xf9: {  	v5 =	vld [tilespmem:s13+$0xC010]  }
0xfa: {  	v6 =	vld [tilespmem:s13+$0xC020]  }
0xfb: {  	v7 =	vld [tilespmem:s13+$0xC030]  }
0xfc: {  	v8 =	vld [tilespmem:s13+$0xC040]  }
0xfd: {  	v9 =	vld [tilespmem:s13+$0xC050]  }
0xfe: {  	v10 =	vld [tilespmem:s13+$0xC060]  }
0xff: {  	v3 =	vmul.f32 $2.560000000e+02, v3;
	v4 =	vmul.f32 $2.560000000e+02, v4  }
0x100: {  	v5 =	vmul.f32 $2.560000000e+02, v5;
	v6 =	vmul.f32 $2.560000000e+02, v6  }
0x101: {  	v7 =	vmul.f32 $2.560000000e+02, v7;
	v3 =	vtrunc.f32 v3  }
0x102: {  	s17 =	simm.s32 $0x400;
	s18 =	simm.s32 $0x80;
	v8 =	vmul.f32 $2.560000000e+02, v8;
	v3 =	vcvt.f32.s32 v3  }
0x103: {  	s19 =	sand.u32 $0xC00, s17;
	s14 =	sand.u32 $0xF000, s18;
	s13 =	simm.s32 $0x20;
	v9 =	vmul.f32 $2.560000000e+02, v9;
	v10 =	vmul.f32 $2.560000000e+02, v10  }
0x104: {  	s14 =	sor.u32 s19, s14;
	s16 =	sand.u32 $0x380, s13;
	v4 =	vtrunc.f32 v4;
	v5 =	vtrunc.f32 v5;
	v3 =	vshll.u32 v3, $0x4  }
0x105: {  	s14 =	sor.u32 s16, s14;
	v6 =	vtrunc.f32 v6;
	v7 =	vtrunc.f32 v7;
	v3 =	vor.u32 v1, v3  }
0x106: {  	v13 =	vld [tilespmem:s14+$0xC020];
	v8 =	vtrunc.f32 v8;
	v9 =	vtrunc.f32 v9  }
0x107: {  	v10 =	vtrunc.f32 v10;
	v4 =	vcvt.f32.s32 v4  }
0x108: {  	v11 =	vld [tilespmem:s14+$0xC070];
	v5 =	vcvt.f32.s32 v5;
	v8 =	vcvt.f32.s32 v8  }
0x109: {  	v12 =	vld [tilespmem:s14+$0xC010];
	v9 =	vcvt.f32.s32 v9;
	v10 =	vcvt.f32.s32 v10  }
0x10a: {  	v4 =	vshll.u32 v4, $0x4;
	[tilespmem:v3+s10+$0x0] =	vst.idx.add.f32.msk $0xffff, v2;
	v3 =	vcvt.f32.s32 v6;
	v6 =	vcvt.f32.s32 v7  }
0x10b: {  	v18 =	vld [tilespmem:s14+$0xC040];
	v13 =	vmul.f32 $2.560000000e+02, v13;
	v5 =	vshll.u32 v5, $0x4;
	v14 =	vor.u32 v1, v4  }
0x10c: {  	v15 =	vor.u32 v1, v5;
	v7 =	vld [tilespmem:s14+$0xC000];
	v3 =	vshll.u32 v3, $0x4;
	v4 =	vshll.u32 v6, $0x4  }
0x10d: {  	v6 =	vshll.u32 v8, $0x4;
	v8 =	vld [tilespmem:s14+$0xC030];
	v17 =	vor.u32 v1, v3;
	v3 =	vmul.f32 $2.560000000e+02, v11  }
0x10e: {  	v20 =	vld [tilespmem:s14+$0xC050];
	v16 =	vshll.u32 v9, $0x4;
	v10 =	vshll.u32 v10, $0x4;
	v19 =	vor.u32 v1, v4  }
0x10f: {  	v9 =	vld [tilespmem:s14+$0xC060];
	v5 =	vor.u32 v1, v6;
	v6 =	vmul.f32 $2.560000000e+02, v12;
	v3 =	vtrunc.f32 v3  }
0x110: {  	[tilespmem:v14+s10+$0x0] =	vst.idx.add.f32.msk $0xffff, v2;
	v4 =	vor.u32 v1, v16;
	v11 =	vmul.f32 $2.560000000e+02, v18;
	v63 =	vcvt.f32.s32 v3  }
0x111: {  	[tilespmem:v15+s10+$0x0] =	vst.idx.add.f32.msk $0xffff, v2;
	v7 =	vmul.f32 $2.560000000e+02, v7;
	v3 =	vor.u32 v1, v10;
	v10 =	vtrunc.f32 v13  }
0x112: {  	v12 =	vmul.f32 $2.560000000e+02, v8;
	v8 =	vtrunc.f32 v6;
	v6 =	vshll.u32 v63, $0x4;
	[tilespmem:v17+s10+$0x0] =	vst.idx.add.f32.msk $0xffff, v2  }
0x113: {  	s15 =	simm.s32 $0x800;
	s16 =	simm.s32 $0x100;
	s14 =	simm.s32 $0x8;
	v13 =	vmul.f32 $2.560000000e+02, v20;
	v7 =	vtrunc.f32 v7;
	[tilespmem:v19+s10+$0x0] =	vst.idx.add.f32.msk $0xffff, v2;
	v6 =	vor.u32 v1, v6  }
.LBB2_10:
0x114: {  	s17 =	sand.u32 $0xF000, s16;
	s18 =	sand.u32 $0xC00, s15;
	v12 =	vtrunc.f32 v12;
	v9 =	vmul.f32 $2.560000000e+02, v9;
	s13 =	sadd.s32 $0x20, s13;
	[tilespmem:v5+s10+$0x0] =	vst.idx.add.f32.msk $0xffff, v2  }
0x115: {  	s14 =	sadd.s32 $0x8, s14;
	v5 =	vtrunc.f32 v11;
	s19 =	sand.u32 $0x380, s13;
	s17 =	sor.u32 s18, s17;
	v11 =	vtrunc.f32 v13;
	[tilespmem:v4+s10+$0x0] =	vst.idx.add.f32.msk $0xffff, v2  }
0x116: {  	p0 =	slt.u32 s14, $0xBF8;
	v4 =	vcvt.f32.s32 v7;
	s17 =	sor.u32 s19, s17;
	v7 =	vtrunc.f32 v9;
	[tilespmem:v3+s10+$0x0] =	vst.idx.add.f32.msk $0xffff, v2  }
0x117: {  	v8 =	vcvt.f32.s32 v8;
	v9 =	vcvt.f32.s32 v10;
	v3 =	vld [tilespmem:s17+$0xC070]  }
0x118: {  	v5 =	vcvt.f32.s32 v5;
	v10 =	vcvt.f32.s32 v12;
	v4 =	vshll.u32 v4, $0x4;
	[tilespmem:v6+s10+$0x0] =	vst.idx.add.f32.msk $0xffff, v2  }
0x119: {  	v8 =	vshll.u32 v8, $0x4;
	v11 =	vcvt.f32.s32 v11;
	v7 =	vcvt.f32.s32 v7;
	v6 =	vld [tilespmem:s17+$0xC000]  }
0x11a: {  	v5 =	vshll.u32 v5, $0x4;
	v9 =	vshll.u32 v9, $0x4;
	v10 =	vshll.u32 v10, $0x4;
	v12 =	vld [tilespmem:s17+$0xC010]  }
0x11b: {  	v14 =	vor.u32 v1, v4;
	v4 =	vshll.u32 v11, $0x4;
	v7 =	vshll.u32 v7, $0x4;
	v13 =	vld [tilespmem:s17+$0xC020]  }
0x11c: {  	v8 =	vor.u32 v1, v8;
	v15 =	vor.u32 v1, v9;
	v16 =	vor.u32 v1, v10;
	v11 =	vld [tilespmem:s17+$0xC030]  }
0x11d: {  	v5 =	vor.u32 v1, v5;
	v4 =	vor.u32 v1, v4;
	v17 =	vmul.f32 $2.560000000e+02, v3;
	v10 =	vld [tilespmem:s17+$0xC040]  }
0x11e: {  	v3 =	vor.u32 v1, v7;
	v6 =	vmul.f32 $2.560000000e+02, v6;
	v18 =	vld [tilespmem:s17+$0xC050]  }
.Ltmp4:
0x11f: {  	v7 =	vtrunc.f32 v17;
	v19 =	vmul.f32 $2.560000000e+02, v12;
	v9 =	vld [tilespmem:s17+$0xC060];
	(pc) =	sbr.rel @p0 .LBB2_10-.Ltmp4, $4  }
0x120: {  	v17 =	vcvt.f32.s32 v7;
	v13 =	vmul.f32 $2.560000000e+02, v13;
	[tilespmem:v14+s10+$0x0] =	vst.idx.add.f32.msk $0xffff, v2  }
0x121: {  	v7 =	vtrunc.f32 v6;
	v12 =	vmul.f32 $2.560000000e+02, v11;
	[tilespmem:v8+s10+$0x0] =	vst.idx.add.f32.msk $0xffff, v2  }
0x122: {  	v8 =	vtrunc.f32 v19;
	v6 =	vshll.u32 v17, $0x4;
	v11 =	vmul.f32 $2.560000000e+02, v10;
	[tilespmem:v15+s10+$0x0] =	vst.idx.add.f32.msk $0xffff, v2  }
0x123: {  	s15 =	sadd.s32 $0x400, s15;
	s16 =	sadd.s32 $0x80, s16;
	v10 =	vtrunc.f32 v13;
	v6 =	vor.u32 v1, v6;
	v13 =	vmul.f32 $2.560000000e+02, v18;
	[tilespmem:v16+s10+$0x0] =	vst.idx.add.f32.msk $0xffff, v2  }
0x124: {  	v12 =	vtrunc.f32 v12;
	v9 =	vmul.f32 $2.560000000e+02, v9  }
0x125: {  	v11 =	vtrunc.f32 v11;
	v7 =	vcvt.f32.s32 v7  }
0x126: {  	v8 =	vcvt.f32.s32 v8;
	v10 =	vcvt.f32.s32 v10  }
0x127: {  	v13 =	vtrunc.f32 v13;
	v12 =	vcvt.f32.s32 v12;
	v7 =	vshll.u32 v7, $0x4  }
0x128: {  	[tilespmem:v5+s10+$0x0] =	vst.idx.add.f32.msk $0xffff, v2;
	v5 =	vcvt.f32.s32 v11;
	v8 =	vshll.u32 v8, $0x4;
	v7 =	vor.u32 v1, v7  }
0x129: {  	v9 =	vtrunc.f32 v9;
	v10 =	vshll.u32 v10, $0x4;
	v8 =	vor.u32 v1, v8  }
0x12a: {  	[tilespmem:v4+s10+$0x0] =	vst.idx.add.f32.msk $0xffff, v2;
	v4 =	vcvt.f32.s32 v13;
	v11 =	vshll.u32 v12, $0x4;
	v10 =	vor.u32 v1, v10  }
0x12b: {  	[tilespmem:v3+s10+$0x0] =	vst.idx.add.f32.msk $0xffff, v2;
	v3 =	vcvt.f32.s32 v9;
	v5 =	vshll.u32 v5, $0x4;
	v9 =	vor.u32 v1, v11  }
0x12c: {  	[tilespmem:v6+s10+$0x0] =	vst.idx.add.f32.msk $0xffff, v2;
	v4 =	vshll.u32 v4, $0x4;
	v5 =	vor.u32 v1, v5  }
0x12d: {  	v3 =	vshll.u32 v3, $0x4;
	v4 =	vor.u32 v1, v4;
	[tilespmem:v7+s10+$0x0] =	vst.idx.add.f32.msk $0xffff, v2  }
0x12e: {  	v3 =	vor.u32 v1, v3;
	[tilespmem:v8+s10+$0x0] =	vst.idx.add.f32.msk $0xffff, v2  }
0x12f: {  	[tilespmem:v10+s10+$0x0] =	vst.idx.add.f32.msk $0xffff, v2  }
0x130: {  	[tilespmem:v9+s10+$0x0] =	vst.idx.add.f32.msk $0xffff, v2  }
0x131: {  	[tilespmem:v5+s10+$0x0] =	vst.idx.add.f32.msk $0xffff, v2  }
0x132: {  	[tilespmem:v4+s10+$0x0] =	vst.idx.add.f32.msk $0xffff, v2  }
0x133: {  	s13 =	simm.s32 $0x0;
	[tilespmem:v3+s10+$0x0] =	vst.idx.add.f32.msk $0xffff, v2  }
0x134: {  	[tilespmem:s8], [sflag:$0x2] =	stream.linear.gather [hbm4b:s1+s13], $0xC000, $0x38;
	[tilespmem:$0x19000] =	vst v63  }
0x135: {  	s14 =	sand.u32 $0xF000, s13;
	s15 =	sand.u32 $0xC00, s13;
	_ =	swait.ge [sflag:s9], $0xC000  }
0x136: {  	s14 =	sor.u32 s15, s14;
	s13 =	sand.u32 $0x380, s13;
	[sflag:s9] =	ssyncset.done $0x0  }
0x137: {  	s13 =	sor.u32 s13, s14;
	[sflag:s9] =	ssyncadd.s32 $0xFFFF4000  }
0x138: {  	v3 =	vld [tilespmem:s13+$0x70]  }
0x139: {  	v4 =	vld [tilespmem:s13+$0x0]  }
0x13a: {  	v5 =	vld [tilespmem:s13+$0x10]  }
0x13b: {  	v6 =	vld [tilespmem:s13+$0x20]  }
0x13c: {  	v7 =	vld [tilespmem:s13+$0x30]  }
0x13d: {  	v8 =	vld [tilespmem:s13+$0x40]  }
0x13e: {  	v9 =	vld [tilespmem:s13+$0x50]  }
0x13f: {  	v10 =	vld [tilespmem:s13+$0x60]  }
0x140: {  	v3 =	vmul.f32 $2.560000000e+02, v3;
	v4 =	vmul.f32 $2.560000000e+02, v4  }
0x141: {  	v5 =	vmul.f32 $2.560000000e+02, v5;
	v6 =	vmul.f32 $2.560000000e+02, v6  }
0x142: {  	v7 =	vmul.f32 $2.560000000e+02, v7;
	v3 =	vtrunc.f32 v3  }
0x143: {  	s17 =	simm.s32 $0x400;
	s18 =	simm.s32 $0x80;
	v8 =	vmul.f32 $2.560000000e+02, v8;
	v3 =	vcvt.f32.s32 v3  }
0x144: {  	s19 =	sand.u32 $0xC00, s17;
	s14 =	sand.u32 $0xF000, s18;
	s13 =	simm.s32 $0x20;
	v9 =	vmul.f32 $2.560000000e+02, v9;
	v10 =	vmul.f32 $2.560000000e+02, v10  }
0x145: {  	s14 =	sor.u32 s19, s14;
	s16 =	sand.u32 $0x380, s13;
	v4 =	vtrunc.f32 v4;
	v5 =	vtrunc.f32 v5;
	v3 =	vshll.u32 v3, $0x4  }
0x146: {  	s14 =	sor.u32 s16, s14;
	v6 =	vtrunc.f32 v6;
	v7 =	vtrunc.f32 v7;
	v3 =	vor.u32 v1, v3  }
0x147: {  	v13 =	vld [tilespmem:s14+$0x20];
	v8 =	vtrunc.f32 v8;
	v9 =	vtrunc.f32 v9  }
0x148: {  	v10 =	vtrunc.f32 v10;
	v4 =	vcvt.f32.s32 v4  }
0x149: {  	v11 =	vld [tilespmem:s14+$0x70];
	v5 =	vcvt.f32.s32 v5;
	v8 =	vcvt.f32.s32 v8  }
0x14a: {  	v12 =	vld [tilespmem:s14+$0x10];
	v9 =	vcvt.f32.s32 v9;
	v10 =	vcvt.f32.s32 v10  }
0x14b: {  	v4 =	vshll.u32 v4, $0x4;
	[tilespmem:v3+s10+$0x0] =	vst.idx.add.f32.msk $0xffff, v2;
	v3 =	vcvt.f32.s32 v6;
	v6 =	vcvt.f32.s32 v7  }
0x14c: {  	v18 =	vld [tilespmem:s14+$0x40];
	v13 =	vmul.f32 $2.560000000e+02, v13;
	v5 =	vshll.u32 v5, $0x4;
	v14 =	vor.u32 v1, v4  }
0x14d: {  	v15 =	vor.u32 v1, v5;
	v7 =	vld [tilespmem:s14+$0x0];
	v3 =	vshll.u32 v3, $0x4;
	v4 =	vshll.u32 v6, $0x4  }
0x14e: {  	v6 =	vshll.u32 v8, $0x4;
	v8 =	vld [tilespmem:s14+$0x30];
	v17 =	vor.u32 v1, v3;
	v3 =	vmul.f32 $2.560000000e+02, v11  }
0x14f: {  	v20 =	vld [tilespmem:s14+$0x50];
	v16 =	vshll.u32 v9, $0x4;
	v10 =	vshll.u32 v10, $0x4;
	v19 =	vor.u32 v1, v4  }
0x150: {  	v9 =	vld [tilespmem:s14+$0x60];
	v5 =	vor.u32 v1, v6;
	v6 =	vmul.f32 $2.560000000e+02, v12;
	v3 =	vtrunc.f32 v3  }
0x151: {  	[tilespmem:v14+s10+$0x0] =	vst.idx.add.f32.msk $0xffff, v2;
	v4 =	vor.u32 v1, v16;
	v11 =	vmul.f32 $2.560000000e+02, v18;
	v63 =	vcvt.f32.s32 v3  }
0x152: {  	[tilespmem:v15+s10+$0x0] =	vst.idx.add.f32.msk $0xffff, v2;
	v7 =	vmul.f32 $2.560000000e+02, v7;
	v3 =	vor.u32 v1, v10;
	v10 =	vtrunc.f32 v13  }
0x153: {  	v12 =	vmul.f32 $2.560000000e+02, v8;
	v8 =	vtrunc.f32 v6;
	v6 =	vshll.u32 v63, $0x4;
	[tilespmem:v17+s10+$0x0] =	vst.idx.add.f32.msk $0xffff, v2  }
0x154: {  	s15 =	simm.s32 $0x800;
	s16 =	simm.s32 $0x100;
	s14 =	simm.s32 $0x8;
	v13 =	vmul.f32 $2.560000000e+02, v20;
	v7 =	vtrunc.f32 v7;
	[tilespmem:v19+s10+$0x0] =	vst.idx.add.f32.msk $0xffff, v2;
	v6 =	vor.u32 v1, v6  }
.LBB2_12:
0x155: {  	s17 =	sand.u32 $0xF000, s16;
	s18 =	sand.u32 $0xC00, s15;
	v12 =	vtrunc.f32 v12;
	v9 =	vmul.f32 $2.560000000e+02, v9;
	s13 =	sadd.s32 $0x20, s13;
	[tilespmem:v5+s10+$0x0] =	vst.idx.add.f32.msk $0xffff, v2  }
0x156: {  	s14 =	sadd.s32 $0x8, s14;
	v5 =	vtrunc.f32 v11;
	s19 =	sand.u32 $0x380, s13;
	s17 =	sor.u32 s18, s17;
	v11 =	vtrunc.f32 v13;
	[tilespmem:v4+s10+$0x0] =	vst.idx.add.f32.msk $0xffff, v2  }
0x157: {  	p0 =	slt.u32 s14, $0xBF8;
	v4 =	vcvt.f32.s32 v7;
	s17 =	sor.u32 s19, s17;
	v7 =	vtrunc.f32 v9;
	[tilespmem:v3+s10+$0x0] =	vst.idx.add.f32.msk $0xffff, v2  }
0x158: {  	v8 =	vcvt.f32.s32 v8;
	v9 =	vcvt.f32.s32 v10;
	v3 =	vld [tilespmem:s17+$0x70]  }
0x159: {  	v5 =	vcvt.f32.s32 v5;
	v10 =	vcvt.f32.s32 v12;
	v4 =	vshll.u32 v4, $0x4;
	[tilespmem:v6+s10+$0x0] =	vst.idx.add.f32.msk $0xffff, v2  }
0x15a: {  	v8 =	vshll.u32 v8, $0x4;
	v11 =	vcvt.f32.s32 v11;
	v7 =	vcvt.f32.s32 v7;
	v6 =	vld [tilespmem:s17+$0x0]  }
0x15b: {  	v5 =	vshll.u32 v5, $0x4;
	v9 =	vshll.u32 v9, $0x4;
	v10 =	vshll.u32 v10, $0x4;
	v12 =	vld [tilespmem:s17+$0x10]  }
0x15c: {  	v14 =	vor.u32 v1, v4;
	v4 =	vshll.u32 v11, $0x4;
	v7 =	vshll.u32 v7, $0x4;
	v13 =	vld [tilespmem:s17+$0x20]  }
0x15d: {  	v8 =	vor.u32 v1, v8;
	v15 =	vor.u32 v1, v9;
	v16 =	vor.u32 v1, v10;
	v11 =	vld [tilespmem:s17+$0x30]  }
0x15e: {  	v5 =	vor.u32 v1, v5;
	v4 =	vor.u32 v1, v4;
	v17 =	vmul.f32 $2.560000000e+02, v3;
	v10 =	vld [tilespmem:s17+$0x40]  }
0x15f: {  	v3 =	vor.u32 v1, v7;
	v6 =	vmul.f32 $2.560000000e+02, v6;
	v18 =	vld [tilespmem:s17+$0x50]  }
.Ltmp5:
0x160: {  	v7 =	vtrunc.f32 v17;
	v19 =	vmul.f32 $2.560000000e+02, v12;
	v9 =	vld [tilespmem:s17+$0x60];
	(pc) =	sbr.rel @p0 .LBB2_12-.Ltmp5, $4  }
0x161: {  	v17 =	vcvt.f32.s32 v7;
	v13 =	vmul.f32 $2.560000000e+02, v13;
	[tilespmem:v14+s10+$0x0] =	vst.idx.add.f32.msk $0xffff, v2  }
0x162: {  	v7 =	vtrunc.f32 v6;
	v12 =	vmul.f32 $2.560000000e+02, v11;
	[tilespmem:v8+s10+$0x0] =	vst.idx.add.f32.msk $0xffff, v2  }
0x163: {  	v8 =	vtrunc.f32 v19;
	v6 =	vshll.u32 v17, $0x4;
	v11 =	vmul.f32 $2.560000000e+02, v10;
	[tilespmem:v15+s10+$0x0] =	vst.idx.add.f32.msk $0xffff, v2  }
0x164: {  	s15 =	sadd.s32 $0x400, s15;
	s16 =	sadd.s32 $0x80, s16;
	v10 =	vtrunc.f32 v13;
	v6 =	vor.u32 v1, v6;
	v13 =	vmul.f32 $2.560000000e+02, v18;
	[tilespmem:v16+s10+$0x0] =	vst.idx.add.f32.msk $0xffff, v2  }
0x165: {  	v12 =	vtrunc.f32 v12;
	v9 =	vmul.f32 $2.560000000e+02, v9  }
0x166: {  	v11 =	vtrunc.f32 v11;
	v7 =	vcvt.f32.s32 v7  }
0x167: {  	v8 =	vcvt.f32.s32 v8;
	v10 =	vcvt.f32.s32 v10  }
0x168: {  	v13 =	vtrunc.f32 v13;
	v12 =	vcvt.f32.s32 v12;
	v7 =	vshll.u32 v7, $0x4  }
0x169: {  	[tilespmem:v5+s10+$0x0] =	vst.idx.add.f32.msk $0xffff, v2;
	v5 =	vcvt.f32.s32 v11;
	v8 =	vshll.u32 v8, $0x4;
	v7 =	vor.u32 v1, v7  }
0x16a: {  	v9 =	vtrunc.f32 v9;
	v10 =	vshll.u32 v10, $0x4;
	v8 =	vor.u32 v1, v8  }
0x16b: {  	[tilespmem:v4+s10+$0x0] =	vst.idx.add.f32.msk $0xffff, v2;
	v4 =	vcvt.f32.s32 v13;
	v11 =	vshll.u32 v12, $0x4;
	v10 =	vor.u32 v1, v10  }
0x16c: {  	[tilespmem:v3+s10+$0x0] =	vst.idx.add.f32.msk $0xffff, v2;
	v3 =	vcvt.f32.s32 v9;
	v5 =	vshll.u32 v5, $0x4;
	v9 =	vor.u32 v1, v11  }
0x16d: {  	[tilespmem:v6+s10+$0x0] =	vst.idx.add.f32.msk $0xffff, v2;
	v4 =	vshll.u32 v4, $0x4;
	v5 =	vor.u32 v1, v5  }
0x16e: {  	v3 =	vshll.u32 v3, $0x4;
	v4 =	vor.u32 v1, v4;
	[tilespmem:v7+s10+$0x0] =	vst.idx.add.f32.msk $0xffff, v2  }
0x16f: {  	v3 =	vor.u32 v1, v3;
	[tilespmem:v8+s10+$0x0] =	vst.idx.add.f32.msk $0xffff, v2  }
0x170: {  	[tilespmem:v10+s10+$0x0] =	vst.idx.add.f32.msk $0xffff, v2  }
0x171: {  	[tilespmem:v9+s10+$0x0] =	vst.idx.add.f32.msk $0xffff, v2  }
0x172: {  	[tilespmem:v5+s10+$0x0] =	vst.idx.add.f32.msk $0xffff, v2  }
0x173: {  	[tilespmem:v4+s10+$0x0] =	vst.idx.add.f32.msk $0xffff, v2  }
0x174: {  	s13 =	simm.s32 $0x0;
	[tilespmem:v3+s10+$0x0] =	vst.idx.add.f32.msk $0xffff, v2  }
0x175: {  	[tilespmem:s13], [sflag:$0x1] =	stream.linear.gather [hbm4b:s0+s13], $0xC000, $0x38;
	[tilespmem:$0x19000] =	vst v63  }
0x176: {  	s14 =	sand.u32 $0xF000, s13;
	s15 =	sand.u32 $0xC00, s13;
	_ =	swait.ge [sflag:s11], $0xC000  }
0x177: {  	s14 =	sor.u32 s15, s14;
	s13 =	sand.u32 $0x380, s13;
	[sflag:s11] =	ssyncset.done $0x0  }
0x178: {  	s13 =	sor.u32 s13, s14;
	[sflag:s11] =	ssyncadd.s32 $0xFFFF4000  }
0x179: {  	v3 =	vld [tilespmem:s13+$0xC070]  }
0x17a: {  	v4 =	vld [tilespmem:s13+$0xC000]  }
0x17b: {  	v5 =	vld [tilespmem:s13+$0xC010]  }
0x17c: {  	v6 =	vld [tilespmem:s13+$0xC020]  }
0x17d: {  	v7 =	vld [tilespmem:s13+$0xC030]  }
0x17e: {  	v8 =	vld [tilespmem:s13+$0xC040]  }
0x17f: {  	v9 =	vld [tilespmem:s13+$0xC050]  }
0x180: {  	v10 =	vld [tilespmem:s13+$0xC060]  }
0x181: {  	v3 =	vmul.f32 $2.560000000e+02, v3;
	v4 =	vmul.f32 $2.560000000e+02, v4  }
0x182: {  	v5 =	vmul.f32 $2.560000000e+02, v5;
	v6 =	vmul.f32 $2.560000000e+02, v6  }
0x183: {  	v7 =	vmul.f32 $2.560000000e+02, v7;
	v3 =	vtrunc.f32 v3  }
0x184: {  	s17 =	simm.s32 $0x400;
	s18 =	simm.s32 $0x80;
	v8 =	vmul.f32 $2.560000000e+02, v8;
	v3 =	vcvt.f32.s32 v3  }
0x185: {  	s19 =	sand.u32 $0xC00, s17;
	s14 =	sand.u32 $0xF000, s18;
	s13 =	simm.s32 $0x20;
	v9 =	vmul.f32 $2.560000000e+02, v9;
	v10 =	vmul.f32 $2.560000000e+02, v10  }
0x186: {  	s14 =	sor.u32 s19, s14;
	s16 =	sand.u32 $0x380, s13;
	v4 =	vtrunc.f32 v4;
	v5 =	vtrunc.f32 v5;
	v3 =	vshll.u32 v3, $0x4  }
0x187: {  	s14 =	sor.u32 s16, s14;
	v6 =	vtrunc.f32 v6;
	v7 =	vtrunc.f32 v7;
	v3 =	vor.u32 v1, v3  }
0x188: {  	v13 =	vld [tilespmem:s14+$0xC020];
	v8 =	vtrunc.f32 v8;
	v9 =	vtrunc.f32 v9  }
0x189: {  	v10 =	vtrunc.f32 v10;
	v4 =	vcvt.f32.s32 v4  }
0x18a: {  	v11 =	vld [tilespmem:s14+$0xC070];
	v5 =	vcvt.f32.s32 v5;
	v8 =	vcvt.f32.s32 v8  }
0x18b: {  	v12 =	vld [tilespmem:s14+$0xC010];
	v9 =	vcvt.f32.s32 v9;
	v10 =	vcvt.f32.s32 v10  }
0x18c: {  	v4 =	vshll.u32 v4, $0x4;
	[tilespmem:v3+s10+$0x0] =	vst.idx.add.f32.msk $0xffff, v2;
	v3 =	vcvt.f32.s32 v6;
	v6 =	vcvt.f32.s32 v7  }
0x18d: {  	v18 =	vld [tilespmem:s14+$0xC040];
	v13 =	vmul.f32 $2.560000000e+02, v13;
	v5 =	vshll.u32 v5, $0x4;
	v14 =	vor.u32 v1, v4  }
0x18e: {  	v15 =	vor.u32 v1, v5;
	v7 =	vld [tilespmem:s14+$0xC000];
	v3 =	vshll.u32 v3, $0x4;
	v4 =	vshll.u32 v6, $0x4  }
0x18f: {  	v6 =	vshll.u32 v8, $0x4;
	v8 =	vld [tilespmem:s14+$0xC030];
	v17 =	vor.u32 v1, v3;
	v3 =	vmul.f32 $2.560000000e+02, v11  }
0x190: {  	v20 =	vld [tilespmem:s14+$0xC050];
	v16 =	vshll.u32 v9, $0x4;
	v10 =	vshll.u32 v10, $0x4;
	v19 =	vor.u32 v1, v4  }
0x191: {  	v9 =	vld [tilespmem:s14+$0xC060];
	v5 =	vor.u32 v1, v6;
	v6 =	vmul.f32 $2.560000000e+02, v12;
	v3 =	vtrunc.f32 v3  }
0x192: {  	[tilespmem:v14+s10+$0x0] =	vst.idx.add.f32.msk $0xffff, v2;
	v4 =	vor.u32 v1, v16;
	v11 =	vmul.f32 $2.560000000e+02, v18;
	v63 =	vcvt.f32.s32 v3  }
0x193: {  	[tilespmem:v15+s10+$0x0] =	vst.idx.add.f32.msk $0xffff, v2;
	v7 =	vmul.f32 $2.560000000e+02, v7;
	v3 =	vor.u32 v1, v10;
	v10 =	vtrunc.f32 v13  }
0x194: {  	v12 =	vmul.f32 $2.560000000e+02, v8;
	v8 =	vtrunc.f32 v6;
	v6 =	vshll.u32 v63, $0x4;
	[tilespmem:v17+s10+$0x0] =	vst.idx.add.f32.msk $0xffff, v2  }
0x195: {  	s15 =	simm.s32 $0x800;
	s16 =	simm.s32 $0x100;
	s14 =	simm.s32 $0x8;
	v13 =	vmul.f32 $2.560000000e+02, v20;
	v7 =	vtrunc.f32 v7;
	[tilespmem:v19+s10+$0x0] =	vst.idx.add.f32.msk $0xffff, v2;
	v6 =	vor.u32 v1, v6  }
.LBB2_14:
0x196: {  	s17 =	sand.u32 $0xF000, s16;
	s18 =	sand.u32 $0xC00, s15;
	v12 =	vtrunc.f32 v12;
	v9 =	vmul.f32 $2.560000000e+02, v9;
	s13 =	sadd.s32 $0x20, s13;
	[tilespmem:v5+s10+$0x0] =	vst.idx.add.f32.msk $0xffff, v2  }
0x197: {  	s14 =	sadd.s32 $0x8, s14;
	v5 =	vtrunc.f32 v11;
	s19 =	sand.u32 $0x380, s13;
	s17 =	sor.u32 s18, s17;
	v11 =	vtrunc.f32 v13;
	[tilespmem:v4+s10+$0x0] =	vst.idx.add.f32.msk $0xffff, v2  }
0x198: {  	p0 =	slt.u32 s14, $0xBF8;
	v4 =	vcvt.f32.s32 v7;
	s17 =	sor.u32 s19, s17;
	v7 =	vtrunc.f32 v9;
	[tilespmem:v3+s10+$0x0] =	vst.idx.add.f32.msk $0xffff, v2  }
0x199: {  	v8 =	vcvt.f32.s32 v8;
	v9 =	vcvt.f32.s32 v10;
	v3 =	vld [tilespmem:s17+$0xC070]  }
0x19a: {  	v5 =	vcvt.f32.s32 v5;
	v10 =	vcvt.f32.s32 v12;
	v4 =	vshll.u32 v4, $0x4;
	[tilespmem:v6+s10+$0x0] =	vst.idx.add.f32.msk $0xffff, v2  }
0x19b: {  	v8 =	vshll.u32 v8, $0x4;
	v11 =	vcvt.f32.s32 v11;
	v7 =	vcvt.f32.s32 v7;
	v6 =	vld [tilespmem:s17+$0xC000]  }
0x19c: {  	v5 =	vshll.u32 v5, $0x4;
	v9 =	vshll.u32 v9, $0x4;
	v10 =	vshll.u32 v10, $0x4;
	v12 =	vld [tilespmem:s17+$0xC010]  }
0x19d: {  	v14 =	vor.u32 v1, v4;
	v4 =	vshll.u32 v11, $0x4;
	v7 =	vshll.u32 v7, $0x4;
	v13 =	vld [tilespmem:s17+$0xC020]  }
0x19e: {  	v8 =	vor.u32 v1, v8;
	v15 =	vor.u32 v1, v9;
	v16 =	vor.u32 v1, v10;
	v11 =	vld [tilespmem:s17+$0xC030]  }
0x19f: {  	v5 =	vor.u32 v1, v5;
	v4 =	vor.u32 v1, v4;
	v17 =	vmul.f32 $2.560000000e+02, v3;
	v10 =	vld [tilespmem:s17+$0xC040]  }
0x1a0: {  	v3 =	vor.u32 v1, v7;
	v6 =	vmul.f32 $2.560000000e+02, v6;
	v18 =	vld [tilespmem:s17+$0xC050]  }
.Ltmp6:
0x1a1: {  	v7 =	vtrunc.f32 v17;
	v19 =	vmul.f32 $2.560000000e+02, v12;
	v9 =	vld [tilespmem:s17+$0xC060];
	(pc) =	sbr.rel @p0 .LBB2_14-.Ltmp6, $4  }
0x1a2: {  	v17 =	vcvt.f32.s32 v7;
	v13 =	vmul.f32 $2.560000000e+02, v13;
	[tilespmem:v14+s10+$0x0] =	vst.idx.add.f32.msk $0xffff, v2  }
0x1a3: {  	v7 =	vtrunc.f32 v6;
	v12 =	vmul.f32 $2.560000000e+02, v11;
	[tilespmem:v8+s10+$0x0] =	vst.idx.add.f32.msk $0xffff, v2  }
0x1a4: {  	v8 =	vtrunc.f32 v19;
	v6 =	vshll.u32 v17, $0x4;
	v11 =	vmul.f32 $2.560000000e+02, v10;
	[tilespmem:v15+s10+$0x0] =	vst.idx.add.f32.msk $0xffff, v2  }
0x1a5: {  	s15 =	sadd.s32 $0x400, s15;
	s16 =	sadd.s32 $0x80, s16;
	v10 =	vtrunc.f32 v13;
	v6 =	vor.u32 v1, v6;
	v13 =	vmul.f32 $2.560000000e+02, v18;
	[tilespmem:v16+s10+$0x0] =	vst.idx.add.f32.msk $0xffff, v2  }
0x1a6: {  	v12 =	vtrunc.f32 v12;
	v9 =	vmul.f32 $2.560000000e+02, v9  }
0x1a7: {  	v11 =	vtrunc.f32 v11;
	v7 =	vcvt.f32.s32 v7  }
0x1a8: {  	v8 =	vcvt.f32.s32 v8;
	v10 =	vcvt.f32.s32 v10  }
0x1a9: {  	v13 =	vtrunc.f32 v13;
	v12 =	vcvt.f32.s32 v12;
	v7 =	vshll.u32 v7, $0x4  }
0x1aa: {  	[tilespmem:v5+s10+$0x0] =	vst.idx.add.f32.msk $0xffff, v2;
	v5 =	vcvt.f32.s32 v11;
	v8 =	vshll.u32 v8, $0x4;
	v7 =	vor.u32 v1, v7  }
0x1ab: {  	v9 =	vtrunc.f32 v9;
	v10 =	vshll.u32 v10, $0x4;
	v8 =	vor.u32 v1, v8  }
0x1ac: {  	[tilespmem:v4+s10+$0x0] =	vst.idx.add.f32.msk $0xffff, v2;
	v4 =	vcvt.f32.s32 v13;
	v11 =	vshll.u32 v12, $0x4;
	v10 =	vor.u32 v1, v10  }
0x1ad: {  	[tilespmem:v3+s10+$0x0] =	vst.idx.add.f32.msk $0xffff, v2;
	v3 =	vcvt.f32.s32 v9;
	v5 =	vshll.u32 v5, $0x4;
	v9 =	vor.u32 v1, v11  }
0x1ae: {  	[tilespmem:v6+s10+$0x0] =	vst.idx.add.f32.msk $0xffff, v2;
	v4 =	vshll.u32 v4, $0x4;
	v5 =	vor.u32 v1, v5  }
0x1af: {  	v3 =	vshll.u32 v3, $0x4;
	v4 =	vor.u32 v1, v4;
	[tilespmem:v7+s10+$0x0] =	vst.idx.add.f32.msk $0xffff, v2  }
0x1b0: {  	v3 =	vor.u32 v1, v3;
	[tilespmem:v8+s10+$0x0] =	vst.idx.add.f32.msk $0xffff, v2  }
0x1b1: {  	[tilespmem:v10+s10+$0x0] =	vst.idx.add.f32.msk $0xffff, v2  }
0x1b2: {  	[tilespmem:v9+s10+$0x0] =	vst.idx.add.f32.msk $0xffff, v2  }
0x1b3: {  	[tilespmem:v5+s10+$0x0] =	vst.idx.add.f32.msk $0xffff, v2  }
0x1b4: {  	[tilespmem:v4+s10+$0x0] =	vst.idx.add.f32.msk $0xffff, v2  }
0x1b5: {  	s13 =	simm.s32 $0x0;
	[tilespmem:v3+s10+$0x0] =	vst.idx.add.f32.msk $0xffff, v2  }
0x1b6: {  	[tilespmem:s8], [sflag:$0x2] =	stream.linear.gather [hbm4b:s4+s13], $0xC000, $0x38;
	[tilespmem:$0x19000] =	vst v63  }
0x1b7: {  	s14 =	sand.u32 $0xF000, s13;
	s15 =	sand.u32 $0xC00, s13;
	_ =	swait.ge [sflag:s9], $0xC000  }
0x1b8: {  	s14 =	sor.u32 s15, s14;
	s13 =	sand.u32 $0x380, s13;
	[sflag:s9] =	ssyncset.done $0x0  }
0x1b9: {  	s13 =	sor.u32 s13, s14;
	[sflag:s9] =	ssyncadd.s32 $0xFFFF4000  }
0x1ba: {  	v3 =	vld [tilespmem:s13+$0x70]  }
0x1bb: {  	v4 =	vld [tilespmem:s13+$0x0]  }
0x1bc: {  	v5 =	vld [tilespmem:s13+$0x10]  }
0x1bd: {  	v6 =	vld [tilespmem:s13+$0x20]  }
0x1be: {  	v7 =	vld [tilespmem:s13+$0x30]  }
0x1bf: {  	v8 =	vld [tilespmem:s13+$0x40]  }
0x1c0: {  	v9 =	vld [tilespmem:s13+$0x50]  }
0x1c1: {  	v10 =	vld [tilespmem:s13+$0x60]  }
0x1c2: {  	v3 =	vmul.f32 $2.560000000e+02, v3;
	v4 =	vmul.f32 $2.560000000e+02, v4  }
0x1c3: {  	v5 =	vmul.f32 $2.560000000e+02, v5;
	v6 =	vmul.f32 $2.560000000e+02, v6  }
0x1c4: {  	v7 =	vmul.f32 $2.560000000e+02, v7;
	v3 =	vtrunc.f32 v3  }
0x1c5: {  	s17 =	simm.s32 $0x400;
	s18 =	simm.s32 $0x80;
	v8 =	vmul.f32 $2.560000000e+02, v8;
	v3 =	vcvt.f32.s32 v3  }
0x1c6: {  	s19 =	sand.u32 $0xC00, s17;
	s14 =	sand.u32 $0xF000, s18;
	s13 =	simm.s32 $0x20;
	v9 =	vmul.f32 $2.560000000e+02, v9;
	v10 =	vmul.f32 $2.560000000e+02, v10  }
0x1c7: {  	s14 =	sor.u32 s19, s14;
	s16 =	sand.u32 $0x380, s13;
	v4 =	vtrunc.f32 v4;
	v5 =	vtrunc.f32 v5;
	v3 =	vshll.u32 v3, $0x4  }
0x1c8: {  	s14 =	sor.u32 s16, s14;
	v6 =	vtrunc.f32 v6;
	v7 =	vtrunc.f32 v7;
	v3 =	vor.u32 v1, v3  }
0x1c9: {  	v13 =	vld [tilespmem:s14+$0x20];
	v8 =	vtrunc.f32 v8;
	v9 =	vtrunc.f32 v9  }
0x1ca: {  	v10 =	vtrunc.f32 v10;
	v4 =	vcvt.f32.s32 v4  }
0x1cb: {  	v11 =	vld [tilespmem:s14+$0x70];
	v5 =	vcvt.f32.s32 v5;
	v8 =	vcvt.f32.s32 v8  }
0x1cc: {  	v12 =	vld [tilespmem:s14+$0x10];
	v9 =	vcvt.f32.s32 v9;
	v10 =	vcvt.f32.s32 v10  }
0x1cd: {  	v4 =	vshll.u32 v4, $0x4;
	[tilespmem:v3+s10+$0x0] =	vst.idx.add.f32.msk $0xffff, v2;
	v3 =	vcvt.f32.s32 v6;
	v6 =	vcvt.f32.s32 v7  }
0x1ce: {  	v18 =	vld [tilespmem:s14+$0x40];
	v13 =	vmul.f32 $2.560000000e+02, v13;
	v5 =	vshll.u32 v5, $0x4;
	v14 =	vor.u32 v1, v4  }
0x1cf: {  	v15 =	vor.u32 v1, v5;
	v7 =	vld [tilespmem:s14+$0x0];
	v3 =	vshll.u32 v3, $0x4;
	v4 =	vshll.u32 v6, $0x4  }
0x1d0: {  	v6 =	vshll.u32 v8, $0x4;
	v8 =	vld [tilespmem:s14+$0x30];
	v17 =	vor.u32 v1, v3;
	v3 =	vmul.f32 $2.560000000e+02, v11  }
0x1d1: {  	v20 =	vld [tilespmem:s14+$0x50];
	v16 =	vshll.u32 v9, $0x4;
	v10 =	vshll.u32 v10, $0x4;
	v19 =	vor.u32 v1, v4  }
0x1d2: {  	v9 =	vld [tilespmem:s14+$0x60];
	v5 =	vor.u32 v1, v6;
	v6 =	vmul.f32 $2.560000000e+02, v12;
	v3 =	vtrunc.f32 v3  }
0x1d3: {  	[tilespmem:v14+s10+$0x0] =	vst.idx.add.f32.msk $0xffff, v2;
	v4 =	vor.u32 v1, v16;
	v11 =	vmul.f32 $2.560000000e+02, v18;
	v63 =	vcvt.f32.s32 v3  }
0x1d4: {  	[tilespmem:v15+s10+$0x0] =	vst.idx.add.f32.msk $0xffff, v2;
	v7 =	vmul.f32 $2.560000000e+02, v7;
	v3 =	vor.u32 v1, v10;
	v10 =	vtrunc.f32 v13  }
0x1d5: {  	v12 =	vmul.f32 $2.560000000e+02, v8;
	v8 =	vtrunc.f32 v6;
	v6 =	vshll.u32 v63, $0x4;
	[tilespmem:v17+s10+$0x0] =	vst.idx.add.f32.msk $0xffff, v2  }
0x1d6: {  	s15 =	simm.s32 $0x800;
	s16 =	simm.s32 $0x100;
	s14 =	simm.s32 $0x8;
	v13 =	vmul.f32 $2.560000000e+02, v20;
	v7 =	vtrunc.f32 v7;
	[tilespmem:v19+s10+$0x0] =	vst.idx.add.f32.msk $0xffff, v2;
	v6 =	vor.u32 v1, v6  }
.LBB2_16:
0x1d7: {  	s17 =	sand.u32 $0xF000, s16;
	s18 =	sand.u32 $0xC00, s15;
	v12 =	vtrunc.f32 v12;
	v9 =	vmul.f32 $2.560000000e+02, v9;
	s13 =	sadd.s32 $0x20, s13;
	[tilespmem:v5+s10+$0x0] =	vst.idx.add.f32.msk $0xffff, v2  }
0x1d8: {  	s14 =	sadd.s32 $0x8, s14;
	v5 =	vtrunc.f32 v11;
	s19 =	sand.u32 $0x380, s13;
	s17 =	sor.u32 s18, s17;
	v11 =	vtrunc.f32 v13;
	[tilespmem:v4+s10+$0x0] =	vst.idx.add.f32.msk $0xffff, v2  }
0x1d9: {  	p0 =	slt.u32 s14, $0xBF8;
	v4 =	vcvt.f32.s32 v7;
	s17 =	sor.u32 s19, s17;
	v7 =	vtrunc.f32 v9;
	[tilespmem:v3+s10+$0x0] =	vst.idx.add.f32.msk $0xffff, v2  }
0x1da: {  	v8 =	vcvt.f32.s32 v8;
	v9 =	vcvt.f32.s32 v10;
	v3 =	vld [tilespmem:s17+$0x70]  }
0x1db: {  	v5 =	vcvt.f32.s32 v5;
	v10 =	vcvt.f32.s32 v12;
	v4 =	vshll.u32 v4, $0x4;
	[tilespmem:v6+s10+$0x0] =	vst.idx.add.f32.msk $0xffff, v2  }
0x1dc: {  	v8 =	vshll.u32 v8, $0x4;
	v11 =	vcvt.f32.s32 v11;
	v7 =	vcvt.f32.s32 v7;
	v6 =	vld [tilespmem:s17+$0x0]  }
0x1dd: {  	v5 =	vshll.u32 v5, $0x4;
	v9 =	vshll.u32 v9, $0x4;
	v10 =	vshll.u32 v10, $0x4;
	v12 =	vld [tilespmem:s17+$0x10]  }
0x1de: {  	v14 =	vor.u32 v1, v4;
	v4 =	vshll.u32 v11, $0x4;
	v7 =	vshll.u32 v7, $0x4;
	v13 =	vld [tilespmem:s17+$0x20]  }
0x1df: {  	v8 =	vor.u32 v1, v8;
	v15 =	vor.u32 v1, v9;
	v16 =	vor.u32 v1, v10;
	v11 =	vld [tilespmem:s17+$0x30]  }
0x1e0: {  	v5 =	vor.u32 v1, v5;
	v4 =	vor.u32 v1, v4;
	v17 =	vmul.f32 $2.560000000e+02, v3;
	v10 =	vld [tilespmem:s17+$0x40]  }
0x1e1: {  	v3 =	vor.u32 v1, v7;
	v6 =	vmul.f32 $2.560000000e+02, v6;
	v18 =	vld [tilespmem:s17+$0x50]  }
.Ltmp7:
0x1e2: {  	v7 =	vtrunc.f32 v17;
	v19 =	vmul.f32 $2.560000000e+02, v12;
	v9 =	vld [tilespmem:s17+$0x60];
	(pc) =	sbr.rel @p0 .LBB2_16-.Ltmp7, $4  }
0x1e3: {  	v17 =	vcvt.f32.s32 v7;
	v13 =	vmul.f32 $2.560000000e+02, v13;
	[tilespmem:v14+s10+$0x0] =	vst.idx.add.f32.msk $0xffff, v2  }
0x1e4: {  	v7 =	vtrunc.f32 v6;
	v12 =	vmul.f32 $2.560000000e+02, v11;
	[tilespmem:v8+s10+$0x0] =	vst.idx.add.f32.msk $0xffff, v2  }
0x1e5: {  	v8 =	vtrunc.f32 v19;
	v6 =	vshll.u32 v17, $0x4;
	v11 =	vmul.f32 $2.560000000e+02, v10;
	[tilespmem:v15+s10+$0x0] =	vst.idx.add.f32.msk $0xffff, v2  }
0x1e6: {  	s15 =	sadd.s32 $0x400, s15;
	s16 =	sadd.s32 $0x80, s16;
	v10 =	vtrunc.f32 v13;
	v6 =	vor.u32 v1, v6;
	v13 =	vmul.f32 $2.560000000e+02, v18;
	[tilespmem:v16+s10+$0x0] =	vst.idx.add.f32.msk $0xffff, v2  }
0x1e7: {  	v12 =	vtrunc.f32 v12;
	v9 =	vmul.f32 $2.560000000e+02, v9  }
0x1e8: {  	v11 =	vtrunc.f32 v11;
	v7 =	vcvt.f32.s32 v7  }
0x1e9: {  	v8 =	vcvt.f32.s32 v8;
	v10 =	vcvt.f32.s32 v10  }
0x1ea: {  	v13 =	vtrunc.f32 v13;
	v12 =	vcvt.f32.s32 v12;
	v7 =	vshll.u32 v7, $0x4  }
0x1eb: {  	[tilespmem:v5+s10+$0x0] =	vst.idx.add.f32.msk $0xffff, v2;
	v5 =	vcvt.f32.s32 v11;
	v8 =	vshll.u32 v8, $0x4;
	v7 =	vor.u32 v1, v7  }
0x1ec: {  	v9 =	vtrunc.f32 v9;
	v10 =	vshll.u32 v10, $0x4;
	v8 =	vor.u32 v1, v8  }
0x1ed: {  	[tilespmem:v4+s10+$0x0] =	vst.idx.add.f32.msk $0xffff, v2;
	v4 =	vcvt.f32.s32 v13;
	v11 =	vshll.u32 v12, $0x4;
	v10 =	vor.u32 v1, v10  }
0x1ee: {  	[tilespmem:v3+s10+$0x0] =	vst.idx.add.f32.msk $0xffff, v2;
	v3 =	vcvt.f32.s32 v9;
	v5 =	vshll.u32 v5, $0x4;
	v9 =	vor.u32 v1, v11  }
0x1ef: {  	[tilespmem:v6+s10+$0x0] =	vst.idx.add.f32.msk $0xffff, v2;
	v4 =	vshll.u32 v4, $0x4;
	v5 =	vor.u32 v1, v5  }
0x1f0: {  	v3 =	vshll.u32 v3, $0x4;
	v4 =	vor.u32 v1, v4;
	[tilespmem:v7+s10+$0x0] =	vst.idx.add.f32.msk $0xffff, v2  }
0x1f1: {  	v3 =	vor.u32 v1, v3;
	[tilespmem:v8+s10+$0x0] =	vst.idx.add.f32.msk $0xffff, v2  }
0x1f2: {  	[tilespmem:v10+s10+$0x0] =	vst.idx.add.f32.msk $0xffff, v2  }
0x1f3: {  	[tilespmem:v9+s10+$0x0] =	vst.idx.add.f32.msk $0xffff, v2  }
0x1f4: {  	[tilespmem:v5+s10+$0x0] =	vst.idx.add.f32.msk $0xffff, v2  }
0x1f5: {  	[tilespmem:v4+s10+$0x0] =	vst.idx.add.f32.msk $0xffff, v2  }
0x1f6: {  	s13 =	simm.s32 $0x0;
	[tilespmem:v3+s10+$0x0] =	vst.idx.add.f32.msk $0xffff, v2  }
0x1f7: {  	[tilespmem:s13], [sflag:$0x1] =	stream.linear.gather [hbm4b:s5+s13], $0xC000, $0x38;
	[tilespmem:$0x19000] =	vst v63  }
0x1f8: {  	s14 =	sand.u32 $0xF000, s13;
	s15 =	sand.u32 $0xC00, s13;
	_ =	swait.ge [sflag:s11], $0xC000  }
0x1f9: {  	s14 =	sor.u32 s15, s14;
	s13 =	sand.u32 $0x380, s13;
	[sflag:s11] =	ssyncset.done $0x0  }
0x1fa: {  	s13 =	sor.u32 s13, s14;
	[sflag:s11] =	ssyncadd.s32 $0xFFFF4000  }
0x1fb: {  	v3 =	vld [tilespmem:s13+$0xC070]  }
0x1fc: {  	v4 =	vld [tilespmem:s13+$0xC000]  }
0x1fd: {  	v5 =	vld [tilespmem:s13+$0xC010]  }
0x1fe: {  	v6 =	vld [tilespmem:s13+$0xC020]  }
0x1ff: {  	v7 =	vld [tilespmem:s13+$0xC030]  }
0x200: {  	v8 =	vld [tilespmem:s13+$0xC040]  }
0x201: {  	v9 =	vld [tilespmem:s13+$0xC050]  }
0x202: {  	v10 =	vld [tilespmem:s13+$0xC060]  }
0x203: {  	v3 =	vmul.f32 $2.560000000e+02, v3;
	v4 =	vmul.f32 $2.560000000e+02, v4  }
0x204: {  	v5 =	vmul.f32 $2.560000000e+02, v5;
	v6 =	vmul.f32 $2.560000000e+02, v6  }
0x205: {  	v7 =	vmul.f32 $2.560000000e+02, v7;
	v3 =	vtrunc.f32 v3  }
0x206: {  	s17 =	simm.s32 $0x400;
	s18 =	simm.s32 $0x80;
	v8 =	vmul.f32 $2.560000000e+02, v8;
	v3 =	vcvt.f32.s32 v3  }
0x207: {  	s19 =	sand.u32 $0xC00, s17;
	s14 =	sand.u32 $0xF000, s18;
	s13 =	simm.s32 $0x20;
	v9 =	vmul.f32 $2.560000000e+02, v9;
	v10 =	vmul.f32 $2.560000000e+02, v10  }
0x208: {  	s14 =	sor.u32 s19, s14;
	s16 =	sand.u32 $0x380, s13;
	v4 =	vtrunc.f32 v4;
	v5 =	vtrunc.f32 v5;
	v3 =	vshll.u32 v3, $0x4  }
0x209: {  	s14 =	sor.u32 s16, s14;
	v6 =	vtrunc.f32 v6;
	v7 =	vtrunc.f32 v7;
	v3 =	vor.u32 v1, v3  }
0x20a: {  	v13 =	vld [tilespmem:s14+$0xC020];
	v8 =	vtrunc.f32 v8;
	v9 =	vtrunc.f32 v9  }
0x20b: {  	v10 =	vtrunc.f32 v10;
	v4 =	vcvt.f32.s32 v4  }
0x20c: {  	v11 =	vld [tilespmem:s14+$0xC070];
	v5 =	vcvt.f32.s32 v5;
	v8 =	vcvt.f32.s32 v8  }
0x20d: {  	v12 =	vld [tilespmem:s14+$0xC010];
	v9 =	vcvt.f32.s32 v9;
	v10 =	vcvt.f32.s32 v10  }
0x20e: {  	v4 =	vshll.u32 v4, $0x4;
	[tilespmem:v3+s10+$0x0] =	vst.idx.add.f32.msk $0xffff, v2;
	v3 =	vcvt.f32.s32 v6;
	v6 =	vcvt.f32.s32 v7  }
0x20f: {  	v18 =	vld [tilespmem:s14+$0xC040];
	v13 =	vmul.f32 $2.560000000e+02, v13;
	v5 =	vshll.u32 v5, $0x4;
	v14 =	vor.u32 v1, v4  }
0x210: {  	v15 =	vor.u32 v1, v5;
	v7 =	vld [tilespmem:s14+$0xC000];
	v3 =	vshll.u32 v3, $0x4;
	v4 =	vshll.u32 v6, $0x4  }
0x211: {  	v6 =	vshll.u32 v8, $0x4;
	v8 =	vld [tilespmem:s14+$0xC030];
	v17 =	vor.u32 v1, v3;
	v3 =	vmul.f32 $2.560000000e+02, v11  }
0x212: {  	v20 =	vld [tilespmem:s14+$0xC050];
	v16 =	vshll.u32 v9, $0x4;
	v10 =	vshll.u32 v10, $0x4;
	v19 =	vor.u32 v1, v4  }
0x213: {  	v9 =	vld [tilespmem:s14+$0xC060];
	v5 =	vor.u32 v1, v6;
	v6 =	vmul.f32 $2.560000000e+02, v12;
	v3 =	vtrunc.f32 v3  }
0x214: {  	[tilespmem:v14+s10+$0x0] =	vst.idx.add.f32.msk $0xffff, v2;
	v4 =	vor.u32 v1, v16;
	v11 =	vmul.f32 $2.560000000e+02, v18;
	v63 =	vcvt.f32.s32 v3  }
0x215: {  	[tilespmem:v15+s10+$0x0] =	vst.idx.add.f32.msk $0xffff, v2;
	v7 =	vmul.f32 $2.560000000e+02, v7;
	v3 =	vor.u32 v1, v10;
	v10 =	vtrunc.f32 v13  }
0x216: {  	v12 =	vmul.f32 $2.560000000e+02, v8;
	v8 =	vtrunc.f32 v6;
	v6 =	vshll.u32 v63, $0x4;
	[tilespmem:v17+s10+$0x0] =	vst.idx.add.f32.msk $0xffff, v2  }
0x217: {  	s15 =	simm.s32 $0x800;
	s16 =	simm.s32 $0x100;
	s14 =	simm.s32 $0x8;
	v13 =	vmul.f32 $2.560000000e+02, v20;
	v7 =	vtrunc.f32 v7;
	[tilespmem:v19+s10+$0x0] =	vst.idx.add.f32.msk $0xffff, v2;
	v6 =	vor.u32 v1, v6  }
.LBB2_18:
0x218: {  	s17 =	sand.u32 $0xF000, s16;
	s18 =	sand.u32 $0xC00, s15;
	v12 =	vtrunc.f32 v12;
	v9 =	vmul.f32 $2.560000000e+02, v9;
	s13 =	sadd.s32 $0x20, s13;
	[tilespmem:v5+s10+$0x0] =	vst.idx.add.f32.msk $0xffff, v2  }
0x219: {  	s14 =	sadd.s32 $0x8, s14;
	v5 =	vtrunc.f32 v11;
	s19 =	sand.u32 $0x380, s13;
	s17 =	sor.u32 s18, s17;
	v11 =	vtrunc.f32 v13;
	[tilespmem:v4+s10+$0x0] =	vst.idx.add.f32.msk $0xffff, v2  }
0x21a: {  	p0 =	slt.u32 s14, $0xBF8;
	v4 =	vcvt.f32.s32 v7;
	s17 =	sor.u32 s19, s17;
	v7 =	vtrunc.f32 v9;
	[tilespmem:v3+s10+$0x0] =	vst.idx.add.f32.msk $0xffff, v2  }
0x21b: {  	v8 =	vcvt.f32.s32 v8;
	v9 =	vcvt.f32.s32 v10;
	v3 =	vld [tilespmem:s17+$0xC070]  }
0x21c: {  	v5 =	vcvt.f32.s32 v5;
	v10 =	vcvt.f32.s32 v12;
	v4 =	vshll.u32 v4, $0x4;
	[tilespmem:v6+s10+$0x0] =	vst.idx.add.f32.msk $0xffff, v2  }
0x21d: {  	v8 =	vshll.u32 v8, $0x4;
	v11 =	vcvt.f32.s32 v11;
	v7 =	vcvt.f32.s32 v7;
	v6 =	vld [tilespmem:s17+$0xC000]  }
0x21e: {  	v5 =	vshll.u32 v5, $0x4;
	v9 =	vshll.u32 v9, $0x4;
	v10 =	vshll.u32 v10, $0x4;
	v12 =	vld [tilespmem:s17+$0xC010]  }
0x21f: {  	v14 =	vor.u32 v1, v4;
	v4 =	vshll.u32 v11, $0x4;
	v7 =	vshll.u32 v7, $0x4;
	v13 =	vld [tilespmem:s17+$0xC020]  }
0x220: {  	v8 =	vor.u32 v1, v8;
	v15 =	vor.u32 v1, v9;
	v16 =	vor.u32 v1, v10;
	v11 =	vld [tilespmem:s17+$0xC030]  }
0x221: {  	v5 =	vor.u32 v1, v5;
	v4 =	vor.u32 v1, v4;
	v17 =	vmul.f32 $2.560000000e+02, v3;
	v10 =	vld [tilespmem:s17+$0xC040]  }
0x222: {  	v3 =	vor.u32 v1, v7;
	v6 =	vmul.f32 $2.560000000e+02, v6;
	v18 =	vld [tilespmem:s17+$0xC050]  }
.Ltmp8:
0x223: {  	v7 =	vtrunc.f32 v17;
	v19 =	vmul.f32 $2.560000000e+02, v12;
	v9 =	vld [tilespmem:s17+$0xC060];
	(pc) =	sbr.rel @p0 .LBB2_18-.Ltmp8, $4  }
0x224: {  	v17 =	vcvt.f32.s32 v7;
	v13 =	vmul.f32 $2.560000000e+02, v13;
	[tilespmem:v14+s10+$0x0] =	vst.idx.add.f32.msk $0xffff, v2  }
0x225: {  	v7 =	vtrunc.f32 v6;
	v12 =	vmul.f32 $2.560000000e+02, v11;
	[tilespmem:v8+s10+$0x0] =	vst.idx.add.f32.msk $0xffff, v2  }
0x226: {  	v8 =	vtrunc.f32 v19;
	v6 =	vshll.u32 v17, $0x4;
	v11 =	vmul.f32 $2.560000000e+02, v10;
	[tilespmem:v15+s10+$0x0] =	vst.idx.add.f32.msk $0xffff, v2  }
0x227: {  	s15 =	sadd.s32 $0x400, s15;
	s16 =	sadd.s32 $0x80, s16;
	v10 =	vtrunc.f32 v13;
	v6 =	vor.u32 v1, v6;
	v13 =	vmul.f32 $2.560000000e+02, v18;
	[tilespmem:v16+s10+$0x0] =	vst.idx.add.f32.msk $0xffff, v2  }
0x228: {  	v12 =	vtrunc.f32 v12;
	v9 =	vmul.f32 $2.560000000e+02, v9  }
0x229: {  	v11 =	vtrunc.f32 v11;
	v7 =	vcvt.f32.s32 v7  }
0x22a: {  	v8 =	vcvt.f32.s32 v8;
	v10 =	vcvt.f32.s32 v10  }
0x22b: {  	v13 =	vtrunc.f32 v13;
	v12 =	vcvt.f32.s32 v12;
	v7 =	vshll.u32 v7, $0x4  }
0x22c: {  	[tilespmem:v5+s10+$0x0] =	vst.idx.add.f32.msk $0xffff, v2;
	v5 =	vcvt.f32.s32 v11;
	v8 =	vshll.u32 v8, $0x4;
	v7 =	vor.u32 v1, v7  }
0x22d: {  	v9 =	vtrunc.f32 v9;
	v10 =	vshll.u32 v10, $0x4;
	v8 =	vor.u32 v1, v8  }
0x22e: {  	[tilespmem:v4+s10+$0x0] =	vst.idx.add.f32.msk $0xffff, v2;
	v4 =	vcvt.f32.s32 v13;
	v11 =	vshll.u32 v12, $0x4;
	v10 =	vor.u32 v1, v10  }
0x22f: {  	[tilespmem:v3+s10+$0x0] =	vst.idx.add.f32.msk $0xffff, v2;
	v3 =	vcvt.f32.s32 v9;
	v5 =	vshll.u32 v5, $0x4;
	v9 =	vor.u32 v1, v11  }
0x230: {  	[tilespmem:v6+s10+$0x0] =	vst.idx.add.f32.msk $0xffff, v2;
	v4 =	vshll.u32 v4, $0x4;
	v5 =	vor.u32 v1, v5  }
0x231: {  	v3 =	vshll.u32 v3, $0x4;
	v4 =	vor.u32 v1, v4;
	[tilespmem:v7+s10+$0x0] =	vst.idx.add.f32.msk $0xffff, v2  }
0x232: {  	v3 =	vor.u32 v1, v3;
	[tilespmem:v8+s10+$0x0] =	vst.idx.add.f32.msk $0xffff, v2  }
0x233: {  	[tilespmem:v10+s10+$0x0] =	vst.idx.add.f32.msk $0xffff, v2  }
0x234: {  	[tilespmem:v9+s10+$0x0] =	vst.idx.add.f32.msk $0xffff, v2  }
0x235: {  	[tilespmem:v5+s10+$0x0] =	vst.idx.add.f32.msk $0xffff, v2  }
0x236: {  	[tilespmem:v4+s10+$0x0] =	vst.idx.add.f32.msk $0xffff, v2  }
0x237: {  	s13 =	simm.s32 $0x0;
	[tilespmem:v3+s10+$0x0] =	vst.idx.add.f32.msk $0xffff, v2  }
0x238: {  	[tilespmem:s8], [sflag:$0x2] =	stream.linear.gather [hbm4b:s6+s13], $0xC000, $0x38;
	[tilespmem:$0x19000] =	vst v63  }
0x239: {  	s14 =	sand.u32 $0xF000, s13;
	s15 =	sand.u32 $0xC00, s13;
	_ =	swait.ge [sflag:s9], $0xC000  }
0x23a: {  	s14 =	sor.u32 s15, s14;
	s13 =	sand.u32 $0x380, s13;
	[sflag:s9] =	ssyncset.done $0x0  }
0x23b: {  	s13 =	sor.u32 s13, s14;
	[sflag:s9] =	ssyncadd.s32 $0xFFFF4000  }
0x23c: {  	v3 =	vld [tilespmem:s13+$0x70]  }
0x23d: {  	v4 =	vld [tilespmem:s13+$0x0]  }
0x23e: {  	v5 =	vld [tilespmem:s13+$0x10]  }
0x23f: {  	v6 =	vld [tilespmem:s13+$0x20]  }
0x240: {  	v7 =	vld [tilespmem:s13+$0x30]  }
0x241: {  	v8 =	vld [tilespmem:s13+$0x40]  }
0x242: {  	v9 =	vld [tilespmem:s13+$0x50]  }
0x243: {  	v10 =	vld [tilespmem:s13+$0x60]  }
0x244: {  	v3 =	vmul.f32 $2.560000000e+02, v3;
	v4 =	vmul.f32 $2.560000000e+02, v4  }
0x245: {  	v5 =	vmul.f32 $2.560000000e+02, v5;
	v6 =	vmul.f32 $2.560000000e+02, v6  }
0x246: {  	v7 =	vmul.f32 $2.560000000e+02, v7;
	v3 =	vtrunc.f32 v3  }
0x247: {  	s17 =	simm.s32 $0x400;
	s18 =	simm.s32 $0x80;
	v8 =	vmul.f32 $2.560000000e+02, v8;
	v3 =	vcvt.f32.s32 v3  }
0x248: {  	s19 =	sand.u32 $0xC00, s17;
	s14 =	sand.u32 $0xF000, s18;
	s13 =	simm.s32 $0x20;
	v9 =	vmul.f32 $2.560000000e+02, v9;
	v10 =	vmul.f32 $2.560000000e+02, v10  }
0x249: {  	s14 =	sor.u32 s19, s14;
	s16 =	sand.u32 $0x380, s13;
	v4 =	vtrunc.f32 v4;
	v5 =	vtrunc.f32 v5;
	v3 =	vshll.u32 v3, $0x4  }
0x24a: {  	s14 =	sor.u32 s16, s14;
	v6 =	vtrunc.f32 v6;
	v7 =	vtrunc.f32 v7;
	v3 =	vor.u32 v1, v3  }
0x24b: {  	v13 =	vld [tilespmem:s14+$0x20];
	v8 =	vtrunc.f32 v8;
	v9 =	vtrunc.f32 v9  }
0x24c: {  	v10 =	vtrunc.f32 v10;
	v4 =	vcvt.f32.s32 v4  }
0x24d: {  	v11 =	vld [tilespmem:s14+$0x70];
	v5 =	vcvt.f32.s32 v5;
	v8 =	vcvt.f32.s32 v8  }
0x24e: {  	v12 =	vld [tilespmem:s14+$0x10];
	v9 =	vcvt.f32.s32 v9;
	v10 =	vcvt.f32.s32 v10  }
0x24f: {  	v4 =	vshll.u32 v4, $0x4;
	[tilespmem:v3+s10+$0x0] =	vst.idx.add.f32.msk $0xffff, v2;
	v3 =	vcvt.f32.s32 v6;
	v6 =	vcvt.f32.s32 v7  }
0x250: {  	v18 =	vld [tilespmem:s14+$0x40];
	v13 =	vmul.f32 $2.560000000e+02, v13;
	v5 =	vshll.u32 v5, $0x4;
	v14 =	vor.u32 v1, v4  }
0x251: {  	v15 =	vor.u32 v1, v5;
	v7 =	vld [tilespmem:s14+$0x0];
	v3 =	vshll.u32 v3, $0x4;
	v4 =	vshll.u32 v6, $0x4  }
0x252: {  	v6 =	vshll.u32 v8, $0x4;
	v8 =	vld [tilespmem:s14+$0x30];
	v17 =	vor.u32 v1, v3;
	v3 =	vmul.f32 $2.560000000e+02, v11  }
0x253: {  	v20 =	vld [tilespmem:s14+$0x50];
	v16 =	vshll.u32 v9, $0x4;
	v10 =	vshll.u32 v10, $0x4;
	v19 =	vor.u32 v1, v4  }
0x254: {  	v9 =	vld [tilespmem:s14+$0x60];
	v5 =	vor.u32 v1, v6;
	v6 =	vmul.f32 $2.560000000e+02, v12;
	v3 =	vtrunc.f32 v3  }
0x255: {  	[tilespmem:v14+s10+$0x0] =	vst.idx.add.f32.msk $0xffff, v2;
	v4 =	vor.u32 v1, v16;
	v11 =	vmul.f32 $2.560000000e+02, v18;
	v63 =	vcvt.f32.s32 v3  }
0x256: {  	[tilespmem:v15+s10+$0x0] =	vst.idx.add.f32.msk $0xffff, v2;
	v7 =	vmul.f32 $2.560000000e+02, v7;
	v3 =	vor.u32 v1, v10;
	v10 =	vtrunc.f32 v13  }
0x257: {  	v12 =	vmul.f32 $2.560000000e+02, v8;
	v8 =	vtrunc.f32 v6;
	v6 =	vshll.u32 v63, $0x4;
	[tilespmem:v17+s10+$0x0] =	vst.idx.add.f32.msk $0xffff, v2  }
0x258: {  	s15 =	simm.s32 $0x800;
	s16 =	simm.s32 $0x100;
	s14 =	simm.s32 $0x8;
	v13 =	vmul.f32 $2.560000000e+02, v20;
	v7 =	vtrunc.f32 v7;
	[tilespmem:v19+s10+$0x0] =	vst.idx.add.f32.msk $0xffff, v2;
	v6 =	vor.u32 v1, v6  }
.LBB2_20:
0x259: {  	s17 =	sand.u32 $0xF000, s16;
	s18 =	sand.u32 $0xC00, s15;
	v12 =	vtrunc.f32 v12;
	v9 =	vmul.f32 $2.560000000e+02, v9;
	s13 =	sadd.s32 $0x20, s13;
	[tilespmem:v5+s10+$0x0] =	vst.idx.add.f32.msk $0xffff, v2  }
0x25a: {  	s14 =	sadd.s32 $0x8, s14;
	v5 =	vtrunc.f32 v11;
	s19 =	sand.u32 $0x380, s13;
	s17 =	sor.u32 s18, s17;
	v11 =	vtrunc.f32 v13;
	[tilespmem:v4+s10+$0x0] =	vst.idx.add.f32.msk $0xffff, v2  }
0x25b: {  	p0 =	slt.u32 s14, $0xBF8;
	v4 =	vcvt.f32.s32 v7;
	s17 =	sor.u32 s19, s17;
	v7 =	vtrunc.f32 v9;
	[tilespmem:v3+s10+$0x0] =	vst.idx.add.f32.msk $0xffff, v2  }
0x25c: {  	v8 =	vcvt.f32.s32 v8;
	v9 =	vcvt.f32.s32 v10;
	v3 =	vld [tilespmem:s17+$0x70]  }
0x25d: {  	v5 =	vcvt.f32.s32 v5;
	v10 =	vcvt.f32.s32 v12;
	v4 =	vshll.u32 v4, $0x4;
	[tilespmem:v6+s10+$0x0] =	vst.idx.add.f32.msk $0xffff, v2  }
0x25e: {  	v8 =	vshll.u32 v8, $0x4;
	v11 =	vcvt.f32.s32 v11;
	v7 =	vcvt.f32.s32 v7;
	v6 =	vld [tilespmem:s17+$0x0]  }
0x25f: {  	v5 =	vshll.u32 v5, $0x4;
	v9 =	vshll.u32 v9, $0x4;
	v10 =	vshll.u32 v10, $0x4;
	v12 =	vld [tilespmem:s17+$0x10]  }
0x260: {  	v14 =	vor.u32 v1, v4;
	v4 =	vshll.u32 v11, $0x4;
	v7 =	vshll.u32 v7, $0x4;
	v13 =	vld [tilespmem:s17+$0x20]  }
0x261: {  	v8 =	vor.u32 v1, v8;
	v15 =	vor.u32 v1, v9;
	v16 =	vor.u32 v1, v10;
	v11 =	vld [tilespmem:s17+$0x30]  }
0x262: {  	v5 =	vor.u32 v1, v5;
	v4 =	vor.u32 v1, v4;
	v17 =	vmul.f32 $2.560000000e+02, v3;
	v10 =	vld [tilespmem:s17+$0x40]  }
0x263: {  	v3 =	vor.u32 v1, v7;
	v6 =	vmul.f32 $2.560000000e+02, v6;
	v18 =	vld [tilespmem:s17+$0x50]  }
.Ltmp9:
0x264: {  	v7 =	vtrunc.f32 v17;
	v19 =	vmul.f32 $2.560000000e+02, v12;
	v9 =	vld [tilespmem:s17+$0x60];
	(pc) =	sbr.rel @p0 .LBB2_20-.Ltmp9, $4  }
0x265: {  	v17 =	vcvt.f32.s32 v7;
	v13 =	vmul.f32 $2.560000000e+02, v13;
	[tilespmem:v14+s10+$0x0] =	vst.idx.add.f32.msk $0xffff, v2  }
0x266: {  	v7 =	vtrunc.f32 v6;
	v12 =	vmul.f32 $2.560000000e+02, v11;
	[tilespmem:v8+s10+$0x0] =	vst.idx.add.f32.msk $0xffff, v2  }
0x267: {  	v8 =	vtrunc.f32 v19;
	v6 =	vshll.u32 v17, $0x4;
	v11 =	vmul.f32 $2.560000000e+02, v10;
	[tilespmem:v15+s10+$0x0] =	vst.idx.add.f32.msk $0xffff, v2  }
0x268: {  	s15 =	sadd.s32 $0x400, s15;
	s16 =	sadd.s32 $0x80, s16;
	v10 =	vtrunc.f32 v13;
	v6 =	vor.u32 v1, v6;
	v13 =	vmul.f32 $2.560000000e+02, v18;
	[tilespmem:v16+s10+$0x0] =	vst.idx.add.f32.msk $0xffff, v2  }
0x269: {  	v12 =	vtrunc.f32 v12;
	v9 =	vmul.f32 $2.560000000e+02, v9  }
0x26a: {  	v11 =	vtrunc.f32 v11;
	v7 =	vcvt.f32.s32 v7  }
0x26b: {  	v8 =	vcvt.f32.s32 v8;
	v10 =	vcvt.f32.s32 v10  }
0x26c: {  	v13 =	vtrunc.f32 v13;
	v12 =	vcvt.f32.s32 v12;
	v7 =	vshll.u32 v7, $0x4  }
0x26d: {  	[tilespmem:v5+s10+$0x0] =	vst.idx.add.f32.msk $0xffff, v2;
	v5 =	vcvt.f32.s32 v11;
	v8 =	vshll.u32 v8, $0x4;
	v7 =	vor.u32 v1, v7  }
0x26e: {  	v9 =	vtrunc.f32 v9;
	v10 =	vshll.u32 v10, $0x4;
	v8 =	vor.u32 v1, v8  }
0x26f: {  	[tilespmem:v4+s10+$0x0] =	vst.idx.add.f32.msk $0xffff, v2;
	v4 =	vcvt.f32.s32 v13;
	v11 =	vshll.u32 v12, $0x4;
	v10 =	vor.u32 v1, v10  }
0x270: {  	[tilespmem:v3+s10+$0x0] =	vst.idx.add.f32.msk $0xffff, v2;
	v3 =	vcvt.f32.s32 v9;
	v5 =	vshll.u32 v5, $0x4;
	v9 =	vor.u32 v1, v11  }
0x271: {  	[tilespmem:v6+s10+$0x0] =	vst.idx.add.f32.msk $0xffff, v2;
	v4 =	vshll.u32 v4, $0x4;
	v5 =	vor.u32 v1, v5  }
0x272: {  	v3 =	vshll.u32 v3, $0x4;
	v4 =	vor.u32 v1, v4;
	[tilespmem:v7+s10+$0x0] =	vst.idx.add.f32.msk $0xffff, v2  }
0x273: {  	v3 =	vor.u32 v1, v3;
	[tilespmem:v8+s10+$0x0] =	vst.idx.add.f32.msk $0xffff, v2  }
0x274: {  	[tilespmem:v10+s10+$0x0] =	vst.idx.add.f32.msk $0xffff, v2  }
0x275: {  	[tilespmem:v9+s10+$0x0] =	vst.idx.add.f32.msk $0xffff, v2  }
0x276: {  	[tilespmem:v5+s10+$0x0] =	vst.idx.add.f32.msk $0xffff, v2  }
0x277: {  	[tilespmem:v4+s10+$0x0] =	vst.idx.add.f32.msk $0xffff, v2  }
0x278: {  	s13 =	simm.s32 $0x0;
	[tilespmem:v3+s10+$0x0] =	vst.idx.add.f32.msk $0xffff, v2  }
0x279: {  	[tilespmem:s13], [sflag:$0x1] =	stream.linear.gather [hbm4b:s7+s13], $0xC000, $0x38;
	[tilespmem:$0x19000] =	vst v63  }
0x27a: {  	s14 =	sand.u32 $0xF000, s13;
	s15 =	sand.u32 $0xC00, s13;
	_ =	swait.ge [sflag:s11], $0xC000  }
0x27b: {  	s14 =	sor.u32 s15, s14;
	s13 =	sand.u32 $0x380, s13;
	[sflag:s11] =	ssyncset.done $0x0  }
0x27c: {  	s13 =	sor.u32 s13, s14;
	[sflag:s11] =	ssyncadd.s32 $0xFFFF4000  }
0x27d: {  	v3 =	vld [tilespmem:s13+$0xC070]  }
0x27e: {  	v4 =	vld [tilespmem:s13+$0xC000]  }
0x27f: {  	v5 =	vld [tilespmem:s13+$0xC010]  }
0x280: {  	v6 =	vld [tilespmem:s13+$0xC020]  }
0x281: {  	v7 =	vld [tilespmem:s13+$0xC030]  }
0x282: {  	v8 =	vld [tilespmem:s13+$0xC040]  }
0x283: {  	v9 =	vld [tilespmem:s13+$0xC050]  }
0x284: {  	v10 =	vld [tilespmem:s13+$0xC060]  }
0x285: {  	v3 =	vmul.f32 $2.560000000e+02, v3;
	v4 =	vmul.f32 $2.560000000e+02, v4  }
0x286: {  	v5 =	vmul.f32 $2.560000000e+02, v5;
	v6 =	vmul.f32 $2.560000000e+02, v6  }
0x287: {  	v7 =	vmul.f32 $2.560000000e+02, v7;
	v3 =	vtrunc.f32 v3  }
0x288: {  	s17 =	simm.s32 $0x400;
	s18 =	simm.s32 $0x80;
	v8 =	vmul.f32 $2.560000000e+02, v8;
	v3 =	vcvt.f32.s32 v3  }
0x289: {  	s19 =	sand.u32 $0xC00, s17;
	s14 =	sand.u32 $0xF000, s18;
	s13 =	simm.s32 $0x20;
	v9 =	vmul.f32 $2.560000000e+02, v9;
	v10 =	vmul.f32 $2.560000000e+02, v10  }
0x28a: {  	s14 =	sor.u32 s19, s14;
	s16 =	sand.u32 $0x380, s13;
	v4 =	vtrunc.f32 v4;
	v5 =	vtrunc.f32 v5;
	v3 =	vshll.u32 v3, $0x4  }
0x28b: {  	s14 =	sor.u32 s16, s14;
	v6 =	vtrunc.f32 v6;
	v7 =	vtrunc.f32 v7;
	v3 =	vor.u32 v1, v3  }
0x28c: {  	v13 =	vld [tilespmem:s14+$0xC020];
	v8 =	vtrunc.f32 v8;
	v9 =	vtrunc.f32 v9  }
0x28d: {  	v10 =	vtrunc.f32 v10;
	v4 =	vcvt.f32.s32 v4  }
0x28e: {  	v11 =	vld [tilespmem:s14+$0xC070];
	v5 =	vcvt.f32.s32 v5;
	v8 =	vcvt.f32.s32 v8  }
0x28f: {  	v12 =	vld [tilespmem:s14+$0xC010];
	v9 =	vcvt.f32.s32 v9;
	v10 =	vcvt.f32.s32 v10  }
0x290: {  	v4 =	vshll.u32 v4, $0x4;
	[tilespmem:v3+s10+$0x0] =	vst.idx.add.f32.msk $0xffff, v2;
	v3 =	vcvt.f32.s32 v6;
	v6 =	vcvt.f32.s32 v7  }
0x291: {  	v18 =	vld [tilespmem:s14+$0xC040];
	v13 =	vmul.f32 $2.560000000e+02, v13;
	v5 =	vshll.u32 v5, $0x4;
	v14 =	vor.u32 v1, v4  }
0x292: {  	v15 =	vor.u32 v1, v5;
	v7 =	vld [tilespmem:s14+$0xC000];
	v3 =	vshll.u32 v3, $0x4;
	v4 =	vshll.u32 v6, $0x4  }
0x293: {  	v6 =	vshll.u32 v8, $0x4;
	v8 =	vld [tilespmem:s14+$0xC030];
	v17 =	vor.u32 v1, v3;
	v3 =	vmul.f32 $2.560000000e+02, v11  }
0x294: {  	v20 =	vld [tilespmem:s14+$0xC050];
	v16 =	vshll.u32 v9, $0x4;
	v10 =	vshll.u32 v10, $0x4;
	v19 =	vor.u32 v1, v4  }
0x295: {  	v9 =	vld [tilespmem:s14+$0xC060];
	v5 =	vor.u32 v1, v6;
	v6 =	vmul.f32 $2.560000000e+02, v12;
	v3 =	vtrunc.f32 v3  }
0x296: {  	[tilespmem:v14+s10+$0x0] =	vst.idx.add.f32.msk $0xffff, v2;
	v4 =	vor.u32 v1, v16;
	v11 =	vmul.f32 $2.560000000e+02, v18;
	v63 =	vcvt.f32.s32 v3  }
0x297: {  	[tilespmem:v15+s10+$0x0] =	vst.idx.add.f32.msk $0xffff, v2;
	v7 =	vmul.f32 $2.560000000e+02, v7;
	v3 =	vor.u32 v1, v10;
	v10 =	vtrunc.f32 v13  }
0x298: {  	v12 =	vmul.f32 $2.560000000e+02, v8;
	v8 =	vtrunc.f32 v6;
	v6 =	vshll.u32 v63, $0x4;
	[tilespmem:v17+s10+$0x0] =	vst.idx.add.f32.msk $0xffff, v2  }
0x299: {  	s15 =	simm.s32 $0x800;
	s16 =	simm.s32 $0x100;
	s14 =	simm.s32 $0x8;
	v13 =	vmul.f32 $2.560000000e+02, v20;
	v7 =	vtrunc.f32 v7;
	[tilespmem:v19+s10+$0x0] =	vst.idx.add.f32.msk $0xffff, v2;
	v6 =	vor.u32 v1, v6  }
.LBB2_22:
0x29a: {  	s17 =	sand.u32 $0xF000, s16;
	s18 =	sand.u32 $0xC00, s15;
	v12 =	vtrunc.f32 v12;
	v9 =	vmul.f32 $2.560000000e+02, v9;
	s13 =	sadd.s32 $0x20, s13;
	[tilespmem:v5+s10+$0x0] =	vst.idx.add.f32.msk $0xffff, v2  }
0x29b: {  	s14 =	sadd.s32 $0x8, s14;
	v5 =	vtrunc.f32 v11;
	s19 =	sand.u32 $0x380, s13;
	s17 =	sor.u32 s18, s17;
	v11 =	vtrunc.f32 v13;
	[tilespmem:v4+s10+$0x0] =	vst.idx.add.f32.msk $0xffff, v2  }
0x29c: {  	p0 =	slt.u32 s14, $0xBF8;
	v4 =	vcvt.f32.s32 v7;
	s17 =	sor.u32 s19, s17;
	v7 =	vtrunc.f32 v9;
	[tilespmem:v3+s10+$0x0] =	vst.idx.add.f32.msk $0xffff, v2  }
0x29d: {  	v8 =	vcvt.f32.s32 v8;
	v9 =	vcvt.f32.s32 v10;
	v3 =	vld [tilespmem:s17+$0xC070]  }
0x29e: {  	v5 =	vcvt.f32.s32 v5;
	v10 =	vcvt.f32.s32 v12;
	v4 =	vshll.u32 v4, $0x4;
	[tilespmem:v6+s10+$0x0] =	vst.idx.add.f32.msk $0xffff, v2  }
0x29f: {  	v8 =	vshll.u32 v8, $0x4;
	v11 =	vcvt.f32.s32 v11;
	v7 =	vcvt.f32.s32 v7;
	v6 =	vld [tilespmem:s17+$0xC000]  }
0x2a0: {  	v5 =	vshll.u32 v5, $0x4;
	v9 =	vshll.u32 v9, $0x4;
	v10 =	vshll.u32 v10, $0x4;
	v12 =	vld [tilespmem:s17+$0xC010]  }
0x2a1: {  	v14 =	vor.u32 v1, v4;
	v4 =	vshll.u32 v11, $0x4;
	v7 =	vshll.u32 v7, $0x4;
	v13 =	vld [tilespmem:s17+$0xC020]  }
0x2a2: {  	v8 =	vor.u32 v1, v8;
	v15 =	vor.u32 v1, v9;
	v16 =	vor.u32 v1, v10;
	v11 =	vld [tilespmem:s17+$0xC030]  }
0x2a3: {  	v5 =	vor.u32 v1, v5;
	v4 =	vor.u32 v1, v4;
	v17 =	vmul.f32 $2.560000000e+02, v3;
	v10 =	vld [tilespmem:s17+$0xC040]  }
0x2a4: {  	v3 =	vor.u32 v1, v7;
	v6 =	vmul.f32 $2.560000000e+02, v6;
	v18 =	vld [tilespmem:s17+$0xC050]  }
.Ltmp10:
0x2a5: {  	v7 =	vtrunc.f32 v17;
	v19 =	vmul.f32 $2.560000000e+02, v12;
	v9 =	vld [tilespmem:s17+$0xC060];
	(pc) =	sbr.rel @p0 .LBB2_22-.Ltmp10, $4  }
0x2a6: {  	v17 =	vcvt.f32.s32 v7;
	v13 =	vmul.f32 $2.560000000e+02, v13;
	[tilespmem:v14+s10+$0x0] =	vst.idx.add.f32.msk $0xffff, v2  }
0x2a7: {  	v7 =	vtrunc.f32 v6;
	v12 =	vmul.f32 $2.560000000e+02, v11;
	[tilespmem:v8+s10+$0x0] =	vst.idx.add.f32.msk $0xffff, v2  }
0x2a8: {  	v8 =	vtrunc.f32 v19;
	v6 =	vshll.u32 v17, $0x4;
	v11 =	vmul.f32 $2.560000000e+02, v10;
	[tilespmem:v15+s10+$0x0] =	vst.idx.add.f32.msk $0xffff, v2  }
0x2a9: {  	s15 =	sadd.s32 $0x400, s15;
	s16 =	sadd.s32 $0x80, s16;
	v10 =	vtrunc.f32 v13;
	v6 =	vor.u32 v1, v6;
	v13 =	vmul.f32 $2.560000000e+02, v18;
	[tilespmem:v16+s10+$0x0] =	vst.idx.add.f32.msk $0xffff, v2  }
0x2aa: {  	v12 =	vtrunc.f32 v12;
	v9 =	vmul.f32 $2.560000000e+02, v9  }
0x2ab: {  	v11 =	vtrunc.f32 v11;
	v7 =	vcvt.f32.s32 v7  }
0x2ac: {  	v8 =	vcvt.f32.s32 v8;
	v10 =	vcvt.f32.s32 v10  }
0x2ad: {  	v13 =	vtrunc.f32 v13;
	v12 =	vcvt.f32.s32 v12;
	v7 =	vshll.u32 v7, $0x4  }
0x2ae: {  	[tilespmem:v5+s10+$0x0] =	vst.idx.add.f32.msk $0xffff, v2;
	v5 =	vcvt.f32.s32 v11;
	v8 =	vshll.u32 v8, $0x4;
	v7 =	vor.u32 v1, v7  }
0x2af: {  	v9 =	vtrunc.f32 v9;
	v10 =	vshll.u32 v10, $0x4;
	v8 =	vor.u32 v1, v8  }
0x2b0: {  	[tilespmem:v4+s10+$0x0] =	vst.idx.add.f32.msk $0xffff, v2;
	v4 =	vcvt.f32.s32 v13;
	v11 =	vshll.u32 v12, $0x4;
	v10 =	vor.u32 v1, v10  }
0x2b1: {  	[tilespmem:v3+s10+$0x0] =	vst.idx.add.f32.msk $0xffff, v2;
	v3 =	vcvt.f32.s32 v9;
	v5 =	vshll.u32 v5, $0x4;
	v9 =	vor.u32 v1, v11  }
0x2b2: {  	[tilespmem:v6+s10+$0x0] =	vst.idx.add.f32.msk $0xffff, v2;
	v4 =	vshll.u32 v4, $0x4;
	v5 =	vor.u32 v1, v5  }
0x2b3: {  	v3 =	vshll.u32 v3, $0x4;
	v4 =	vor.u32 v1, v4;
	[tilespmem:v7+s10+$0x0] =	vst.idx.add.f32.msk $0xffff, v2  }
0x2b4: {  	v3 =	vor.u32 v1, v3;
	[tilespmem:v8+s10+$0x0] =	vst.idx.add.f32.msk $0xffff, v2  }
0x2b5: {  	[tilespmem:v10+s10+$0x0] =	vst.idx.add.f32.msk $0xffff, v2  }
0x2b6: {  	[tilespmem:v9+s10+$0x0] =	vst.idx.add.f32.msk $0xffff, v2  }
0x2b7: {  	[tilespmem:v5+s10+$0x0] =	vst.idx.add.f32.msk $0xffff, v2  }
0x2b8: {  	[tilespmem:v4+s10+$0x0] =	vst.idx.add.f32.msk $0xffff, v2  }
0x2b9: {  	[tilespmem:v3+s10+$0x0] =	vst.idx.add.f32.msk $0xffff, v2  }
0x2ba: {  	s13 =	simm.s32 $0x0;
	s14 =	rddreg [dreg:$0x3]  }
0x2bb: {  	[tilespmem:s8], [sflag:$0x2] =	stream.linear.gather [hbm4b:s14+s13], $0xC000, $0x38;
	[tilespmem:$0x19000] =	vst v63  }
0x2bc: {  	s16 =	sand.u32 $0xF000, s13;
	s15 =	sand.u32 $0xC00, s13;
	_ =	swait.ge [sflag:s9], $0xC000  }
0x2bd: {  	s13 =	sand.u32 $0x380, s13;
	s14 =	sor.u32 s15, s16;
	[sflag:s9] =	ssyncset.done $0x0  }
0x2be: {  	s13 =	sor.u32 s13, s14;
	[sflag:s9] =	ssyncadd.s32 $0xFFFF4000  }
0x2bf: {  	v3 =	vld [tilespmem:s13+$0x70]  }
0x2c0: {  	v4 =	vld [tilespmem:s13+$0x0]  }
0x2c1: {  	v5 =	vld [tilespmem:s13+$0x10]  }
0x2c2: {  	v6 =	vld [tilespmem:s13+$0x20]  }
0x2c3: {  	v7 =	vld [tilespmem:s13+$0x30]  }
0x2c4: {  	v8 =	vld [tilespmem:s13+$0x40]  }
0x2c5: {  	v9 =	vld [tilespmem:s13+$0x50]  }
0x2c6: {  	v10 =	vld [tilespmem:s13+$0x60]  }
0x2c7: {  	v3 =	vmul.f32 $2.560000000e+02, v3;
	v4 =	vmul.f32 $2.560000000e+02, v4  }
0x2c8: {  	v5 =	vmul.f32 $2.560000000e+02, v5;
	v6 =	vmul.f32 $2.560000000e+02, v6  }
0x2c9: {  	v7 =	vmul.f32 $2.560000000e+02, v7;
	v3 =	vtrunc.f32 v3  }
0x2ca: {  	s17 =	simm.s32 $0x400;
	s18 =	simm.s32 $0x80;
	v8 =	vmul.f32 $2.560000000e+02, v8;
	v3 =	vcvt.f32.s32 v3  }
0x2cb: {  	s19 =	sand.u32 $0xC00, s17;
	s14 =	sand.u32 $0xF000, s18;
	s13 =	simm.s32 $0x20;
	v9 =	vmul.f32 $2.560000000e+02, v9;
	v10 =	vmul.f32 $2.560000000e+02, v10  }
0x2cc: {  	s14 =	sor.u32 s19, s14;
	s16 =	sand.u32 $0x380, s13;
	v4 =	vtrunc.f32 v4;
	v5 =	vtrunc.f32 v5;
	v3 =	vshll.u32 v3, $0x4  }
0x2cd: {  	s14 =	sor.u32 s16, s14;
	v6 =	vtrunc.f32 v6;
	v7 =	vtrunc.f32 v7;
	v3 =	vor.u32 v1, v3  }
0x2ce: {  	v13 =	vld [tilespmem:s14+$0x20];
	v8 =	vtrunc.f32 v8;
	v9 =	vtrunc.f32 v9  }
0x2cf: {  	v10 =	vtrunc.f32 v10;
	v4 =	vcvt.f32.s32 v4  }
0x2d0: {  	v11 =	vld [tilespmem:s14+$0x70];
	v5 =	vcvt.f32.s32 v5;
	v8 =	vcvt.f32.s32 v8  }
0x2d1: {  	v12 =	vld [tilespmem:s14+$0x10];
	v9 =	vcvt.f32.s32 v9;
	v10 =	vcvt.f32.s32 v10  }
0x2d2: {  	v4 =	vshll.u32 v4, $0x4;
	[tilespmem:v3+s10+$0x0] =	vst.idx.add.f32.msk $0xffff, v2;
	v3 =	vcvt.f32.s32 v6;
	v6 =	vcvt.f32.s32 v7  }
0x2d3: {  	v18 =	vld [tilespmem:s14+$0x40];
	v13 =	vmul.f32 $2.560000000e+02, v13;
	v5 =	vshll.u32 v5, $0x4;
	v14 =	vor.u32 v1, v4  }
0x2d4: {  	v15 =	vor.u32 v1, v5;
	v7 =	vld [tilespmem:s14+$0x0];
	v3 =	vshll.u32 v3, $0x4;
	v4 =	vshll.u32 v6, $0x4  }
0x2d5: {  	v6 =	vshll.u32 v8, $0x4;
	v8 =	vld [tilespmem:s14+$0x30];
	v17 =	vor.u32 v1, v3;
	v3 =	vmul.f32 $2.560000000e+02, v11  }
0x2d6: {  	v20 =	vld [tilespmem:s14+$0x50];
	v16 =	vshll.u32 v9, $0x4;
	v10 =	vshll.u32 v10, $0x4;
	v19 =	vor.u32 v1, v4  }
0x2d7: {  	v9 =	vld [tilespmem:s14+$0x60];
	v5 =	vor.u32 v1, v6;
	v6 =	vmul.f32 $2.560000000e+02, v12;
	v3 =	vtrunc.f32 v3  }
0x2d8: {  	[tilespmem:v14+s10+$0x0] =	vst.idx.add.f32.msk $0xffff, v2;
	v4 =	vor.u32 v1, v16;
	v11 =	vmul.f32 $2.560000000e+02, v18;
	v63 =	vcvt.f32.s32 v3  }
0x2d9: {  	[tilespmem:v15+s10+$0x0] =	vst.idx.add.f32.msk $0xffff, v2;
	v7 =	vmul.f32 $2.560000000e+02, v7;
	v3 =	vor.u32 v1, v10;
	v10 =	vtrunc.f32 v13  }
0x2da: {  	v12 =	vmul.f32 $2.560000000e+02, v8;
	v8 =	vtrunc.f32 v6;
	v6 =	vshll.u32 v63, $0x4;
	[tilespmem:v17+s10+$0x0] =	vst.idx.add.f32.msk $0xffff, v2  }
0x2db: {  	s15 =	simm.s32 $0x800;
	s16 =	simm.s32 $0x100;
	s14 =	simm.s32 $0x8;
	v13 =	vmul.f32 $2.560000000e+02, v20;
	v7 =	vtrunc.f32 v7;
	[tilespmem:v19+s10+$0x0] =	vst.idx.add.f32.msk $0xffff, v2;
	v6 =	vor.u32 v1, v6  }
.LBB2_24:
0x2dc: {  	s17 =	sand.u32 $0xF000, s16;
	s18 =	sand.u32 $0xC00, s15;
	v12 =	vtrunc.f32 v12;
	v9 =	vmul.f32 $2.560000000e+02, v9;
	s13 =	sadd.s32 $0x20, s13;
	[tilespmem:v5+s10+$0x0] =	vst.idx.add.f32.msk $0xffff, v2  }
0x2dd: {  	s14 =	sadd.s32 $0x8, s14;
	v5 =	vtrunc.f32 v11;
	s19 =	sand.u32 $0x380, s13;
	s17 =	sor.u32 s18, s17;
	v11 =	vtrunc.f32 v13;
	[tilespmem:v4+s10+$0x0] =	vst.idx.add.f32.msk $0xffff, v2  }
0x2de: {  	p0 =	slt.u32 s14, $0xBF8;
	v4 =	vcvt.f32.s32 v7;
	s17 =	sor.u32 s19, s17;
	v7 =	vtrunc.f32 v9;
	[tilespmem:v3+s10+$0x0] =	vst.idx.add.f32.msk $0xffff, v2  }
0x2df: {  	v8 =	vcvt.f32.s32 v8;
	v9 =	vcvt.f32.s32 v10;
	v3 =	vld [tilespmem:s17+$0x70]  }
0x2e0: {  	v5 =	vcvt.f32.s32 v5;
	v10 =	vcvt.f32.s32 v12;
	v4 =	vshll.u32 v4, $0x4;
	[tilespmem:v6+s10+$0x0] =	vst.idx.add.f32.msk $0xffff, v2  }
0x2e1: {  	v8 =	vshll.u32 v8, $0x4;
	v11 =	vcvt.f32.s32 v11;
	v7 =	vcvt.f32.s32 v7;
	v6 =	vld [tilespmem:s17+$0x0]  }
0x2e2: {  	v5 =	vshll.u32 v5, $0x4;
	v9 =	vshll.u32 v9, $0x4;
	v10 =	vshll.u32 v10, $0x4;
	v12 =	vld [tilespmem:s17+$0x10]  }
0x2e3: {  	v14 =	vor.u32 v1, v4;
	v4 =	vshll.u32 v11, $0x4;
	v7 =	vshll.u32 v7, $0x4;
	v13 =	vld [tilespmem:s17+$0x20]  }
0x2e4: {  	v8 =	vor.u32 v1, v8;
	v15 =	vor.u32 v1, v9;
	v16 =	vor.u32 v1, v10;
	v11 =	vld [tilespmem:s17+$0x30]  }
0x2e5: {  	v5 =	vor.u32 v1, v5;
	v4 =	vor.u32 v1, v4;
	v17 =	vmul.f32 $2.560000000e+02, v3;
	v10 =	vld [tilespmem:s17+$0x40]  }
0x2e6: {  	v3 =	vor.u32 v1, v7;
	v6 =	vmul.f32 $2.560000000e+02, v6;
	v18 =	vld [tilespmem:s17+$0x50]  }
.Ltmp11:
0x2e7: {  	v7 =	vtrunc.f32 v17;
	v19 =	vmul.f32 $2.560000000e+02, v12;
	v9 =	vld [tilespmem:s17+$0x60];
	(pc) =	sbr.rel @p0 .LBB2_24-.Ltmp11, $4  }
0x2e8: {  	v17 =	vcvt.f32.s32 v7;
	v13 =	vmul.f32 $2.560000000e+02, v13;
	[tilespmem:v14+s10+$0x0] =	vst.idx.add.f32.msk $0xffff, v2  }
0x2e9: {  	v7 =	vtrunc.f32 v6;
	v12 =	vmul.f32 $2.560000000e+02, v11;
	[tilespmem:v8+s10+$0x0] =	vst.idx.add.f32.msk $0xffff, v2  }
0x2ea: {  	v8 =	vtrunc.f32 v19;
	v6 =	vshll.u32 v17, $0x4;
	v11 =	vmul.f32 $2.560000000e+02, v10;
	[tilespmem:v15+s10+$0x0] =	vst.idx.add.f32.msk $0xffff, v2  }
0x2eb: {  	s15 =	sadd.s32 $0x400, s15;
	s16 =	sadd.s32 $0x80, s16;
	v10 =	vtrunc.f32 v13;
	v6 =	vor.u32 v1, v6;
	v13 =	vmul.f32 $2.560000000e+02, v18;
	[tilespmem:v16+s10+$0x0] =	vst.idx.add.f32.msk $0xffff, v2  }
0x2ec: {  	v12 =	vtrunc.f32 v12;
	v9 =	vmul.f32 $2.560000000e+02, v9  }
0x2ed: {  	v11 =	vtrunc.f32 v11;
	v7 =	vcvt.f32.s32 v7  }
0x2ee: {  	v8 =	vcvt.f32.s32 v8;
	v10 =	vcvt.f32.s32 v10  }
0x2ef: {  	v13 =	vtrunc.f32 v13;
	v12 =	vcvt.f32.s32 v12;
	v7 =	vshll.u32 v7, $0x4  }
0x2f0: {  	[tilespmem:v5+s10+$0x0] =	vst.idx.add.f32.msk $0xffff, v2;
	v5 =	vcvt.f32.s32 v11;
	v8 =	vshll.u32 v8, $0x4;
	v7 =	vor.u32 v1, v7  }
0x2f1: {  	v9 =	vtrunc.f32 v9;
	v10 =	vshll.u32 v10, $0x4;
	v8 =	vor.u32 v1, v8  }
0x2f2: {  	[tilespmem:v4+s10+$0x0] =	vst.idx.add.f32.msk $0xffff, v2;
	v4 =	vcvt.f32.s32 v13;
	v11 =	vshll.u32 v12, $0x4;
	v10 =	vor.u32 v1, v10  }
0x2f3: {  	[tilespmem:v3+s10+$0x0] =	vst.idx.add.f32.msk $0xffff, v2;
	v3 =	vcvt.f32.s32 v9;
	v5 =	vshll.u32 v5, $0x4;
	v9 =	vor.u32 v1, v11  }
0x2f4: {  	[tilespmem:v6+s10+$0x0] =	vst.idx.add.f32.msk $0xffff, v2;
	v4 =	vshll.u32 v4, $0x4;
	v5 =	vor.u32 v1, v5  }
0x2f5: {  	v3 =	vshll.u32 v3, $0x4;
	v4 =	vor.u32 v1, v4;
	[tilespmem:v7+s10+$0x0] =	vst.idx.add.f32.msk $0xffff, v2  }
0x2f6: {  	v3 =	vor.u32 v1, v3;
	[tilespmem:v8+s10+$0x0] =	vst.idx.add.f32.msk $0xffff, v2  }
0x2f7: {  	[tilespmem:v10+s10+$0x0] =	vst.idx.add.f32.msk $0xffff, v2  }
0x2f8: {  	[tilespmem:v9+s10+$0x0] =	vst.idx.add.f32.msk $0xffff, v2  }
0x2f9: {  	[tilespmem:v5+s10+$0x0] =	vst.idx.add.f32.msk $0xffff, v2  }
0x2fa: {  	[tilespmem:v4+s10+$0x0] =	vst.idx.add.f32.msk $0xffff, v2  }
0x2fb: {  	[tilespmem:v3+s10+$0x0] =	vst.idx.add.f32.msk $0xffff, v2  }
0x2fc: {  	s13 =	simm.s32 $0x0;
	s14 =	rddreg [dreg:$0x4]  }
0x2fd: {  	[tilespmem:s13], [sflag:$0x1] =	stream.linear.gather [hbm4b:s14+s13], $0xC000, $0x38;
	[tilespmem:$0x19000] =	vst v63  }
0x2fe: {  	s16 =	sand.u32 $0xF000, s13;
	s15 =	sand.u32 $0xC00, s13;
	_ =	swait.ge [sflag:s11], $0xC000  }
0x2ff: {  	s13 =	sand.u32 $0x380, s13;
	s14 =	sor.u32 s15, s16;
	[sflag:s11] =	ssyncset.done $0x0  }
0x300: {  	s13 =	sor.u32 s13, s14;
	[sflag:s11] =	ssyncadd.s32 $0xFFFF4000  }
0x301: {  	v3 =	vld [tilespmem:s13+$0xC070]  }
0x302: {  	v4 =	vld [tilespmem:s13+$0xC000]  }
0x303: {  	v5 =	vld [tilespmem:s13+$0xC010]  }
0x304: {  	v6 =	vld [tilespmem:s13+$0xC020]  }
0x305: {  	v7 =	vld [tilespmem:s13+$0xC030]  }
0x306: {  	v8 =	vld [tilespmem:s13+$0xC040]  }
0x307: {  	v9 =	vld [tilespmem:s13+$0xC050]  }
0x308: {  	v10 =	vld [tilespmem:s13+$0xC060]  }
0x309: {  	v3 =	vmul.f32 $2.560000000e+02, v3;
	v4 =	vmul.f32 $2.560000000e+02, v4  }
0x30a: {  	v5 =	vmul.f32 $2.560000000e+02, v5;
	v6 =	vmul.f32 $2.560000000e+02, v6  }
0x30b: {  	v7 =	vmul.f32 $2.560000000e+02, v7;
	v3 =	vtrunc.f32 v3  }
0x30c: {  	s17 =	simm.s32 $0x400;
	s18 =	simm.s32 $0x80;
	v8 =	vmul.f32 $2.560000000e+02, v8;
	v3 =	vcvt.f32.s32 v3  }
0x30d: {  	s19 =	sand.u32 $0xC00, s17;
	s14 =	sand.u32 $0xF000, s18;
	s13 =	simm.s32 $0x20;
	v9 =	vmul.f32 $2.560000000e+02, v9;
	v10 =	vmul.f32 $2.560000000e+02, v10  }
0x30e: {  	s14 =	sor.u32 s19, s14;
	s16 =	sand.u32 $0x380, s13;
	v4 =	vtrunc.f32 v4;
	v5 =	vtrunc.f32 v5;
	v3 =	vshll.u32 v3, $0x4  }
0x30f: {  	s14 =	sor.u32 s16, s14;
	v6 =	vtrunc.f32 v6;
	v7 =	vtrunc.f32 v7;
	v3 =	vor.u32 v1, v3  }
0x310: {  	v13 =	vld [tilespmem:s14+$0xC020];
	v8 =	vtrunc.f32 v8;
	v9 =	vtrunc.f32 v9  }
0x311: {  	v10 =	vtrunc.f32 v10;
	v4 =	vcvt.f32.s32 v4  }
0x312: {  	v11 =	vld [tilespmem:s14+$0xC070];
	v5 =	vcvt.f32.s32 v5;
	v8 =	vcvt.f32.s32 v8  }
0x313: {  	v12 =	vld [tilespmem:s14+$0xC010];
	v9 =	vcvt.f32.s32 v9;
	v10 =	vcvt.f32.s32 v10  }
0x314: {  	v4 =	vshll.u32 v4, $0x4;
	[tilespmem:v3+s10+$0x0] =	vst.idx.add.f32.msk $0xffff, v2;
	v3 =	vcvt.f32.s32 v6;
	v6 =	vcvt.f32.s32 v7  }
0x315: {  	v18 =	vld [tilespmem:s14+$0xC040];
	v13 =	vmul.f32 $2.560000000e+02, v13;
	v5 =	vshll.u32 v5, $0x4;
	v14 =	vor.u32 v1, v4  }
0x316: {  	v15 =	vor.u32 v1, v5;
	v7 =	vld [tilespmem:s14+$0xC000];
	v3 =	vshll.u32 v3, $0x4;
	v4 =	vshll.u32 v6, $0x4  }
0x317: {  	v6 =	vshll.u32 v8, $0x4;
	v8 =	vld [tilespmem:s14+$0xC030];
	v17 =	vor.u32 v1, v3;
	v3 =	vmul.f32 $2.560000000e+02, v11  }
0x318: {  	v20 =	vld [tilespmem:s14+$0xC050];
	v16 =	vshll.u32 v9, $0x4;
	v10 =	vshll.u32 v10, $0x4;
	v19 =	vor.u32 v1, v4  }
0x319: {  	v9 =	vld [tilespmem:s14+$0xC060];
	v5 =	vor.u32 v1, v6;
	v6 =	vmul.f32 $2.560000000e+02, v12;
	v3 =	vtrunc.f32 v3  }
0x31a: {  	[tilespmem:v14+s10+$0x0] =	vst.idx.add.f32.msk $0xffff, v2;
	v4 =	vor.u32 v1, v16;
	v11 =	vmul.f32 $2.560000000e+02, v18;
	v63 =	vcvt.f32.s32 v3  }
0x31b: {  	[tilespmem:v15+s10+$0x0] =	vst.idx.add.f32.msk $0xffff, v2;
	v7 =	vmul.f32 $2.560000000e+02, v7;
	v3 =	vor.u32 v1, v10;
	v10 =	vtrunc.f32 v13  }
0x31c: {  	v12 =	vmul.f32 $2.560000000e+02, v8;
	v8 =	vtrunc.f32 v6;
	v6 =	vshll.u32 v63, $0x4;
	[tilespmem:v17+s10+$0x0] =	vst.idx.add.f32.msk $0xffff, v2  }
0x31d: {  	s15 =	simm.s32 $0x800;
	s16 =	simm.s32 $0x100;
	s14 =	simm.s32 $0x8;
	v13 =	vmul.f32 $2.560000000e+02, v20;
	v7 =	vtrunc.f32 v7;
	[tilespmem:v19+s10+$0x0] =	vst.idx.add.f32.msk $0xffff, v2;
	v6 =	vor.u32 v1, v6  }
.LBB2_26:
0x31e: {  	s17 =	sand.u32 $0xF000, s16;
	s18 =	sand.u32 $0xC00, s15;
	v12 =	vtrunc.f32 v12;
	v9 =	vmul.f32 $2.560000000e+02, v9;
	s13 =	sadd.s32 $0x20, s13;
	[tilespmem:v5+s10+$0x0] =	vst.idx.add.f32.msk $0xffff, v2  }
0x31f: {  	s14 =	sadd.s32 $0x8, s14;
	v5 =	vtrunc.f32 v11;
	s19 =	sand.u32 $0x380, s13;
	s17 =	sor.u32 s18, s17;
	v11 =	vtrunc.f32 v13;
	[tilespmem:v4+s10+$0x0] =	vst.idx.add.f32.msk $0xffff, v2  }
0x320: {  	p0 =	slt.u32 s14, $0xBF8;
	v4 =	vcvt.f32.s32 v7;
	s17 =	sor.u32 s19, s17;
	v7 =	vtrunc.f32 v9;
	[tilespmem:v3+s10+$0x0] =	vst.idx.add.f32.msk $0xffff, v2  }
0x321: {  	v8 =	vcvt.f32.s32 v8;
	v9 =	vcvt.f32.s32 v10;
	v3 =	vld [tilespmem:s17+$0xC070]  }
0x322: {  	v5 =	vcvt.f32.s32 v5;
	v10 =	vcvt.f32.s32 v12;
	v4 =	vshll.u32 v4, $0x4;
	[tilespmem:v6+s10+$0x0] =	vst.idx.add.f32.msk $0xffff, v2  }
0x323: {  	v8 =	vshll.u32 v8, $0x4;
	v11 =	vcvt.f32.s32 v11;
	v7 =	vcvt.f32.s32 v7;
	v6 =	vld [tilespmem:s17+$0xC000]  }
0x324: {  	v5 =	vshll.u32 v5, $0x4;
	v9 =	vshll.u32 v9, $0x4;
	v10 =	vshll.u32 v10, $0x4;
	v12 =	vld [tilespmem:s17+$0xC010]  }
0x325: {  	v14 =	vor.u32 v1, v4;
	v4 =	vshll.u32 v11, $0x4;
	v7 =	vshll.u32 v7, $0x4;
	v13 =	vld [tilespmem:s17+$0xC020]  }
0x326: {  	v8 =	vor.u32 v1, v8;
	v15 =	vor.u32 v1, v9;
	v16 =	vor.u32 v1, v10;
	v11 =	vld [tilespmem:s17+$0xC030]  }
0x327: {  	v5 =	vor.u32 v1, v5;
	v4 =	vor.u32 v1, v4;
	v17 =	vmul.f32 $2.560000000e+02, v3;
	v10 =	vld [tilespmem:s17+$0xC040]  }
0x328: {  	v3 =	vor.u32 v1, v7;
	v6 =	vmul.f32 $2.560000000e+02, v6;
	v18 =	vld [tilespmem:s17+$0xC050]  }
.Ltmp12:
0x329: {  	v7 =	vtrunc.f32 v17;
	v19 =	vmul.f32 $2.560000000e+02, v12;
	v9 =	vld [tilespmem:s17+$0xC060];
	(pc) =	sbr.rel @p0 .LBB2_26-.Ltmp12, $4  }
0x32a: {  	v17 =	vcvt.f32.s32 v7;
	v13 =	vmul.f32 $2.560000000e+02, v13;
	[tilespmem:v14+s10+$0x0] =	vst.idx.add.f32.msk $0xffff, v2  }
0x32b: {  	v7 =	vtrunc.f32 v6;
	v12 =	vmul.f32 $2.560000000e+02, v11;
	[tilespmem:v8+s10+$0x0] =	vst.idx.add.f32.msk $0xffff, v2  }
0x32c: {  	v8 =	vtrunc.f32 v19;
	v6 =	vshll.u32 v17, $0x4;
	v11 =	vmul.f32 $2.560000000e+02, v10;
	[tilespmem:v15+s10+$0x0] =	vst.idx.add.f32.msk $0xffff, v2  }
0x32d: {  	s15 =	sadd.s32 $0x400, s15;
	s16 =	sadd.s32 $0x80, s16;
	v10 =	vtrunc.f32 v13;
	v6 =	vor.u32 v1, v6;
	v13 =	vmul.f32 $2.560000000e+02, v18;
	[tilespmem:v16+s10+$0x0] =	vst.idx.add.f32.msk $0xffff, v2  }
0x32e: {  	v12 =	vtrunc.f32 v12;
	v9 =	vmul.f32 $2.560000000e+02, v9  }
0x32f: {  	v11 =	vtrunc.f32 v11;
	v7 =	vcvt.f32.s32 v7  }
0x330: {  	v8 =	vcvt.f32.s32 v8;
	v10 =	vcvt.f32.s32 v10  }
0x331: {  	v13 =	vtrunc.f32 v13;
	v12 =	vcvt.f32.s32 v12;
	v7 =	vshll.u32 v7, $0x4  }
0x332: {  	[tilespmem:v5+s10+$0x0] =	vst.idx.add.f32.msk $0xffff, v2;
	v5 =	vcvt.f32.s32 v11;
	v8 =	vshll.u32 v8, $0x4;
	v7 =	vor.u32 v1, v7  }
0x333: {  	v9 =	vtrunc.f32 v9;
	v10 =	vshll.u32 v10, $0x4;
	v8 =	vor.u32 v1, v8  }
0x334: {  	[tilespmem:v4+s10+$0x0] =	vst.idx.add.f32.msk $0xffff, v2;
	v4 =	vcvt.f32.s32 v13;
	v11 =	vshll.u32 v12, $0x4;
	v10 =	vor.u32 v1, v10  }
0x335: {  	[tilespmem:v3+s10+$0x0] =	vst.idx.add.f32.msk $0xffff, v2;
	v3 =	vcvt.f32.s32 v9;
	v5 =	vshll.u32 v5, $0x4;
	v9 =	vor.u32 v1, v11  }
0x336: {  	[tilespmem:v6+s10+$0x0] =	vst.idx.add.f32.msk $0xffff, v2;
	v4 =	vshll.u32 v4, $0x4;
	v5 =	vor.u32 v1, v5  }
0x337: {  	v3 =	vshll.u32 v3, $0x4;
	v4 =	vor.u32 v1, v4;
	[tilespmem:v7+s10+$0x0] =	vst.idx.add.f32.msk $0xffff, v2  }
0x338: {  	v3 =	vor.u32 v1, v3;
	[tilespmem:v8+s10+$0x0] =	vst.idx.add.f32.msk $0xffff, v2  }
0x339: {  	[tilespmem:v10+s10+$0x0] =	vst.idx.add.f32.msk $0xffff, v2  }
0x33a: {  	[tilespmem:v9+s10+$0x0] =	vst.idx.add.f32.msk $0xffff, v2  }
0x33b: {  	[tilespmem:v5+s10+$0x0] =	vst.idx.add.f32.msk $0xffff, v2  }
0x33c: {  	[tilespmem:v4+s10+$0x0] =	vst.idx.add.f32.msk $0xffff, v2  }
0x33d: {  	[tilespmem:v3+s10+$0x0] =	vst.idx.add.f32.msk $0xffff, v2  }
0x33e: {  	s13 =	simm.s32 $0x0;
	s14 =	rddreg [dreg:$0x5]  }
0x33f: {  	[tilespmem:s8], [sflag:$0x2] =	stream.linear.gather [hbm4b:s14+s13], $0xC000, $0x38;
	[tilespmem:$0x19000] =	vst v63  }
0x340: {  	s16 =	sand.u32 $0xF000, s13;
	s15 =	sand.u32 $0xC00, s13;
	_ =	swait.ge [sflag:s9], $0xC000  }
0x341: {  	s13 =	sand.u32 $0x380, s13;
	s14 =	sor.u32 s15, s16;
	[sflag:s9] =	ssyncset.done $0x0  }
0x342: {  	s13 =	sor.u32 s13, s14;
	[sflag:s9] =	ssyncadd.s32 $0xFFFF4000  }
0x343: {  	v3 =	vld [tilespmem:s13+$0x70]  }
0x344: {  	v4 =	vld [tilespmem:s13+$0x0]  }
0x345: {  	v5 =	vld [tilespmem:s13+$0x10]  }
0x346: {  	v6 =	vld [tilespmem:s13+$0x20]  }
0x347: {  	v7 =	vld [tilespmem:s13+$0x30]  }
0x348: {  	v8 =	vld [tilespmem:s13+$0x40]  }
0x349: {  	v9 =	vld [tilespmem:s13+$0x50]  }
0x34a: {  	v10 =	vld [tilespmem:s13+$0x60]  }
0x34b: {  	v3 =	vmul.f32 $2.560000000e+02, v3;
	v4 =	vmul.f32 $2.560000000e+02, v4  }
0x34c: {  	v5 =	vmul.f32 $2.560000000e+02, v5;
	v6 =	vmul.f32 $2.560000000e+02, v6  }
0x34d: {  	v7 =	vmul.f32 $2.560000000e+02, v7;
	v3 =	vtrunc.f32 v3  }
0x34e: {  	s17 =	simm.s32 $0x400;
	s18 =	simm.s32 $0x80;
	v8 =	vmul.f32 $2.560000000e+02, v8;
	v3 =	vcvt.f32.s32 v3  }
0x34f: {  	s19 =	sand.u32 $0xC00, s17;
	s14 =	sand.u32 $0xF000, s18;
	s13 =	simm.s32 $0x20;
	v9 =	vmul.f32 $2.560000000e+02, v9;
	v10 =	vmul.f32 $2.560000000e+02, v10  }
0x350: {  	s14 =	sor.u32 s19, s14;
	s16 =	sand.u32 $0x380, s13;
	v4 =	vtrunc.f32 v4;
	v5 =	vtrunc.f32 v5;
	v3 =	vshll.u32 v3, $0x4  }
0x351: {  	s14 =	sor.u32 s16, s14;
	v6 =	vtrunc.f32 v6;
	v7 =	vtrunc.f32 v7;
	v3 =	vor.u32 v1, v3  }
0x352: {  	v13 =	vld [tilespmem:s14+$0x20];
	v8 =	vtrunc.f32 v8;
	v9 =	vtrunc.f32 v9  }
0x353: {  	v10 =	vtrunc.f32 v10;
	v4 =	vcvt.f32.s32 v4  }
0x354: {  	v11 =	vld [tilespmem:s14+$0x70];
	v5 =	vcvt.f32.s32 v5;
	v8 =	vcvt.f32.s32 v8  }
0x355: {  	v12 =	vld [tilespmem:s14+$0x10];
	v9 =	vcvt.f32.s32 v9;
	v10 =	vcvt.f32.s32 v10  }
0x356: {  	v4 =	vshll.u32 v4, $0x4;
	[tilespmem:v3+s10+$0x0] =	vst.idx.add.f32.msk $0xffff, v2;
	v3 =	vcvt.f32.s32 v6;
	v6 =	vcvt.f32.s32 v7  }
0x357: {  	v18 =	vld [tilespmem:s14+$0x40];
	v13 =	vmul.f32 $2.560000000e+02, v13;
	v5 =	vshll.u32 v5, $0x4;
	v14 =	vor.u32 v1, v4  }
0x358: {  	v15 =	vor.u32 v1, v5;
	v7 =	vld [tilespmem:s14+$0x0];
	v3 =	vshll.u32 v3, $0x4;
	v4 =	vshll.u32 v6, $0x4  }
0x359: {  	v6 =	vshll.u32 v8, $0x4;
	v8 =	vld [tilespmem:s14+$0x30];
	v17 =	vor.u32 v1, v3;
	v3 =	vmul.f32 $2.560000000e+02, v11  }
0x35a: {  	v20 =	vld [tilespmem:s14+$0x50];
	v16 =	vshll.u32 v9, $0x4;
	v10 =	vshll.u32 v10, $0x4;
	v19 =	vor.u32 v1, v4  }
0x35b: {  	v9 =	vld [tilespmem:s14+$0x60];
	v5 =	vor.u32 v1, v6;
	v6 =	vmul.f32 $2.560000000e+02, v12;
	v3 =	vtrunc.f32 v3  }
0x35c: {  	[tilespmem:v14+s10+$0x0] =	vst.idx.add.f32.msk $0xffff, v2;
	v4 =	vor.u32 v1, v16;
	v11 =	vmul.f32 $2.560000000e+02, v18;
	v63 =	vcvt.f32.s32 v3  }
0x35d: {  	[tilespmem:v15+s10+$0x0] =	vst.idx.add.f32.msk $0xffff, v2;
	v7 =	vmul.f32 $2.560000000e+02, v7;
	v3 =	vor.u32 v1, v10;
	v10 =	vtrunc.f32 v13  }
0x35e: {  	v12 =	vmul.f32 $2.560000000e+02, v8;
	v8 =	vtrunc.f32 v6;
	v6 =	vshll.u32 v63, $0x4;
	[tilespmem:v17+s10+$0x0] =	vst.idx.add.f32.msk $0xffff, v2  }
0x35f: {  	s15 =	simm.s32 $0x800;
	s16 =	simm.s32 $0x100;
	s14 =	simm.s32 $0x8;
	v13 =	vmul.f32 $2.560000000e+02, v20;
	v7 =	vtrunc.f32 v7;
	[tilespmem:v19+s10+$0x0] =	vst.idx.add.f32.msk $0xffff, v2;
	v6 =	vor.u32 v1, v6  }
.LBB2_28:
0x360: {  	s17 =	sand.u32 $0xF000, s16;
	s18 =	sand.u32 $0xC00, s15;
	v12 =	vtrunc.f32 v12;
	v9 =	vmul.f32 $2.560000000e+02, v9;
	s13 =	sadd.s32 $0x20, s13;
	[tilespmem:v5+s10+$0x0] =	vst.idx.add.f32.msk $0xffff, v2  }
0x361: {  	s14 =	sadd.s32 $0x8, s14;
	v5 =	vtrunc.f32 v11;
	s19 =	sand.u32 $0x380, s13;
	s17 =	sor.u32 s18, s17;
	v11 =	vtrunc.f32 v13;
	[tilespmem:v4+s10+$0x0] =	vst.idx.add.f32.msk $0xffff, v2  }
0x362: {  	p0 =	slt.u32 s14, $0xBF8;
	v4 =	vcvt.f32.s32 v7;
	s17 =	sor.u32 s19, s17;
	v7 =	vtrunc.f32 v9;
	[tilespmem:v3+s10+$0x0] =	vst.idx.add.f32.msk $0xffff, v2  }
0x363: {  	v8 =	vcvt.f32.s32 v8;
	v9 =	vcvt.f32.s32 v10;
	v3 =	vld [tilespmem:s17+$0x70]  }
0x364: {  	v5 =	vcvt.f32.s32 v5;
	v10 =	vcvt.f32.s32 v12;
	v4 =	vshll.u32 v4, $0x4;
	[tilespmem:v6+s10+$0x0] =	vst.idx.add.f32.msk $0xffff, v2  }
0x365: {  	v8 =	vshll.u32 v8, $0x4;
	v11 =	vcvt.f32.s32 v11;
	v7 =	vcvt.f32.s32 v7;
	v6 =	vld [tilespmem:s17+$0x0]  }
0x366: {  	v5 =	vshll.u32 v5, $0x4;
	v9 =	vshll.u32 v9, $0x4;
	v10 =	vshll.u32 v10, $0x4;
	v12 =	vld [tilespmem:s17+$0x10]  }
0x367: {  	v14 =	vor.u32 v1, v4;
	v4 =	vshll.u32 v11, $0x4;
	v7 =	vshll.u32 v7, $0x4;
	v13 =	vld [tilespmem:s17+$0x20]  }
0x368: {  	v8 =	vor.u32 v1, v8;
	v15 =	vor.u32 v1, v9;
	v16 =	vor.u32 v1, v10;
	v11 =	vld [tilespmem:s17+$0x30]  }
0x369: {  	v5 =	vor.u32 v1, v5;
	v4 =	vor.u32 v1, v4;
	v17 =	vmul.f32 $2.560000000e+02, v3;
	v10 =	vld [tilespmem:s17+$0x40]  }
0x36a: {  	v3 =	vor.u32 v1, v7;
	v6 =	vmul.f32 $2.560000000e+02, v6;
	v18 =	vld [tilespmem:s17+$0x50]  }
.Ltmp13:
0x36b: {  	v7 =	vtrunc.f32 v17;
	v19 =	vmul.f32 $2.560000000e+02, v12;
	v9 =	vld [tilespmem:s17+$0x60];
	(pc) =	sbr.rel @p0 .LBB2_28-.Ltmp13, $4  }
0x36c: {  	v17 =	vcvt.f32.s32 v7;
	v13 =	vmul.f32 $2.560000000e+02, v13;
	[tilespmem:v14+s10+$0x0] =	vst.idx.add.f32.msk $0xffff, v2  }
0x36d: {  	v7 =	vtrunc.f32 v6;
	v12 =	vmul.f32 $2.560000000e+02, v11;
	[tilespmem:v8+s10+$0x0] =	vst.idx.add.f32.msk $0xffff, v2  }
0x36e: {  	v8 =	vtrunc.f32 v19;
	v6 =	vshll.u32 v17, $0x4;
	v11 =	vmul.f32 $2.560000000e+02, v10;
	[tilespmem:v15+s10+$0x0] =	vst.idx.add.f32.msk $0xffff, v2  }
0x36f: {  	s15 =	sadd.s32 $0x400, s15;
	s16 =	sadd.s32 $0x80, s16;
	v10 =	vtrunc.f32 v13;
	v6 =	vor.u32 v1, v6;
	v13 =	vmul.f32 $2.560000000e+02, v18;
	[tilespmem:v16+s10+$0x0] =	vst.idx.add.f32.msk $0xffff, v2  }
0x370: {  	v12 =	vtrunc.f32 v12;
	v9 =	vmul.f32 $2.560000000e+02, v9  }
0x371: {  	v11 =	vtrunc.f32 v11;
	v7 =	vcvt.f32.s32 v7  }
0x372: {  	v8 =	vcvt.f32.s32 v8;
	v10 =	vcvt.f32.s32 v10  }
0x373: {  	v13 =	vtrunc.f32 v13;
	v12 =	vcvt.f32.s32 v12;
	v7 =	vshll.u32 v7, $0x4  }
0x374: {  	[tilespmem:v5+s10+$0x0] =	vst.idx.add.f32.msk $0xffff, v2;
	v5 =	vcvt.f32.s32 v11;
	v8 =	vshll.u32 v8, $0x4;
	v7 =	vor.u32 v1, v7  }
0x375: {  	v9 =	vtrunc.f32 v9;
	v10 =	vshll.u32 v10, $0x4;
	v8 =	vor.u32 v1, v8  }
0x376: {  	[tilespmem:v4+s10+$0x0] =	vst.idx.add.f32.msk $0xffff, v2;
	v4 =	vcvt.f32.s32 v13;
	v11 =	vshll.u32 v12, $0x4;
	v10 =	vor.u32 v1, v10  }
0x377: {  	[tilespmem:v3+s10+$0x0] =	vst.idx.add.f32.msk $0xffff, v2;
	v3 =	vcvt.f32.s32 v9;
	v5 =	vshll.u32 v5, $0x4;
	v9 =	vor.u32 v1, v11  }
0x378: {  	[tilespmem:v6+s10+$0x0] =	vst.idx.add.f32.msk $0xffff, v2;
	v4 =	vshll.u32 v4, $0x4;
	v5 =	vor.u32 v1, v5  }
0x379: {  	v3 =	vshll.u32 v3, $0x4;
	v4 =	vor.u32 v1, v4;
	[tilespmem:v7+s10+$0x0] =	vst.idx.add.f32.msk $0xffff, v2  }
0x37a: {  	v3 =	vor.u32 v1, v3;
	[tilespmem:v8+s10+$0x0] =	vst.idx.add.f32.msk $0xffff, v2  }
0x37b: {  	[tilespmem:v10+s10+$0x0] =	vst.idx.add.f32.msk $0xffff, v2  }
0x37c: {  	[tilespmem:v9+s10+$0x0] =	vst.idx.add.f32.msk $0xffff, v2  }
0x37d: {  	[tilespmem:v5+s10+$0x0] =	vst.idx.add.f32.msk $0xffff, v2  }
0x37e: {  	[tilespmem:v4+s10+$0x0] =	vst.idx.add.f32.msk $0xffff, v2  }
0x37f: {  	[tilespmem:v3+s10+$0x0] =	vst.idx.add.f32.msk $0xffff, v2  }
0x380: {  	s13 =	simm.s32 $0x0;
	s14 =	rddreg [dreg:$0x6]  }
0x381: {  	[tilespmem:s13], [sflag:$0x1] =	stream.linear.gather [hbm4b:s14+s13], $0xC000, $0x38;
	[tilespmem:$0x19000] =	vst v63  }
0x382: {  	s16 =	sand.u32 $0xF000, s13;
	s15 =	sand.u32 $0xC00, s13;
	_ =	swait.ge [sflag:s11], $0xC000  }
0x383: {  	s13 =	sand.u32 $0x380, s13;
	s14 =	sor.u32 s15, s16;
	[sflag:s11] =	ssyncset.done $0x0  }
0x384: {  	s13 =	sor.u32 s13, s14;
	[sflag:s11] =	ssyncadd.s32 $0xFFFF4000  }
0x385: {  	v3 =	vld [tilespmem:s13+$0xC070]  }
0x386: {  	v4 =	vld [tilespmem:s13+$0xC000]  }
0x387: {  	v5 =	vld [tilespmem:s13+$0xC010]  }
0x388: {  	v6 =	vld [tilespmem:s13+$0xC020]  }
0x389: {  	v7 =	vld [tilespmem:s13+$0xC030]  }
0x38a: {  	v8 =	vld [tilespmem:s13+$0xC040]  }
0x38b: {  	v9 =	vld [tilespmem:s13+$0xC050]  }
0x38c: {  	v10 =	vld [tilespmem:s13+$0xC060]  }
0x38d: {  	v3 =	vmul.f32 $2.560000000e+02, v3;
	v4 =	vmul.f32 $2.560000000e+02, v4  }
0x38e: {  	v5 =	vmul.f32 $2.560000000e+02, v5;
	v6 =	vmul.f32 $2.560000000e+02, v6  }
0x38f: {  	v7 =	vmul.f32 $2.560000000e+02, v7;
	v3 =	vtrunc.f32 v3  }
0x390: {  	s17 =	simm.s32 $0x400;
	s18 =	simm.s32 $0x80;
	v8 =	vmul.f32 $2.560000000e+02, v8;
	v3 =	vcvt.f32.s32 v3  }
0x391: {  	s19 =	sand.u32 $0xC00, s17;
	s14 =	sand.u32 $0xF000, s18;
	s13 =	simm.s32 $0x20;
	v9 =	vmul.f32 $2.560000000e+02, v9;
	v10 =	vmul.f32 $2.560000000e+02, v10  }
0x392: {  	s14 =	sor.u32 s19, s14;
	s16 =	sand.u32 $0x380, s13;
	v4 =	vtrunc.f32 v4;
	v5 =	vtrunc.f32 v5;
	v3 =	vshll.u32 v3, $0x4  }
0x393: {  	s14 =	sor.u32 s16, s14;
	v6 =	vtrunc.f32 v6;
	v7 =	vtrunc.f32 v7;
	v3 =	vor.u32 v1, v3  }
0x394: {  	v13 =	vld [tilespmem:s14+$0xC020];
	v8 =	vtrunc.f32 v8;
	v9 =	vtrunc.f32 v9  }
0x395: {  	v10 =	vtrunc.f32 v10;
	v4 =	vcvt.f32.s32 v4  }
0x396: {  	v11 =	vld [tilespmem:s14+$0xC070];
	v5 =	vcvt.f32.s32 v5;
	v8 =	vcvt.f32.s32 v8  }
0x397: {  	v12 =	vld [tilespmem:s14+$0xC010];
	v9 =	vcvt.f32.s32 v9;
	v10 =	vcvt.f32.s32 v10  }
0x398: {  	v4 =	vshll.u32 v4, $0x4;
	[tilespmem:v3+s10+$0x0] =	vst.idx.add.f32.msk $0xffff, v2;
	v3 =	vcvt.f32.s32 v6;
	v6 =	vcvt.f32.s32 v7  }
0x399: {  	v18 =	vld [tilespmem:s14+$0xC040];
	v13 =	vmul.f32 $2.560000000e+02, v13;
	v5 =	vshll.u32 v5, $0x4;
	v14 =	vor.u32 v1, v4  }
0x39a: {  	v15 =	vor.u32 v1, v5;
	v7 =	vld [tilespmem:s14+$0xC000];
	v3 =	vshll.u32 v3, $0x4;
	v4 =	vshll.u32 v6, $0x4  }
0x39b: {  	v6 =	vshll.u32 v8, $0x4;
	v8 =	vld [tilespmem:s14+$0xC030];
	v17 =	vor.u32 v1, v3;
	v3 =	vmul.f32 $2.560000000e+02, v11  }
0x39c: {  	v20 =	vld [tilespmem:s14+$0xC050];
	v16 =	vshll.u32 v9, $0x4;
	v10 =	vshll.u32 v10, $0x4;
	v19 =	vor.u32 v1, v4  }
0x39d: {  	v9 =	vld [tilespmem:s14+$0xC060];
	v5 =	vor.u32 v1, v6;
	v6 =	vmul.f32 $2.560000000e+02, v12;
	v3 =	vtrunc.f32 v3  }
0x39e: {  	[tilespmem:v14+s10+$0x0] =	vst.idx.add.f32.msk $0xffff, v2;
	v4 =	vor.u32 v1, v16;
	v11 =	vmul.f32 $2.560000000e+02, v18;
	v63 =	vcvt.f32.s32 v3  }
0x39f: {  	[tilespmem:v15+s10+$0x0] =	vst.idx.add.f32.msk $0xffff, v2;
	v7 =	vmul.f32 $2.560000000e+02, v7;
	v3 =	vor.u32 v1, v10;
	v10 =	vtrunc.f32 v13  }
0x3a0: {  	v12 =	vmul.f32 $2.560000000e+02, v8;
	v8 =	vtrunc.f32 v6;
	v6 =	vshll.u32 v63, $0x4;
	[tilespmem:v17+s10+$0x0] =	vst.idx.add.f32.msk $0xffff, v2  }
0x3a1: {  	s15 =	simm.s32 $0x800;
	s16 =	simm.s32 $0x100;
	s14 =	simm.s32 $0x8;
	v13 =	vmul.f32 $2.560000000e+02, v20;
	v7 =	vtrunc.f32 v7;
	[tilespmem:v19+s10+$0x0] =	vst.idx.add.f32.msk $0xffff, v2;
	v6 =	vor.u32 v1, v6  }
.LBB2_30:
0x3a2: {  	s17 =	sand.u32 $0xF000, s16;
	s18 =	sand.u32 $0xC00, s15;
	v12 =	vtrunc.f32 v12;
	v9 =	vmul.f32 $2.560000000e+02, v9;
	s13 =	sadd.s32 $0x20, s13;
	[tilespmem:v5+s10+$0x0] =	vst.idx.add.f32.msk $0xffff, v2  }
0x3a3: {  	s14 =	sadd.s32 $0x8, s14;
	v5 =	vtrunc.f32 v11;
	s19 =	sand.u32 $0x380, s13;
	s17 =	sor.u32 s18, s17;
	v11 =	vtrunc.f32 v13;
	[tilespmem:v4+s10+$0x0] =	vst.idx.add.f32.msk $0xffff, v2  }
0x3a4: {  	p0 =	slt.u32 s14, $0xBF8;
	v4 =	vcvt.f32.s32 v7;
	s17 =	sor.u32 s19, s17;
	v7 =	vtrunc.f32 v9;
	[tilespmem:v3+s10+$0x0] =	vst.idx.add.f32.msk $0xffff, v2  }
0x3a5: {  	v8 =	vcvt.f32.s32 v8;
	v9 =	vcvt.f32.s32 v10;
	v3 =	vld [tilespmem:s17+$0xC070]  }
0x3a6: {  	v5 =	vcvt.f32.s32 v5;
	v10 =	vcvt.f32.s32 v12;
	v4 =	vshll.u32 v4, $0x4;
	[tilespmem:v6+s10+$0x0] =	vst.idx.add.f32.msk $0xffff, v2  }
0x3a7: {  	v8 =	vshll.u32 v8, $0x4;
	v11 =	vcvt.f32.s32 v11;
	v7 =	vcvt.f32.s32 v7;
	v6 =	vld [tilespmem:s17+$0xC000]  }
0x3a8: {  	v5 =	vshll.u32 v5, $0x4;
	v9 =	vshll.u32 v9, $0x4;
	v10 =	vshll.u32 v10, $0x4;
	v12 =	vld [tilespmem:s17+$0xC010]  }
0x3a9: {  	v14 =	vor.u32 v1, v4;
	v4 =	vshll.u32 v11, $0x4;
	v7 =	vshll.u32 v7, $0x4;
	v13 =	vld [tilespmem:s17+$0xC020]  }
0x3aa: {  	v8 =	vor.u32 v1, v8;
	v15 =	vor.u32 v1, v9;
	v16 =	vor.u32 v1, v10;
	v11 =	vld [tilespmem:s17+$0xC030]  }
0x3ab: {  	v5 =	vor.u32 v1, v5;
	v4 =	vor.u32 v1, v4;
	v17 =	vmul.f32 $2.560000000e+02, v3;
	v10 =	vld [tilespmem:s17+$0xC040]  }
0x3ac: {  	v3 =	vor.u32 v1, v7;
	v6 =	vmul.f32 $2.560000000e+02, v6;
	v18 =	vld [tilespmem:s17+$0xC050]  }
.Ltmp14:
0x3ad: {  	v7 =	vtrunc.f32 v17;
	v19 =	vmul.f32 $2.560000000e+02, v12;
	v9 =	vld [tilespmem:s17+$0xC060];
	(pc) =	sbr.rel @p0 .LBB2_30-.Ltmp14, $4  }
0x3ae: {  	v17 =	vcvt.f32.s32 v7;
	v13 =	vmul.f32 $2.560000000e+02, v13;
	[tilespmem:v14+s10+$0x0] =	vst.idx.add.f32.msk $0xffff, v2  }
0x3af: {  	v7 =	vtrunc.f32 v6;
	v12 =	vmul.f32 $2.560000000e+02, v11;
	[tilespmem:v8+s10+$0x0] =	vst.idx.add.f32.msk $0xffff, v2  }
0x3b0: {  	v8 =	vtrunc.f32 v19;
	v6 =	vshll.u32 v17, $0x4;
	v11 =	vmul.f32 $2.560000000e+02, v10;
	[tilespmem:v15+s10+$0x0] =	vst.idx.add.f32.msk $0xffff, v2  }
0x3b1: {  	s15 =	sadd.s32 $0x400, s15;
	s16 =	sadd.s32 $0x80, s16;
	v10 =	vtrunc.f32 v13;
	v6 =	vor.u32 v1, v6;
	v13 =	vmul.f32 $2.560000000e+02, v18;
	[tilespmem:v16+s10+$0x0] =	vst.idx.add.f32.msk $0xffff, v2  }
0x3b2: {  	v12 =	vtrunc.f32 v12;
	v9 =	vmul.f32 $2.560000000e+02, v9  }
0x3b3: {  	v11 =	vtrunc.f32 v11;
	v7 =	vcvt.f32.s32 v7  }
0x3b4: {  	v8 =	vcvt.f32.s32 v8;
	v10 =	vcvt.f32.s32 v10  }
0x3b5: {  	v13 =	vtrunc.f32 v13;
	v12 =	vcvt.f32.s32 v12;
	v7 =	vshll.u32 v7, $0x4  }
0x3b6: {  	[tilespmem:v5+s10+$0x0] =	vst.idx.add.f32.msk $0xffff, v2;
	v5 =	vcvt.f32.s32 v11;
	v8 =	vshll.u32 v8, $0x4;
	v7 =	vor.u32 v1, v7  }
0x3b7: {  	v9 =	vtrunc.f32 v9;
	v10 =	vshll.u32 v10, $0x4;
	v8 =	vor.u32 v1, v8  }
0x3b8: {  	[tilespmem:v4+s10+$0x0] =	vst.idx.add.f32.msk $0xffff, v2;
	v4 =	vcvt.f32.s32 v13;
	v11 =	vshll.u32 v12, $0x4;
	v10 =	vor.u32 v1, v10  }
0x3b9: {  	[tilespmem:v3+s10+$0x0] =	vst.idx.add.f32.msk $0xffff, v2;
	v3 =	vcvt.f32.s32 v9;
	v5 =	vshll.u32 v5, $0x4;
	v9 =	vor.u32 v1, v11  }
0x3ba: {  	[tilespmem:v6+s10+$0x0] =	vst.idx.add.f32.msk $0xffff, v2;
	v4 =	vshll.u32 v4, $0x4;
	v5 =	vor.u32 v1, v5  }
0x3bb: {  	v3 =	vshll.u32 v3, $0x4;
	v4 =	vor.u32 v1, v4;
	[tilespmem:v7+s10+$0x0] =	vst.idx.add.f32.msk $0xffff, v2  }
0x3bc: {  	v3 =	vor.u32 v1, v3;
	[tilespmem:v8+s10+$0x0] =	vst.idx.add.f32.msk $0xffff, v2  }
0x3bd: {  	[tilespmem:v10+s10+$0x0] =	vst.idx.add.f32.msk $0xffff, v2  }
0x3be: {  	[tilespmem:v9+s10+$0x0] =	vst.idx.add.f32.msk $0xffff, v2  }
0x3bf: {  	[tilespmem:v5+s10+$0x0] =	vst.idx.add.f32.msk $0xffff, v2  }
0x3c0: {  	[tilespmem:v4+s10+$0x0] =	vst.idx.add.f32.msk $0xffff, v2  }
0x3c1: {  	[tilespmem:v3+s10+$0x0] =	vst.idx.add.f32.msk $0xffff, v2  }
0x3c2: {  	s13 =	simm.s32 $0x0;
	s14 =	rddreg [dreg:$0x7]  }
0x3c3: {  	[tilespmem:s8], [sflag:$0x2] =	stream.linear.gather [hbm4b:s14+s13], $0xC000, $0x38;
	[tilespmem:$0x19000] =	vst v63  }
0x3c4: {  	s16 =	sand.u32 $0xF000, s13;
	s15 =	sand.u32 $0xC00, s13;
	_ =	swait.ge [sflag:s9], $0xC000  }
0x3c5: {  	s13 =	sand.u32 $0x380, s13;
	s14 =	sor.u32 s15, s16;
	[sflag:s9] =	ssyncset.done $0x0  }
0x3c6: {  	s13 =	sor.u32 s13, s14;
	[sflag:s9] =	ssyncadd.s32 $0xFFFF4000  }
0x3c7: {  	v3 =	vld [tilespmem:s13+$0x70]  }
0x3c8: {  	v4 =	vld [tilespmem:s13+$0x0]  }
0x3c9: {  	v5 =	vld [tilespmem:s13+$0x10]  }
0x3ca: {  	v6 =	vld [tilespmem:s13+$0x20]  }
0x3cb: {  	v7 =	vld [tilespmem:s13+$0x30]  }
0x3cc: {  	v8 =	vld [tilespmem:s13+$0x40]  }
0x3cd: {  	v9 =	vld [tilespmem:s13+$0x50]  }
0x3ce: {  	v10 =	vld [tilespmem:s13+$0x60]  }
0x3cf: {  	v3 =	vmul.f32 $2.560000000e+02, v3;
	v4 =	vmul.f32 $2.560000000e+02, v4  }
0x3d0: {  	v5 =	vmul.f32 $2.560000000e+02, v5;
	v6 =	vmul.f32 $2.560000000e+02, v6  }
0x3d1: {  	v7 =	vmul.f32 $2.560000000e+02, v7;
	v3 =	vtrunc.f32 v3  }
0x3d2: {  	s17 =	simm.s32 $0x400;
	s18 =	simm.s32 $0x80;
	v8 =	vmul.f32 $2.560000000e+02, v8;
	v3 =	vcvt.f32.s32 v3  }
0x3d3: {  	s19 =	sand.u32 $0xC00, s17;
	s14 =	sand.u32 $0xF000, s18;
	s13 =	simm.s32 $0x20;
	v9 =	vmul.f32 $2.560000000e+02, v9;
	v10 =	vmul.f32 $2.560000000e+02, v10  }
0x3d4: {  	s14 =	sor.u32 s19, s14;
	s16 =	sand.u32 $0x380, s13;
	v4 =	vtrunc.f32 v4;
	v5 =	vtrunc.f32 v5;
	v3 =	vshll.u32 v3, $0x4  }
0x3d5: {  	s14 =	sor.u32 s16, s14;
	v6 =	vtrunc.f32 v6;
	v7 =	vtrunc.f32 v7;
	v3 =	vor.u32 v1, v3  }
0x3d6: {  	v13 =	vld [tilespmem:s14+$0x20];
	v8 =	vtrunc.f32 v8;
	v9 =	vtrunc.f32 v9  }
0x3d7: {  	v10 =	vtrunc.f32 v10;
	v4 =	vcvt.f32.s32 v4  }
0x3d8: {  	v11 =	vld [tilespmem:s14+$0x70];
	v5 =	vcvt.f32.s32 v5;
	v8 =	vcvt.f32.s32 v8  }
0x3d9: {  	v12 =	vld [tilespmem:s14+$0x10];
	v9 =	vcvt.f32.s32 v9;
	v10 =	vcvt.f32.s32 v10  }
0x3da: {  	v4 =	vshll.u32 v4, $0x4;
	[tilespmem:v3+s10+$0x0] =	vst.idx.add.f32.msk $0xffff, v2;
	v3 =	vcvt.f32.s32 v6;
	v6 =	vcvt.f32.s32 v7  }
0x3db: {  	v18 =	vld [tilespmem:s14+$0x40];
	v13 =	vmul.f32 $2.560000000e+02, v13;
	v5 =	vshll.u32 v5, $0x4;
	v14 =	vor.u32 v1, v4  }
0x3dc: {  	v15 =	vor.u32 v1, v5;
	v7 =	vld [tilespmem:s14+$0x0];
	v3 =	vshll.u32 v3, $0x4;
	v4 =	vshll.u32 v6, $0x4  }
0x3dd: {  	v6 =	vshll.u32 v8, $0x4;
	v8 =	vld [tilespmem:s14+$0x30];
	v17 =	vor.u32 v1, v3;
	v3 =	vmul.f32 $2.560000000e+02, v11  }
0x3de: {  	v20 =	vld [tilespmem:s14+$0x50];
	v16 =	vshll.u32 v9, $0x4;
	v10 =	vshll.u32 v10, $0x4;
	v19 =	vor.u32 v1, v4  }
0x3df: {  	v9 =	vld [tilespmem:s14+$0x60];
	v5 =	vor.u32 v1, v6;
	v6 =	vmul.f32 $2.560000000e+02, v12;
	v3 =	vtrunc.f32 v3  }
0x3e0: {  	[tilespmem:v14+s10+$0x0] =	vst.idx.add.f32.msk $0xffff, v2;
	v4 =	vor.u32 v1, v16;
	v11 =	vmul.f32 $2.560000000e+02, v18;
	v63 =	vcvt.f32.s32 v3  }
0x3e1: {  	[tilespmem:v15+s10+$0x0] =	vst.idx.add.f32.msk $0xffff, v2;
	v7 =	vmul.f32 $2.560000000e+02, v7;
	v3 =	vor.u32 v1, v10;
	v10 =	vtrunc.f32 v13  }
0x3e2: {  	v12 =	vmul.f32 $2.560000000e+02, v8;
	v8 =	vtrunc.f32 v6;
	v6 =	vshll.u32 v63, $0x4;
	[tilespmem:v17+s10+$0x0] =	vst.idx.add.f32.msk $0xffff, v2  }
0x3e3: {  	s15 =	simm.s32 $0x800;
	s16 =	simm.s32 $0x100;
	s14 =	simm.s32 $0x8;
	v13 =	vmul.f32 $2.560000000e+02, v20;
	v7 =	vtrunc.f32 v7;
	[tilespmem:v19+s10+$0x0] =	vst.idx.add.f32.msk $0xffff, v2;
	v6 =	vor.u32 v1, v6  }
.LBB2_32:
0x3e4: {  	s17 =	sand.u32 $0xF000, s16;
	s18 =	sand.u32 $0xC00, s15;
	v12 =	vtrunc.f32 v12;
	v9 =	vmul.f32 $2.560000000e+02, v9;
	s13 =	sadd.s32 $0x20, s13;
	[tilespmem:v5+s10+$0x0] =	vst.idx.add.f32.msk $0xffff, v2  }
0x3e5: {  	s14 =	sadd.s32 $0x8, s14;
	v5 =	vtrunc.f32 v11;
	s19 =	sand.u32 $0x380, s13;
	s17 =	sor.u32 s18, s17;
	v11 =	vtrunc.f32 v13;
	[tilespmem:v4+s10+$0x0] =	vst.idx.add.f32.msk $0xffff, v2  }
0x3e6: {  	p0 =	slt.u32 s14, $0xBF8;
	v4 =	vcvt.f32.s32 v7;
	s17 =	sor.u32 s19, s17;
	v7 =	vtrunc.f32 v9;
	[tilespmem:v3+s10+$0x0] =	vst.idx.add.f32.msk $0xffff, v2  }
0x3e7: {  	v8 =	vcvt.f32.s32 v8;
	v9 =	vcvt.f32.s32 v10;
	v3 =	vld [tilespmem:s17+$0x70]  }
0x3e8: {  	v5 =	vcvt.f32.s32 v5;
	v10 =	vcvt.f32.s32 v12;
	v4 =	vshll.u32 v4, $0x4;
	[tilespmem:v6+s10+$0x0] =	vst.idx.add.f32.msk $0xffff, v2  }
0x3e9: {  	v8 =	vshll.u32 v8, $0x4;
	v11 =	vcvt.f32.s32 v11;
	v7 =	vcvt.f32.s32 v7;
	v6 =	vld [tilespmem:s17+$0x0]  }
0x3ea: {  	v5 =	vshll.u32 v5, $0x4;
	v9 =	vshll.u32 v9, $0x4;
	v10 =	vshll.u32 v10, $0x4;
	v12 =	vld [tilespmem:s17+$0x10]  }
0x3eb: {  	v14 =	vor.u32 v1, v4;
	v4 =	vshll.u32 v11, $0x4;
	v7 =	vshll.u32 v7, $0x4;
	v13 =	vld [tilespmem:s17+$0x20]  }
0x3ec: {  	v8 =	vor.u32 v1, v8;
	v15 =	vor.u32 v1, v9;
	v16 =	vor.u32 v1, v10;
	v11 =	vld [tilespmem:s17+$0x30]  }
0x3ed: {  	v5 =	vor.u32 v1, v5;
	v4 =	vor.u32 v1, v4;
	v17 =	vmul.f32 $2.560000000e+02, v3;
	v10 =	vld [tilespmem:s17+$0x40]  }
0x3ee: {  	v3 =	vor.u32 v1, v7;
	v6 =	vmul.f32 $2.560000000e+02, v6;
	v18 =	vld [tilespmem:s17+$0x50]  }
.Ltmp15:
0x3ef: {  	v7 =	vtrunc.f32 v17;
	v19 =	vmul.f32 $2.560000000e+02, v12;
	v9 =	vld [tilespmem:s17+$0x60];
	(pc) =	sbr.rel @p0 .LBB2_32-.Ltmp15, $4  }
0x3f0: {  	v17 =	vcvt.f32.s32 v7;
	v13 =	vmul.f32 $2.560000000e+02, v13;
	[tilespmem:v14+s10+$0x0] =	vst.idx.add.f32.msk $0xffff, v2  }
0x3f1: {  	v7 =	vtrunc.f32 v6;
	v12 =	vmul.f32 $2.560000000e+02, v11;
	[tilespmem:v8+s10+$0x0] =	vst.idx.add.f32.msk $0xffff, v2  }
0x3f2: {  	v8 =	vtrunc.f32 v19;
	v6 =	vshll.u32 v17, $0x4;
	v11 =	vmul.f32 $2.560000000e+02, v10;
	[tilespmem:v15+s10+$0x0] =	vst.idx.add.f32.msk $0xffff, v2  }
0x3f3: {  	s15 =	sadd.s32 $0x400, s15;
	s16 =	sadd.s32 $0x80, s16;
	v10 =	vtrunc.f32 v13;
	v6 =	vor.u32 v1, v6;
	v13 =	vmul.f32 $2.560000000e+02, v18;
	[tilespmem:v16+s10+$0x0] =	vst.idx.add.f32.msk $0xffff, v2  }
0x3f4: {  	v12 =	vtrunc.f32 v12;
	v9 =	vmul.f32 $2.560000000e+02, v9  }
0x3f5: {  	v11 =	vtrunc.f32 v11;
	v7 =	vcvt.f32.s32 v7  }
0x3f6: {  	v8 =	vcvt.f32.s32 v8;
	v10 =	vcvt.f32.s32 v10  }
0x3f7: {  	v13 =	vtrunc.f32 v13;
	v12 =	vcvt.f32.s32 v12;
	v7 =	vshll.u32 v7, $0x4  }
0x3f8: {  	[tilespmem:v5+s10+$0x0] =	vst.idx.add.f32.msk $0xffff, v2;
	v5 =	vcvt.f32.s32 v11;
	v8 =	vshll.u32 v8, $0x4;
	v7 =	vor.u32 v1, v7  }
0x3f9: {  	v9 =	vtrunc.f32 v9;
	v10 =	vshll.u32 v10, $0x4;
	v8 =	vor.u32 v1, v8  }
0x3fa: {  	[tilespmem:v4+s10+$0x0] =	vst.idx.add.f32.msk $0xffff, v2;
	v4 =	vcvt.f32.s32 v13;
	v11 =	vshll.u32 v12, $0x4;
	v10 =	vor.u32 v1, v10  }
0x3fb: {  	[tilespmem:v3+s10+$0x0] =	vst.idx.add.f32.msk $0xffff, v2;
	v3 =	vcvt.f32.s32 v9;
	v5 =	vshll.u32 v5, $0x4;
	v9 =	vor.u32 v1, v11  }
0x3fc: {  	[tilespmem:v6+s10+$0x0] =	vst.idx.add.f32.msk $0xffff, v2;
	v4 =	vshll.u32 v4, $0x4;
	v5 =	vor.u32 v1, v5  }
0x3fd: {  	v3 =	vshll.u32 v3, $0x4;
	v4 =	vor.u32 v1, v4;
	[tilespmem:v7+s10+$0x0] =	vst.idx.add.f32.msk $0xffff, v2  }
0x3fe: {  	v3 =	vor.u32 v1, v3;
	[tilespmem:v8+s10+$0x0] =	vst.idx.add.f32.msk $0xffff, v2  }
0x3ff: {  	[tilespmem:v10+s10+$0x0] =	vst.idx.add.f32.msk $0xffff, v2  }
0x400: {  	[tilespmem:v9+s10+$0x0] =	vst.idx.add.f32.msk $0xffff, v2  }
0x401: {  	[tilespmem:v5+s10+$0x0] =	vst.idx.add.f32.msk $0xffff, v2  }
0x402: {  	[tilespmem:v4+s10+$0x0] =	vst.idx.add.f32.msk $0xffff, v2  }
0x403: {  	[tilespmem:v3+s10+$0x0] =	vst.idx.add.f32.msk $0xffff, v2  }
0x404: {  	s13 =	simm.s32 $0x0;
	s14 =	rddreg [dreg:$0x8]  }
0x405: {  	[tilespmem:s13], [sflag:$0x1] =	stream.linear.gather [hbm4b:s14+s13], $0xC000, $0x38;
	[tilespmem:$0x19000] =	vst v63  }
0x406: {  	s16 =	sand.u32 $0xF000, s13;
	s15 =	sand.u32 $0xC00, s13;
	_ =	swait.ge [sflag:s11], $0xC000  }
0x407: {  	s13 =	sand.u32 $0x380, s13;
	s14 =	sor.u32 s15, s16;
	[sflag:s11] =	ssyncset.done $0x0  }
0x408: {  	s13 =	sor.u32 s13, s14;
	[sflag:s11] =	ssyncadd.s32 $0xFFFF4000  }
0x409: {  	v3 =	vld [tilespmem:s13+$0xC070]  }
0x40a: {  	v4 =	vld [tilespmem:s13+$0xC000]  }
0x40b: {  	v5 =	vld [tilespmem:s13+$0xC010]  }
0x40c: {  	v6 =	vld [tilespmem:s13+$0xC020]  }
0x40d: {  	v7 =	vld [tilespmem:s13+$0xC030]  }
0x40e: {  	v8 =	vld [tilespmem:s13+$0xC040]  }
0x40f: {  	v9 =	vld [tilespmem:s13+$0xC050]  }
0x410: {  	v10 =	vld [tilespmem:s13+$0xC060]  }
0x411: {  	v3 =	vmul.f32 $2.560000000e+02, v3;
	v4 =	vmul.f32 $2.560000000e+02, v4  }
0x412: {  	v5 =	vmul.f32 $2.560000000e+02, v5;
	v6 =	vmul.f32 $2.560000000e+02, v6  }
0x413: {  	v7 =	vmul.f32 $2.560000000e+02, v7;
	v3 =	vtrunc.f32 v3  }
0x414: {  	s17 =	simm.s32 $0x400;
	s18 =	simm.s32 $0x80;
	v8 =	vmul.f32 $2.560000000e+02, v8;
	v3 =	vcvt.f32.s32 v3  }
0x415: {  	s19 =	sand.u32 $0xC00, s17;
	s14 =	sand.u32 $0xF000, s18;
	s13 =	simm.s32 $0x20;
	v9 =	vmul.f32 $2.560000000e+02, v9;
	v10 =	vmul.f32 $2.560000000e+02, v10  }
0x416: {  	s14 =	sor.u32 s19, s14;
	s16 =	sand.u32 $0x380, s13;
	v4 =	vtrunc.f32 v4;
	v5 =	vtrunc.f32 v5;
	v3 =	vshll.u32 v3, $0x4  }
0x417: {  	s14 =	sor.u32 s16, s14;
	v6 =	vtrunc.f32 v6;
	v7 =	vtrunc.f32 v7;
	v3 =	vor.u32 v1, v3  }
0x418: {  	v13 =	vld [tilespmem:s14+$0xC020];
	v8 =	vtrunc.f32 v8;
	v9 =	vtrunc.f32 v9  }
0x419: {  	v10 =	vtrunc.f32 v10;
	v4 =	vcvt.f32.s32 v4  }
0x41a: {  	v11 =	vld [tilespmem:s14+$0xC070];
	v5 =	vcvt.f32.s32 v5;
	v8 =	vcvt.f32.s32 v8  }
0x41b: {  	v12 =	vld [tilespmem:s14+$0xC010];
	v9 =	vcvt.f32.s32 v9;
	v10 =	vcvt.f32.s32 v10  }
0x41c: {  	v4 =	vshll.u32 v4, $0x4;
	[tilespmem:v3+s10+$0x0] =	vst.idx.add.f32.msk $0xffff, v2;
	v3 =	vcvt.f32.s32 v6;
	v6 =	vcvt.f32.s32 v7  }
0x41d: {  	v18 =	vld [tilespmem:s14+$0xC040];
	v13 =	vmul.f32 $2.560000000e+02, v13;
	v5 =	vshll.u32 v5, $0x4;
	v14 =	vor.u32 v1, v4  }
0x41e: {  	v15 =	vor.u32 v1, v5;
	v7 =	vld [tilespmem:s14+$0xC000];
	v3 =	vshll.u32 v3, $0x4;
	v4 =	vshll.u32 v6, $0x4  }
0x41f: {  	v6 =	vshll.u32 v8, $0x4;
	v8 =	vld [tilespmem:s14+$0xC030];
	v17 =	vor.u32 v1, v3;
	v3 =	vmul.f32 $2.560000000e+02, v11  }
0x420: {  	v20 =	vld [tilespmem:s14+$0xC050];
	v16 =	vshll.u32 v9, $0x4;
	v10 =	vshll.u32 v10, $0x4;
	v19 =	vor.u32 v1, v4  }
0x421: {  	v9 =	vld [tilespmem:s14+$0xC060];
	v5 =	vor.u32 v1, v6;
	v6 =	vmul.f32 $2.560000000e+02, v12;
	v3 =	vtrunc.f32 v3  }
0x422: {  	[tilespmem:v14+s10+$0x0] =	vst.idx.add.f32.msk $0xffff, v2;
	v4 =	vor.u32 v1, v16;
	v11 =	vmul.f32 $2.560000000e+02, v18;
	v63 =	vcvt.f32.s32 v3  }
0x423: {  	[tilespmem:v15+s10+$0x0] =	vst.idx.add.f32.msk $0xffff, v2;
	v7 =	vmul.f32 $2.560000000e+02, v7;
	v3 =	vor.u32 v1, v10;
	v10 =	vtrunc.f32 v13  }
0x424: {  	v12 =	vmul.f32 $2.560000000e+02, v8;
	v8 =	vtrunc.f32 v6;
	v6 =	vshll.u32 v63, $0x4;
	[tilespmem:v17+s10+$0x0] =	vst.idx.add.f32.msk $0xffff, v2  }
0x425: {  	s15 =	simm.s32 $0x800;
	s16 =	simm.s32 $0x100;
	s14 =	simm.s32 $0x8;
	v13 =	vmul.f32 $2.560000000e+02, v20;
	v7 =	vtrunc.f32 v7;
	[tilespmem:v19+s10+$0x0] =	vst.idx.add.f32.msk $0xffff, v2;
	v6 =	vor.u32 v1, v6  }
.LBB2_34:
0x426: {  	s17 =	sand.u32 $0xF000, s16;
	s18 =	sand.u32 $0xC00, s15;
	v12 =	vtrunc.f32 v12;
	v9 =	vmul.f32 $2.560000000e+02, v9;
	s13 =	sadd.s32 $0x20, s13;
	[tilespmem:v5+s10+$0x0] =	vst.idx.add.f32.msk $0xffff, v2  }
0x427: {  	s14 =	sadd.s32 $0x8, s14;
	v5 =	vtrunc.f32 v11;
	s19 =	sand.u32 $0x380, s13;
	s17 =	sor.u32 s18, s17;
	v11 =	vtrunc.f32 v13;
	[tilespmem:v4+s10+$0x0] =	vst.idx.add.f32.msk $0xffff, v2  }
0x428: {  	p0 =	slt.u32 s14, $0xBF8;
	v4 =	vcvt.f32.s32 v7;
	s17 =	sor.u32 s19, s17;
	v7 =	vtrunc.f32 v9;
	[tilespmem:v3+s10+$0x0] =	vst.idx.add.f32.msk $0xffff, v2  }
0x429: {  	v8 =	vcvt.f32.s32 v8;
	v9 =	vcvt.f32.s32 v10;
	v3 =	vld [tilespmem:s17+$0xC070]  }
0x42a: {  	v5 =	vcvt.f32.s32 v5;
	v10 =	vcvt.f32.s32 v12;
	v4 =	vshll.u32 v4, $0x4;
	[tilespmem:v6+s10+$0x0] =	vst.idx.add.f32.msk $0xffff, v2  }
0x42b: {  	v8 =	vshll.u32 v8, $0x4;
	v11 =	vcvt.f32.s32 v11;
	v7 =	vcvt.f32.s32 v7;
	v6 =	vld [tilespmem:s17+$0xC000]  }
0x42c: {  	v5 =	vshll.u32 v5, $0x4;
	v9 =	vshll.u32 v9, $0x4;
	v10 =	vshll.u32 v10, $0x4;
	v12 =	vld [tilespmem:s17+$0xC010]  }
0x42d: {  	v14 =	vor.u32 v1, v4;
	v4 =	vshll.u32 v11, $0x4;
	v7 =	vshll.u32 v7, $0x4;
	v13 =	vld [tilespmem:s17+$0xC020]  }
0x42e: {  	v8 =	vor.u32 v1, v8;
	v15 =	vor.u32 v1, v9;
	v16 =	vor.u32 v1, v10;
	v11 =	vld [tilespmem:s17+$0xC030]  }
0x42f: {  	v5 =	vor.u32 v1, v5;
	v4 =	vor.u32 v1, v4;
	v17 =	vmul.f32 $2.560000000e+02, v3;
	v10 =	vld [tilespmem:s17+$0xC040]  }
0x430: {  	v3 =	vor.u32 v1, v7;
	v6 =	vmul.f32 $2.560000000e+02, v6;
	v18 =	vld [tilespmem:s17+$0xC050]  }
.Ltmp16:
0x431: {  	v7 =	vtrunc.f32 v17;
	v19 =	vmul.f32 $2.560000000e+02, v12;
	v9 =	vld [tilespmem:s17+$0xC060];
	(pc) =	sbr.rel @p0 .LBB2_34-.Ltmp16, $4  }
0x432: {  	v17 =	vcvt.f32.s32 v7;
	v13 =	vmul.f32 $2.560000000e+02, v13;
	[tilespmem:v14+s10+$0x0] =	vst.idx.add.f32.msk $0xffff, v2  }
0x433: {  	v7 =	vtrunc.f32 v6;
	v12 =	vmul.f32 $2.560000000e+02, v11;
	[tilespmem:v8+s10+$0x0] =	vst.idx.add.f32.msk $0xffff, v2  }
0x434: {  	v8 =	vtrunc.f32 v19;
	v6 =	vshll.u32 v17, $0x4;
	v11 =	vmul.f32 $2.560000000e+02, v10;
	[tilespmem:v15+s10+$0x0] =	vst.idx.add.f32.msk $0xffff, v2  }
0x435: {  	s15 =	sadd.s32 $0x400, s15;
	s16 =	sadd.s32 $0x80, s16;
	v10 =	vtrunc.f32 v13;
	v6 =	vor.u32 v1, v6;
	v13 =	vmul.f32 $2.560000000e+02, v18;
	[tilespmem:v16+s10+$0x0] =	vst.idx.add.f32.msk $0xffff, v2  }
0x436: {  	v12 =	vtrunc.f32 v12;
	v9 =	vmul.f32 $2.560000000e+02, v9  }
0x437: {  	v11 =	vtrunc.f32 v11;
	v7 =	vcvt.f32.s32 v7  }
0x438: {  	v8 =	vcvt.f32.s32 v8;
	v10 =	vcvt.f32.s32 v10  }
0x439: {  	v13 =	vtrunc.f32 v13;
	v12 =	vcvt.f32.s32 v12;
	v7 =	vshll.u32 v7, $0x4  }
0x43a: {  	[tilespmem:v5+s10+$0x0] =	vst.idx.add.f32.msk $0xffff, v2;
	v5 =	vcvt.f32.s32 v11;
	v8 =	vshll.u32 v8, $0x4;
	v7 =	vor.u32 v1, v7  }
0x43b: {  	v9 =	vtrunc.f32 v9;
	v10 =	vshll.u32 v10, $0x4;
	v8 =	vor.u32 v1, v8  }
0x43c: {  	[tilespmem:v4+s10+$0x0] =	vst.idx.add.f32.msk $0xffff, v2;
	v4 =	vcvt.f32.s32 v13;
	v11 =	vshll.u32 v12, $0x4;
	v10 =	vor.u32 v1, v10  }
0x43d: {  	[tilespmem:v3+s10+$0x0] =	vst.idx.add.f32.msk $0xffff, v2;
	v3 =	vcvt.f32.s32 v9;
	v5 =	vshll.u32 v5, $0x4;
	v9 =	vor.u32 v1, v11  }
0x43e: {  	[tilespmem:v6+s10+$0x0] =	vst.idx.add.f32.msk $0xffff, v2;
	v4 =	vshll.u32 v4, $0x4;
	v5 =	vor.u32 v1, v5  }
0x43f: {  	v3 =	vshll.u32 v3, $0x4;
	v4 =	vor.u32 v1, v4;
	[tilespmem:v7+s10+$0x0] =	vst.idx.add.f32.msk $0xffff, v2  }
0x440: {  	v3 =	vor.u32 v1, v3;
	[tilespmem:v8+s10+$0x0] =	vst.idx.add.f32.msk $0xffff, v2  }
0x441: {  	[tilespmem:v10+s10+$0x0] =	vst.idx.add.f32.msk $0xffff, v2  }
0x442: {  	[tilespmem:v9+s10+$0x0] =	vst.idx.add.f32.msk $0xffff, v2  }
0x443: {  	[tilespmem:v5+s10+$0x0] =	vst.idx.add.f32.msk $0xffff, v2  }
0x444: {  	[tilespmem:v4+s10+$0x0] =	vst.idx.add.f32.msk $0xffff, v2  }
0x445: {  	[tilespmem:v3+s10+$0x0] =	vst.idx.add.f32.msk $0xffff, v2  }
0x446: {  	s13 =	simm.s32 $0x0;
	s14 =	rddreg [dreg:$0x9]  }
0x447: {  	[tilespmem:s8], [sflag:$0x2] =	stream.linear.gather [hbm4b:s14+s13], $0xC000, $0x38;
	[tilespmem:$0x19000] =	vst v63  }
0x448: {  	s16 =	sand.u32 $0xF000, s13;
	s15 =	sand.u32 $0xC00, s13;
	_ =	swait.ge [sflag:s9], $0xC000  }
0x449: {  	s13 =	sand.u32 $0x380, s13;
	s14 =	sor.u32 s15, s16;
	[sflag:s9] =	ssyncset.done $0x0  }
0x44a: {  	s13 =	sor.u32 s13, s14;
	[sflag:s9] =	ssyncadd.s32 $0xFFFF4000  }
0x44b: {  	v3 =	vld [tilespmem:s13+$0x70]  }
0x44c: {  	v4 =	vld [tilespmem:s13+$0x0]  }
0x44d: {  	v5 =	vld [tilespmem:s13+$0x10]  }
0x44e: {  	v6 =	vld [tilespmem:s13+$0x20]  }
0x44f: {  	v7 =	vld [tilespmem:s13+$0x30]  }
0x450: {  	v8 =	vld [tilespmem:s13+$0x40]  }
0x451: {  	v9 =	vld [tilespmem:s13+$0x50]  }
0x452: {  	v10 =	vld [tilespmem:s13+$0x60]  }
0x453: {  	v3 =	vmul.f32 $2.560000000e+02, v3;
	v4 =	vmul.f32 $2.560000000e+02, v4  }
0x454: {  	v5 =	vmul.f32 $2.560000000e+02, v5;
	v6 =	vmul.f32 $2.560000000e+02, v6  }
0x455: {  	v7 =	vmul.f32 $2.560000000e+02, v7;
	v3 =	vtrunc.f32 v3  }
0x456: {  	s17 =	simm.s32 $0x400;
	s18 =	simm.s32 $0x80;
	v8 =	vmul.f32 $2.560000000e+02, v8;
	v3 =	vcvt.f32.s32 v3  }
0x457: {  	s19 =	sand.u32 $0xC00, s17;
	s14 =	sand.u32 $0xF000, s18;
	s13 =	simm.s32 $0x20;
	v9 =	vmul.f32 $2.560000000e+02, v9;
	v10 =	vmul.f32 $2.560000000e+02, v10  }
0x458: {  	s14 =	sor.u32 s19, s14;
	s16 =	sand.u32 $0x380, s13;
	v4 =	vtrunc.f32 v4;
	v5 =	vtrunc.f32 v5;
	v3 =	vshll.u32 v3, $0x4  }
0x459: {  	s14 =	sor.u32 s16, s14;
	v6 =	vtrunc.f32 v6;
	v7 =	vtrunc.f32 v7;
	v3 =	vor.u32 v1, v3  }
0x45a: {  	v13 =	vld [tilespmem:s14+$0x20];
	v8 =	vtrunc.f32 v8;
	v9 =	vtrunc.f32 v9  }
0x45b: {  	v10 =	vtrunc.f32 v10;
	v4 =	vcvt.f32.s32 v4  }
0x45c: {  	v11 =	vld [tilespmem:s14+$0x70];
	v5 =	vcvt.f32.s32 v5;
	v8 =	vcvt.f32.s32 v8  }
0x45d: {  	v12 =	vld [tilespmem:s14+$0x10];
	v9 =	vcvt.f32.s32 v9;
	v10 =	vcvt.f32.s32 v10  }
0x45e: {  	v4 =	vshll.u32 v4, $0x4;
	[tilespmem:v3+s10+$0x0] =	vst.idx.add.f32.msk $0xffff, v2;
	v3 =	vcvt.f32.s32 v6;
	v6 =	vcvt.f32.s32 v7  }
0x45f: {  	v18 =	vld [tilespmem:s14+$0x40];
	v13 =	vmul.f32 $2.560000000e+02, v13;
	v5 =	vshll.u32 v5, $0x4;
	v14 =	vor.u32 v1, v4  }
0x460: {  	v15 =	vor.u32 v1, v5;
	v7 =	vld [tilespmem:s14+$0x0];
	v3 =	vshll.u32 v3, $0x4;
	v4 =	vshll.u32 v6, $0x4  }
0x461: {  	v6 =	vshll.u32 v8, $0x4;
	v8 =	vld [tilespmem:s14+$0x30];
	v17 =	vor.u32 v1, v3;
	v3 =	vmul.f32 $2.560000000e+02, v11  }
0x462: {  	v20 =	vld [tilespmem:s14+$0x50];
	v16 =	vshll.u32 v9, $0x4;
	v10 =	vshll.u32 v10, $0x4;
	v19 =	vor.u32 v1, v4  }
0x463: {  	v9 =	vld [tilespmem:s14+$0x60];
	v5 =	vor.u32 v1, v6;
	v6 =	vmul.f32 $2.560000000e+02, v12;
	v3 =	vtrunc.f32 v3  }
0x464: {  	[tilespmem:v14+s10+$0x0] =	vst.idx.add.f32.msk $0xffff, v2;
	v4 =	vor.u32 v1, v16;
	v11 =	vmul.f32 $2.560000000e+02, v18;
	v63 =	vcvt.f32.s32 v3  }
0x465: {  	[tilespmem:v15+s10+$0x0] =	vst.idx.add.f32.msk $0xffff, v2;
	v7 =	vmul.f32 $2.560000000e+02, v7;
	v3 =	vor.u32 v1, v10;
	v10 =	vtrunc.f32 v13  }
0x466: {  	v12 =	vmul.f32 $2.560000000e+02, v8;
	v8 =	vtrunc.f32 v6;
	v6 =	vshll.u32 v63, $0x4;
	[tilespmem:v17+s10+$0x0] =	vst.idx.add.f32.msk $0xffff, v2  }
0x467: {  	s15 =	simm.s32 $0x800;
	s16 =	simm.s32 $0x100;
	s14 =	simm.s32 $0x8;
	v13 =	vmul.f32 $2.560000000e+02, v20;
	v7 =	vtrunc.f32 v7;
	[tilespmem:v19+s10+$0x0] =	vst.idx.add.f32.msk $0xffff, v2;
	v6 =	vor.u32 v1, v6  }
.LBB2_36:
0x468: {  	s17 =	sand.u32 $0xF000, s16;
	s18 =	sand.u32 $0xC00, s15;
	v12 =	vtrunc.f32 v12;
	v9 =	vmul.f32 $2.560000000e+02, v9;
	s13 =	sadd.s32 $0x20, s13;
	[tilespmem:v5+s10+$0x0] =	vst.idx.add.f32.msk $0xffff, v2  }
0x469: {  	s14 =	sadd.s32 $0x8, s14;
	v5 =	vtrunc.f32 v11;
	s19 =	sand.u32 $0x380, s13;
	s17 =	sor.u32 s18, s17;
	v11 =	vtrunc.f32 v13;
	[tilespmem:v4+s10+$0x0] =	vst.idx.add.f32.msk $0xffff, v2  }
0x46a: {  	p0 =	slt.u32 s14, $0xBF8;
	v4 =	vcvt.f32.s32 v7;
	s17 =	sor.u32 s19, s17;
	v7 =	vtrunc.f32 v9;
	[tilespmem:v3+s10+$0x0] =	vst.idx.add.f32.msk $0xffff, v2  }
0x46b: {  	v8 =	vcvt.f32.s32 v8;
	v9 =	vcvt.f32.s32 v10;
	v3 =	vld [tilespmem:s17+$0x70]  }
0x46c: {  	v5 =	vcvt.f32.s32 v5;
	v10 =	vcvt.f32.s32 v12;
	v4 =	vshll.u32 v4, $0x4;
	[tilespmem:v6+s10+$0x0] =	vst.idx.add.f32.msk $0xffff, v2  }
0x46d: {  	v8 =	vshll.u32 v8, $0x4;
	v11 =	vcvt.f32.s32 v11;
	v7 =	vcvt.f32.s32 v7;
	v6 =	vld [tilespmem:s17+$0x0]  }
0x46e: {  	v5 =	vshll.u32 v5, $0x4;
	v9 =	vshll.u32 v9, $0x4;
	v10 =	vshll.u32 v10, $0x4;
	v12 =	vld [tilespmem:s17+$0x10]  }
0x46f: {  	v14 =	vor.u32 v1, v4;
	v4 =	vshll.u32 v11, $0x4;
	v7 =	vshll.u32 v7, $0x4;
	v13 =	vld [tilespmem:s17+$0x20]  }
0x470: {  	v8 =	vor.u32 v1, v8;
	v15 =	vor.u32 v1, v9;
	v16 =	vor.u32 v1, v10;
	v11 =	vld [tilespmem:s17+$0x30]  }
0x471: {  	v5 =	vor.u32 v1, v5;
	v4 =	vor.u32 v1, v4;
	v17 =	vmul.f32 $2.560000000e+02, v3;
	v10 =	vld [tilespmem:s17+$0x40]  }
0x472: {  	v3 =	vor.u32 v1, v7;
	v6 =	vmul.f32 $2.560000000e+02, v6;
	v18 =	vld [tilespmem:s17+$0x50]  }
.Ltmp17:
0x473: {  	v7 =	vtrunc.f32 v17;
	v19 =	vmul.f32 $2.560000000e+02, v12;
	v9 =	vld [tilespmem:s17+$0x60];
	(pc) =	sbr.rel @p0 .LBB2_36-.Ltmp17, $4  }
0x474: {  	v17 =	vcvt.f32.s32 v7;
	v13 =	vmul.f32 $2.560000000e+02, v13;
	[tilespmem:v14+s10+$0x0] =	vst.idx.add.f32.msk $0xffff, v2  }
0x475: {  	v7 =	vtrunc.f32 v6;
	v12 =	vmul.f32 $2.560000000e+02, v11;
	[tilespmem:v8+s10+$0x0] =	vst.idx.add.f32.msk $0xffff, v2  }
0x476: {  	v8 =	vtrunc.f32 v19;
	v6 =	vshll.u32 v17, $0x4;
	v11 =	vmul.f32 $2.560000000e+02, v10;
	[tilespmem:v15+s10+$0x0] =	vst.idx.add.f32.msk $0xffff, v2  }
0x477: {  	s15 =	sadd.s32 $0x400, s15;
	s16 =	sadd.s32 $0x80, s16;
	v10 =	vtrunc.f32 v13;
	v6 =	vor.u32 v1, v6;
	v13 =	vmul.f32 $2.560000000e+02, v18;
	[tilespmem:v16+s10+$0x0] =	vst.idx.add.f32.msk $0xffff, v2  }
0x478: {  	v12 =	vtrunc.f32 v12;
	v9 =	vmul.f32 $2.560000000e+02, v9  }
0x479: {  	v11 =	vtrunc.f32 v11;
	v7 =	vcvt.f32.s32 v7  }
0x47a: {  	v8 =	vcvt.f32.s32 v8;
	v10 =	vcvt.f32.s32 v10  }
0x47b: {  	v13 =	vtrunc.f32 v13;
	v12 =	vcvt.f32.s32 v12;
	v7 =	vshll.u32 v7, $0x4  }
0x47c: {  	[tilespmem:v5+s10+$0x0] =	vst.idx.add.f32.msk $0xffff, v2;
	v5 =	vcvt.f32.s32 v11;
	v8 =	vshll.u32 v8, $0x4;
	v7 =	vor.u32 v1, v7  }
0x47d: {  	v9 =	vtrunc.f32 v9;
	v10 =	vshll.u32 v10, $0x4;
	v8 =	vor.u32 v1, v8  }
0x47e: {  	[tilespmem:v4+s10+$0x0] =	vst.idx.add.f32.msk $0xffff, v2;
	v4 =	vcvt.f32.s32 v13;
	v11 =	vshll.u32 v12, $0x4;
	v10 =	vor.u32 v1, v10  }
0x47f: {  	[tilespmem:v3+s10+$0x0] =	vst.idx.add.f32.msk $0xffff, v2;
	v3 =	vcvt.f32.s32 v9;
	v5 =	vshll.u32 v5, $0x4;
	v9 =	vor.u32 v1, v11  }
0x480: {  	[tilespmem:v6+s10+$0x0] =	vst.idx.add.f32.msk $0xffff, v2;
	v4 =	vshll.u32 v4, $0x4;
	v5 =	vor.u32 v1, v5  }
0x481: {  	v3 =	vshll.u32 v3, $0x4;
	v4 =	vor.u32 v1, v4;
	[tilespmem:v7+s10+$0x0] =	vst.idx.add.f32.msk $0xffff, v2  }
0x482: {  	v3 =	vor.u32 v1, v3;
	[tilespmem:v8+s10+$0x0] =	vst.idx.add.f32.msk $0xffff, v2  }
0x483: {  	[tilespmem:v10+s10+$0x0] =	vst.idx.add.f32.msk $0xffff, v2  }
0x484: {  	[tilespmem:v9+s10+$0x0] =	vst.idx.add.f32.msk $0xffff, v2  }
0x485: {  	[tilespmem:v5+s10+$0x0] =	vst.idx.add.f32.msk $0xffff, v2  }
0x486: {  	[tilespmem:v4+s10+$0x0] =	vst.idx.add.f32.msk $0xffff, v2  }
0x487: {  	[tilespmem:v3+s10+$0x0] =	vst.idx.add.f32.msk $0xffff, v2  }
0x488: {  	s13 =	simm.s32 $0x0;
	s14 =	rddreg [dreg:$0xa]  }
0x489: {  	[tilespmem:s13], [sflag:$0x1] =	stream.linear.gather [hbm4b:s14+s13], $0xC000, $0x38;
	[tilespmem:$0x19000] =	vst v63  }
0x48a: {  	s16 =	sand.u32 $0xF000, s13;
	s15 =	sand.u32 $0xC00, s13;
	_ =	swait.ge [sflag:s11], $0xC000  }
0x48b: {  	s13 =	sand.u32 $0x380, s13;
	s14 =	sor.u32 s15, s16;
	[sflag:s11] =	ssyncset.done $0x0  }
0x48c: {  	s13 =	sor.u32 s13, s14;
	[sflag:s11] =	ssyncadd.s32 $0xFFFF4000  }
0x48d: {  	v3 =	vld [tilespmem:s13+$0xC070]  }
0x48e: {  	v4 =	vld [tilespmem:s13+$0xC000]  }
0x48f: {  	v5 =	vld [tilespmem:s13+$0xC010]  }
0x490: {  	v6 =	vld [tilespmem:s13+$0xC020]  }
0x491: {  	v7 =	vld [tilespmem:s13+$0xC030]  }
0x492: {  	v8 =	vld [tilespmem:s13+$0xC040]  }
0x493: {  	v9 =	vld [tilespmem:s13+$0xC050]  }
0x494: {  	v10 =	vld [tilespmem:s13+$0xC060]  }
0x495: {  	v3 =	vmul.f32 $2.560000000e+02, v3;
	v4 =	vmul.f32 $2.560000000e+02, v4  }
0x496: {  	v5 =	vmul.f32 $2.560000000e+02, v5;
	v6 =	vmul.f32 $2.560000000e+02, v6  }
0x497: {  	v7 =	vmul.f32 $2.560000000e+02, v7;
	v3 =	vtrunc.f32 v3  }
0x498: {  	s17 =	simm.s32 $0x400;
	s18 =	simm.s32 $0x80;
	v8 =	vmul.f32 $2.560000000e+02, v8;
	v3 =	vcvt.f32.s32 v3  }
0x499: {  	s19 =	sand.u32 $0xC00, s17;
	s14 =	sand.u32 $0xF000, s18;
	s13 =	simm.s32 $0x20;
	v9 =	vmul.f32 $2.560000000e+02, v9;
	v10 =	vmul.f32 $2.560000000e+02, v10  }
0x49a: {  	s14 =	sor.u32 s19, s14;
	s16 =	sand.u32 $0x380, s13;
	v4 =	vtrunc.f32 v4;
	v5 =	vtrunc.f32 v5;
	v3 =	vshll.u32 v3, $0x4  }
0x49b: {  	s14 =	sor.u32 s16, s14;
	v6 =	vtrunc.f32 v6;
	v7 =	vtrunc.f32 v7;
	v3 =	vor.u32 v1, v3  }
0x49c: {  	v13 =	vld [tilespmem:s14+$0xC020];
	v8 =	vtrunc.f32 v8;
	v9 =	vtrunc.f32 v9  }
0x49d: {  	v10 =	vtrunc.f32 v10;
	v4 =	vcvt.f32.s32 v4  }
0x49e: {  	v11 =	vld [tilespmem:s14+$0xC070];
	v5 =	vcvt.f32.s32 v5;
	v8 =	vcvt.f32.s32 v8  }
0x49f: {  	v12 =	vld [tilespmem:s14+$0xC010];
	v9 =	vcvt.f32.s32 v9;
	v10 =	vcvt.f32.s32 v10  }
0x4a0: {  	v4 =	vshll.u32 v4, $0x4;
	[tilespmem:v3+s10+$0x0] =	vst.idx.add.f32.msk $0xffff, v2;
	v3 =	vcvt.f32.s32 v6;
	v6 =	vcvt.f32.s32 v7  }
0x4a1: {  	v18 =	vld [tilespmem:s14+$0xC040];
	v13 =	vmul.f32 $2.560000000e+02, v13;
	v5 =	vshll.u32 v5, $0x4;
	v14 =	vor.u32 v1, v4  }
0x4a2: {  	v15 =	vor.u32 v1, v5;
	v7 =	vld [tilespmem:s14+$0xC000];
	v3 =	vshll.u32 v3, $0x4;
	v4 =	vshll.u32 v6, $0x4  }
0x4a3: {  	v6 =	vshll.u32 v8, $0x4;
	v8 =	vld [tilespmem:s14+$0xC030];
	v17 =	vor.u32 v1, v3;
	v3 =	vmul.f32 $2.560000000e+02, v11  }
0x4a4: {  	v20 =	vld [tilespmem:s14+$0xC050];
	v16 =	vshll.u32 v9, $0x4;
	v10 =	vshll.u32 v10, $0x4;
	v19 =	vor.u32 v1, v4  }
0x4a5: {  	v9 =	vld [tilespmem:s14+$0xC060];
	v5 =	vor.u32 v1, v6;
	v6 =	vmul.f32 $2.560000000e+02, v12;
	v3 =	vtrunc.f32 v3  }
0x4a6: {  	[tilespmem:v14+s10+$0x0] =	vst.idx.add.f32.msk $0xffff, v2;
	v4 =	vor.u32 v1, v16;
	v11 =	vmul.f32 $2.560000000e+02, v18;
	v63 =	vcvt.f32.s32 v3  }
0x4a7: {  	[tilespmem:v15+s10+$0x0] =	vst.idx.add.f32.msk $0xffff, v2;
	v7 =	vmul.f32 $2.560000000e+02, v7;
	v3 =	vor.u32 v1, v10;
	v10 =	vtrunc.f32 v13  }
0x4a8: {  	v12 =	vmul.f32 $2.560000000e+02, v8;
	v8 =	vtrunc.f32 v6;
	v6 =	vshll.u32 v63, $0x4;
	[tilespmem:v17+s10+$0x0] =	vst.idx.add.f32.msk $0xffff, v2  }
0x4a9: {  	s15 =	simm.s32 $0x800;
	s16 =	simm.s32 $0x100;
	s14 =	simm.s32 $0x8;
	v13 =	vmul.f32 $2.560000000e+02, v20;
	v7 =	vtrunc.f32 v7;
	[tilespmem:v19+s10+$0x0] =	vst.idx.add.f32.msk $0xffff, v2;
	v6 =	vor.u32 v1, v6  }
.LBB2_38:
0x4aa: {  	s17 =	sand.u32 $0xF000, s16;
	s18 =	sand.u32 $0xC00, s15;
	v12 =	vtrunc.f32 v12;
	v9 =	vmul.f32 $2.560000000e+02, v9;
	s13 =	sadd.s32 $0x20, s13;
	[tilespmem:v5+s10+$0x0] =	vst.idx.add.f32.msk $0xffff, v2  }
0x4ab: {  	s14 =	sadd.s32 $0x8, s14;
	v5 =	vtrunc.f32 v11;
	s19 =	sand.u32 $0x380, s13;
	s17 =	sor.u32 s18, s17;
	v11 =	vtrunc.f32 v13;
	[tilespmem:v4+s10+$0x0] =	vst.idx.add.f32.msk $0xffff, v2  }
0x4ac: {  	p0 =	slt.u32 s14, $0xBF8;
	v4 =	vcvt.f32.s32 v7;
	s17 =	sor.u32 s19, s17;
	v7 =	vtrunc.f32 v9;
	[tilespmem:v3+s10+$0x0] =	vst.idx.add.f32.msk $0xffff, v2  }
0x4ad: {  	v8 =	vcvt.f32.s32 v8;
	v9 =	vcvt.f32.s32 v10;
	v3 =	vld [tilespmem:s17+$0xC070]  }
0x4ae: {  	v5 =	vcvt.f32.s32 v5;
	v10 =	vcvt.f32.s32 v12;
	v4 =	vshll.u32 v4, $0x4;
	[tilespmem:v6+s10+$0x0] =	vst.idx.add.f32.msk $0xffff, v2  }
0x4af: {  	v8 =	vshll.u32 v8, $0x4;
	v11 =	vcvt.f32.s32 v11;
	v7 =	vcvt.f32.s32 v7;
	v6 =	vld [tilespmem:s17+$0xC000]  }
0x4b0: {  	v5 =	vshll.u32 v5, $0x4;
	v9 =	vshll.u32 v9, $0x4;
	v10 =	vshll.u32 v10, $0x4;
	v12 =	vld [tilespmem:s17+$0xC010]  }
0x4b1: {  	v14 =	vor.u32 v1, v4;
	v4 =	vshll.u32 v11, $0x4;
	v7 =	vshll.u32 v7, $0x4;
	v13 =	vld [tilespmem:s17+$0xC020]  }
0x4b2: {  	v8 =	vor.u32 v1, v8;
	v15 =	vor.u32 v1, v9;
	v16 =	vor.u32 v1, v10;
	v11 =	vld [tilespmem:s17+$0xC030]  }
0x4b3: {  	v5 =	vor.u32 v1, v5;
	v4 =	vor.u32 v1, v4;
	v17 =	vmul.f32 $2.560000000e+02, v3;
	v10 =	vld [tilespmem:s17+$0xC040]  }
0x4b4: {  	v3 =	vor.u32 v1, v7;
	v6 =	vmul.f32 $2.560000000e+02, v6;
	v18 =	vld [tilespmem:s17+$0xC050]  }
.Ltmp18:
0x4b5: {  	v7 =	vtrunc.f32 v17;
	v19 =	vmul.f32 $2.560000000e+02, v12;
	v9 =	vld [tilespmem:s17+$0xC060];
	(pc) =	sbr.rel @p0 .LBB2_38-.Ltmp18, $4  }
0x4b6: {  	v17 =	vcvt.f32.s32 v7;
	v13 =	vmul.f32 $2.560000000e+02, v13;
	[tilespmem:v14+s10+$0x0] =	vst.idx.add.f32.msk $0xffff, v2  }
0x4b7: {  	v7 =	vtrunc.f32 v6;
	v12 =	vmul.f32 $2.560000000e+02, v11;
	[tilespmem:v8+s10+$0x0] =	vst.idx.add.f32.msk $0xffff, v2  }
0x4b8: {  	v8 =	vtrunc.f32 v19;
	v6 =	vshll.u32 v17, $0x4;
	v11 =	vmul.f32 $2.560000000e+02, v10;
	[tilespmem:v15+s10+$0x0] =	vst.idx.add.f32.msk $0xffff, v2  }
0x4b9: {  	s15 =	sadd.s32 $0x400, s15;
	s16 =	sadd.s32 $0x80, s16;
	v10 =	vtrunc.f32 v13;
	v6 =	vor.u32 v1, v6;
	v13 =	vmul.f32 $2.560000000e+02, v18;
	[tilespmem:v16+s10+$0x0] =	vst.idx.add.f32.msk $0xffff, v2  }
0x4ba: {  	v12 =	vtrunc.f32 v12;
	v9 =	vmul.f32 $2.560000000e+02, v9  }
0x4bb: {  	v11 =	vtrunc.f32 v11;
	v7 =	vcvt.f32.s32 v7  }
0x4bc: {  	v8 =	vcvt.f32.s32 v8;
	v10 =	vcvt.f32.s32 v10  }
0x4bd: {  	v13 =	vtrunc.f32 v13;
	v12 =	vcvt.f32.s32 v12;
	v7 =	vshll.u32 v7, $0x4  }
0x4be: {  	[tilespmem:v5+s10+$0x0] =	vst.idx.add.f32.msk $0xffff, v2;
	v5 =	vcvt.f32.s32 v11;
	v8 =	vshll.u32 v8, $0x4;
	v7 =	vor.u32 v1, v7  }
0x4bf: {  	v9 =	vtrunc.f32 v9;
	v10 =	vshll.u32 v10, $0x4;
	v8 =	vor.u32 v1, v8  }
0x4c0: {  	[tilespmem:v4+s10+$0x0] =	vst.idx.add.f32.msk $0xffff, v2;
	v4 =	vcvt.f32.s32 v13;
	v11 =	vshll.u32 v12, $0x4;
	v10 =	vor.u32 v1, v10  }
0x4c1: {  	[tilespmem:v3+s10+$0x0] =	vst.idx.add.f32.msk $0xffff, v2;
	v3 =	vcvt.f32.s32 v9;
	v5 =	vshll.u32 v5, $0x4;
	v9 =	vor.u32 v1, v11  }
0x4c2: {  	[tilespmem:v6+s10+$0x0] =	vst.idx.add.f32.msk $0xffff, v2;
	v4 =	vshll.u32 v4, $0x4;
	v5 =	vor.u32 v1, v5  }
0x4c3: {  	v3 =	vshll.u32 v3, $0x4;
	v4 =	vor.u32 v1, v4;
	[tilespmem:v7+s10+$0x0] =	vst.idx.add.f32.msk $0xffff, v2  }
0x4c4: {  	v3 =	vor.u32 v1, v3;
	[tilespmem:v8+s10+$0x0] =	vst.idx.add.f32.msk $0xffff, v2  }
0x4c5: {  	[tilespmem:v10+s10+$0x0] =	vst.idx.add.f32.msk $0xffff, v2  }
0x4c6: {  	[tilespmem:v9+s10+$0x0] =	vst.idx.add.f32.msk $0xffff, v2  }
0x4c7: {  	[tilespmem:v5+s10+$0x0] =	vst.idx.add.f32.msk $0xffff, v2  }
0x4c8: {  	[tilespmem:v4+s10+$0x0] =	vst.idx.add.f32.msk $0xffff, v2  }
0x4c9: {  	[tilespmem:v3+s10+$0x0] =	vst.idx.add.f32.msk $0xffff, v2  }
0x4ca: {  	s13 =	simm.s32 $0x0;
	s14 =	rddreg [dreg:$0xb]  }
0x4cb: {  	[tilespmem:s8], [sflag:$0x2] =	stream.linear.gather [hbm4b:s14+s13], $0xC000, $0x38;
	[tilespmem:$0x19000] =	vst v63  }
0x4cc: {  	s16 =	sand.u32 $0xF000, s13;
	s15 =	sand.u32 $0xC00, s13;
	_ =	swait.ge [sflag:s9], $0xC000  }
0x4cd: {  	s13 =	sand.u32 $0x380, s13;
	s14 =	sor.u32 s15, s16;
	[sflag:s9] =	ssyncset.done $0x0  }
0x4ce: {  	s13 =	sor.u32 s13, s14;
	[sflag:s9] =	ssyncadd.s32 $0xFFFF4000  }
0x4cf: {  	v3 =	vld [tilespmem:s13+$0x70]  }
0x4d0: {  	v4 =	vld [tilespmem:s13+$0x0]  }
0x4d1: {  	v5 =	vld [tilespmem:s13+$0x10]  }
0x4d2: {  	v6 =	vld [tilespmem:s13+$0x20]  }
0x4d3: {  	v7 =	vld [tilespmem:s13+$0x30]  }
0x4d4: {  	v8 =	vld [tilespmem:s13+$0x40]  }
0x4d5: {  	v9 =	vld [tilespmem:s13+$0x50]  }
0x4d6: {  	v10 =	vld [tilespmem:s13+$0x60]  }
0x4d7: {  	v3 =	vmul.f32 $2.560000000e+02, v3;
	v4 =	vmul.f32 $2.560000000e+02, v4  }
0x4d8: {  	v5 =	vmul.f32 $2.560000000e+02, v5;
	v6 =	vmul.f32 $2.560000000e+02, v6  }
0x4d9: {  	v7 =	vmul.f32 $2.560000000e+02, v7;
	v3 =	vtrunc.f32 v3  }
0x4da: {  	s17 =	simm.s32 $0x400;
	s18 =	simm.s32 $0x80;
	v8 =	vmul.f32 $2.560000000e+02, v8;
	v3 =	vcvt.f32.s32 v3  }
0x4db: {  	s19 =	sand.u32 $0xC00, s17;
	s14 =	sand.u32 $0xF000, s18;
	s13 =	simm.s32 $0x20;
	v9 =	vmul.f32 $2.560000000e+02, v9;
	v10 =	vmul.f32 $2.560000000e+02, v10  }
0x4dc: {  	s14 =	sor.u32 s19, s14;
	s16 =	sand.u32 $0x380, s13;
	v4 =	vtrunc.f32 v4;
	v5 =	vtrunc.f32 v5;
	v3 =	vshll.u32 v3, $0x4  }
0x4dd: {  	s14 =	sor.u32 s16, s14;
	v6 =	vtrunc.f32 v6;
	v7 =	vtrunc.f32 v7;
	v3 =	vor.u32 v1, v3  }
0x4de: {  	v13 =	vld [tilespmem:s14+$0x20];
	v8 =	vtrunc.f32 v8;
	v9 =	vtrunc.f32 v9  }
0x4df: {  	v10 =	vtrunc.f32 v10;
	v4 =	vcvt.f32.s32 v4  }
0x4e0: {  	v11 =	vld [tilespmem:s14+$0x70];
	v5 =	vcvt.f32.s32 v5;
	v8 =	vcvt.f32.s32 v8  }
0x4e1: {  	v12 =	vld [tilespmem:s14+$0x10];
	v9 =	vcvt.f32.s32 v9;
	v10 =	vcvt.f32.s32 v10  }
0x4e2: {  	v4 =	vshll.u32 v4, $0x4;
	[tilespmem:v3+s10+$0x0] =	vst.idx.add.f32.msk $0xffff, v2;
	v3 =	vcvt.f32.s32 v6;
	v6 =	vcvt.f32.s32 v7  }
0x4e3: {  	v18 =	vld [tilespmem:s14+$0x40];
	v13 =	vmul.f32 $2.560000000e+02, v13;
	v5 =	vshll.u32 v5, $0x4;
	v14 =	vor.u32 v1, v4  }
0x4e4: {  	v15 =	vor.u32 v1, v5;
	v7 =	vld [tilespmem:s14+$0x0];
	v3 =	vshll.u32 v3, $0x4;
	v4 =	vshll.u32 v6, $0x4  }
0x4e5: {  	v6 =	vshll.u32 v8, $0x4;
	v8 =	vld [tilespmem:s14+$0x30];
	v17 =	vor.u32 v1, v3;
	v3 =	vmul.f32 $2.560000000e+02, v11  }
0x4e6: {  	v20 =	vld [tilespmem:s14+$0x50];
	v16 =	vshll.u32 v9, $0x4;
	v10 =	vshll.u32 v10, $0x4;
	v19 =	vor.u32 v1, v4  }
0x4e7: {  	v9 =	vld [tilespmem:s14+$0x60];
	v5 =	vor.u32 v1, v6;
	v6 =	vmul.f32 $2.560000000e+02, v12;
	v3 =	vtrunc.f32 v3  }
0x4e8: {  	[tilespmem:v14+s10+$0x0] =	vst.idx.add.f32.msk $0xffff, v2;
	v4 =	vor.u32 v1, v16;
	v11 =	vmul.f32 $2.560000000e+02, v18;
	v63 =	vcvt.f32.s32 v3  }
0x4e9: {  	[tilespmem:v15+s10+$0x0] =	vst.idx.add.f32.msk $0xffff, v2;
	v7 =	vmul.f32 $2.560000000e+02, v7;
	v3 =	vor.u32 v1, v10;
	v10 =	vtrunc.f32 v13  }
0x4ea: {  	v12 =	vmul.f32 $2.560000000e+02, v8;
	v8 =	vtrunc.f32 v6;
	v6 =	vshll.u32 v63, $0x4;
	[tilespmem:v17+s10+$0x0] =	vst.idx.add.f32.msk $0xffff, v2  }
0x4eb: {  	s15 =	simm.s32 $0x800;
	s16 =	simm.s32 $0x100;
	s14 =	simm.s32 $0x8;
	v13 =	vmul.f32 $2.560000000e+02, v20;
	v7 =	vtrunc.f32 v7;
	[tilespmem:v19+s10+$0x0] =	vst.idx.add.f32.msk $0xffff, v2;
	v6 =	vor.u32 v1, v6  }
.LBB2_40:
0x4ec: {  	s17 =	sand.u32 $0xF000, s16;
	s18 =	sand.u32 $0xC00, s15;
	v12 =	vtrunc.f32 v12;
	v9 =	vmul.f32 $2.560000000e+02, v9;
	s13 =	sadd.s32 $0x20, s13;
	[tilespmem:v5+s10+$0x0] =	vst.idx.add.f32.msk $0xffff, v2  }
0x4ed: {  	s14 =	sadd.s32 $0x8, s14;
	v5 =	vtrunc.f32 v11;
	s19 =	sand.u32 $0x380, s13;
	s17 =	sor.u32 s18, s17;
	v11 =	vtrunc.f32 v13;
	[tilespmem:v4+s10+$0x0] =	vst.idx.add.f32.msk $0xffff, v2  }
0x4ee: {  	p0 =	slt.u32 s14, $0xBF8;
	v4 =	vcvt.f32.s32 v7;
	s17 =	sor.u32 s19, s17;
	v7 =	vtrunc.f32 v9;
	[tilespmem:v3+s10+$0x0] =	vst.idx.add.f32.msk $0xffff, v2  }
0x4ef: {  	v8 =	vcvt.f32.s32 v8;
	v9 =	vcvt.f32.s32 v10;
	v3 =	vld [tilespmem:s17+$0x70]  }
0x4f0: {  	v5 =	vcvt.f32.s32 v5;
	v10 =	vcvt.f32.s32 v12;
	v4 =	vshll.u32 v4, $0x4;
	[tilespmem:v6+s10+$0x0] =	vst.idx.add.f32.msk $0xffff, v2  }
0x4f1: {  	v8 =	vshll.u32 v8, $0x4;
	v11 =	vcvt.f32.s32 v11;
	v7 =	vcvt.f32.s32 v7;
	v6 =	vld [tilespmem:s17+$0x0]  }
0x4f2: {  	v5 =	vshll.u32 v5, $0x4;
	v9 =	vshll.u32 v9, $0x4;
	v10 =	vshll.u32 v10, $0x4;
	v12 =	vld [tilespmem:s17+$0x10]  }
0x4f3: {  	v14 =	vor.u32 v1, v4;
	v4 =	vshll.u32 v11, $0x4;
	v7 =	vshll.u32 v7, $0x4;
	v13 =	vld [tilespmem:s17+$0x20]  }
0x4f4: {  	v8 =	vor.u32 v1, v8;
	v15 =	vor.u32 v1, v9;
	v16 =	vor.u32 v1, v10;
	v11 =	vld [tilespmem:s17+$0x30]  }
0x4f5: {  	v5 =	vor.u32 v1, v5;
	v4 =	vor.u32 v1, v4;
	v17 =	vmul.f32 $2.560000000e+02, v3;
	v10 =	vld [tilespmem:s17+$0x40]  }
0x4f6: {  	v3 =	vor.u32 v1, v7;
	v6 =	vmul.f32 $2.560000000e+02, v6;
	v18 =	vld [tilespmem:s17+$0x50]  }
.Ltmp19:
0x4f7: {  	v7 =	vtrunc.f32 v17;
	v19 =	vmul.f32 $2.560000000e+02, v12;
	v9 =	vld [tilespmem:s17+$0x60];
	(pc) =	sbr.rel @p0 .LBB2_40-.Ltmp19, $4  }
0x4f8: {  	v17 =	vcvt.f32.s32 v7;
	v13 =	vmul.f32 $2.560000000e+02, v13;
	[tilespmem:v14+s10+$0x0] =	vst.idx.add.f32.msk $0xffff, v2  }
0x4f9: {  	v7 =	vtrunc.f32 v6;
	v12 =	vmul.f32 $2.560000000e+02, v11;
	[tilespmem:v8+s10+$0x0] =	vst.idx.add.f32.msk $0xffff, v2  }
0x4fa: {  	v8 =	vtrunc.f32 v19;
	v6 =	vshll.u32 v17, $0x4;
	v11 =	vmul.f32 $2.560000000e+02, v10;
	[tilespmem:v15+s10+$0x0] =	vst.idx.add.f32.msk $0xffff, v2  }
0x4fb: {  	s15 =	sadd.s32 $0x400, s15;
	s16 =	sadd.s32 $0x80, s16;
	v10 =	vtrunc.f32 v13;
	v6 =	vor.u32 v1, v6;
	v13 =	vmul.f32 $2.560000000e+02, v18;
	[tilespmem:v16+s10+$0x0] =	vst.idx.add.f32.msk $0xffff, v2  }
0x4fc: {  	v12 =	vtrunc.f32 v12;
	v9 =	vmul.f32 $2.560000000e+02, v9  }
0x4fd: {  	v11 =	vtrunc.f32 v11;
	v7 =	vcvt.f32.s32 v7  }
0x4fe: {  	v8 =	vcvt.f32.s32 v8;
	v10 =	vcvt.f32.s32 v10  }
0x4ff: {  	v13 =	vtrunc.f32 v13;
	v12 =	vcvt.f32.s32 v12;
	v7 =	vshll.u32 v7, $0x4  }
0x500: {  	[tilespmem:v5+s10+$0x0] =	vst.idx.add.f32.msk $0xffff, v2;
	v5 =	vcvt.f32.s32 v11;
	v8 =	vshll.u32 v8, $0x4;
	v7 =	vor.u32 v1, v7  }
0x501: {  	v9 =	vtrunc.f32 v9;
	v10 =	vshll.u32 v10, $0x4;
	v8 =	vor.u32 v1, v8  }
0x502: {  	[tilespmem:v4+s10+$0x0] =	vst.idx.add.f32.msk $0xffff, v2;
	v4 =	vcvt.f32.s32 v13;
	v11 =	vshll.u32 v12, $0x4;
	v10 =	vor.u32 v1, v10  }
0x503: {  	[tilespmem:v3+s10+$0x0] =	vst.idx.add.f32.msk $0xffff, v2;
	v3 =	vcvt.f32.s32 v9;
	v5 =	vshll.u32 v5, $0x4;
	v9 =	vor.u32 v1, v11  }
0x504: {  	[tilespmem:v6+s10+$0x0] =	vst.idx.add.f32.msk $0xffff, v2;
	v4 =	vshll.u32 v4, $0x4;
	v5 =	vor.u32 v1, v5  }
0x505: {  	v3 =	vshll.u32 v3, $0x4;
	v4 =	vor.u32 v1, v4;
	[tilespmem:v7+s10+$0x0] =	vst.idx.add.f32.msk $0xffff, v2  }
0x506: {  	v3 =	vor.u32 v1, v3;
	[tilespmem:v8+s10+$0x0] =	vst.idx.add.f32.msk $0xffff, v2  }
0x507: {  	[tilespmem:v10+s10+$0x0] =	vst.idx.add.f32.msk $0xffff, v2  }
0x508: {  	[tilespmem:v9+s10+$0x0] =	vst.idx.add.f32.msk $0xffff, v2  }
0x509: {  	[tilespmem:v5+s10+$0x0] =	vst.idx.add.f32.msk $0xffff, v2  }
0x50a: {  	[tilespmem:v4+s10+$0x0] =	vst.idx.add.f32.msk $0xffff, v2  }
0x50b: {  	[tilespmem:v3+s10+$0x0] =	vst.idx.add.f32.msk $0xffff, v2  }
0x50c: {  	s13 =	simm.s32 $0x0;
	s14 =	rddreg [dreg:$0xc]  }
0x50d: {  	[tilespmem:s13], [sflag:$0x1] =	stream.linear.gather [hbm4b:s14+s13], $0xC000, $0x38;
	[tilespmem:$0x19000] =	vst v63  }
0x50e: {  	s16 =	sand.u32 $0xF000, s13;
	s15 =	sand.u32 $0xC00, s13;
	_ =	swait.ge [sflag:s11], $0xC000  }
0x50f: {  	s13 =	sand.u32 $0x380, s13;
	s14 =	sor.u32 s15, s16;
	[sflag:s11] =	ssyncset.done $0x0  }
0x510: {  	s13 =	sor.u32 s13, s14;
	[sflag:s11] =	ssyncadd.s32 $0xFFFF4000  }
0x511: {  	v3 =	vld [tilespmem:s13+$0xC070]  }
0x512: {  	v4 =	vld [tilespmem:s13+$0xC000]  }
0x513: {  	v5 =	vld [tilespmem:s13+$0xC010]  }
0x514: {  	v6 =	vld [tilespmem:s13+$0xC020]  }
0x515: {  	v7 =	vld [tilespmem:s13+$0xC030]  }
0x516: {  	v8 =	vld [tilespmem:s13+$0xC040]  }
0x517: {  	v9 =	vld [tilespmem:s13+$0xC050]  }
0x518: {  	v10 =	vld [tilespmem:s13+$0xC060]  }
0x519: {  	v3 =	vmul.f32 $2.560000000e+02, v3;
	v4 =	vmul.f32 $2.560000000e+02, v4  }
0x51a: {  	v5 =	vmul.f32 $2.560000000e+02, v5;
	v6 =	vmul.f32 $2.560000000e+02, v6  }
0x51b: {  	v7 =	vmul.f32 $2.560000000e+02, v7;
	v3 =	vtrunc.f32 v3  }
0x51c: {  	s17 =	simm.s32 $0x400;
	s18 =	simm.s32 $0x80;
	v8 =	vmul.f32 $2.560000000e+02, v8;
	v3 =	vcvt.f32.s32 v3  }
0x51d: {  	s19 =	sand.u32 $0xC00, s17;
	s14 =	sand.u32 $0xF000, s18;
	s13 =	simm.s32 $0x20;
	v9 =	vmul.f32 $2.560000000e+02, v9;
	v10 =	vmul.f32 $2.560000000e+02, v10  }
0x51e: {  	s14 =	sor.u32 s19, s14;
	s16 =	sand.u32 $0x380, s13;
	v4 =	vtrunc.f32 v4;
	v5 =	vtrunc.f32 v5;
	v3 =	vshll.u32 v3, $0x4  }
0x51f: {  	s14 =	sor.u32 s16, s14;
	v6 =	vtrunc.f32 v6;
	v7 =	vtrunc.f32 v7;
	v3 =	vor.u32 v1, v3  }
0x520: {  	v13 =	vld [tilespmem:s14+$0xC020];
	v8 =	vtrunc.f32 v8;
	v9 =	vtrunc.f32 v9  }
0x521: {  	v10 =	vtrunc.f32 v10;
	v4 =	vcvt.f32.s32 v4  }
0x522: {  	v11 =	vld [tilespmem:s14+$0xC070];
	v5 =	vcvt.f32.s32 v5;
	v8 =	vcvt.f32.s32 v8  }
0x523: {  	v12 =	vld [tilespmem:s14+$0xC010];
	v9 =	vcvt.f32.s32 v9;
	v10 =	vcvt.f32.s32 v10  }
0x524: {  	v4 =	vshll.u32 v4, $0x4;
	[tilespmem:v3+s10+$0x0] =	vst.idx.add.f32.msk $0xffff, v2;
	v3 =	vcvt.f32.s32 v6;
	v6 =	vcvt.f32.s32 v7  }
0x525: {  	v18 =	vld [tilespmem:s14+$0xC040];
	v13 =	vmul.f32 $2.560000000e+02, v13;
	v5 =	vshll.u32 v5, $0x4;
	v14 =	vor.u32 v1, v4  }
0x526: {  	v15 =	vor.u32 v1, v5;
	v7 =	vld [tilespmem:s14+$0xC000];
	v3 =	vshll.u32 v3, $0x4;
	v4 =	vshll.u32 v6, $0x4  }
0x527: {  	v6 =	vshll.u32 v8, $0x4;
	v8 =	vld [tilespmem:s14+$0xC030];
	v17 =	vor.u32 v1, v3;
	v3 =	vmul.f32 $2.560000000e+02, v11  }
0x528: {  	v20 =	vld [tilespmem:s14+$0xC050];
	v16 =	vshll.u32 v9, $0x4;
	v10 =	vshll.u32 v10, $0x4;
	v19 =	vor.u32 v1, v4  }
0x529: {  	v9 =	vld [tilespmem:s14+$0xC060];
	v5 =	vor.u32 v1, v6;
	v6 =	vmul.f32 $2.560000000e+02, v12;
	v3 =	vtrunc.f32 v3  }
0x52a: {  	[tilespmem:v14+s10+$0x0] =	vst.idx.add.f32.msk $0xffff, v2;
	v4 =	vor.u32 v1, v16;
	v11 =	vmul.f32 $2.560000000e+02, v18;
	v63 =	vcvt.f32.s32 v3  }
0x52b: {  	[tilespmem:v15+s10+$0x0] =	vst.idx.add.f32.msk $0xffff, v2;
	v7 =	vmul.f32 $2.560000000e+02, v7;
	v3 =	vor.u32 v1, v10;
	v10 =	vtrunc.f32 v13  }
0x52c: {  	v12 =	vmul.f32 $2.560000000e+02, v8;
	v8 =	vtrunc.f32 v6;
	v6 =	vshll.u32 v63, $0x4;
	[tilespmem:v17+s10+$0x0] =	vst.idx.add.f32.msk $0xffff, v2  }
0x52d: {  	s15 =	simm.s32 $0x800;
	s16 =	simm.s32 $0x100;
	s14 =	simm.s32 $0x8;
	v13 =	vmul.f32 $2.560000000e+02, v20;
	v7 =	vtrunc.f32 v7;
	[tilespmem:v19+s10+$0x0] =	vst.idx.add.f32.msk $0xffff, v2;
	v6 =	vor.u32 v1, v6  }
.LBB2_42:
0x52e: {  	s17 =	sand.u32 $0xF000, s16;
	s18 =	sand.u32 $0xC00, s15;
	v12 =	vtrunc.f32 v12;
	v9 =	vmul.f32 $2.560000000e+02, v9;
	s13 =	sadd.s32 $0x20, s13;
	[tilespmem:v5+s10+$0x0] =	vst.idx.add.f32.msk $0xffff, v2  }
0x52f: {  	s14 =	sadd.s32 $0x8, s14;
	v5 =	vtrunc.f32 v11;
	s19 =	sand.u32 $0x380, s13;
	s17 =	sor.u32 s18, s17;
	v11 =	vtrunc.f32 v13;
	[tilespmem:v4+s10+$0x0] =	vst.idx.add.f32.msk $0xffff, v2  }
0x530: {  	p0 =	slt.u32 s14, $0xBF8;
	v4 =	vcvt.f32.s32 v7;
	s17 =	sor.u32 s19, s17;
	v7 =	vtrunc.f32 v9;
	[tilespmem:v3+s10+$0x0] =	vst.idx.add.f32.msk $0xffff, v2  }
0x531: {  	v8 =	vcvt.f32.s32 v8;
	v9 =	vcvt.f32.s32 v10;
	v3 =	vld [tilespmem:s17+$0xC070]  }
0x532: {  	v5 =	vcvt.f32.s32 v5;
	v10 =	vcvt.f32.s32 v12;
	v4 =	vshll.u32 v4, $0x4;
	[tilespmem:v6+s10+$0x0] =	vst.idx.add.f32.msk $0xffff, v2  }
0x533: {  	v8 =	vshll.u32 v8, $0x4;
	v11 =	vcvt.f32.s32 v11;
	v7 =	vcvt.f32.s32 v7;
	v6 =	vld [tilespmem:s17+$0xC000]  }
0x534: {  	v5 =	vshll.u32 v5, $0x4;
	v9 =	vshll.u32 v9, $0x4;
	v10 =	vshll.u32 v10, $0x4;
	v12 =	vld [tilespmem:s17+$0xC010]  }
0x535: {  	v14 =	vor.u32 v1, v4;
	v4 =	vshll.u32 v11, $0x4;
	v7 =	vshll.u32 v7, $0x4;
	v13 =	vld [tilespmem:s17+$0xC020]  }
0x536: {  	v8 =	vor.u32 v1, v8;
	v15 =	vor.u32 v1, v9;
	v16 =	vor.u32 v1, v10;
	v11 =	vld [tilespmem:s17+$0xC030]  }
0x537: {  	v5 =	vor.u32 v1, v5;
	v4 =	vor.u32 v1, v4;
	v17 =	vmul.f32 $2.560000000e+02, v3;
	v10 =	vld [tilespmem:s17+$0xC040]  }
0x538: {  	v3 =	vor.u32 v1, v7;
	v6 =	vmul.f32 $2.560000000e+02, v6;
	v18 =	vld [tilespmem:s17+$0xC050]  }
.Ltmp20:
0x539: {  	v7 =	vtrunc.f32 v17;
	v19 =	vmul.f32 $2.560000000e+02, v12;
	v9 =	vld [tilespmem:s17+$0xC060];
	(pc) =	sbr.rel @p0 .LBB2_42-.Ltmp20, $4  }
0x53a: {  	v17 =	vcvt.f32.s32 v7;
	v13 =	vmul.f32 $2.560000000e+02, v13;
	[tilespmem:v14+s10+$0x0] =	vst.idx.add.f32.msk $0xffff, v2  }
0x53b: {  	v7 =	vtrunc.f32 v6;
	v12 =	vmul.f32 $2.560000000e+02, v11;
	[tilespmem:v8+s10+$0x0] =	vst.idx.add.f32.msk $0xffff, v2  }
0x53c: {  	v8 =	vtrunc.f32 v19;
	v6 =	vshll.u32 v17, $0x4;
	v11 =	vmul.f32 $2.560000000e+02, v10;
	[tilespmem:v15+s10+$0x0] =	vst.idx.add.f32.msk $0xffff, v2  }
0x53d: {  	s15 =	sadd.s32 $0x400, s15;
	s16 =	sadd.s32 $0x80, s16;
	v10 =	vtrunc.f32 v13;
	v6 =	vor.u32 v1, v6;
	v13 =	vmul.f32 $2.560000000e+02, v18;
	[tilespmem:v16+s10+$0x0] =	vst.idx.add.f32.msk $0xffff, v2  }
0x53e: {  	v12 =	vtrunc.f32 v12;
	v9 =	vmul.f32 $2.560000000e+02, v9  }
0x53f: {  	v11 =	vtrunc.f32 v11;
	v7 =	vcvt.f32.s32 v7  }
0x540: {  	v8 =	vcvt.f32.s32 v8;
	v10 =	vcvt.f32.s32 v10  }
0x541: {  	v13 =	vtrunc.f32 v13;
	v12 =	vcvt.f32.s32 v12;
	v7 =	vshll.u32 v7, $0x4  }
0x542: {  	[tilespmem:v5+s10+$0x0] =	vst.idx.add.f32.msk $0xffff, v2;
	v5 =	vcvt.f32.s32 v11;
	v8 =	vshll.u32 v8, $0x4;
	v7 =	vor.u32 v1, v7  }
0x543: {  	v9 =	vtrunc.f32 v9;
	v10 =	vshll.u32 v10, $0x4;
	v8 =	vor.u32 v1, v8  }
0x544: {  	[tilespmem:v4+s10+$0x0] =	vst.idx.add.f32.msk $0xffff, v2;
	v4 =	vcvt.f32.s32 v13;
	v11 =	vshll.u32 v12, $0x4;
	v10 =	vor.u32 v1, v10  }
0x545: {  	[tilespmem:v3+s10+$0x0] =	vst.idx.add.f32.msk $0xffff, v2;
	v3 =	vcvt.f32.s32 v9;
	v5 =	vshll.u32 v5, $0x4;
	v9 =	vor.u32 v1, v11  }
0x546: {  	[tilespmem:v6+s10+$0x0] =	vst.idx.add.f32.msk $0xffff, v2;
	v4 =	vshll.u32 v4, $0x4;
	v5 =	vor.u32 v1, v5  }
0x547: {  	v3 =	vshll.u32 v3, $0x4;
	v4 =	vor.u32 v1, v4;
	[tilespmem:v7+s10+$0x0] =	vst.idx.add.f32.msk $0xffff, v2  }
0x548: {  	v3 =	vor.u32 v1, v3;
	[tilespmem:v8+s10+$0x0] =	vst.idx.add.f32.msk $0xffff, v2  }
0x549: {  	[tilespmem:v10+s10+$0x0] =	vst.idx.add.f32.msk $0xffff, v2  }
0x54a: {  	[tilespmem:v9+s10+$0x0] =	vst.idx.add.f32.msk $0xffff, v2  }
0x54b: {  	[tilespmem:v5+s10+$0x0] =	vst.idx.add.f32.msk $0xffff, v2  }
0x54c: {  	[tilespmem:v4+s10+$0x0] =	vst.idx.add.f32.msk $0xffff, v2  }
0x54d: {  	[tilespmem:v3+s10+$0x0] =	vst.idx.add.f32.msk $0xffff, v2  }
0x54e: {  	s13 =	simm.s32 $0x0;
	s14 =	rddreg [dreg:$0xd]  }
0x54f: {  	[tilespmem:s8], [sflag:$0x2] =	stream.linear.gather [hbm4b:s14+s13], $0xC000, $0x38;
	[tilespmem:$0x19000] =	vst v63  }
0x550: {  	s16 =	sand.u32 $0xF000, s13;
	s15 =	sand.u32 $0xC00, s13;
	_ =	swait.ge [sflag:s9], $0xC000  }
0x551: {  	s13 =	sand.u32 $0x380, s13;
	s14 =	sor.u32 s15, s16;
	[sflag:s9] =	ssyncset.done $0x0  }
0x552: {  	s13 =	sor.u32 s13, s14;
	[sflag:s9] =	ssyncadd.s32 $0xFFFF4000  }
0x553: {  	v3 =	vld [tilespmem:s13+$0x70]  }
0x554: {  	v4 =	vld [tilespmem:s13+$0x0]  }
0x555: {  	v5 =	vld [tilespmem:s13+$0x10]  }
0x556: {  	v6 =	vld [tilespmem:s13+$0x20]  }
0x557: {  	v7 =	vld [tilespmem:s13+$0x30]  }
0x558: {  	v8 =	vld [tilespmem:s13+$0x40]  }
0x559: {  	v9 =	vld [tilespmem:s13+$0x50]  }
0x55a: {  	v10 =	vld [tilespmem:s13+$0x60]  }
0x55b: {  	v3 =	vmul.f32 $2.560000000e+02, v3;
	v4 =	vmul.f32 $2.560000000e+02, v4  }
0x55c: {  	v5 =	vmul.f32 $2.560000000e+02, v5;
	v6 =	vmul.f32 $2.560000000e+02, v6  }
0x55d: {  	v7 =	vmul.f32 $2.560000000e+02, v7;
	v3 =	vtrunc.f32 v3  }
0x55e: {  	s17 =	simm.s32 $0x400;
	s18 =	simm.s32 $0x80;
	v8 =	vmul.f32 $2.560000000e+02, v8;
	v3 =	vcvt.f32.s32 v3  }
0x55f: {  	s19 =	sand.u32 $0xC00, s17;
	s14 =	sand.u32 $0xF000, s18;
	s13 =	simm.s32 $0x20;
	v9 =	vmul.f32 $2.560000000e+02, v9;
	v10 =	vmul.f32 $2.560000000e+02, v10  }
0x560: {  	s14 =	sor.u32 s19, s14;
	s16 =	sand.u32 $0x380, s13;
	v4 =	vtrunc.f32 v4;
	v5 =	vtrunc.f32 v5;
	v3 =	vshll.u32 v3, $0x4  }
0x561: {  	s14 =	sor.u32 s16, s14;
	v6 =	vtrunc.f32 v6;
	v7 =	vtrunc.f32 v7;
	v3 =	vor.u32 v1, v3  }
0x562: {  	v13 =	vld [tilespmem:s14+$0x20];
	v8 =	vtrunc.f32 v8;
	v9 =	vtrunc.f32 v9  }
0x563: {  	v10 =	vtrunc.f32 v10;
	v4 =	vcvt.f32.s32 v4  }
0x564: {  	v11 =	vld [tilespmem:s14+$0x70];
	v5 =	vcvt.f32.s32 v5;
	v8 =	vcvt.f32.s32 v8  }
0x565: {  	v12 =	vld [tilespmem:s14+$0x10];
	v9 =	vcvt.f32.s32 v9;
	v10 =	vcvt.f32.s32 v10  }
0x566: {  	v4 =	vshll.u32 v4, $0x4;
	[tilespmem:v3+s10+$0x0] =	vst.idx.add.f32.msk $0xffff, v2;
	v3 =	vcvt.f32.s32 v6;
	v6 =	vcvt.f32.s32 v7  }
0x567: {  	v18 =	vld [tilespmem:s14+$0x40];
	v13 =	vmul.f32 $2.560000000e+02, v13;
	v5 =	vshll.u32 v5, $0x4;
	v14 =	vor.u32 v1, v4  }
0x568: {  	v15 =	vor.u32 v1, v5;
	v7 =	vld [tilespmem:s14+$0x0];
	v3 =	vshll.u32 v3, $0x4;
	v4 =	vshll.u32 v6, $0x4  }
0x569: {  	v6 =	vshll.u32 v8, $0x4;
	v8 =	vld [tilespmem:s14+$0x30];
	v17 =	vor.u32 v1, v3;
	v3 =	vmul.f32 $2.560000000e+02, v11  }
0x56a: {  	v20 =	vld [tilespmem:s14+$0x50];
	v16 =	vshll.u32 v9, $0x4;
	v10 =	vshll.u32 v10, $0x4;
	v19 =	vor.u32 v1, v4  }
0x56b: {  	v9 =	vld [tilespmem:s14+$0x60];
	v5 =	vor.u32 v1, v6;
	v6 =	vmul.f32 $2.560000000e+02, v12;
	v3 =	vtrunc.f32 v3  }
0x56c: {  	[tilespmem:v14+s10+$0x0] =	vst.idx.add.f32.msk $0xffff, v2;
	v4 =	vor.u32 v1, v16;
	v11 =	vmul.f32 $2.560000000e+02, v18;
	v63 =	vcvt.f32.s32 v3  }
0x56d: {  	[tilespmem:v15+s10+$0x0] =	vst.idx.add.f32.msk $0xffff, v2;
	v7 =	vmul.f32 $2.560000000e+02, v7;
	v3 =	vor.u32 v1, v10;
	v10 =	vtrunc.f32 v13  }
0x56e: {  	v12 =	vmul.f32 $2.560000000e+02, v8;
	v8 =	vtrunc.f32 v6;
	v6 =	vshll.u32 v63, $0x4;
	[tilespmem:v17+s10+$0x0] =	vst.idx.add.f32.msk $0xffff, v2  }
0x56f: {  	s15 =	simm.s32 $0x800;
	s16 =	simm.s32 $0x100;
	s14 =	simm.s32 $0x8;
	v13 =	vmul.f32 $2.560000000e+02, v20;
	v7 =	vtrunc.f32 v7;
	[tilespmem:v19+s10+$0x0] =	vst.idx.add.f32.msk $0xffff, v2;
	v6 =	vor.u32 v1, v6  }
.LBB2_44:
0x570: {  	s17 =	sand.u32 $0xF000, s16;
	s18 =	sand.u32 $0xC00, s15;
	v12 =	vtrunc.f32 v12;
	v9 =	vmul.f32 $2.560000000e+02, v9;
	s13 =	sadd.s32 $0x20, s13;
	[tilespmem:v5+s10+$0x0] =	vst.idx.add.f32.msk $0xffff, v2  }
0x571: {  	s14 =	sadd.s32 $0x8, s14;
	v5 =	vtrunc.f32 v11;
	s19 =	sand.u32 $0x380, s13;
	s17 =	sor.u32 s18, s17;
	v11 =	vtrunc.f32 v13;
	[tilespmem:v4+s10+$0x0] =	vst.idx.add.f32.msk $0xffff, v2  }
0x572: {  	p0 =	slt.u32 s14, $0xBF8;
	v4 =	vcvt.f32.s32 v7;
	s17 =	sor.u32 s19, s17;
	v7 =	vtrunc.f32 v9;
	[tilespmem:v3+s10+$0x0] =	vst.idx.add.f32.msk $0xffff, v2  }
0x573: {  	v8 =	vcvt.f32.s32 v8;
	v9 =	vcvt.f32.s32 v10;
	v3 =	vld [tilespmem:s17+$0x70]  }
0x574: {  	v5 =	vcvt.f32.s32 v5;
	v10 =	vcvt.f32.s32 v12;
	v4 =	vshll.u32 v4, $0x4;
	[tilespmem:v6+s10+$0x0] =	vst.idx.add.f32.msk $0xffff, v2  }
0x575: {  	v8 =	vshll.u32 v8, $0x4;
	v11 =	vcvt.f32.s32 v11;
	v7 =	vcvt.f32.s32 v7;
	v6 =	vld [tilespmem:s17+$0x0]  }
0x576: {  	v5 =	vshll.u32 v5, $0x4;
	v9 =	vshll.u32 v9, $0x4;
	v10 =	vshll.u32 v10, $0x4;
	v12 =	vld [tilespmem:s17+$0x10]  }
0x577: {  	v14 =	vor.u32 v1, v4;
	v4 =	vshll.u32 v11, $0x4;
	v7 =	vshll.u32 v7, $0x4;
	v13 =	vld [tilespmem:s17+$0x20]  }
0x578: {  	v8 =	vor.u32 v1, v8;
	v15 =	vor.u32 v1, v9;
	v16 =	vor.u32 v1, v10;
	v11 =	vld [tilespmem:s17+$0x30]  }
0x579: {  	v5 =	vor.u32 v1, v5;
	v4 =	vor.u32 v1, v4;
	v17 =	vmul.f32 $2.560000000e+02, v3;
	v10 =	vld [tilespmem:s17+$0x40]  }
0x57a: {  	v3 =	vor.u32 v1, v7;
	v6 =	vmul.f32 $2.560000000e+02, v6;
	v18 =	vld [tilespmem:s17+$0x50]  }
.Ltmp21:
0x57b: {  	v7 =	vtrunc.f32 v17;
	v19 =	vmul.f32 $2.560000000e+02, v12;
	v9 =	vld [tilespmem:s17+$0x60];
	(pc) =	sbr.rel @p0 .LBB2_44-.Ltmp21, $4  }
0x57c: {  	v17 =	vcvt.f32.s32 v7;
	v13 =	vmul.f32 $2.560000000e+02, v13;
	[tilespmem:v14+s10+$0x0] =	vst.idx.add.f32.msk $0xffff, v2  }
0x57d: {  	v7 =	vtrunc.f32 v6;
	v12 =	vmul.f32 $2.560000000e+02, v11;
	[tilespmem:v8+s10+$0x0] =	vst.idx.add.f32.msk $0xffff, v2  }
0x57e: {  	v8 =	vtrunc.f32 v19;
	v6 =	vshll.u32 v17, $0x4;
	v11 =	vmul.f32 $2.560000000e+02, v10;
	[tilespmem:v15+s10+$0x0] =	vst.idx.add.f32.msk $0xffff, v2  }
0x57f: {  	s15 =	sadd.s32 $0x400, s15;
	s16 =	sadd.s32 $0x80, s16;
	v10 =	vtrunc.f32 v13;
	v6 =	vor.u32 v1, v6;
	v13 =	vmul.f32 $2.560000000e+02, v18;
	[tilespmem:v16+s10+$0x0] =	vst.idx.add.f32.msk $0xffff, v2  }
0x580: {  	v12 =	vtrunc.f32 v12;
	v9 =	vmul.f32 $2.560000000e+02, v9  }
0x581: {  	v11 =	vtrunc.f32 v11;
	v7 =	vcvt.f32.s32 v7  }
0x582: {  	v8 =	vcvt.f32.s32 v8;
	v10 =	vcvt.f32.s32 v10  }
0x583: {  	v13 =	vtrunc.f32 v13;
	v12 =	vcvt.f32.s32 v12;
	v7 =	vshll.u32 v7, $0x4  }
0x584: {  	[tilespmem:v5+s10+$0x0] =	vst.idx.add.f32.msk $0xffff, v2;
	v5 =	vcvt.f32.s32 v11;
	v8 =	vshll.u32 v8, $0x4;
	v7 =	vor.u32 v1, v7  }
0x585: {  	v9 =	vtrunc.f32 v9;
	v10 =	vshll.u32 v10, $0x4;
	v8 =	vor.u32 v1, v8  }
0x586: {  	[tilespmem:v4+s10+$0x0] =	vst.idx.add.f32.msk $0xffff, v2;
	v4 =	vcvt.f32.s32 v13;
	v11 =	vshll.u32 v12, $0x4;
	v10 =	vor.u32 v1, v10  }
0x587: {  	[tilespmem:v3+s10+$0x0] =	vst.idx.add.f32.msk $0xffff, v2;
	v3 =	vcvt.f32.s32 v9;
	v5 =	vshll.u32 v5, $0x4;
	v9 =	vor.u32 v1, v11  }
0x588: {  	[tilespmem:v6+s10+$0x0] =	vst.idx.add.f32.msk $0xffff, v2;
	v4 =	vshll.u32 v4, $0x4;
	v5 =	vor.u32 v1, v5  }
0x589: {  	v3 =	vshll.u32 v3, $0x4;
	v4 =	vor.u32 v1, v4;
	[tilespmem:v7+s10+$0x0] =	vst.idx.add.f32.msk $0xffff, v2  }
0x58a: {  	v3 =	vor.u32 v1, v3;
	[tilespmem:v8+s10+$0x0] =	vst.idx.add.f32.msk $0xffff, v2  }
0x58b: {  	[tilespmem:v10+s10+$0x0] =	vst.idx.add.f32.msk $0xffff, v2  }
0x58c: {  	[tilespmem:v9+s10+$0x0] =	vst.idx.add.f32.msk $0xffff, v2  }
0x58d: {  	[tilespmem:v5+s10+$0x0] =	vst.idx.add.f32.msk $0xffff, v2  }
0x58e: {  	[tilespmem:v4+s10+$0x0] =	vst.idx.add.f32.msk $0xffff, v2  }
0x58f: {  	[tilespmem:v3+s10+$0x0] =	vst.idx.add.f32.msk $0xffff, v2  }
0x590: {  	s13 =	simm.s32 $0x0;
	s14 =	rddreg [dreg:$0xe]  }
0x591: {  	[tilespmem:s13], [sflag:$0x1] =	stream.linear.gather [hbm4b:s14+s13], $0xC000, $0x38;
	[tilespmem:$0x19000] =	vst v63  }
0x592: {  	s16 =	sand.u32 $0xF000, s13;
	s15 =	sand.u32 $0xC00, s13;
	_ =	swait.ge [sflag:s11], $0xC000  }
0x593: {  	s13 =	sand.u32 $0x380, s13;
	s14 =	sor.u32 s15, s16;
	[sflag:s11] =	ssyncset.done $0x0  }
0x594: {  	s13 =	sor.u32 s13, s14;
	[sflag:s11] =	ssyncadd.s32 $0xFFFF4000  }
0x595: {  	v3 =	vld [tilespmem:s13+$0xC070]  }
0x596: {  	v4 =	vld [tilespmem:s13+$0xC000]  }
0x597: {  	v5 =	vld [tilespmem:s13+$0xC010]  }
0x598: {  	v6 =	vld [tilespmem:s13+$0xC020]  }
0x599: {  	v7 =	vld [tilespmem:s13+$0xC030]  }
0x59a: {  	v8 =	vld [tilespmem:s13+$0xC040]  }
0x59b: {  	v9 =	vld [tilespmem:s13+$0xC050]  }
0x59c: {  	v10 =	vld [tilespmem:s13+$0xC060]  }
0x59d: {  	v3 =	vmul.f32 $2.560000000e+02, v3;
	v4 =	vmul.f32 $2.560000000e+02, v4  }
0x59e: {  	v5 =	vmul.f32 $2.560000000e+02, v5;
	v6 =	vmul.f32 $2.560000000e+02, v6  }
0x59f: {  	v7 =	vmul.f32 $2.560000000e+02, v7;
	v3 =	vtrunc.f32 v3  }
0x5a0: {  	s17 =	simm.s32 $0x400;
	s18 =	simm.s32 $0x80;
	v8 =	vmul.f32 $2.560000000e+02, v8;
	v3 =	vcvt.f32.s32 v3  }
0x5a1: {  	s19 =	sand.u32 $0xC00, s17;
	s14 =	sand.u32 $0xF000, s18;
	s13 =	simm.s32 $0x20;
	v9 =	vmul.f32 $2.560000000e+02, v9;
	v10 =	vmul.f32 $2.560000000e+02, v10  }
0x5a2: {  	s14 =	sor.u32 s19, s14;
	s16 =	sand.u32 $0x380, s13;
	v4 =	vtrunc.f32 v4;
	v5 =	vtrunc.f32 v5;
	v3 =	vshll.u32 v3, $0x4  }
0x5a3: {  	s14 =	sor.u32 s16, s14;
	v6 =	vtrunc.f32 v6;
	v7 =	vtrunc.f32 v7;
	v3 =	vor.u32 v1, v3  }
0x5a4: {  	v13 =	vld [tilespmem:s14+$0xC020];
	v8 =	vtrunc.f32 v8;
	v9 =	vtrunc.f32 v9  }
0x5a5: {  	v10 =	vtrunc.f32 v10;
	v4 =	vcvt.f32.s32 v4  }
0x5a6: {  	v11 =	vld [tilespmem:s14+$0xC070];
	v5 =	vcvt.f32.s32 v5;
	v8 =	vcvt.f32.s32 v8  }
0x5a7: {  	v12 =	vld [tilespmem:s14+$0xC010];
	v9 =	vcvt.f32.s32 v9;
	v10 =	vcvt.f32.s32 v10  }
0x5a8: {  	v4 =	vshll.u32 v4, $0x4;
	[tilespmem:v3+s10+$0x0] =	vst.idx.add.f32.msk $0xffff, v2;
	v3 =	vcvt.f32.s32 v6;
	v6 =	vcvt.f32.s32 v7  }
0x5a9: {  	v18 =	vld [tilespmem:s14+$0xC040];
	v13 =	vmul.f32 $2.560000000e+02, v13;
	v5 =	vshll.u32 v5, $0x4;
	v14 =	vor.u32 v1, v4  }
0x5aa: {  	v15 =	vor.u32 v1, v5;
	v7 =	vld [tilespmem:s14+$0xC000];
	v3 =	vshll.u32 v3, $0x4;
	v4 =	vshll.u32 v6, $0x4  }
0x5ab: {  	v6 =	vshll.u32 v8, $0x4;
	v8 =	vld [tilespmem:s14+$0xC030];
	v17 =	vor.u32 v1, v3;
	v3 =	vmul.f32 $2.560000000e+02, v11  }
0x5ac: {  	v20 =	vld [tilespmem:s14+$0xC050];
	v16 =	vshll.u32 v9, $0x4;
	v10 =	vshll.u32 v10, $0x4;
	v19 =	vor.u32 v1, v4  }
0x5ad: {  	v9 =	vld [tilespmem:s14+$0xC060];
	v5 =	vor.u32 v1, v6;
	v6 =	vmul.f32 $2.560000000e+02, v12;
	v3 =	vtrunc.f32 v3  }
0x5ae: {  	[tilespmem:v14+s10+$0x0] =	vst.idx.add.f32.msk $0xffff, v2;
	v4 =	vor.u32 v1, v16;
	v11 =	vmul.f32 $2.560000000e+02, v18;
	v63 =	vcvt.f32.s32 v3  }
0x5af: {  	[tilespmem:v15+s10+$0x0] =	vst.idx.add.f32.msk $0xffff, v2;
	v7 =	vmul.f32 $2.560000000e+02, v7;
	v3 =	vor.u32 v1, v10;
	v10 =	vtrunc.f32 v13  }
0x5b0: {  	v12 =	vmul.f32 $2.560000000e+02, v8;
	v8 =	vtrunc.f32 v6;
	v6 =	vshll.u32 v63, $0x4;
	[tilespmem:v17+s10+$0x0] =	vst.idx.add.f32.msk $0xffff, v2  }
0x5b1: {  	s15 =	simm.s32 $0x800;
	s16 =	simm.s32 $0x100;
	s14 =	simm.s32 $0x8;
	v13 =	vmul.f32 $2.560000000e+02, v20;
	v7 =	vtrunc.f32 v7;
	[tilespmem:v19+s10+$0x0] =	vst.idx.add.f32.msk $0xffff, v2;
	v6 =	vor.u32 v1, v6  }
.LBB2_46:
0x5b2: {  	s17 =	sand.u32 $0xF000, s16;
	s18 =	sand.u32 $0xC00, s15;
	v12 =	vtrunc.f32 v12;
	v9 =	vmul.f32 $2.560000000e+02, v9;
	s13 =	sadd.s32 $0x20, s13;
	[tilespmem:v5+s10+$0x0] =	vst.idx.add.f32.msk $0xffff, v2  }
0x5b3: {  	s14 =	sadd.s32 $0x8, s14;
	v5 =	vtrunc.f32 v11;
	s19 =	sand.u32 $0x380, s13;
	s17 =	sor.u32 s18, s17;
	v11 =	vtrunc.f32 v13;
	[tilespmem:v4+s10+$0x0] =	vst.idx.add.f32.msk $0xffff, v2  }
0x5b4: {  	p0 =	slt.u32 s14, $0xBF8;
	v4 =	vcvt.f32.s32 v7;
	s17 =	sor.u32 s19, s17;
	v7 =	vtrunc.f32 v9;
	[tilespmem:v3+s10+$0x0] =	vst.idx.add.f32.msk $0xffff, v2  }
0x5b5: {  	v8 =	vcvt.f32.s32 v8;
	v9 =	vcvt.f32.s32 v10;
	v3 =	vld [tilespmem:s17+$0xC070]  }
0x5b6: {  	v5 =	vcvt.f32.s32 v5;
	v10 =	vcvt.f32.s32 v12;
	v4 =	vshll.u32 v4, $0x4;
	[tilespmem:v6+s10+$0x0] =	vst.idx.add.f32.msk $0xffff, v2  }
0x5b7: {  	v8 =	vshll.u32 v8, $0x4;
	v11 =	vcvt.f32.s32 v11;
	v7 =	vcvt.f32.s32 v7;
	v6 =	vld [tilespmem:s17+$0xC000]  }
0x5b8: {  	v5 =	vshll.u32 v5, $0x4;
	v9 =	vshll.u32 v9, $0x4;
	v10 =	vshll.u32 v10, $0x4;
	v12 =	vld [tilespmem:s17+$0xC010]  }
0x5b9: {  	v14 =	vor.u32 v1, v4;
	v4 =	vshll.u32 v11, $0x4;
	v7 =	vshll.u32 v7, $0x4;
	v13 =	vld [tilespmem:s17+$0xC020]  }
0x5ba: {  	v8 =	vor.u32 v1, v8;
	v15 =	vor.u32 v1, v9;
	v16 =	vor.u32 v1, v10;
	v11 =	vld [tilespmem:s17+$0xC030]  }
0x5bb: {  	v5 =	vor.u32 v1, v5;
	v4 =	vor.u32 v1, v4;
	v17 =	vmul.f32 $2.560000000e+02, v3;
	v10 =	vld [tilespmem:s17+$0xC040]  }
0x5bc: {  	v3 =	vor.u32 v1, v7;
	v6 =	vmul.f32 $2.560000000e+02, v6;
	v18 =	vld [tilespmem:s17+$0xC050]  }
.Ltmp22:
0x5bd: {  	v7 =	vtrunc.f32 v17;
	v19 =	vmul.f32 $2.560000000e+02, v12;
	v9 =	vld [tilespmem:s17+$0xC060];
	(pc) =	sbr.rel @p0 .LBB2_46-.Ltmp22, $4  }
0x5be: {  	v17 =	vcvt.f32.s32 v7;
	v13 =	vmul.f32 $2.560000000e+02, v13;
	[tilespmem:v14+s10+$0x0] =	vst.idx.add.f32.msk $0xffff, v2  }
0x5bf: {  	v7 =	vtrunc.f32 v6;
	v12 =	vmul.f32 $2.560000000e+02, v11;
	[tilespmem:v8+s10+$0x0] =	vst.idx.add.f32.msk $0xffff, v2  }
0x5c0: {  	v8 =	vtrunc.f32 v19;
	v6 =	vshll.u32 v17, $0x4;
	v11 =	vmul.f32 $2.560000000e+02, v10;
	[tilespmem:v15+s10+$0x0] =	vst.idx.add.f32.msk $0xffff, v2  }
0x5c1: {  	s15 =	sadd.s32 $0x400, s15;
	s16 =	sadd.s32 $0x80, s16;
	v10 =	vtrunc.f32 v13;
	v6 =	vor.u32 v1, v6;
	v13 =	vmul.f32 $2.560000000e+02, v18;
	[tilespmem:v16+s10+$0x0] =	vst.idx.add.f32.msk $0xffff, v2  }
0x5c2: {  	v12 =	vtrunc.f32 v12;
	v9 =	vmul.f32 $2.560000000e+02, v9  }
0x5c3: {  	v11 =	vtrunc.f32 v11;
	v7 =	vcvt.f32.s32 v7  }
0x5c4: {  	v8 =	vcvt.f32.s32 v8;
	v10 =	vcvt.f32.s32 v10  }
0x5c5: {  	v13 =	vtrunc.f32 v13;
	v12 =	vcvt.f32.s32 v12;
	v7 =	vshll.u32 v7, $0x4  }
0x5c6: {  	[tilespmem:v5+s10+$0x0] =	vst.idx.add.f32.msk $0xffff, v2;
	v5 =	vcvt.f32.s32 v11;
	v8 =	vshll.u32 v8, $0x4;
	v7 =	vor.u32 v1, v7  }
0x5c7: {  	v9 =	vtrunc.f32 v9;
	v10 =	vshll.u32 v10, $0x4;
	v8 =	vor.u32 v1, v8  }
0x5c8: {  	[tilespmem:v4+s10+$0x0] =	vst.idx.add.f32.msk $0xffff, v2;
	v4 =	vcvt.f32.s32 v13;
	v11 =	vshll.u32 v12, $0x4;
	v10 =	vor.u32 v1, v10  }
0x5c9: {  	[tilespmem:v3+s10+$0x0] =	vst.idx.add.f32.msk $0xffff, v2;
	v3 =	vcvt.f32.s32 v9;
	v5 =	vshll.u32 v5, $0x4;
	v9 =	vor.u32 v1, v11  }
0x5ca: {  	[tilespmem:v6+s10+$0x0] =	vst.idx.add.f32.msk $0xffff, v2;
	v4 =	vshll.u32 v4, $0x4;
	v5 =	vor.u32 v1, v5  }
0x5cb: {  	v3 =	vshll.u32 v3, $0x4;
	v4 =	vor.u32 v1, v4;
	[tilespmem:v7+s10+$0x0] =	vst.idx.add.f32.msk $0xffff, v2  }
0x5cc: {  	v3 =	vor.u32 v1, v3;
	[tilespmem:v8+s10+$0x0] =	vst.idx.add.f32.msk $0xffff, v2  }
0x5cd: {  	[tilespmem:v10+s10+$0x0] =	vst.idx.add.f32.msk $0xffff, v2  }
0x5ce: {  	[tilespmem:v9+s10+$0x0] =	vst.idx.add.f32.msk $0xffff, v2  }
0x5cf: {  	[tilespmem:v5+s10+$0x0] =	vst.idx.add.f32.msk $0xffff, v2  }
0x5d0: {  	[tilespmem:v4+s10+$0x0] =	vst.idx.add.f32.msk $0xffff, v2  }
0x5d1: {  	[tilespmem:v3+s10+$0x0] =	vst.idx.add.f32.msk $0xffff, v2  }
0x5d2: {  	s13 =	simm.s32 $0x0;
	s14 =	rddreg [dreg:$0xf]  }
0x5d3: {  	[tilespmem:s8], [sflag:$0x2] =	stream.linear.gather [hbm4b:s14+s13], $0xC000, $0x38;
	[tilespmem:$0x19000] =	vst v63  }
0x5d4: {  	s16 =	sand.u32 $0xF000, s13;
	s15 =	sand.u32 $0xC00, s13;
	_ =	swait.ge [sflag:s9], $0xC000  }
0x5d5: {  	s13 =	sand.u32 $0x380, s13;
	s14 =	sor.u32 s15, s16;
	[sflag:s9] =	ssyncset.done $0x0  }
0x5d6: {  	s13 =	sor.u32 s13, s14;
	[sflag:s9] =	ssyncadd.s32 $0xFFFF4000  }
0x5d7: {  	v3 =	vld [tilespmem:s13+$0x70]  }
0x5d8: {  	v4 =	vld [tilespmem:s13+$0x0]  }
0x5d9: {  	v5 =	vld [tilespmem:s13+$0x10]  }
0x5da: {  	v6 =	vld [tilespmem:s13+$0x20]  }
0x5db: {  	v7 =	vld [tilespmem:s13+$0x30]  }
0x5dc: {  	v8 =	vld [tilespmem:s13+$0x40]  }
0x5dd: {  	v9 =	vld [tilespmem:s13+$0x50]  }
0x5de: {  	v10 =	vld [tilespmem:s13+$0x60]  }
0x5df: {  	v3 =	vmul.f32 $2.560000000e+02, v3;
	v4 =	vmul.f32 $2.560000000e+02, v4  }
0x5e0: {  	v5 =	vmul.f32 $2.560000000e+02, v5;
	v6 =	vmul.f32 $2.560000000e+02, v6  }
0x5e1: {  	v7 =	vmul.f32 $2.560000000e+02, v7;
	v3 =	vtrunc.f32 v3  }
0x5e2: {  	s17 =	simm.s32 $0x400;
	s18 =	simm.s32 $0x80;
	v8 =	vmul.f32 $2.560000000e+02, v8;
	v3 =	vcvt.f32.s32 v3  }
0x5e3: {  	s19 =	sand.u32 $0xC00, s17;
	s14 =	sand.u32 $0xF000, s18;
	s13 =	simm.s32 $0x20;
	v9 =	vmul.f32 $2.560000000e+02, v9;
	v10 =	vmul.f32 $2.560000000e+02, v10  }
0x5e4: {  	s14 =	sor.u32 s19, s14;
	s16 =	sand.u32 $0x380, s13;
	v4 =	vtrunc.f32 v4;
	v5 =	vtrunc.f32 v5;
	v3 =	vshll.u32 v3, $0x4  }
0x5e5: {  	s14 =	sor.u32 s16, s14;
	v6 =	vtrunc.f32 v6;
	v7 =	vtrunc.f32 v7;
	v3 =	vor.u32 v1, v3  }
0x5e6: {  	v13 =	vld [tilespmem:s14+$0x20];
	v8 =	vtrunc.f32 v8;
	v9 =	vtrunc.f32 v9  }
0x5e7: {  	v10 =	vtrunc.f32 v10;
	v4 =	vcvt.f32.s32 v4  }
0x5e8: {  	v11 =	vld [tilespmem:s14+$0x70];
	v5 =	vcvt.f32.s32 v5;
	v8 =	vcvt.f32.s32 v8  }
0x5e9: {  	v12 =	vld [tilespmem:s14+$0x10];
	v9 =	vcvt.f32.s32 v9;
	v10 =	vcvt.f32.s32 v10  }
0x5ea: {  	v4 =	vshll.u32 v4, $0x4;
	[tilespmem:v3+s10+$0x0] =	vst.idx.add.f32.msk $0xffff, v2;
	v3 =	vcvt.f32.s32 v6;
	v6 =	vcvt.f32.s32 v7  }
0x5eb: {  	v18 =	vld [tilespmem:s14+$0x40];
	v13 =	vmul.f32 $2.560000000e+02, v13;
	v5 =	vshll.u32 v5, $0x4;
	v14 =	vor.u32 v1, v4  }
0x5ec: {  	v15 =	vor.u32 v1, v5;
	v7 =	vld [tilespmem:s14+$0x0];
	v3 =	vshll.u32 v3, $0x4;
	v4 =	vshll.u32 v6, $0x4  }
0x5ed: {  	v6 =	vshll.u32 v8, $0x4;
	v8 =	vld [tilespmem:s14+$0x30];
	v17 =	vor.u32 v1, v3;
	v3 =	vmul.f32 $2.560000000e+02, v11  }
0x5ee: {  	v20 =	vld [tilespmem:s14+$0x50];
	v16 =	vshll.u32 v9, $0x4;
	v10 =	vshll.u32 v10, $0x4;
	v19 =	vor.u32 v1, v4  }
0x5ef: {  	v9 =	vld [tilespmem:s14+$0x60];
	v5 =	vor.u32 v1, v6;
	v6 =	vmul.f32 $2.560000000e+02, v12;
	v3 =	vtrunc.f32 v3  }
0x5f0: {  	[tilespmem:v14+s10+$0x0] =	vst.idx.add.f32.msk $0xffff, v2;
	v4 =	vor.u32 v1, v16;
	v11 =	vmul.f32 $2.560000000e+02, v18;
	v63 =	vcvt.f32.s32 v3  }
0x5f1: {  	[tilespmem:v15+s10+$0x0] =	vst.idx.add.f32.msk $0xffff, v2;
	v7 =	vmul.f32 $2.560000000e+02, v7;
	v3 =	vor.u32 v1, v10;
	v10 =	vtrunc.f32 v13  }
0x5f2: {  	v12 =	vmul.f32 $2.560000000e+02, v8;
	v8 =	vtrunc.f32 v6;
	v6 =	vshll.u32 v63, $0x4;
	[tilespmem:v17+s10+$0x0] =	vst.idx.add.f32.msk $0xffff, v2  }
0x5f3: {  	s15 =	simm.s32 $0x800;
	s16 =	simm.s32 $0x100;
	s14 =	simm.s32 $0x8;
	v13 =	vmul.f32 $2.560000000e+02, v20;
	v7 =	vtrunc.f32 v7;
	[tilespmem:v19+s10+$0x0] =	vst.idx.add.f32.msk $0xffff, v2;
	v6 =	vor.u32 v1, v6  }
.LBB2_48:
0x5f4: {  	s17 =	sand.u32 $0xF000, s16;
	s18 =	sand.u32 $0xC00, s15;
	v12 =	vtrunc.f32 v12;
	v9 =	vmul.f32 $2.560000000e+02, v9;
	s13 =	sadd.s32 $0x20, s13;
	[tilespmem:v5+s10+$0x0] =	vst.idx.add.f32.msk $0xffff, v2  }
0x5f5: {  	s14 =	sadd.s32 $0x8, s14;
	v5 =	vtrunc.f32 v11;
	s19 =	sand.u32 $0x380, s13;
	s17 =	sor.u32 s18, s17;
	v11 =	vtrunc.f32 v13;
	[tilespmem:v4+s10+$0x0] =	vst.idx.add.f32.msk $0xffff, v2  }
0x5f6: {  	p0 =	slt.u32 s14, $0xBF8;
	v4 =	vcvt.f32.s32 v7;
	s17 =	sor.u32 s19, s17;
	v7 =	vtrunc.f32 v9;
	[tilespmem:v3+s10+$0x0] =	vst.idx.add.f32.msk $0xffff, v2  }
0x5f7: {  	v8 =	vcvt.f32.s32 v8;
	v9 =	vcvt.f32.s32 v10;
	v3 =	vld [tilespmem:s17+$0x70]  }
0x5f8: {  	v5 =	vcvt.f32.s32 v5;
	v10 =	vcvt.f32.s32 v12;
	v4 =	vshll.u32 v4, $0x4;
	[tilespmem:v6+s10+$0x0] =	vst.idx.add.f32.msk $0xffff, v2  }
0x5f9: {  	v8 =	vshll.u32 v8, $0x4;
	v11 =	vcvt.f32.s32 v11;
	v7 =	vcvt.f32.s32 v7;
	v6 =	vld [tilespmem:s17+$0x0]  }
0x5fa: {  	v5 =	vshll.u32 v5, $0x4;
	v9 =	vshll.u32 v9, $0x4;
	v10 =	vshll.u32 v10, $0x4;
	v12 =	vld [tilespmem:s17+$0x10]  }
0x5fb: {  	v14 =	vor.u32 v1, v4;
	v4 =	vshll.u32 v11, $0x4;
	v7 =	vshll.u32 v7, $0x4;
	v13 =	vld [tilespmem:s17+$0x20]  }
0x5fc: {  	v8 =	vor.u32 v1, v8;
	v15 =	vor.u32 v1, v9;
	v16 =	vor.u32 v1, v10;
	v11 =	vld [tilespmem:s17+$0x30]  }
0x5fd: {  	v5 =	vor.u32 v1, v5;
	v4 =	vor.u32 v1, v4;
	v17 =	vmul.f32 $2.560000000e+02, v3;
	v10 =	vld [tilespmem:s17+$0x40]  }
0x5fe: {  	v3 =	vor.u32 v1, v7;
	v6 =	vmul.f32 $2.560000000e+02, v6;
	v18 =	vld [tilespmem:s17+$0x50]  }
.Ltmp23:
0x5ff: {  	v7 =	vtrunc.f32 v17;
	v19 =	vmul.f32 $2.560000000e+02, v12;
	v9 =	vld [tilespmem:s17+$0x60];
	(pc) =	sbr.rel @p0 .LBB2_48-.Ltmp23, $4  }
0x600: {  	v17 =	vcvt.f32.s32 v7;
	v13 =	vmul.f32 $2.560000000e+02, v13;
	[tilespmem:v14+s10+$0x0] =	vst.idx.add.f32.msk $0xffff, v2  }
0x601: {  	v7 =	vtrunc.f32 v6;
	v12 =	vmul.f32 $2.560000000e+02, v11;
	[tilespmem:v8+s10+$0x0] =	vst.idx.add.f32.msk $0xffff, v2  }
0x602: {  	v8 =	vtrunc.f32 v19;
	v6 =	vshll.u32 v17, $0x4;
	v11 =	vmul.f32 $2.560000000e+02, v10;
	[tilespmem:v15+s10+$0x0] =	vst.idx.add.f32.msk $0xffff, v2  }
0x603: {  	s15 =	sadd.s32 $0x400, s15;
	s16 =	sadd.s32 $0x80, s16;
	v10 =	vtrunc.f32 v13;
	v6 =	vor.u32 v1, v6;
	v13 =	vmul.f32 $2.560000000e+02, v18;
	[tilespmem:v16+s10+$0x0] =	vst.idx.add.f32.msk $0xffff, v2  }
0x604: {  	v12 =	vtrunc.f32 v12;
	v9 =	vmul.f32 $2.560000000e+02, v9  }
0x605: {  	v11 =	vtrunc.f32 v11;
	v7 =	vcvt.f32.s32 v7  }
0x606: {  	v8 =	vcvt.f32.s32 v8;
	v10 =	vcvt.f32.s32 v10  }
0x607: {  	v13 =	vtrunc.f32 v13;
	v12 =	vcvt.f32.s32 v12;
	v7 =	vshll.u32 v7, $0x4  }
0x608: {  	[tilespmem:v5+s10+$0x0] =	vst.idx.add.f32.msk $0xffff, v2;
	v5 =	vcvt.f32.s32 v11;
	v8 =	vshll.u32 v8, $0x4;
	v7 =	vor.u32 v1, v7  }
0x609: {  	v9 =	vtrunc.f32 v9;
	v10 =	vshll.u32 v10, $0x4;
	v8 =	vor.u32 v1, v8  }
0x60a: {  	[tilespmem:v4+s10+$0x0] =	vst.idx.add.f32.msk $0xffff, v2;
	v4 =	vcvt.f32.s32 v13;
	v11 =	vshll.u32 v12, $0x4;
	v10 =	vor.u32 v1, v10  }
0x60b: {  	[tilespmem:v3+s10+$0x0] =	vst.idx.add.f32.msk $0xffff, v2;
	v3 =	vcvt.f32.s32 v9;
	v5 =	vshll.u32 v5, $0x4;
	v9 =	vor.u32 v1, v11  }
0x60c: {  	[tilespmem:v6+s10+$0x0] =	vst.idx.add.f32.msk $0xffff, v2;
	v4 =	vshll.u32 v4, $0x4;
	v5 =	vor.u32 v1, v5  }
0x60d: {  	v3 =	vshll.u32 v3, $0x4;
	v4 =	vor.u32 v1, v4;
	[tilespmem:v7+s10+$0x0] =	vst.idx.add.f32.msk $0xffff, v2  }
0x60e: {  	v3 =	vor.u32 v1, v3;
	[tilespmem:v8+s10+$0x0] =	vst.idx.add.f32.msk $0xffff, v2  }
0x60f: {  	[tilespmem:v10+s10+$0x0] =	vst.idx.add.f32.msk $0xffff, v2  }
0x610: {  	[tilespmem:v9+s10+$0x0] =	vst.idx.add.f32.msk $0xffff, v2  }
0x611: {  	[tilespmem:v5+s10+$0x0] =	vst.idx.add.f32.msk $0xffff, v2  }
0x612: {  	[tilespmem:v4+s10+$0x0] =	vst.idx.add.f32.msk $0xffff, v2  }
0x613: {  	[tilespmem:v3+s10+$0x0] =	vst.idx.add.f32.msk $0xffff, v2  }
0x614: {  	s13 =	simm.s32 $0x0;
	s14 =	rddreg [dreg:$0x10]  }
0x615: {  	[tilespmem:s13], [sflag:$0x1] =	stream.linear.gather [hbm4b:s14+s13], $0xC000, $0x38;
	[tilespmem:$0x19000] =	vst v63  }
0x616: {  	s16 =	sand.u32 $0xF000, s13;
	s15 =	sand.u32 $0xC00, s13;
	_ =	swait.ge [sflag:s11], $0xC000  }
0x617: {  	s13 =	sand.u32 $0x380, s13;
	s14 =	sor.u32 s15, s16;
	[sflag:s11] =	ssyncset.done $0x0  }
0x618: {  	s13 =	sor.u32 s13, s14;
	[sflag:s11] =	ssyncadd.s32 $0xFFFF4000  }
0x619: {  	v3 =	vld [tilespmem:s13+$0xC070]  }
0x61a: {  	v4 =	vld [tilespmem:s13+$0xC000]  }
0x61b: {  	v5 =	vld [tilespmem:s13+$0xC010]  }
0x61c: {  	v6 =	vld [tilespmem:s13+$0xC020]  }
0x61d: {  	v7 =	vld [tilespmem:s13+$0xC030]  }
0x61e: {  	v8 =	vld [tilespmem:s13+$0xC040]  }
0x61f: {  	v9 =	vld [tilespmem:s13+$0xC050]  }
0x620: {  	v10 =	vld [tilespmem:s13+$0xC060]  }
0x621: {  	v3 =	vmul.f32 $2.560000000e+02, v3;
	v4 =	vmul.f32 $2.560000000e+02, v4  }
0x622: {  	v5 =	vmul.f32 $2.560000000e+02, v5;
	v6 =	vmul.f32 $2.560000000e+02, v6  }
0x623: {  	v7 =	vmul.f32 $2.560000000e+02, v7;
	v3 =	vtrunc.f32 v3  }
0x624: {  	s17 =	simm.s32 $0x400;
	s18 =	simm.s32 $0x80;
	v8 =	vmul.f32 $2.560000000e+02, v8;
	v3 =	vcvt.f32.s32 v3  }
0x625: {  	s19 =	sand.u32 $0xC00, s17;
	s14 =	sand.u32 $0xF000, s18;
	s13 =	simm.s32 $0x20;
	v9 =	vmul.f32 $2.560000000e+02, v9;
	v10 =	vmul.f32 $2.560000000e+02, v10  }
0x626: {  	s14 =	sor.u32 s19, s14;
	s16 =	sand.u32 $0x380, s13;
	v4 =	vtrunc.f32 v4;
	v5 =	vtrunc.f32 v5;
	v3 =	vshll.u32 v3, $0x4  }
0x627: {  	s14 =	sor.u32 s16, s14;
	v6 =	vtrunc.f32 v6;
	v7 =	vtrunc.f32 v7;
	v3 =	vor.u32 v1, v3  }
0x628: {  	v13 =	vld [tilespmem:s14+$0xC020];
	v8 =	vtrunc.f32 v8;
	v9 =	vtrunc.f32 v9  }
0x629: {  	v10 =	vtrunc.f32 v10;
	v4 =	vcvt.f32.s32 v4  }
0x62a: {  	v11 =	vld [tilespmem:s14+$0xC070];
	v5 =	vcvt.f32.s32 v5;
	v8 =	vcvt.f32.s32 v8  }
0x62b: {  	v12 =	vld [tilespmem:s14+$0xC010];
	v9 =	vcvt.f32.s32 v9;
	v10 =	vcvt.f32.s32 v10  }
0x62c: {  	v4 =	vshll.u32 v4, $0x4;
	[tilespmem:v3+s10+$0x0] =	vst.idx.add.f32.msk $0xffff, v2;
	v3 =	vcvt.f32.s32 v6;
	v6 =	vcvt.f32.s32 v7  }
0x62d: {  	v18 =	vld [tilespmem:s14+$0xC040];
	v13 =	vmul.f32 $2.560000000e+02, v13;
	v5 =	vshll.u32 v5, $0x4;
	v14 =	vor.u32 v1, v4  }
0x62e: {  	v15 =	vor.u32 v1, v5;
	v7 =	vld [tilespmem:s14+$0xC000];
	v3 =	vshll.u32 v3, $0x4;
	v4 =	vshll.u32 v6, $0x4  }
0x62f: {  	v6 =	vshll.u32 v8, $0x4;
	v8 =	vld [tilespmem:s14+$0xC030];
	v17 =	vor.u32 v1, v3;
	v3 =	vmul.f32 $2.560000000e+02, v11  }
0x630: {  	v20 =	vld [tilespmem:s14+$0xC050];
	v16 =	vshll.u32 v9, $0x4;
	v10 =	vshll.u32 v10, $0x4;
	v19 =	vor.u32 v1, v4  }
0x631: {  	v9 =	vld [tilespmem:s14+$0xC060];
	v5 =	vor.u32 v1, v6;
	v6 =	vmul.f32 $2.560000000e+02, v12;
	v3 =	vtrunc.f32 v3  }
0x632: {  	[tilespmem:v14+s10+$0x0] =	vst.idx.add.f32.msk $0xffff, v2;
	v4 =	vor.u32 v1, v16;
	v11 =	vmul.f32 $2.560000000e+02, v18;
	v63 =	vcvt.f32.s32 v3  }
0x633: {  	[tilespmem:v15+s10+$0x0] =	vst.idx.add.f32.msk $0xffff, v2;
	v7 =	vmul.f32 $2.560000000e+02, v7;
	v3 =	vor.u32 v1, v10;
	v10 =	vtrunc.f32 v13  }
0x634: {  	v12 =	vmul.f32 $2.560000000e+02, v8;
	v8 =	vtrunc.f32 v6;
	v6 =	vshll.u32 v63, $0x4;
	[tilespmem:v17+s10+$0x0] =	vst.idx.add.f32.msk $0xffff, v2  }
0x635: {  	s15 =	simm.s32 $0x800;
	s16 =	simm.s32 $0x100;
	s14 =	simm.s32 $0x8;
	v13 =	vmul.f32 $2.560000000e+02, v20;
	v7 =	vtrunc.f32 v7;
	[tilespmem:v19+s10+$0x0] =	vst.idx.add.f32.msk $0xffff, v2;
	v6 =	vor.u32 v1, v6  }
.LBB2_50:
0x636: {  	s17 =	sand.u32 $0xF000, s16;
	s18 =	sand.u32 $0xC00, s15;
	v12 =	vtrunc.f32 v12;
	v9 =	vmul.f32 $2.560000000e+02, v9;
	s13 =	sadd.s32 $0x20, s13;
	[tilespmem:v5+s10+$0x0] =	vst.idx.add.f32.msk $0xffff, v2  }
0x637: {  	s14 =	sadd.s32 $0x8, s14;
	v5 =	vtrunc.f32 v11;
	s19 =	sand.u32 $0x380, s13;
	s17 =	sor.u32 s18, s17;
	v11 =	vtrunc.f32 v13;
	[tilespmem:v4+s10+$0x0] =	vst.idx.add.f32.msk $0xffff, v2  }
0x638: {  	p0 =	slt.u32 s14, $0xBF8;
	v4 =	vcvt.f32.s32 v7;
	s17 =	sor.u32 s19, s17;
	v7 =	vtrunc.f32 v9;
	[tilespmem:v3+s10+$0x0] =	vst.idx.add.f32.msk $0xffff, v2  }
0x639: {  	v8 =	vcvt.f32.s32 v8;
	v9 =	vcvt.f32.s32 v10;
	v3 =	vld [tilespmem:s17+$0xC070]  }
0x63a: {  	v5 =	vcvt.f32.s32 v5;
	v10 =	vcvt.f32.s32 v12;
	v4 =	vshll.u32 v4, $0x4;
	[tilespmem:v6+s10+$0x0] =	vst.idx.add.f32.msk $0xffff, v2  }
0x63b: {  	v8 =	vshll.u32 v8, $0x4;
	v11 =	vcvt.f32.s32 v11;
	v7 =	vcvt.f32.s32 v7;
	v6 =	vld [tilespmem:s17+$0xC000]  }
0x63c: {  	v5 =	vshll.u32 v5, $0x4;
	v9 =	vshll.u32 v9, $0x4;
	v10 =	vshll.u32 v10, $0x4;
	v12 =	vld [tilespmem:s17+$0xC010]  }
0x63d: {  	v14 =	vor.u32 v1, v4;
	v4 =	vshll.u32 v11, $0x4;
	v7 =	vshll.u32 v7, $0x4;
	v13 =	vld [tilespmem:s17+$0xC020]  }
0x63e: {  	v8 =	vor.u32 v1, v8;
	v15 =	vor.u32 v1, v9;
	v16 =	vor.u32 v1, v10;
	v11 =	vld [tilespmem:s17+$0xC030]  }
0x63f: {  	v5 =	vor.u32 v1, v5;
	v4 =	vor.u32 v1, v4;
	v17 =	vmul.f32 $2.560000000e+02, v3;
	v10 =	vld [tilespmem:s17+$0xC040]  }
0x640: {  	v3 =	vor.u32 v1, v7;
	v6 =	vmul.f32 $2.560000000e+02, v6;
	v18 =	vld [tilespmem:s17+$0xC050]  }
.Ltmp24:
0x641: {  	v7 =	vtrunc.f32 v17;
	v19 =	vmul.f32 $2.560000000e+02, v12;
	v9 =	vld [tilespmem:s17+$0xC060];
	(pc) =	sbr.rel @p0 .LBB2_50-.Ltmp24, $4  }
0x642: {  	v17 =	vcvt.f32.s32 v7;
	v13 =	vmul.f32 $2.560000000e+02, v13;
	[tilespmem:v14+s10+$0x0] =	vst.idx.add.f32.msk $0xffff, v2  }
0x643: {  	v7 =	vtrunc.f32 v6;
	v12 =	vmul.f32 $2.560000000e+02, v11;
	[tilespmem:v8+s10+$0x0] =	vst.idx.add.f32.msk $0xffff, v2  }
0x644: {  	v8 =	vtrunc.f32 v19;
	v6 =	vshll.u32 v17, $0x4;
	v11 =	vmul.f32 $2.560000000e+02, v10;
	[tilespmem:v15+s10+$0x0] =	vst.idx.add.f32.msk $0xffff, v2  }
0x645: {  	s15 =	sadd.s32 $0x400, s15;
	s16 =	sadd.s32 $0x80, s16;
	v10 =	vtrunc.f32 v13;
	v6 =	vor.u32 v1, v6;
	v13 =	vmul.f32 $2.560000000e+02, v18;
	[tilespmem:v16+s10+$0x0] =	vst.idx.add.f32.msk $0xffff, v2  }
0x646: {  	v12 =	vtrunc.f32 v12;
	v9 =	vmul.f32 $2.560000000e+02, v9  }
0x647: {  	v11 =	vtrunc.f32 v11;
	v7 =	vcvt.f32.s32 v7  }
0x648: {  	v8 =	vcvt.f32.s32 v8;
	v10 =	vcvt.f32.s32 v10  }
0x649: {  	v13 =	vtrunc.f32 v13;
	v12 =	vcvt.f32.s32 v12;
	v7 =	vshll.u32 v7, $0x4  }
0x64a: {  	[tilespmem:v5+s10+$0x0] =	vst.idx.add.f32.msk $0xffff, v2;
	v5 =	vcvt.f32.s32 v11;
	v8 =	vshll.u32 v8, $0x4;
	v7 =	vor.u32 v1, v7  }
0x64b: {  	v9 =	vtrunc.f32 v9;
	v10 =	vshll.u32 v10, $0x4;
	v8 =	vor.u32 v1, v8  }
0x64c: {  	[tilespmem:v4+s10+$0x0] =	vst.idx.add.f32.msk $0xffff, v2;
	v4 =	vcvt.f32.s32 v13;
	v11 =	vshll.u32 v12, $0x4;
	v10 =	vor.u32 v1, v10  }
0x64d: {  	[tilespmem:v3+s10+$0x0] =	vst.idx.add.f32.msk $0xffff, v2;
	v3 =	vcvt.f32.s32 v9;
	v5 =	vshll.u32 v5, $0x4;
	v9 =	vor.u32 v1, v11  }
0x64e: {  	[tilespmem:v6+s10+$0x0] =	vst.idx.add.f32.msk $0xffff, v2;
	v4 =	vshll.u32 v4, $0x4;
	v5 =	vor.u32 v1, v5  }
0x64f: {  	v3 =	vshll.u32 v3, $0x4;
	v4 =	vor.u32 v1, v4;
	[tilespmem:v7+s10+$0x0] =	vst.idx.add.f32.msk $0xffff, v2  }
0x650: {  	v3 =	vor.u32 v1, v3;
	[tilespmem:v8+s10+$0x0] =	vst.idx.add.f32.msk $0xffff, v2  }
0x651: {  	[tilespmem:v10+s10+$0x0] =	vst.idx.add.f32.msk $0xffff, v2  }
0x652: {  	[tilespmem:v9+s10+$0x0] =	vst.idx.add.f32.msk $0xffff, v2  }
0x653: {  	[tilespmem:v5+s10+$0x0] =	vst.idx.add.f32.msk $0xffff, v2  }
0x654: {  	[tilespmem:v4+s10+$0x0] =	vst.idx.add.f32.msk $0xffff, v2  }
0x655: {  	[tilespmem:v3+s10+$0x0] =	vst.idx.add.f32.msk $0xffff, v2  }
0x656: {  	s13 =	simm.s32 $0x0;
	s14 =	rddreg [dreg:$0x11]  }
0x657: {  	[tilespmem:s8], [sflag:$0x2] =	stream.linear.gather [hbm4b:s14+s13], $0xC000, $0x38;
	[tilespmem:$0x19000] =	vst v63  }
0x658: {  	s16 =	sand.u32 $0xF000, s13;
	s15 =	sand.u32 $0xC00, s13;
	_ =	swait.ge [sflag:s9], $0xC000  }
0x659: {  	s13 =	sand.u32 $0x380, s13;
	s14 =	sor.u32 s15, s16;
	[sflag:s9] =	ssyncset.done $0x0  }
0x65a: {  	s13 =	sor.u32 s13, s14;
	[sflag:s9] =	ssyncadd.s32 $0xFFFF4000  }
0x65b: {  	v3 =	vld [tilespmem:s13+$0x70]  }
0x65c: {  	v4 =	vld [tilespmem:s13+$0x0]  }
0x65d: {  	v5 =	vld [tilespmem:s13+$0x10]  }
0x65e: {  	v6 =	vld [tilespmem:s13+$0x20]  }
0x65f: {  	v7 =	vld [tilespmem:s13+$0x30]  }
0x660: {  	v8 =	vld [tilespmem:s13+$0x40]  }
0x661: {  	v9 =	vld [tilespmem:s13+$0x50]  }
0x662: {  	v10 =	vld [tilespmem:s13+$0x60]  }
0x663: {  	v3 =	vmul.f32 $2.560000000e+02, v3;
	v4 =	vmul.f32 $2.560000000e+02, v4  }
0x664: {  	v5 =	vmul.f32 $2.560000000e+02, v5;
	v6 =	vmul.f32 $2.560000000e+02, v6  }
0x665: {  	v7 =	vmul.f32 $2.560000000e+02, v7;
	v3 =	vtrunc.f32 v3  }
0x666: {  	s17 =	simm.s32 $0x400;
	s18 =	simm.s32 $0x80;
	v8 =	vmul.f32 $2.560000000e+02, v8;
	v3 =	vcvt.f32.s32 v3  }
0x667: {  	s19 =	sand.u32 $0xC00, s17;
	s14 =	sand.u32 $0xF000, s18;
	s13 =	simm.s32 $0x20;
	v9 =	vmul.f32 $2.560000000e+02, v9;
	v10 =	vmul.f32 $2.560000000e+02, v10  }
0x668: {  	s14 =	sor.u32 s19, s14;
	s16 =	sand.u32 $0x380, s13;
	v4 =	vtrunc.f32 v4;
	v5 =	vtrunc.f32 v5;
	v3 =	vshll.u32 v3, $0x4  }
0x669: {  	s14 =	sor.u32 s16, s14;
	v6 =	vtrunc.f32 v6;
	v7 =	vtrunc.f32 v7;
	v3 =	vor.u32 v1, v3  }
0x66a: {  	v13 =	vld [tilespmem:s14+$0x20];
	v8 =	vtrunc.f32 v8;
	v9 =	vtrunc.f32 v9  }
0x66b: {  	v10 =	vtrunc.f32 v10;
	v4 =	vcvt.f32.s32 v4  }
0x66c: {  	v11 =	vld [tilespmem:s14+$0x70];
	v5 =	vcvt.f32.s32 v5;
	v8 =	vcvt.f32.s32 v8  }
0x66d: {  	v12 =	vld [tilespmem:s14+$0x10];
	v9 =	vcvt.f32.s32 v9;
	v10 =	vcvt.f32.s32 v10  }
0x66e: {  	v4 =	vshll.u32 v4, $0x4;
	[tilespmem:v3+s10+$0x0] =	vst.idx.add.f32.msk $0xffff, v2;
	v3 =	vcvt.f32.s32 v6;
	v6 =	vcvt.f32.s32 v7  }
0x66f: {  	v18 =	vld [tilespmem:s14+$0x40];
	v13 =	vmul.f32 $2.560000000e+02, v13;
	v5 =	vshll.u32 v5, $0x4;
	v14 =	vor.u32 v1, v4  }
0x670: {  	v15 =	vor.u32 v1, v5;
	v7 =	vld [tilespmem:s14+$0x0];
	v3 =	vshll.u32 v3, $0x4;
	v4 =	vshll.u32 v6, $0x4  }
0x671: {  	v6 =	vshll.u32 v8, $0x4;
	v8 =	vld [tilespmem:s14+$0x30];
	v17 =	vor.u32 v1, v3;
	v3 =	vmul.f32 $2.560000000e+02, v11  }
0x672: {  	v20 =	vld [tilespmem:s14+$0x50];
	v16 =	vshll.u32 v9, $0x4;
	v10 =	vshll.u32 v10, $0x4;
	v19 =	vor.u32 v1, v4  }
0x673: {  	v9 =	vld [tilespmem:s14+$0x60];
	v5 =	vor.u32 v1, v6;
	v6 =	vmul.f32 $2.560000000e+02, v12;
	v3 =	vtrunc.f32 v3  }
0x674: {  	[tilespmem:v14+s10+$0x0] =	vst.idx.add.f32.msk $0xffff, v2;
	v4 =	vor.u32 v1, v16;
	v11 =	vmul.f32 $2.560000000e+02, v18;
	v63 =	vcvt.f32.s32 v3  }
0x675: {  	[tilespmem:v15+s10+$0x0] =	vst.idx.add.f32.msk $0xffff, v2;
	v7 =	vmul.f32 $2.560000000e+02, v7;
	v3 =	vor.u32 v1, v10;
	v10 =	vtrunc.f32 v13  }
0x676: {  	v12 =	vmul.f32 $2.560000000e+02, v8;
	v8 =	vtrunc.f32 v6;
	v6 =	vshll.u32 v63, $0x4;
	[tilespmem:v17+s10+$0x0] =	vst.idx.add.f32.msk $0xffff, v2  }
0x677: {  	s15 =	simm.s32 $0x800;
	s16 =	simm.s32 $0x100;
	s14 =	simm.s32 $0x8;
	v13 =	vmul.f32 $2.560000000e+02, v20;
	v7 =	vtrunc.f32 v7;
	[tilespmem:v19+s10+$0x0] =	vst.idx.add.f32.msk $0xffff, v2;
	v6 =	vor.u32 v1, v6  }
.LBB2_52:
0x678: {  	s17 =	sand.u32 $0xF000, s16;
	s18 =	sand.u32 $0xC00, s15;
	v12 =	vtrunc.f32 v12;
	v9 =	vmul.f32 $2.560000000e+02, v9;
	s13 =	sadd.s32 $0x20, s13;
	[tilespmem:v5+s10+$0x0] =	vst.idx.add.f32.msk $0xffff, v2  }
0x679: {  	s14 =	sadd.s32 $0x8, s14;
	v5 =	vtrunc.f32 v11;
	s19 =	sand.u32 $0x380, s13;
	s17 =	sor.u32 s18, s17;
	v11 =	vtrunc.f32 v13;
	[tilespmem:v4+s10+$0x0] =	vst.idx.add.f32.msk $0xffff, v2  }
0x67a: {  	p0 =	slt.u32 s14, $0xBF8;
	v4 =	vcvt.f32.s32 v7;
	s17 =	sor.u32 s19, s17;
	v7 =	vtrunc.f32 v9;
	[tilespmem:v3+s10+$0x0] =	vst.idx.add.f32.msk $0xffff, v2  }
0x67b: {  	v8 =	vcvt.f32.s32 v8;
	v9 =	vcvt.f32.s32 v10;
	v3 =	vld [tilespmem:s17+$0x70]  }
0x67c: {  	v5 =	vcvt.f32.s32 v5;
	v10 =	vcvt.f32.s32 v12;
	v4 =	vshll.u32 v4, $0x4;
	[tilespmem:v6+s10+$0x0] =	vst.idx.add.f32.msk $0xffff, v2  }
0x67d: {  	v8 =	vshll.u32 v8, $0x4;
	v11 =	vcvt.f32.s32 v11;
	v7 =	vcvt.f32.s32 v7;
	v6 =	vld [tilespmem:s17+$0x0]  }
0x67e: {  	v5 =	vshll.u32 v5, $0x4;
	v9 =	vshll.u32 v9, $0x4;
	v10 =	vshll.u32 v10, $0x4;
	v12 =	vld [tilespmem:s17+$0x10]  }
0x67f: {  	v14 =	vor.u32 v1, v4;
	v4 =	vshll.u32 v11, $0x4;
	v7 =	vshll.u32 v7, $0x4;
	v13 =	vld [tilespmem:s17+$0x20]  }
0x680: {  	v8 =	vor.u32 v1, v8;
	v15 =	vor.u32 v1, v9;
	v16 =	vor.u32 v1, v10;
	v11 =	vld [tilespmem:s17+$0x30]  }
0x681: {  	v5 =	vor.u32 v1, v5;
	v4 =	vor.u32 v1, v4;
	v17 =	vmul.f32 $2.560000000e+02, v3;
	v10 =	vld [tilespmem:s17+$0x40]  }
0x682: {  	v3 =	vor.u32 v1, v7;
	v6 =	vmul.f32 $2.560000000e+02, v6;
	v18 =	vld [tilespmem:s17+$0x50]  }
.Ltmp25:
0x683: {  	v7 =	vtrunc.f32 v17;
	v19 =	vmul.f32 $2.560000000e+02, v12;
	v9 =	vld [tilespmem:s17+$0x60];
	(pc) =	sbr.rel @p0 .LBB2_52-.Ltmp25, $4  }
0x684: {  	v17 =	vcvt.f32.s32 v7;
	v13 =	vmul.f32 $2.560000000e+02, v13;
	[tilespmem:v14+s10+$0x0] =	vst.idx.add.f32.msk $0xffff, v2  }
0x685: {  	v7 =	vtrunc.f32 v6;
	v12 =	vmul.f32 $2.560000000e+02, v11;
	[tilespmem:v8+s10+$0x0] =	vst.idx.add.f32.msk $0xffff, v2  }
0x686: {  	v8 =	vtrunc.f32 v19;
	v6 =	vshll.u32 v17, $0x4;
	v11 =	vmul.f32 $2.560000000e+02, v10;
	[tilespmem:v15+s10+$0x0] =	vst.idx.add.f32.msk $0xffff, v2  }
0x687: {  	s15 =	sadd.s32 $0x400, s15;
	s16 =	sadd.s32 $0x80, s16;
	v10 =	vtrunc.f32 v13;
	v6 =	vor.u32 v1, v6;
	v13 =	vmul.f32 $2.560000000e+02, v18;
	[tilespmem:v16+s10+$0x0] =	vst.idx.add.f32.msk $0xffff, v2  }
0x688: {  	v12 =	vtrunc.f32 v12;
	v9 =	vmul.f32 $2.560000000e+02, v9  }
0x689: {  	v11 =	vtrunc.f32 v11;
	v7 =	vcvt.f32.s32 v7  }
0x68a: {  	v8 =	vcvt.f32.s32 v8;
	v10 =	vcvt.f32.s32 v10  }
0x68b: {  	v13 =	vtrunc.f32 v13;
	v12 =	vcvt.f32.s32 v12;
	v7 =	vshll.u32 v7, $0x4  }
0x68c: {  	[tilespmem:v5+s10+$0x0] =	vst.idx.add.f32.msk $0xffff, v2;
	v5 =	vcvt.f32.s32 v11;
	v8 =	vshll.u32 v8, $0x4;
	v7 =	vor.u32 v1, v7  }
0x68d: {  	v9 =	vtrunc.f32 v9;
	v10 =	vshll.u32 v10, $0x4;
	v8 =	vor.u32 v1, v8  }
0x68e: {  	[tilespmem:v4+s10+$0x0] =	vst.idx.add.f32.msk $0xffff, v2;
	v4 =	vcvt.f32.s32 v13;
	v11 =	vshll.u32 v12, $0x4;
	v10 =	vor.u32 v1, v10  }
0x68f: {  	[tilespmem:v3+s10+$0x0] =	vst.idx.add.f32.msk $0xffff, v2;
	v3 =	vcvt.f32.s32 v9;
	v5 =	vshll.u32 v5, $0x4;
	v9 =	vor.u32 v1, v11  }
0x690: {  	[tilespmem:v6+s10+$0x0] =	vst.idx.add.f32.msk $0xffff, v2;
	v4 =	vshll.u32 v4, $0x4;
	v5 =	vor.u32 v1, v5  }
0x691: {  	v3 =	vshll.u32 v3, $0x4;
	v4 =	vor.u32 v1, v4;
	[tilespmem:v7+s10+$0x0] =	vst.idx.add.f32.msk $0xffff, v2  }
0x692: {  	v3 =	vor.u32 v1, v3;
	[tilespmem:v8+s10+$0x0] =	vst.idx.add.f32.msk $0xffff, v2  }
0x693: {  	[tilespmem:v10+s10+$0x0] =	vst.idx.add.f32.msk $0xffff, v2  }
0x694: {  	[tilespmem:v9+s10+$0x0] =	vst.idx.add.f32.msk $0xffff, v2  }
0x695: {  	[tilespmem:v5+s10+$0x0] =	vst.idx.add.f32.msk $0xffff, v2  }
0x696: {  	[tilespmem:v4+s10+$0x0] =	vst.idx.add.f32.msk $0xffff, v2  }
0x697: {  	[tilespmem:v3+s10+$0x0] =	vst.idx.add.f32.msk $0xffff, v2  }
0x698: {  	s13 =	simm.s32 $0x0;
	s14 =	rddreg [dreg:$0x12]  }
0x699: {  	[tilespmem:s13], [sflag:$0x1] =	stream.linear.gather [hbm4b:s14+s13], $0xC000, $0x38;
	[tilespmem:$0x19000] =	vst v63  }
0x69a: {  	s16 =	sand.u32 $0xF000, s13;
	s15 =	sand.u32 $0xC00, s13;
	_ =	swait.ge [sflag:s11], $0xC000  }
0x69b: {  	s13 =	sand.u32 $0x380, s13;
	s14 =	sor.u32 s15, s16;
	[sflag:s11] =	ssyncset.done $0x0  }
0x69c: {  	s13 =	sor.u32 s13, s14;
	[sflag:s11] =	ssyncadd.s32 $0xFFFF4000  }
0x69d: {  	v3 =	vld [tilespmem:s13+$0xC070]  }
0x69e: {  	v4 =	vld [tilespmem:s13+$0xC000]  }
0x69f: {  	v5 =	vld [tilespmem:s13+$0xC010]  }
0x6a0: {  	v6 =	vld [tilespmem:s13+$0xC020]  }
0x6a1: {  	v7 =	vld [tilespmem:s13+$0xC030]  }
0x6a2: {  	v8 =	vld [tilespmem:s13+$0xC040]  }
0x6a3: {  	v9 =	vld [tilespmem:s13+$0xC050]  }
0x6a4: {  	v10 =	vld [tilespmem:s13+$0xC060]  }
0x6a5: {  	v3 =	vmul.f32 $2.560000000e+02, v3;
	v4 =	vmul.f32 $2.560000000e+02, v4  }
0x6a6: {  	v5 =	vmul.f32 $2.560000000e+02, v5;
	v6 =	vmul.f32 $2.560000000e+02, v6  }
0x6a7: {  	v7 =	vmul.f32 $2.560000000e+02, v7;
	v3 =	vtrunc.f32 v3  }
0x6a8: {  	s17 =	simm.s32 $0x400;
	s18 =	simm.s32 $0x80;
	v8 =	vmul.f32 $2.560000000e+02, v8;
	v3 =	vcvt.f32.s32 v3  }
0x6a9: {  	s19 =	sand.u32 $0xC00, s17;
	s14 =	sand.u32 $0xF000, s18;
	s13 =	simm.s32 $0x20;
	v9 =	vmul.f32 $2.560000000e+02, v9;
	v10 =	vmul.f32 $2.560000000e+02, v10  }
0x6aa: {  	s14 =	sor.u32 s19, s14;
	s16 =	sand.u32 $0x380, s13;
	v4 =	vtrunc.f32 v4;
	v5 =	vtrunc.f32 v5;
	v3 =	vshll.u32 v3, $0x4  }
0x6ab: {  	s14 =	sor.u32 s16, s14;
	v6 =	vtrunc.f32 v6;
	v7 =	vtrunc.f32 v7;
	v3 =	vor.u32 v1, v3  }
0x6ac: {  	v13 =	vld [tilespmem:s14+$0xC020];
	v8 =	vtrunc.f32 v8;
	v9 =	vtrunc.f32 v9  }
0x6ad: {  	v10 =	vtrunc.f32 v10;
	v4 =	vcvt.f32.s32 v4  }
0x6ae: {  	v11 =	vld [tilespmem:s14+$0xC070];
	v5 =	vcvt.f32.s32 v5;
	v8 =	vcvt.f32.s32 v8  }
0x6af: {  	v12 =	vld [tilespmem:s14+$0xC010];
	v9 =	vcvt.f32.s32 v9;
	v10 =	vcvt.f32.s32 v10  }
0x6b0: {  	v4 =	vshll.u32 v4, $0x4;
	[tilespmem:v3+s10+$0x0] =	vst.idx.add.f32.msk $0xffff, v2;
	v3 =	vcvt.f32.s32 v6;
	v6 =	vcvt.f32.s32 v7  }
0x6b1: {  	v18 =	vld [tilespmem:s14+$0xC040];
	v13 =	vmul.f32 $2.560000000e+02, v13;
	v5 =	vshll.u32 v5, $0x4;
	v14 =	vor.u32 v1, v4  }
0x6b2: {  	v15 =	vor.u32 v1, v5;
	v7 =	vld [tilespmem:s14+$0xC000];
	v3 =	vshll.u32 v3, $0x4;
	v4 =	vshll.u32 v6, $0x4  }
0x6b3: {  	v6 =	vshll.u32 v8, $0x4;
	v8 =	vld [tilespmem:s14+$0xC030];
	v17 =	vor.u32 v1, v3;
	v3 =	vmul.f32 $2.560000000e+02, v11  }
0x6b4: {  	v20 =	vld [tilespmem:s14+$0xC050];
	v16 =	vshll.u32 v9, $0x4;
	v10 =	vshll.u32 v10, $0x4;
	v19 =	vor.u32 v1, v4  }
0x6b5: {  	v9 =	vld [tilespmem:s14+$0xC060];
	v5 =	vor.u32 v1, v6;
	v6 =	vmul.f32 $2.560000000e+02, v12;
	v3 =	vtrunc.f32 v3  }
0x6b6: {  	[tilespmem:v14+s10+$0x0] =	vst.idx.add.f32.msk $0xffff, v2;
	v4 =	vor.u32 v1, v16;
	v11 =	vmul.f32 $2.560000000e+02, v18;
	v63 =	vcvt.f32.s32 v3  }
0x6b7: {  	[tilespmem:v15+s10+$0x0] =	vst.idx.add.f32.msk $0xffff, v2;
	v7 =	vmul.f32 $2.560000000e+02, v7;
	v3 =	vor.u32 v1, v10;
	v10 =	vtrunc.f32 v13  }
0x6b8: {  	v12 =	vmul.f32 $2.560000000e+02, v8;
	v8 =	vtrunc.f32 v6;
	v6 =	vshll.u32 v63, $0x4;
	[tilespmem:v17+s10+$0x0] =	vst.idx.add.f32.msk $0xffff, v2  }
0x6b9: {  	s15 =	simm.s32 $0x800;
	s16 =	simm.s32 $0x100;
	s14 =	simm.s32 $0x8;
	v13 =	vmul.f32 $2.560000000e+02, v20;
	v7 =	vtrunc.f32 v7;
	[tilespmem:v19+s10+$0x0] =	vst.idx.add.f32.msk $0xffff, v2;
	v6 =	vor.u32 v1, v6  }
.LBB2_54:
0x6ba: {  	s17 =	sand.u32 $0xF000, s16;
	s18 =	sand.u32 $0xC00, s15;
	v12 =	vtrunc.f32 v12;
	v9 =	vmul.f32 $2.560000000e+02, v9;
	s13 =	sadd.s32 $0x20, s13;
	[tilespmem:v5+s10+$0x0] =	vst.idx.add.f32.msk $0xffff, v2  }
0x6bb: {  	s14 =	sadd.s32 $0x8, s14;
	v5 =	vtrunc.f32 v11;
	s19 =	sand.u32 $0x380, s13;
	s17 =	sor.u32 s18, s17;
	v11 =	vtrunc.f32 v13;
	[tilespmem:v4+s10+$0x0] =	vst.idx.add.f32.msk $0xffff, v2  }
0x6bc: {  	p0 =	slt.u32 s14, $0xBF8;
	v4 =	vcvt.f32.s32 v7;
	s17 =	sor.u32 s19, s17;
	v7 =	vtrunc.f32 v9;
	[tilespmem:v3+s10+$0x0] =	vst.idx.add.f32.msk $0xffff, v2  }
0x6bd: {  	v8 =	vcvt.f32.s32 v8;
	v9 =	vcvt.f32.s32 v10;
	v3 =	vld [tilespmem:s17+$0xC070]  }
0x6be: {  	v5 =	vcvt.f32.s32 v5;
	v10 =	vcvt.f32.s32 v12;
	v4 =	vshll.u32 v4, $0x4;
	[tilespmem:v6+s10+$0x0] =	vst.idx.add.f32.msk $0xffff, v2  }
0x6bf: {  	v8 =	vshll.u32 v8, $0x4;
	v11 =	vcvt.f32.s32 v11;
	v7 =	vcvt.f32.s32 v7;
	v6 =	vld [tilespmem:s17+$0xC000]  }
0x6c0: {  	v5 =	vshll.u32 v5, $0x4;
	v9 =	vshll.u32 v9, $0x4;
	v10 =	vshll.u32 v10, $0x4;
	v12 =	vld [tilespmem:s17+$0xC010]  }
0x6c1: {  	v14 =	vor.u32 v1, v4;
	v4 =	vshll.u32 v11, $0x4;
	v7 =	vshll.u32 v7, $0x4;
	v13 =	vld [tilespmem:s17+$0xC020]  }
0x6c2: {  	v8 =	vor.u32 v1, v8;
	v15 =	vor.u32 v1, v9;
	v16 =	vor.u32 v1, v10;
	v11 =	vld [tilespmem:s17+$0xC030]  }
0x6c3: {  	v5 =	vor.u32 v1, v5;
	v4 =	vor.u32 v1, v4;
	v17 =	vmul.f32 $2.560000000e+02, v3;
	v10 =	vld [tilespmem:s17+$0xC040]  }
0x6c4: {  	v3 =	vor.u32 v1, v7;
	v6 =	vmul.f32 $2.560000000e+02, v6;
	v18 =	vld [tilespmem:s17+$0xC050]  }
.Ltmp26:
0x6c5: {  	v7 =	vtrunc.f32 v17;
	v19 =	vmul.f32 $2.560000000e+02, v12;
	v9 =	vld [tilespmem:s17+$0xC060];
	(pc) =	sbr.rel @p0 .LBB2_54-.Ltmp26, $4  }
0x6c6: {  	v17 =	vcvt.f32.s32 v7;
	v13 =	vmul.f32 $2.560000000e+02, v13;
	[tilespmem:v14+s10+$0x0] =	vst.idx.add.f32.msk $0xffff, v2  }
0x6c7: {  	v7 =	vtrunc.f32 v6;
	v12 =	vmul.f32 $2.560000000e+02, v11;
	[tilespmem:v8+s10+$0x0] =	vst.idx.add.f32.msk $0xffff, v2  }
0x6c8: {  	v8 =	vtrunc.f32 v19;
	v6 =	vshll.u32 v17, $0x4;
	v11 =	vmul.f32 $2.560000000e+02, v10;
	[tilespmem:v15+s10+$0x0] =	vst.idx.add.f32.msk $0xffff, v2  }
0x6c9: {  	s15 =	sadd.s32 $0x400, s15;
	s16 =	sadd.s32 $0x80, s16;
	v10 =	vtrunc.f32 v13;
	v6 =	vor.u32 v1, v6;
	v13 =	vmul.f32 $2.560000000e+02, v18;
	[tilespmem:v16+s10+$0x0] =	vst.idx.add.f32.msk $0xffff, v2  }
0x6ca: {  	v12 =	vtrunc.f32 v12;
	v9 =	vmul.f32 $2.560000000e+02, v9  }
0x6cb: {  	v11 =	vtrunc.f32 v11;
	v7 =	vcvt.f32.s32 v7  }
0x6cc: {  	v8 =	vcvt.f32.s32 v8;
	v10 =	vcvt.f32.s32 v10  }
0x6cd: {  	v13 =	vtrunc.f32 v13;
	v12 =	vcvt.f32.s32 v12;
	v7 =	vshll.u32 v7, $0x4  }
0x6ce: {  	[tilespmem:v5+s10+$0x0] =	vst.idx.add.f32.msk $0xffff, v2;
	v5 =	vcvt.f32.s32 v11;
	v8 =	vshll.u32 v8, $0x4;
	v7 =	vor.u32 v1, v7  }
0x6cf: {  	v9 =	vtrunc.f32 v9;
	v10 =	vshll.u32 v10, $0x4;
	v8 =	vor.u32 v1, v8  }
0x6d0: {  	[tilespmem:v4+s10+$0x0] =	vst.idx.add.f32.msk $0xffff, v2;
	v4 =	vcvt.f32.s32 v13;
	v11 =	vshll.u32 v12, $0x4;
	v10 =	vor.u32 v1, v10  }
0x6d1: {  	[tilespmem:v3+s10+$0x0] =	vst.idx.add.f32.msk $0xffff, v2;
	v3 =	vcvt.f32.s32 v9;
	v5 =	vshll.u32 v5, $0x4;
	v9 =	vor.u32 v1, v11  }
0x6d2: {  	[tilespmem:v6+s10+$0x0] =	vst.idx.add.f32.msk $0xffff, v2;
	v4 =	vshll.u32 v4, $0x4;
	v5 =	vor.u32 v1, v5  }
0x6d3: {  	v3 =	vshll.u32 v3, $0x4;
	v4 =	vor.u32 v1, v4;
	[tilespmem:v7+s10+$0x0] =	vst.idx.add.f32.msk $0xffff, v2  }
0x6d4: {  	v3 =	vor.u32 v1, v3;
	[tilespmem:v8+s10+$0x0] =	vst.idx.add.f32.msk $0xffff, v2  }
0x6d5: {  	[tilespmem:v10+s10+$0x0] =	vst.idx.add.f32.msk $0xffff, v2  }
0x6d6: {  	[tilespmem:v9+s10+$0x0] =	vst.idx.add.f32.msk $0xffff, v2  }
0x6d7: {  	[tilespmem:v5+s10+$0x0] =	vst.idx.add.f32.msk $0xffff, v2  }
0x6d8: {  	[tilespmem:v4+s10+$0x0] =	vst.idx.add.f32.msk $0xffff, v2  }
0x6d9: {  	s13 =	simm.s32 $0x0;
	[tilespmem:v3+s10+$0x0] =	vst.idx.add.f32.msk $0xffff, v2  }
0x6da: {  	[tilespmem:s8], [sflag:$0x2] =	stream.linear.gather [hbm4b:s20+s13], $0xC000, $0x38;
	[tilespmem:$0x19000] =	vst v63  }
0x6db: {  	s14 =	sand.u32 $0xF000, s13;
	s15 =	sand.u32 $0xC00, s13;
	_ =	swait.ge [sflag:s9], $0xC000  }
0x6dc: {  	s14 =	sor.u32 s15, s14;
	s13 =	sand.u32 $0x380, s13;
	[sflag:s9] =	ssyncset.done $0x0  }
0x6dd: {  	s13 =	sor.u32 s13, s14;
	[sflag:s9] =	ssyncadd.s32 $0xFFFF4000  }
0x6de: {  	v3 =	vld [tilespmem:s13+$0x70]  }
0x6df: {  	v4 =	vld [tilespmem:s13+$0x0]  }
0x6e0: {  	v5 =	vld [tilespmem:s13+$0x10]  }
0x6e1: {  	v6 =	vld [tilespmem:s13+$0x20]  }
0x6e2: {  	v7 =	vld [tilespmem:s13+$0x30]  }
0x6e3: {  	v8 =	vld [tilespmem:s13+$0x40]  }
0x6e4: {  	v9 =	vld [tilespmem:s13+$0x50]  }
0x6e5: {  	v10 =	vld [tilespmem:s13+$0x60]  }
0x6e6: {  	v3 =	vmul.f32 $2.560000000e+02, v3;
	v4 =	vmul.f32 $2.560000000e+02, v4  }
0x6e7: {  	v5 =	vmul.f32 $2.560000000e+02, v5;
	v6 =	vmul.f32 $2.560000000e+02, v6  }
0x6e8: {  	v7 =	vmul.f32 $2.560000000e+02, v7;
	v3 =	vtrunc.f32 v3  }
0x6e9: {  	s17 =	simm.s32 $0x400;
	s18 =	simm.s32 $0x80;
	v8 =	vmul.f32 $2.560000000e+02, v8;
	v3 =	vcvt.f32.s32 v3  }
0x6ea: {  	s19 =	sand.u32 $0xC00, s17;
	s14 =	sand.u32 $0xF000, s18;
	s13 =	simm.s32 $0x20;
	v9 =	vmul.f32 $2.560000000e+02, v9;
	v10 =	vmul.f32 $2.560000000e+02, v10  }
0x6eb: {  	s14 =	sor.u32 s19, s14;
	s16 =	sand.u32 $0x380, s13;
	v4 =	vtrunc.f32 v4;
	v5 =	vtrunc.f32 v5;
	v3 =	vshll.u32 v3, $0x4  }
0x6ec: {  	s14 =	sor.u32 s16, s14;
	v6 =	vtrunc.f32 v6;
	v7 =	vtrunc.f32 v7;
	v3 =	vor.u32 v1, v3  }
0x6ed: {  	v13 =	vld [tilespmem:s14+$0x20];
	v8 =	vtrunc.f32 v8;
	v9 =	vtrunc.f32 v9  }
0x6ee: {  	v10 =	vtrunc.f32 v10;
	v4 =	vcvt.f32.s32 v4  }
0x6ef: {  	v11 =	vld [tilespmem:s14+$0x70];
	v5 =	vcvt.f32.s32 v5;
	v8 =	vcvt.f32.s32 v8  }
0x6f0: {  	v12 =	vld [tilespmem:s14+$0x10];
	v9 =	vcvt.f32.s32 v9;
	v10 =	vcvt.f32.s32 v10  }
0x6f1: {  	v4 =	vshll.u32 v4, $0x4;
	[tilespmem:v3+s10+$0x0] =	vst.idx.add.f32.msk $0xffff, v2;
	v3 =	vcvt.f32.s32 v6;
	v6 =	vcvt.f32.s32 v7  }
0x6f2: {  	v18 =	vld [tilespmem:s14+$0x40];
	v13 =	vmul.f32 $2.560000000e+02, v13;
	v5 =	vshll.u32 v5, $0x4;
	v14 =	vor.u32 v1, v4  }
0x6f3: {  	v15 =	vor.u32 v1, v5;
	v7 =	vld [tilespmem:s14+$0x0];
	v3 =	vshll.u32 v3, $0x4;
	v4 =	vshll.u32 v6, $0x4  }
0x6f4: {  	v6 =	vshll.u32 v8, $0x4;
	v8 =	vld [tilespmem:s14+$0x30];
	v17 =	vor.u32 v1, v3;
	v3 =	vmul.f32 $2.560000000e+02, v11  }
0x6f5: {  	v20 =	vld [tilespmem:s14+$0x50];
	v16 =	vshll.u32 v9, $0x4;
	v10 =	vshll.u32 v10, $0x4;
	v19 =	vor.u32 v1, v4  }
0x6f6: {  	v9 =	vld [tilespmem:s14+$0x60];
	v5 =	vor.u32 v1, v6;
	v6 =	vmul.f32 $2.560000000e+02, v12;
	v3 =	vtrunc.f32 v3  }
0x6f7: {  	[tilespmem:v14+s10+$0x0] =	vst.idx.add.f32.msk $0xffff, v2;
	v4 =	vor.u32 v1, v16;
	v11 =	vmul.f32 $2.560000000e+02, v18;
	v63 =	vcvt.f32.s32 v3  }
0x6f8: {  	[tilespmem:v15+s10+$0x0] =	vst.idx.add.f32.msk $0xffff, v2;
	v7 =	vmul.f32 $2.560000000e+02, v7;
	v3 =	vor.u32 v1, v10;
	v10 =	vtrunc.f32 v13  }
0x6f9: {  	v12 =	vmul.f32 $2.560000000e+02, v8;
	v8 =	vtrunc.f32 v6;
	v6 =	vshll.u32 v63, $0x4;
	[tilespmem:v17+s10+$0x0] =	vst.idx.add.f32.msk $0xffff, v2  }
0x6fa: {  	s15 =	simm.s32 $0x800;
	s16 =	simm.s32 $0x100;
	s14 =	simm.s32 $0x8;
	v13 =	vmul.f32 $2.560000000e+02, v20;
	v7 =	vtrunc.f32 v7;
	[tilespmem:v19+s10+$0x0] =	vst.idx.add.f32.msk $0xffff, v2;
	v6 =	vor.u32 v1, v6  }
.LBB2_56:
0x6fb: {  	s17 =	sand.u32 $0xF000, s16;
	s18 =	sand.u32 $0xC00, s15;
	v12 =	vtrunc.f32 v12;
	v9 =	vmul.f32 $2.560000000e+02, v9;
	s13 =	sadd.s32 $0x20, s13;
	[tilespmem:v5+s10+$0x0] =	vst.idx.add.f32.msk $0xffff, v2  }
0x6fc: {  	s14 =	sadd.s32 $0x8, s14;
	v5 =	vtrunc.f32 v11;
	s19 =	sand.u32 $0x380, s13;
	s17 =	sor.u32 s18, s17;
	v11 =	vtrunc.f32 v13;
	[tilespmem:v4+s10+$0x0] =	vst.idx.add.f32.msk $0xffff, v2  }
0x6fd: {  	p0 =	slt.u32 s14, $0xBF8;
	v4 =	vcvt.f32.s32 v7;
	s17 =	sor.u32 s19, s17;
	v7 =	vtrunc.f32 v9;
	[tilespmem:v3+s10+$0x0] =	vst.idx.add.f32.msk $0xffff, v2  }
0x6fe: {  	v8 =	vcvt.f32.s32 v8;
	v9 =	vcvt.f32.s32 v10;
	v3 =	vld [tilespmem:s17+$0x70]  }
0x6ff: {  	v5 =	vcvt.f32.s32 v5;
	v10 =	vcvt.f32.s32 v12;
	v4 =	vshll.u32 v4, $0x4;
	[tilespmem:v6+s10+$0x0] =	vst.idx.add.f32.msk $0xffff, v2  }
0x700: {  	v8 =	vshll.u32 v8, $0x4;
	v11 =	vcvt.f32.s32 v11;
	v7 =	vcvt.f32.s32 v7;
	v6 =	vld [tilespmem:s17+$0x0]  }
0x701: {  	v5 =	vshll.u32 v5, $0x4;
	v9 =	vshll.u32 v9, $0x4;
	v10 =	vshll.u32 v10, $0x4;
	v12 =	vld [tilespmem:s17+$0x10]  }
0x702: {  	v14 =	vor.u32 v1, v4;
	v4 =	vshll.u32 v11, $0x4;
	v7 =	vshll.u32 v7, $0x4;
	v13 =	vld [tilespmem:s17+$0x20]  }
0x703: {  	v8 =	vor.u32 v1, v8;
	v15 =	vor.u32 v1, v9;
	v16 =	vor.u32 v1, v10;
	v11 =	vld [tilespmem:s17+$0x30]  }
0x704: {  	v5 =	vor.u32 v1, v5;
	v4 =	vor.u32 v1, v4;
	v17 =	vmul.f32 $2.560000000e+02, v3;
	v10 =	vld [tilespmem:s17+$0x40]  }
0x705: {  	v3 =	vor.u32 v1, v7;
	v6 =	vmul.f32 $2.560000000e+02, v6;
	v18 =	vld [tilespmem:s17+$0x50]  }
.Ltmp27:
0x706: {  	v7 =	vtrunc.f32 v17;
	v19 =	vmul.f32 $2.560000000e+02, v12;
	v9 =	vld [tilespmem:s17+$0x60];
	(pc) =	sbr.rel @p0 .LBB2_56-.Ltmp27, $4  }
0x707: {  	v17 =	vcvt.f32.s32 v7;
	v13 =	vmul.f32 $2.560000000e+02, v13;
	[tilespmem:v14+s10+$0x0] =	vst.idx.add.f32.msk $0xffff, v2  }
0x708: {  	v7 =	vtrunc.f32 v6;
	v12 =	vmul.f32 $2.560000000e+02, v11;
	[tilespmem:v8+s10+$0x0] =	vst.idx.add.f32.msk $0xffff, v2  }
0x709: {  	v8 =	vtrunc.f32 v19;
	v6 =	vshll.u32 v17, $0x4;
	v11 =	vmul.f32 $2.560000000e+02, v10;
	[tilespmem:v15+s10+$0x0] =	vst.idx.add.f32.msk $0xffff, v2  }
0x70a: {  	s15 =	sadd.s32 $0x400, s15;
	s16 =	sadd.s32 $0x80, s16;
	v10 =	vtrunc.f32 v13;
	v6 =	vor.u32 v1, v6;
	v13 =	vmul.f32 $2.560000000e+02, v18;
	[tilespmem:v16+s10+$0x0] =	vst.idx.add.f32.msk $0xffff, v2  }
0x70b: {  	v12 =	vtrunc.f32 v12;
	v9 =	vmul.f32 $2.560000000e+02, v9  }
0x70c: {  	v11 =	vtrunc.f32 v11;
	v7 =	vcvt.f32.s32 v7  }
0x70d: {  	v8 =	vcvt.f32.s32 v8;
	v10 =	vcvt.f32.s32 v10  }
0x70e: {  	v13 =	vtrunc.f32 v13;
	v12 =	vcvt.f32.s32 v12;
	v7 =	vshll.u32 v7, $0x4  }
0x70f: {  	[tilespmem:v5+s10+$0x0] =	vst.idx.add.f32.msk $0xffff, v2;
	v5 =	vcvt.f32.s32 v11;
	v8 =	vshll.u32 v8, $0x4;
	v7 =	vor.u32 v1, v7  }
0x710: {  	v9 =	vtrunc.f32 v9;
	v10 =	vshll.u32 v10, $0x4;
	v8 =	vor.u32 v1, v8  }
0x711: {  	[tilespmem:v4+s10+$0x0] =	vst.idx.add.f32.msk $0xffff, v2;
	v4 =	vcvt.f32.s32 v13;
	v11 =	vshll.u32 v12, $0x4;
	v10 =	vor.u32 v1, v10  }
0x712: {  	[tilespmem:v3+s10+$0x0] =	vst.idx.add.f32.msk $0xffff, v2;
	v3 =	vcvt.f32.s32 v9;
	v5 =	vshll.u32 v5, $0x4;
	v9 =	vor.u32 v1, v11  }
0x713: {  	[tilespmem:v6+s10+$0x0] =	vst.idx.add.f32.msk $0xffff, v2;
	v4 =	vshll.u32 v4, $0x4;
	v5 =	vor.u32 v1, v5  }
0x714: {  	v3 =	vshll.u32 v3, $0x4;
	v4 =	vor.u32 v1, v4;
	[tilespmem:v7+s10+$0x0] =	vst.idx.add.f32.msk $0xffff, v2  }
0x715: {  	v3 =	vor.u32 v1, v3;
	[tilespmem:v8+s10+$0x0] =	vst.idx.add.f32.msk $0xffff, v2  }
0x716: {  	[tilespmem:v10+s10+$0x0] =	vst.idx.add.f32.msk $0xffff, v2  }
0x717: {  	[tilespmem:v9+s10+$0x0] =	vst.idx.add.f32.msk $0xffff, v2  }
0x718: {  	[tilespmem:v5+s10+$0x0] =	vst.idx.add.f32.msk $0xffff, v2  }
0x719: {  	[tilespmem:v4+s10+$0x0] =	vst.idx.add.f32.msk $0xffff, v2  }
0x71a: {  	s13 =	simm.s32 $0x0;
	[tilespmem:v3+s10+$0x0] =	vst.idx.add.f32.msk $0xffff, v2  }
0x71b: {  	[tilespmem:s13], [sflag:$0x1] =	stream.linear.gather [hbm4b:s21+s13], $0xC000, $0x38;
	[tilespmem:$0x19000] =	vst v63  }
0x71c: {  	s14 =	sand.u32 $0xF000, s13;
	s15 =	sand.u32 $0xC00, s13;
	_ =	swait.ge [sflag:s11], $0xC000  }
0x71d: {  	s14 =	sor.u32 s15, s14;
	s13 =	sand.u32 $0x380, s13;
	[sflag:s11] =	ssyncset.done $0x0  }
0x71e: {  	s13 =	sor.u32 s13, s14;
	[sflag:s11] =	ssyncadd.s32 $0xFFFF4000  }
0x71f: {  	v3 =	vld [tilespmem:s13+$0xC070]  }
0x720: {  	v4 =	vld [tilespmem:s13+$0xC000]  }
0x721: {  	v5 =	vld [tilespmem:s13+$0xC010]  }
0x722: {  	v6 =	vld [tilespmem:s13+$0xC020]  }
0x723: {  	v7 =	vld [tilespmem:s13+$0xC030]  }
0x724: {  	v8 =	vld [tilespmem:s13+$0xC040]  }
0x725: {  	v9 =	vld [tilespmem:s13+$0xC050]  }
0x726: {  	v10 =	vld [tilespmem:s13+$0xC060]  }
0x727: {  	v3 =	vmul.f32 $2.560000000e+02, v3;
	v4 =	vmul.f32 $2.560000000e+02, v4  }
0x728: {  	v5 =	vmul.f32 $2.560000000e+02, v5;
	v6 =	vmul.f32 $2.560000000e+02, v6  }
0x729: {  	v7 =	vmul.f32 $2.560000000e+02, v7;
	v3 =	vtrunc.f32 v3  }
0x72a: {  	s17 =	simm.s32 $0x400;
	s18 =	simm.s32 $0x80;
	v8 =	vmul.f32 $2.560000000e+02, v8;
	v3 =	vcvt.f32.s32 v3  }
0x72b: {  	s19 =	sand.u32 $0xC00, s17;
	s14 =	sand.u32 $0xF000, s18;
	s13 =	simm.s32 $0x20;
	v9 =	vmul.f32 $2.560000000e+02, v9;
	v10 =	vmul.f32 $2.560000000e+02, v10  }
0x72c: {  	s14 =	sor.u32 s19, s14;
	s16 =	sand.u32 $0x380, s13;
	v4 =	vtrunc.f32 v4;
	v5 =	vtrunc.f32 v5;
	v3 =	vshll.u32 v3, $0x4  }
0x72d: {  	s14 =	sor.u32 s16, s14;
	v6 =	vtrunc.f32 v6;
	v7 =	vtrunc.f32 v7;
	v3 =	vor.u32 v1, v3  }
0x72e: {  	v13 =	vld [tilespmem:s14+$0xC020];
	v8 =	vtrunc.f32 v8;
	v9 =	vtrunc.f32 v9  }
0x72f: {  	v10 =	vtrunc.f32 v10;
	v4 =	vcvt.f32.s32 v4  }
0x730: {  	v11 =	vld [tilespmem:s14+$0xC070];
	v5 =	vcvt.f32.s32 v5;
	v8 =	vcvt.f32.s32 v8  }
0x731: {  	v12 =	vld [tilespmem:s14+$0xC010];
	v9 =	vcvt.f32.s32 v9;
	v10 =	vcvt.f32.s32 v10  }
0x732: {  	v4 =	vshll.u32 v4, $0x4;
	[tilespmem:v3+s10+$0x0] =	vst.idx.add.f32.msk $0xffff, v2;
	v3 =	vcvt.f32.s32 v6;
	v6 =	vcvt.f32.s32 v7  }
0x733: {  	v18 =	vld [tilespmem:s14+$0xC040];
	v13 =	vmul.f32 $2.560000000e+02, v13;
	v5 =	vshll.u32 v5, $0x4;
	v14 =	vor.u32 v1, v4  }
0x734: {  	v15 =	vor.u32 v1, v5;
	v7 =	vld [tilespmem:s14+$0xC000];
	v3 =	vshll.u32 v3, $0x4;
	v4 =	vshll.u32 v6, $0x4  }
0x735: {  	v6 =	vshll.u32 v8, $0x4;
	v8 =	vld [tilespmem:s14+$0xC030];
	v17 =	vor.u32 v1, v3;
	v3 =	vmul.f32 $2.560000000e+02, v11  }
0x736: {  	v20 =	vld [tilespmem:s14+$0xC050];
	v16 =	vshll.u32 v9, $0x4;
	v10 =	vshll.u32 v10, $0x4;
	v19 =	vor.u32 v1, v4  }
0x737: {  	v9 =	vld [tilespmem:s14+$0xC060];
	v5 =	vor.u32 v1, v6;
	v6 =	vmul.f32 $2.560000000e+02, v12;
	v3 =	vtrunc.f32 v3  }
0x738: {  	[tilespmem:v14+s10+$0x0] =	vst.idx.add.f32.msk $0xffff, v2;
	v4 =	vor.u32 v1, v16;
	v11 =	vmul.f32 $2.560000000e+02, v18;
	v63 =	vcvt.f32.s32 v3  }
0x739: {  	[tilespmem:v15+s10+$0x0] =	vst.idx.add.f32.msk $0xffff, v2;
	v7 =	vmul.f32 $2.560000000e+02, v7;
	v3 =	vor.u32 v1, v10;
	v10 =	vtrunc.f32 v13  }
0x73a: {  	v12 =	vmul.f32 $2.560000000e+02, v8;
	v8 =	vtrunc.f32 v6;
	v6 =	vshll.u32 v63, $0x4;
	[tilespmem:v17+s10+$0x0] =	vst.idx.add.f32.msk $0xffff, v2  }
0x73b: {  	s15 =	simm.s32 $0x800;
	s16 =	simm.s32 $0x100;
	s14 =	simm.s32 $0x8;
	v13 =	vmul.f32 $2.560000000e+02, v20;
	v7 =	vtrunc.f32 v7;
	[tilespmem:v19+s10+$0x0] =	vst.idx.add.f32.msk $0xffff, v2;
	v6 =	vor.u32 v1, v6  }
.LBB2_58:
0x73c: {  	s17 =	sand.u32 $0xF000, s16;
	s18 =	sand.u32 $0xC00, s15;
	v12 =	vtrunc.f32 v12;
	v9 =	vmul.f32 $2.560000000e+02, v9;
	s13 =	sadd.s32 $0x20, s13;
	[tilespmem:v5+s10+$0x0] =	vst.idx.add.f32.msk $0xffff, v2  }
0x73d: {  	s14 =	sadd.s32 $0x8, s14;
	v5 =	vtrunc.f32 v11;
	s19 =	sand.u32 $0x380, s13;
	s17 =	sor.u32 s18, s17;
	v11 =	vtrunc.f32 v13;
	[tilespmem:v4+s10+$0x0] =	vst.idx.add.f32.msk $0xffff, v2  }
0x73e: {  	p0 =	slt.u32 s14, $0xBF8;
	v4 =	vcvt.f32.s32 v7;
	s17 =	sor.u32 s19, s17;
	v7 =	vtrunc.f32 v9;
	[tilespmem:v3+s10+$0x0] =	vst.idx.add.f32.msk $0xffff, v2  }
0x73f: {  	v8 =	vcvt.f32.s32 v8;
	v9 =	vcvt.f32.s32 v10;
	v3 =	vld [tilespmem:s17+$0xC070]  }
0x740: {  	v5 =	vcvt.f32.s32 v5;
	v10 =	vcvt.f32.s32 v12;
	v4 =	vshll.u32 v4, $0x4;
	[tilespmem:v6+s10+$0x0] =	vst.idx.add.f32.msk $0xffff, v2  }
0x741: {  	v8 =	vshll.u32 v8, $0x4;
	v11 =	vcvt.f32.s32 v11;
	v7 =	vcvt.f32.s32 v7;
	v6 =	vld [tilespmem:s17+$0xC000]  }
0x742: {  	v5 =	vshll.u32 v5, $0x4;
	v9 =	vshll.u32 v9, $0x4;
	v10 =	vshll.u32 v10, $0x4;
	v12 =	vld [tilespmem:s17+$0xC010]  }
0x743: {  	v14 =	vor.u32 v1, v4;
	v4 =	vshll.u32 v11, $0x4;
	v7 =	vshll.u32 v7, $0x4;
	v13 =	vld [tilespmem:s17+$0xC020]  }
0x744: {  	v8 =	vor.u32 v1, v8;
	v15 =	vor.u32 v1, v9;
	v16 =	vor.u32 v1, v10;
	v11 =	vld [tilespmem:s17+$0xC030]  }
0x745: {  	v5 =	vor.u32 v1, v5;
	v4 =	vor.u32 v1, v4;
	v17 =	vmul.f32 $2.560000000e+02, v3;
	v10 =	vld [tilespmem:s17+$0xC040]  }
0x746: {  	v3 =	vor.u32 v1, v7;
	v6 =	vmul.f32 $2.560000000e+02, v6;
	v18 =	vld [tilespmem:s17+$0xC050]  }
.Ltmp28:
0x747: {  	v7 =	vtrunc.f32 v17;
	v19 =	vmul.f32 $2.560000000e+02, v12;
	v9 =	vld [tilespmem:s17+$0xC060];
	(pc) =	sbr.rel @p0 .LBB2_58-.Ltmp28, $4  }
0x748: {  	v17 =	vcvt.f32.s32 v7;
	v13 =	vmul.f32 $2.560000000e+02, v13;
	[tilespmem:v14+s10+$0x0] =	vst.idx.add.f32.msk $0xffff, v2  }
0x749: {  	v7 =	vtrunc.f32 v6;
	v12 =	vmul.f32 $2.560000000e+02, v11;
	[tilespmem:v8+s10+$0x0] =	vst.idx.add.f32.msk $0xffff, v2  }
0x74a: {  	v8 =	vtrunc.f32 v19;
	v6 =	vshll.u32 v17, $0x4;
	v11 =	vmul.f32 $2.560000000e+02, v10;
	[tilespmem:v15+s10+$0x0] =	vst.idx.add.f32.msk $0xffff, v2  }
0x74b: {  	s15 =	sadd.s32 $0x400, s15;
	s16 =	sadd.s32 $0x80, s16;
	v10 =	vtrunc.f32 v13;
	v6 =	vor.u32 v1, v6;
	v13 =	vmul.f32 $2.560000000e+02, v18;
	[tilespmem:v16+s10+$0x0] =	vst.idx.add.f32.msk $0xffff, v2  }
0x74c: {  	v12 =	vtrunc.f32 v12;
	v9 =	vmul.f32 $2.560000000e+02, v9  }
0x74d: {  	v11 =	vtrunc.f32 v11;
	v7 =	vcvt.f32.s32 v7  }
0x74e: {  	v8 =	vcvt.f32.s32 v8;
	v10 =	vcvt.f32.s32 v10  }
0x74f: {  	v13 =	vtrunc.f32 v13;
	v12 =	vcvt.f32.s32 v12;
	v7 =	vshll.u32 v7, $0x4  }
0x750: {  	[tilespmem:v5+s10+$0x0] =	vst.idx.add.f32.msk $0xffff, v2;
	v5 =	vcvt.f32.s32 v11;
	v8 =	vshll.u32 v8, $0x4;
	v7 =	vor.u32 v1, v7  }
0x751: {  	v9 =	vtrunc.f32 v9;
	v10 =	vshll.u32 v10, $0x4;
	v8 =	vor.u32 v1, v8  }
0x752: {  	[tilespmem:v4+s10+$0x0] =	vst.idx.add.f32.msk $0xffff, v2;
	v4 =	vcvt.f32.s32 v13;
	v11 =	vshll.u32 v12, $0x4;
	v10 =	vor.u32 v1, v10  }
0x753: {  	[tilespmem:v3+s10+$0x0] =	vst.idx.add.f32.msk $0xffff, v2;
	v3 =	vcvt.f32.s32 v9;
	v5 =	vshll.u32 v5, $0x4;
	v9 =	vor.u32 v1, v11  }
0x754: {  	[tilespmem:v6+s10+$0x0] =	vst.idx.add.f32.msk $0xffff, v2;
	v4 =	vshll.u32 v4, $0x4;
	v5 =	vor.u32 v1, v5  }
0x755: {  	v3 =	vshll.u32 v3, $0x4;
	v4 =	vor.u32 v1, v4;
	[tilespmem:v7+s10+$0x0] =	vst.idx.add.f32.msk $0xffff, v2  }
0x756: {  	v3 =	vor.u32 v1, v3;
	[tilespmem:v8+s10+$0x0] =	vst.idx.add.f32.msk $0xffff, v2  }
0x757: {  	[tilespmem:v10+s10+$0x0] =	vst.idx.add.f32.msk $0xffff, v2  }
0x758: {  	[tilespmem:v9+s10+$0x0] =	vst.idx.add.f32.msk $0xffff, v2  }
0x759: {  	[tilespmem:v5+s10+$0x0] =	vst.idx.add.f32.msk $0xffff, v2  }
0x75a: {  	[tilespmem:v4+s10+$0x0] =	vst.idx.add.f32.msk $0xffff, v2  }
0x75b: {  	s13 =	simm.s32 $0x0;
	[tilespmem:v3+s10+$0x0] =	vst.idx.add.f32.msk $0xffff, v2  }
0x75c: {  	[tilespmem:s8], [sflag:$0x2] =	stream.linear.gather [hbm4b:s23+s13], $0xC000, $0x38;
	[tilespmem:$0x19000] =	vst v63  }
0x75d: {  	s14 =	sand.u32 $0xF000, s13;
	s15 =	sand.u32 $0xC00, s13;
	_ =	swait.ge [sflag:s9], $0xC000  }
0x75e: {  	s14 =	sor.u32 s15, s14;
	s13 =	sand.u32 $0x380, s13;
	[sflag:s9] =	ssyncset.done $0x0  }
0x75f: {  	s13 =	sor.u32 s13, s14;
	[sflag:s9] =	ssyncadd.s32 $0xFFFF4000  }
0x760: {  	v3 =	vld [tilespmem:s13+$0x70]  }
0x761: {  	v4 =	vld [tilespmem:s13+$0x0]  }
0x762: {  	v5 =	vld [tilespmem:s13+$0x10]  }
0x763: {  	v6 =	vld [tilespmem:s13+$0x20]  }
0x764: {  	v7 =	vld [tilespmem:s13+$0x30]  }
0x765: {  	v8 =	vld [tilespmem:s13+$0x40]  }
0x766: {  	v9 =	vld [tilespmem:s13+$0x50]  }
0x767: {  	v10 =	vld [tilespmem:s13+$0x60]  }
0x768: {  	v3 =	vmul.f32 $2.560000000e+02, v3;
	v4 =	vmul.f32 $2.560000000e+02, v4  }
0x769: {  	v5 =	vmul.f32 $2.560000000e+02, v5;
	v6 =	vmul.f32 $2.560000000e+02, v6  }
0x76a: {  	v7 =	vmul.f32 $2.560000000e+02, v7;
	v3 =	vtrunc.f32 v3  }
0x76b: {  	s17 =	simm.s32 $0x400;
	s18 =	simm.s32 $0x80;
	v8 =	vmul.f32 $2.560000000e+02, v8;
	v3 =	vcvt.f32.s32 v3  }
0x76c: {  	s19 =	sand.u32 $0xC00, s17;
	s14 =	sand.u32 $0xF000, s18;
	s13 =	simm.s32 $0x20;
	v9 =	vmul.f32 $2.560000000e+02, v9;
	v10 =	vmul.f32 $2.560000000e+02, v10  }
0x76d: {  	s14 =	sor.u32 s19, s14;
	s16 =	sand.u32 $0x380, s13;
	v4 =	vtrunc.f32 v4;
	v5 =	vtrunc.f32 v5;
	v3 =	vshll.u32 v3, $0x4  }
0x76e: {  	s14 =	sor.u32 s16, s14;
	v6 =	vtrunc.f32 v6;
	v7 =	vtrunc.f32 v7;
	v3 =	vor.u32 v1, v3  }
0x76f: {  	v13 =	vld [tilespmem:s14+$0x20];
	v8 =	vtrunc.f32 v8;
	v9 =	vtrunc.f32 v9  }
0x770: {  	v10 =	vtrunc.f32 v10;
	v4 =	vcvt.f32.s32 v4  }
0x771: {  	v11 =	vld [tilespmem:s14+$0x70];
	v5 =	vcvt.f32.s32 v5;
	v8 =	vcvt.f32.s32 v8  }
0x772: {  	v12 =	vld [tilespmem:s14+$0x10];
	v9 =	vcvt.f32.s32 v9;
	v10 =	vcvt.f32.s32 v10  }
0x773: {  	v4 =	vshll.u32 v4, $0x4;
	[tilespmem:v3+s10+$0x0] =	vst.idx.add.f32.msk $0xffff, v2;
	v3 =	vcvt.f32.s32 v6;
	v6 =	vcvt.f32.s32 v7  }
0x774: {  	v18 =	vld [tilespmem:s14+$0x40];
	v13 =	vmul.f32 $2.560000000e+02, v13;
	v5 =	vshll.u32 v5, $0x4;
	v14 =	vor.u32 v1, v4  }
0x775: {  	v15 =	vor.u32 v1, v5;
	v7 =	vld [tilespmem:s14+$0x0];
	v3 =	vshll.u32 v3, $0x4;
	v4 =	vshll.u32 v6, $0x4  }
0x776: {  	v6 =	vshll.u32 v8, $0x4;
	v8 =	vld [tilespmem:s14+$0x30];
	v17 =	vor.u32 v1, v3;
	v3 =	vmul.f32 $2.560000000e+02, v11  }
0x777: {  	v20 =	vld [tilespmem:s14+$0x50];
	v16 =	vshll.u32 v9, $0x4;
	v10 =	vshll.u32 v10, $0x4;
	v19 =	vor.u32 v1, v4  }
0x778: {  	v9 =	vld [tilespmem:s14+$0x60];
	v5 =	vor.u32 v1, v6;
	v6 =	vmul.f32 $2.560000000e+02, v12;
	v3 =	vtrunc.f32 v3  }
0x779: {  	[tilespmem:v14+s10+$0x0] =	vst.idx.add.f32.msk $0xffff, v2;
	v4 =	vor.u32 v1, v16;
	v11 =	vmul.f32 $2.560000000e+02, v18;
	v63 =	vcvt.f32.s32 v3  }
0x77a: {  	[tilespmem:v15+s10+$0x0] =	vst.idx.add.f32.msk $0xffff, v2;
	v7 =	vmul.f32 $2.560000000e+02, v7;
	v3 =	vor.u32 v1, v10;
	v10 =	vtrunc.f32 v13  }
0x77b: {  	v12 =	vmul.f32 $2.560000000e+02, v8;
	v8 =	vtrunc.f32 v6;
	v6 =	vshll.u32 v63, $0x4;
	[tilespmem:v17+s10+$0x0] =	vst.idx.add.f32.msk $0xffff, v2  }
0x77c: {  	s15 =	simm.s32 $0x800;
	s16 =	simm.s32 $0x100;
	s14 =	simm.s32 $0x8;
	v13 =	vmul.f32 $2.560000000e+02, v20;
	v7 =	vtrunc.f32 v7;
	[tilespmem:v19+s10+$0x0] =	vst.idx.add.f32.msk $0xffff, v2;
	v6 =	vor.u32 v1, v6  }
.LBB2_60:
0x77d: {  	s17 =	sand.u32 $0xF000, s16;
	s18 =	sand.u32 $0xC00, s15;
	v12 =	vtrunc.f32 v12;
	v9 =	vmul.f32 $2.560000000e+02, v9;
	s13 =	sadd.s32 $0x20, s13;
	[tilespmem:v5+s10+$0x0] =	vst.idx.add.f32.msk $0xffff, v2  }
0x77e: {  	s14 =	sadd.s32 $0x8, s14;
	v5 =	vtrunc.f32 v11;
	s19 =	sand.u32 $0x380, s13;
	s17 =	sor.u32 s18, s17;
	v11 =	vtrunc.f32 v13;
	[tilespmem:v4+s10+$0x0] =	vst.idx.add.f32.msk $0xffff, v2  }
0x77f: {  	p0 =	slt.u32 s14, $0xBF8;
	v4 =	vcvt.f32.s32 v7;
	s17 =	sor.u32 s19, s17;
	v7 =	vtrunc.f32 v9;
	[tilespmem:v3+s10+$0x0] =	vst.idx.add.f32.msk $0xffff, v2  }
0x780: {  	v8 =	vcvt.f32.s32 v8;
	v9 =	vcvt.f32.s32 v10;
	v3 =	vld [tilespmem:s17+$0x70]  }
0x781: {  	v5 =	vcvt.f32.s32 v5;
	v10 =	vcvt.f32.s32 v12;
	v4 =	vshll.u32 v4, $0x4;
	[tilespmem:v6+s10+$0x0] =	vst.idx.add.f32.msk $0xffff, v2  }
0x782: {  	v8 =	vshll.u32 v8, $0x4;
	v11 =	vcvt.f32.s32 v11;
	v7 =	vcvt.f32.s32 v7;
	v6 =	vld [tilespmem:s17+$0x0]  }
0x783: {  	v5 =	vshll.u32 v5, $0x4;
	v9 =	vshll.u32 v9, $0x4;
	v10 =	vshll.u32 v10, $0x4;
	v12 =	vld [tilespmem:s17+$0x10]  }
0x784: {  	v14 =	vor.u32 v1, v4;
	v4 =	vshll.u32 v11, $0x4;
	v7 =	vshll.u32 v7, $0x4;
	v13 =	vld [tilespmem:s17+$0x20]  }
0x785: {  	v8 =	vor.u32 v1, v8;
	v15 =	vor.u32 v1, v9;
	v16 =	vor.u32 v1, v10;
	v11 =	vld [tilespmem:s17+$0x30]  }
0x786: {  	v5 =	vor.u32 v1, v5;
	v4 =	vor.u32 v1, v4;
	v17 =	vmul.f32 $2.560000000e+02, v3;
	v10 =	vld [tilespmem:s17+$0x40]  }
0x787: {  	v3 =	vor.u32 v1, v7;
	v6 =	vmul.f32 $2.560000000e+02, v6;
	v18 =	vld [tilespmem:s17+$0x50]  }
.Ltmp29:
0x788: {  	v7 =	vtrunc.f32 v17;
	v19 =	vmul.f32 $2.560000000e+02, v12;
	v9 =	vld [tilespmem:s17+$0x60];
	(pc) =	sbr.rel @p0 .LBB2_60-.Ltmp29, $4  }
0x789: {  	v17 =	vcvt.f32.s32 v7;
	v13 =	vmul.f32 $2.560000000e+02, v13;
	[tilespmem:v14+s10+$0x0] =	vst.idx.add.f32.msk $0xffff, v2  }
0x78a: {  	v7 =	vtrunc.f32 v6;
	v12 =	vmul.f32 $2.560000000e+02, v11;
	[tilespmem:v8+s10+$0x0] =	vst.idx.add.f32.msk $0xffff, v2  }
0x78b: {  	v8 =	vtrunc.f32 v19;
	v6 =	vshll.u32 v17, $0x4;
	v11 =	vmul.f32 $2.560000000e+02, v10;
	[tilespmem:v15+s10+$0x0] =	vst.idx.add.f32.msk $0xffff, v2  }
0x78c: {  	s15 =	sadd.s32 $0x400, s15;
	s16 =	sadd.s32 $0x80, s16;
	v10 =	vtrunc.f32 v13;
	v6 =	vor.u32 v1, v6;
	v13 =	vmul.f32 $2.560000000e+02, v18;
	[tilespmem:v16+s10+$0x0] =	vst.idx.add.f32.msk $0xffff, v2  }
0x78d: {  	v12 =	vtrunc.f32 v12;
	v9 =	vmul.f32 $2.560000000e+02, v9  }
0x78e: {  	v11 =	vtrunc.f32 v11;
	v7 =	vcvt.f32.s32 v7  }
0x78f: {  	v8 =	vcvt.f32.s32 v8;
	v10 =	vcvt.f32.s32 v10  }
0x790: {  	v13 =	vtrunc.f32 v13;
	v12 =	vcvt.f32.s32 v12;
	v7 =	vshll.u32 v7, $0x4  }
0x791: {  	[tilespmem:v5+s10+$0x0] =	vst.idx.add.f32.msk $0xffff, v2;
	v5 =	vcvt.f32.s32 v11;
	v8 =	vshll.u32 v8, $0x4;
	v7 =	vor.u32 v1, v7  }
0x792: {  	v9 =	vtrunc.f32 v9;
	v10 =	vshll.u32 v10, $0x4;
	v8 =	vor.u32 v1, v8  }
0x793: {  	[tilespmem:v4+s10+$0x0] =	vst.idx.add.f32.msk $0xffff, v2;
	v4 =	vcvt.f32.s32 v13;
	v11 =	vshll.u32 v12, $0x4;
	v10 =	vor.u32 v1, v10  }
0x794: {  	[tilespmem:v3+s10+$0x0] =	vst.idx.add.f32.msk $0xffff, v2;
	v3 =	vcvt.f32.s32 v9;
	v5 =	vshll.u32 v5, $0x4;
	v9 =	vor.u32 v1, v11  }
0x795: {  	[tilespmem:v6+s10+$0x0] =	vst.idx.add.f32.msk $0xffff, v2;
	v4 =	vshll.u32 v4, $0x4;
	v5 =	vor.u32 v1, v5  }
0x796: {  	v3 =	vshll.u32 v3, $0x4;
	v4 =	vor.u32 v1, v4;
	[tilespmem:v7+s10+$0x0] =	vst.idx.add.f32.msk $0xffff, v2  }
0x797: {  	v3 =	vor.u32 v1, v3;
	[tilespmem:v8+s10+$0x0] =	vst.idx.add.f32.msk $0xffff, v2  }
0x798: {  	[tilespmem:v10+s10+$0x0] =	vst.idx.add.f32.msk $0xffff, v2  }
0x799: {  	[tilespmem:v9+s10+$0x0] =	vst.idx.add.f32.msk $0xffff, v2  }
0x79a: {  	[tilespmem:v5+s10+$0x0] =	vst.idx.add.f32.msk $0xffff, v2  }
0x79b: {  	[tilespmem:v4+s10+$0x0] =	vst.idx.add.f32.msk $0xffff, v2  }
0x79c: {  	s13 =	simm.s32 $0x0;
	[tilespmem:v3+s10+$0x0] =	vst.idx.add.f32.msk $0xffff, v2  }
0x79d: {  	[tilespmem:s13], [sflag:$0x1] =	stream.linear.gather [hbm4b:s24+s13], $0xC000, $0x38;
	[tilespmem:$0x19000] =	vst v63  }
0x79e: {  	s14 =	sand.u32 $0xF000, s13;
	s15 =	sand.u32 $0xC00, s13;
	_ =	swait.ge [sflag:s11], $0xC000  }
0x79f: {  	s14 =	sor.u32 s15, s14;
	s13 =	sand.u32 $0x380, s13;
	[sflag:s11] =	ssyncset.done $0x0  }
0x7a0: {  	s13 =	sor.u32 s13, s14;
	[sflag:s11] =	ssyncadd.s32 $0xFFFF4000  }
0x7a1: {  	v3 =	vld [tilespmem:s13+$0xC070]  }
0x7a2: {  	v4 =	vld [tilespmem:s13+$0xC000]  }
0x7a3: {  	v5 =	vld [tilespmem:s13+$0xC010]  }
0x7a4: {  	v6 =	vld [tilespmem:s13+$0xC020]  }
0x7a5: {  	v7 =	vld [tilespmem:s13+$0xC030]  }
0x7a6: {  	v8 =	vld [tilespmem:s13+$0xC040]  }
0x7a7: {  	v9 =	vld [tilespmem:s13+$0xC050]  }
0x7a8: {  	v10 =	vld [tilespmem:s13+$0xC060]  }
0x7a9: {  	v3 =	vmul.f32 $2.560000000e+02, v3;
	v4 =	vmul.f32 $2.560000000e+02, v4  }
0x7aa: {  	v5 =	vmul.f32 $2.560000000e+02, v5;
	v6 =	vmul.f32 $2.560000000e+02, v6  }
0x7ab: {  	v7 =	vmul.f32 $2.560000000e+02, v7;
	v3 =	vtrunc.f32 v3  }
0x7ac: {  	s17 =	simm.s32 $0x400;
	s18 =	simm.s32 $0x80;
	v8 =	vmul.f32 $2.560000000e+02, v8;
	v3 =	vcvt.f32.s32 v3  }
0x7ad: {  	s19 =	sand.u32 $0xC00, s17;
	s14 =	sand.u32 $0xF000, s18;
	s13 =	simm.s32 $0x20;
	v9 =	vmul.f32 $2.560000000e+02, v9;
	v10 =	vmul.f32 $2.560000000e+02, v10  }
0x7ae: {  	s14 =	sor.u32 s19, s14;
	s16 =	sand.u32 $0x380, s13;
	v4 =	vtrunc.f32 v4;
	v5 =	vtrunc.f32 v5;
	v3 =	vshll.u32 v3, $0x4  }
0x7af: {  	s14 =	sor.u32 s16, s14;
	v6 =	vtrunc.f32 v6;
	v7 =	vtrunc.f32 v7;
	v3 =	vor.u32 v1, v3  }
0x7b0: {  	v13 =	vld [tilespmem:s14+$0xC020];
	v8 =	vtrunc.f32 v8;
	v9 =	vtrunc.f32 v9  }
0x7b1: {  	v10 =	vtrunc.f32 v10;
	v4 =	vcvt.f32.s32 v4  }
0x7b2: {  	v11 =	vld [tilespmem:s14+$0xC070];
	v5 =	vcvt.f32.s32 v5;
	v8 =	vcvt.f32.s32 v8  }
0x7b3: {  	v12 =	vld [tilespmem:s14+$0xC010];
	v9 =	vcvt.f32.s32 v9;
	v10 =	vcvt.f32.s32 v10  }
0x7b4: {  	v4 =	vshll.u32 v4, $0x4;
	[tilespmem:v3+s10+$0x0] =	vst.idx.add.f32.msk $0xffff, v2;
	v3 =	vcvt.f32.s32 v6;
	v6 =	vcvt.f32.s32 v7  }
0x7b5: {  	v18 =	vld [tilespmem:s14+$0xC040];
	v13 =	vmul.f32 $2.560000000e+02, v13;
	v5 =	vshll.u32 v5, $0x4;
	v14 =	vor.u32 v1, v4  }
0x7b6: {  	v15 =	vor.u32 v1, v5;
	v7 =	vld [tilespmem:s14+$0xC000];
	v3 =	vshll.u32 v3, $0x4;
	v4 =	vshll.u32 v6, $0x4  }
0x7b7: {  	v6 =	vshll.u32 v8, $0x4;
	v8 =	vld [tilespmem:s14+$0xC030];
	v17 =	vor.u32 v1, v3;
	v3 =	vmul.f32 $2.560000000e+02, v11  }
0x7b8: {  	v20 =	vld [tilespmem:s14+$0xC050];
	v16 =	vshll.u32 v9, $0x4;
	v10 =	vshll.u32 v10, $0x4;
	v19 =	vor.u32 v1, v4  }
0x7b9: {  	v9 =	vld [tilespmem:s14+$0xC060];
	v5 =	vor.u32 v1, v6;
	v6 =	vmul.f32 $2.560000000e+02, v12;
	v3 =	vtrunc.f32 v3  }
0x7ba: {  	[tilespmem:v14+s10+$0x0] =	vst.idx.add.f32.msk $0xffff, v2;
	v4 =	vor.u32 v1, v16;
	v11 =	vmul.f32 $2.560000000e+02, v18;
	v63 =	vcvt.f32.s32 v3  }
0x7bb: {  	[tilespmem:v15+s10+$0x0] =	vst.idx.add.f32.msk $0xffff, v2;
	v7 =	vmul.f32 $2.560000000e+02, v7;
	v3 =	vor.u32 v1, v10;
	v10 =	vtrunc.f32 v13  }
0x7bc: {  	v12 =	vmul.f32 $2.560000000e+02, v8;
	v8 =	vtrunc.f32 v6;
	v6 =	vshll.u32 v63, $0x4;
	[tilespmem:v17+s10+$0x0] =	vst.idx.add.f32.msk $0xffff, v2  }
0x7bd: {  	s15 =	simm.s32 $0x800;
	s16 =	simm.s32 $0x100;
	s14 =	simm.s32 $0x8;
	v13 =	vmul.f32 $2.560000000e+02, v20;
	v7 =	vtrunc.f32 v7;
	[tilespmem:v19+s10+$0x0] =	vst.idx.add.f32.msk $0xffff, v2;
	v6 =	vor.u32 v1, v6  }
.LBB2_62:
0x7be: {  	s17 =	sand.u32 $0xF000, s16;
	s18 =	sand.u32 $0xC00, s15;
	v12 =	vtrunc.f32 v12;
	v9 =	vmul.f32 $2.560000000e+02, v9;
	s13 =	sadd.s32 $0x20, s13;
	[tilespmem:v5+s10+$0x0] =	vst.idx.add.f32.msk $0xffff, v2  }
0x7bf: {  	s14 =	sadd.s32 $0x8, s14;
	v5 =	vtrunc.f32 v11;
	s19 =	sand.u32 $0x380, s13;
	s17 =	sor.u32 s18, s17;
	v11 =	vtrunc.f32 v13;
	[tilespmem:v4+s10+$0x0] =	vst.idx.add.f32.msk $0xffff, v2  }
0x7c0: {  	p0 =	slt.u32 s14, $0xBF8;
	v4 =	vcvt.f32.s32 v7;
	s17 =	sor.u32 s19, s17;
	v7 =	vtrunc.f32 v9;
	[tilespmem:v3+s10+$0x0] =	vst.idx.add.f32.msk $0xffff, v2  }
0x7c1: {  	v8 =	vcvt.f32.s32 v8;
	v9 =	vcvt.f32.s32 v10;
	v3 =	vld [tilespmem:s17+$0xC070]  }
0x7c2: {  	v5 =	vcvt.f32.s32 v5;
	v10 =	vcvt.f32.s32 v12;
	v4 =	vshll.u32 v4, $0x4;
	[tilespmem:v6+s10+$0x0] =	vst.idx.add.f32.msk $0xffff, v2  }
0x7c3: {  	v8 =	vshll.u32 v8, $0x4;
	v11 =	vcvt.f32.s32 v11;
	v7 =	vcvt.f32.s32 v7;
	v6 =	vld [tilespmem:s17+$0xC000]  }
0x7c4: {  	v5 =	vshll.u32 v5, $0x4;
	v9 =	vshll.u32 v9, $0x4;
	v10 =	vshll.u32 v10, $0x4;
	v12 =	vld [tilespmem:s17+$0xC010]  }
0x7c5: {  	v14 =	vor.u32 v1, v4;
	v4 =	vshll.u32 v11, $0x4;
	v7 =	vshll.u32 v7, $0x4;
	v13 =	vld [tilespmem:s17+$0xC020]  }
0x7c6: {  	v8 =	vor.u32 v1, v8;
	v15 =	vor.u32 v1, v9;
	v16 =	vor.u32 v1, v10;
	v11 =	vld [tilespmem:s17+$0xC030]  }
0x7c7: {  	v5 =	vor.u32 v1, v5;
	v4 =	vor.u32 v1, v4;
	v17 =	vmul.f32 $2.560000000e+02, v3;
	v10 =	vld [tilespmem:s17+$0xC040]  }
0x7c8: {  	v3 =	vor.u32 v1, v7;
	v6 =	vmul.f32 $2.560000000e+02, v6;
	v18 =	vld [tilespmem:s17+$0xC050]  }
.Ltmp30:
0x7c9: {  	v7 =	vtrunc.f32 v17;
	v19 =	vmul.f32 $2.560000000e+02, v12;
	v9 =	vld [tilespmem:s17+$0xC060];
	(pc) =	sbr.rel @p0 .LBB2_62-.Ltmp30, $4  }
0x7ca: {  	v17 =	vcvt.f32.s32 v7;
	v13 =	vmul.f32 $2.560000000e+02, v13;
	[tilespmem:v14+s10+$0x0] =	vst.idx.add.f32.msk $0xffff, v2  }
0x7cb: {  	v7 =	vtrunc.f32 v6;
	v12 =	vmul.f32 $2.560000000e+02, v11;
	[tilespmem:v8+s10+$0x0] =	vst.idx.add.f32.msk $0xffff, v2  }
0x7cc: {  	v8 =	vtrunc.f32 v19;
	v6 =	vshll.u32 v17, $0x4;
	v11 =	vmul.f32 $2.560000000e+02, v10;
	[tilespmem:v15+s10+$0x0] =	vst.idx.add.f32.msk $0xffff, v2  }
0x7cd: {  	s15 =	sadd.s32 $0x400, s15;
	s16 =	sadd.s32 $0x80, s16;
	v10 =	vtrunc.f32 v13;
	v6 =	vor.u32 v1, v6;
	v13 =	vmul.f32 $2.560000000e+02, v18;
	[tilespmem:v16+s10+$0x0] =	vst.idx.add.f32.msk $0xffff, v2  }
0x7ce: {  	v12 =	vtrunc.f32 v12;
	v9 =	vmul.f32 $2.560000000e+02, v9  }
0x7cf: {  	v11 =	vtrunc.f32 v11;
	v7 =	vcvt.f32.s32 v7  }
0x7d0: {  	v8 =	vcvt.f32.s32 v8;
	v10 =	vcvt.f32.s32 v10  }
0x7d1: {  	v13 =	vtrunc.f32 v13;
	v12 =	vcvt.f32.s32 v12;
	v7 =	vshll.u32 v7, $0x4  }
0x7d2: {  	[tilespmem:v5+s10+$0x0] =	vst.idx.add.f32.msk $0xffff, v2;
	v5 =	vcvt.f32.s32 v11;
	v8 =	vshll.u32 v8, $0x4;
	v7 =	vor.u32 v1, v7  }
0x7d3: {  	v9 =	vtrunc.f32 v9;
	v10 =	vshll.u32 v10, $0x4;
	v8 =	vor.u32 v1, v8  }
0x7d4: {  	[tilespmem:v4+s10+$0x0] =	vst.idx.add.f32.msk $0xffff, v2;
	v4 =	vcvt.f32.s32 v13;
	v11 =	vshll.u32 v12, $0x4;
	v10 =	vor.u32 v1, v10  }
0x7d5: {  	[tilespmem:v3+s10+$0x0] =	vst.idx.add.f32.msk $0xffff, v2;
	v3 =	vcvt.f32.s32 v9;
	v5 =	vshll.u32 v5, $0x4;
	v9 =	vor.u32 v1, v11  }
0x7d6: {  	[tilespmem:v6+s10+$0x0] =	vst.idx.add.f32.msk $0xffff, v2;
	v4 =	vshll.u32 v4, $0x4;
	v5 =	vor.u32 v1, v5  }
0x7d7: {  	v3 =	vshll.u32 v3, $0x4;
	v4 =	vor.u32 v1, v4;
	[tilespmem:v7+s10+$0x0] =	vst.idx.add.f32.msk $0xffff, v2  }
0x7d8: {  	v3 =	vor.u32 v1, v3;
	[tilespmem:v8+s10+$0x0] =	vst.idx.add.f32.msk $0xffff, v2  }
0x7d9: {  	[tilespmem:v10+s10+$0x0] =	vst.idx.add.f32.msk $0xffff, v2  }
0x7da: {  	[tilespmem:v9+s10+$0x0] =	vst.idx.add.f32.msk $0xffff, v2  }
0x7db: {  	[tilespmem:v5+s10+$0x0] =	vst.idx.add.f32.msk $0xffff, v2  }
0x7dc: {  	[tilespmem:v4+s10+$0x0] =	vst.idx.add.f32.msk $0xffff, v2  }
0x7dd: {  	s13 =	simm.s32 $0x0;
	[tilespmem:v3+s10+$0x0] =	vst.idx.add.f32.msk $0xffff, v2  }
0x7de: {  	[tilespmem:s8], [sflag:$0x2] =	stream.linear.gather [hbm4b:s25+s13], $0xC000, $0x38;
	[tilespmem:$0x19000] =	vst v63  }
0x7df: {  	s14 =	sand.u32 $0xF000, s13;
	s15 =	sand.u32 $0xC00, s13;
	_ =	swait.ge [sflag:s9], $0xC000  }
0x7e0: {  	s14 =	sor.u32 s15, s14;
	s13 =	sand.u32 $0x380, s13;
	[sflag:s9] =	ssyncset.done $0x0  }
0x7e1: {  	s13 =	sor.u32 s13, s14;
	[sflag:s9] =	ssyncadd.s32 $0xFFFF4000  }
0x7e2: {  	v3 =	vld [tilespmem:s13+$0x70]  }
0x7e3: {  	v4 =	vld [tilespmem:s13+$0x0]  }
0x7e4: {  	v5 =	vld [tilespmem:s13+$0x10]  }
0x7e5: {  	v6 =	vld [tilespmem:s13+$0x20]  }
0x7e6: {  	v7 =	vld [tilespmem:s13+$0x30]  }
0x7e7: {  	v8 =	vld [tilespmem:s13+$0x40]  }
0x7e8: {  	v9 =	vld [tilespmem:s13+$0x50]  }
0x7e9: {  	v10 =	vld [tilespmem:s13+$0x60]  }
0x7ea: {  	v3 =	vmul.f32 $2.560000000e+02, v3;
	v4 =	vmul.f32 $2.560000000e+02, v4  }
0x7eb: {  	v5 =	vmul.f32 $2.560000000e+02, v5;
	v6 =	vmul.f32 $2.560000000e+02, v6  }
0x7ec: {  	v7 =	vmul.f32 $2.560000000e+02, v7;
	v3 =	vtrunc.f32 v3  }
0x7ed: {  	s17 =	simm.s32 $0x400;
	s18 =	simm.s32 $0x80;
	v8 =	vmul.f32 $2.560000000e+02, v8;
	v3 =	vcvt.f32.s32 v3  }
0x7ee: {  	s19 =	sand.u32 $0xC00, s17;
	s14 =	sand.u32 $0xF000, s18;
	s13 =	simm.s32 $0x20;
	v9 =	vmul.f32 $2.560000000e+02, v9;
	v10 =	vmul.f32 $2.560000000e+02, v10  }
0x7ef: {  	s14 =	sor.u32 s19, s14;
	s16 =	sand.u32 $0x380, s13;
	v4 =	vtrunc.f32 v4;
	v5 =	vtrunc.f32 v5;
	v3 =	vshll.u32 v3, $0x4  }
0x7f0: {  	s14 =	sor.u32 s16, s14;
	v6 =	vtrunc.f32 v6;
	v7 =	vtrunc.f32 v7;
	v3 =	vor.u32 v1, v3  }
0x7f1: {  	v13 =	vld [tilespmem:s14+$0x20];
	v8 =	vtrunc.f32 v8;
	v9 =	vtrunc.f32 v9  }
0x7f2: {  	v10 =	vtrunc.f32 v10;
	v4 =	vcvt.f32.s32 v4  }
0x7f3: {  	v11 =	vld [tilespmem:s14+$0x70];
	v5 =	vcvt.f32.s32 v5;
	v8 =	vcvt.f32.s32 v8  }
0x7f4: {  	v12 =	vld [tilespmem:s14+$0x10];
	v9 =	vcvt.f32.s32 v9;
	v10 =	vcvt.f32.s32 v10  }
0x7f5: {  	v4 =	vshll.u32 v4, $0x4;
	[tilespmem:v3+s10+$0x0] =	vst.idx.add.f32.msk $0xffff, v2;
	v3 =	vcvt.f32.s32 v6;
	v6 =	vcvt.f32.s32 v7  }
0x7f6: {  	v18 =	vld [tilespmem:s14+$0x40];
	v13 =	vmul.f32 $2.560000000e+02, v13;
	v5 =	vshll.u32 v5, $0x4;
	v14 =	vor.u32 v1, v4  }
0x7f7: {  	v15 =	vor.u32 v1, v5;
	v7 =	vld [tilespmem:s14+$0x0];
	v3 =	vshll.u32 v3, $0x4;
	v4 =	vshll.u32 v6, $0x4  }
0x7f8: {  	v6 =	vshll.u32 v8, $0x4;
	v8 =	vld [tilespmem:s14+$0x30];
	v17 =	vor.u32 v1, v3;
	v3 =	vmul.f32 $2.560000000e+02, v11  }
0x7f9: {  	v20 =	vld [tilespmem:s14+$0x50];
	v16 =	vshll.u32 v9, $0x4;
	v10 =	vshll.u32 v10, $0x4;
	v19 =	vor.u32 v1, v4  }
0x7fa: {  	v9 =	vld [tilespmem:s14+$0x60];
	v5 =	vor.u32 v1, v6;
	v6 =	vmul.f32 $2.560000000e+02, v12;
	v3 =	vtrunc.f32 v3  }
0x7fb: {  	[tilespmem:v14+s10+$0x0] =	vst.idx.add.f32.msk $0xffff, v2;
	v4 =	vor.u32 v1, v16;
	v11 =	vmul.f32 $2.560000000e+02, v18;
	v63 =	vcvt.f32.s32 v3  }
0x7fc: {  	[tilespmem:v15+s10+$0x0] =	vst.idx.add.f32.msk $0xffff, v2;
	v7 =	vmul.f32 $2.560000000e+02, v7;
	v3 =	vor.u32 v1, v10;
	v10 =	vtrunc.f32 v13  }
0x7fd: {  	v12 =	vmul.f32 $2.560000000e+02, v8;
	v8 =	vtrunc.f32 v6;
	v6 =	vshll.u32 v63, $0x4;
	[tilespmem:v17+s10+$0x0] =	vst.idx.add.f32.msk $0xffff, v2  }
0x7fe: {  	s15 =	simm.s32 $0x800;
	s16 =	simm.s32 $0x100;
	s14 =	simm.s32 $0x8;
	v13 =	vmul.f32 $2.560000000e+02, v20;
	v7 =	vtrunc.f32 v7;
	[tilespmem:v19+s10+$0x0] =	vst.idx.add.f32.msk $0xffff, v2;
	v6 =	vor.u32 v1, v6  }
.LBB2_64:
0x7ff: {  	s17 =	sand.u32 $0xF000, s16;
	s18 =	sand.u32 $0xC00, s15;
	v12 =	vtrunc.f32 v12;
	v9 =	vmul.f32 $2.560000000e+02, v9;
	s13 =	sadd.s32 $0x20, s13;
	[tilespmem:v5+s10+$0x0] =	vst.idx.add.f32.msk $0xffff, v2  }
0x800: {  	s14 =	sadd.s32 $0x8, s14;
	v5 =	vtrunc.f32 v11;
	s19 =	sand.u32 $0x380, s13;
	s17 =	sor.u32 s18, s17;
	v11 =	vtrunc.f32 v13;
	[tilespmem:v4+s10+$0x0] =	vst.idx.add.f32.msk $0xffff, v2  }
0x801: {  	p0 =	slt.u32 s14, $0xBF8;
	v4 =	vcvt.f32.s32 v7;
	s17 =	sor.u32 s19, s17;
	v7 =	vtrunc.f32 v9;
	[tilespmem:v3+s10+$0x0] =	vst.idx.add.f32.msk $0xffff, v2  }
0x802: {  	v8 =	vcvt.f32.s32 v8;
	v9 =	vcvt.f32.s32 v10;
	v3 =	vld [tilespmem:s17+$0x70]  }
0x803: {  	v5 =	vcvt.f32.s32 v5;
	v10 =	vcvt.f32.s32 v12;
	v4 =	vshll.u32 v4, $0x4;
	[tilespmem:v6+s10+$0x0] =	vst.idx.add.f32.msk $0xffff, v2  }
0x804: {  	v8 =	vshll.u32 v8, $0x4;
	v11 =	vcvt.f32.s32 v11;
	v7 =	vcvt.f32.s32 v7;
	v6 =	vld [tilespmem:s17+$0x0]  }
0x805: {  	v5 =	vshll.u32 v5, $0x4;
	v9 =	vshll.u32 v9, $0x4;
	v10 =	vshll.u32 v10, $0x4;
	v12 =	vld [tilespmem:s17+$0x10]  }
0x806: {  	v14 =	vor.u32 v1, v4;
	v4 =	vshll.u32 v11, $0x4;
	v7 =	vshll.u32 v7, $0x4;
	v13 =	vld [tilespmem:s17+$0x20]  }
0x807: {  	v8 =	vor.u32 v1, v8;
	v15 =	vor.u32 v1, v9;
	v16 =	vor.u32 v1, v10;
	v11 =	vld [tilespmem:s17+$0x30]  }
0x808: {  	v5 =	vor.u32 v1, v5;
	v4 =	vor.u32 v1, v4;
	v17 =	vmul.f32 $2.560000000e+02, v3;
	v10 =	vld [tilespmem:s17+$0x40]  }
0x809: {  	v3 =	vor.u32 v1, v7;
	v6 =	vmul.f32 $2.560000000e+02, v6;
	v18 =	vld [tilespmem:s17+$0x50]  }
.Ltmp31:
0x80a: {  	v7 =	vtrunc.f32 v17;
	v19 =	vmul.f32 $2.560000000e+02, v12;
	v9 =	vld [tilespmem:s17+$0x60];
	(pc) =	sbr.rel @p0 .LBB2_64-.Ltmp31, $4  }
0x80b: {  	v17 =	vcvt.f32.s32 v7;
	v13 =	vmul.f32 $2.560000000e+02, v13;
	[tilespmem:v14+s10+$0x0] =	vst.idx.add.f32.msk $0xffff, v2  }
0x80c: {  	v7 =	vtrunc.f32 v6;
	v12 =	vmul.f32 $2.560000000e+02, v11;
	[tilespmem:v8+s10+$0x0] =	vst.idx.add.f32.msk $0xffff, v2  }
0x80d: {  	v8 =	vtrunc.f32 v19;
	v6 =	vshll.u32 v17, $0x4;
	v11 =	vmul.f32 $2.560000000e+02, v10;
	[tilespmem:v15+s10+$0x0] =	vst.idx.add.f32.msk $0xffff, v2  }
0x80e: {  	s15 =	sadd.s32 $0x400, s15;
	s16 =	sadd.s32 $0x80, s16;
	v10 =	vtrunc.f32 v13;
	v6 =	vor.u32 v1, v6;
	v13 =	vmul.f32 $2.560000000e+02, v18;
	[tilespmem:v16+s10+$0x0] =	vst.idx.add.f32.msk $0xffff, v2  }
0x80f: {  	v12 =	vtrunc.f32 v12;
	v9 =	vmul.f32 $2.560000000e+02, v9  }
0x810: {  	v11 =	vtrunc.f32 v11;
	v7 =	vcvt.f32.s32 v7  }
0x811: {  	v8 =	vcvt.f32.s32 v8;
	v10 =	vcvt.f32.s32 v10  }
0x812: {  	v13 =	vtrunc.f32 v13;
	v12 =	vcvt.f32.s32 v12;
	v7 =	vshll.u32 v7, $0x4  }
0x813: {  	[tilespmem:v5+s10+$0x0] =	vst.idx.add.f32.msk $0xffff, v2;
	v5 =	vcvt.f32.s32 v11;
	v8 =	vshll.u32 v8, $0x4;
	v7 =	vor.u32 v1, v7  }
0x814: {  	v9 =	vtrunc.f32 v9;
	v10 =	vshll.u32 v10, $0x4;
	v8 =	vor.u32 v1, v8  }
0x815: {  	[tilespmem:v4+s10+$0x0] =	vst.idx.add.f32.msk $0xffff, v2;
	v4 =	vcvt.f32.s32 v13;
	v11 =	vshll.u32 v12, $0x4;
	v10 =	vor.u32 v1, v10  }
0x816: {  	[tilespmem:v3+s10+$0x0] =	vst.idx.add.f32.msk $0xffff, v2;
	v3 =	vcvt.f32.s32 v9;
	v5 =	vshll.u32 v5, $0x4;
	v9 =	vor.u32 v1, v11  }
0x817: {  	[tilespmem:v6+s10+$0x0] =	vst.idx.add.f32.msk $0xffff, v2;
	v4 =	vshll.u32 v4, $0x4;
	v5 =	vor.u32 v1, v5  }
0x818: {  	v3 =	vshll.u32 v3, $0x4;
	v4 =	vor.u32 v1, v4;
	[tilespmem:v7+s10+$0x0] =	vst.idx.add.f32.msk $0xffff, v2  }
0x819: {  	v3 =	vor.u32 v1, v3;
	[tilespmem:v8+s10+$0x0] =	vst.idx.add.f32.msk $0xffff, v2  }
0x81a: {  	[tilespmem:v10+s10+$0x0] =	vst.idx.add.f32.msk $0xffff, v2  }
0x81b: {  	[tilespmem:v9+s10+$0x0] =	vst.idx.add.f32.msk $0xffff, v2  }
0x81c: {  	[tilespmem:v5+s10+$0x0] =	vst.idx.add.f32.msk $0xffff, v2  }
0x81d: {  	[tilespmem:v4+s10+$0x0] =	vst.idx.add.f32.msk $0xffff, v2  }
0x81e: {  	s13 =	simm.s32 $0x0;
	[tilespmem:v3+s10+$0x0] =	vst.idx.add.f32.msk $0xffff, v2  }
0x81f: {  	s14 =	sand.u32 $0xF000, s13;
	s15 =	sand.u32 $0xC00, s13;
	_ =	swait.ge [sflag:s11], $0xC000  }
0x820: {  	s13 =	sand.u32 $0x380, s13;
	s14 =	sor.u32 s15, s14;
	[sflag:s11] =	ssyncset.done $0x0  }
0x821: {  	s13 =	sor.u32 s13, s14;
	[sflag:s11] =	ssyncadd.s32 $0xFFFF4000  }
0x822: {  	v3 =	vld [tilespmem:s13+$0xC070]  }
0x823: {  	v4 =	vld [tilespmem:s13+$0xC000]  }
0x824: {  	v5 =	vld [tilespmem:s13+$0xC010]  }
0x825: {  	v6 =	vld [tilespmem:s13+$0xC020]  }
0x826: {  	v7 =	vld [tilespmem:s13+$0xC030]  }
0x827: {  	v8 =	vld [tilespmem:s13+$0xC040]  }
0x828: {  	v9 =	vld [tilespmem:s13+$0xC050]  }
0x829: {  	v10 =	vld [tilespmem:s13+$0xC060]  }
0x82a: {  	v3 =	vmul.f32 $2.560000000e+02, v3;
	v4 =	vmul.f32 $2.560000000e+02, v4  }
0x82b: {  	v5 =	vmul.f32 $2.560000000e+02, v5;
	v6 =	vmul.f32 $2.560000000e+02, v6  }
0x82c: {  	v7 =	vmul.f32 $2.560000000e+02, v7;
	v3 =	vtrunc.f32 v3  }
0x82d: {  	s17 =	simm.s32 $0x400;
	s18 =	simm.s32 $0x80;
	v8 =	vmul.f32 $2.560000000e+02, v8;
	v3 =	vcvt.f32.s32 v3  }
0x82e: {  	s19 =	sand.u32 $0xC00, s17;
	s14 =	sand.u32 $0xF000, s18;
	s13 =	simm.s32 $0x20;
	v9 =	vmul.f32 $2.560000000e+02, v9;
	v10 =	vmul.f32 $2.560000000e+02, v10  }
0x82f: {  	s14 =	sor.u32 s19, s14;
	s16 =	sand.u32 $0x380, s13;
	v4 =	vtrunc.f32 v4;
	v5 =	vtrunc.f32 v5;
	v3 =	vshll.u32 v3, $0x4  }
0x830: {  	s14 =	sor.u32 s16, s14;
	v6 =	vtrunc.f32 v6;
	v7 =	vtrunc.f32 v7;
	v3 =	vor.u32 v1, v3  }
0x831: {  	v13 =	vld [tilespmem:s14+$0xC020];
	v8 =	vtrunc.f32 v8;
	v9 =	vtrunc.f32 v9  }
0x832: {  	v10 =	vtrunc.f32 v10;
	v4 =	vcvt.f32.s32 v4  }
0x833: {  	v11 =	vld [tilespmem:s14+$0xC070];
	v5 =	vcvt.f32.s32 v5;
	v8 =	vcvt.f32.s32 v8  }
0x834: {  	v12 =	vld [tilespmem:s14+$0xC010];
	v9 =	vcvt.f32.s32 v9;
	v10 =	vcvt.f32.s32 v10  }
0x835: {  	v4 =	vshll.u32 v4, $0x4;
	[tilespmem:v3+s10+$0x0] =	vst.idx.add.f32.msk $0xffff, v2;
	v3 =	vcvt.f32.s32 v6;
	v6 =	vcvt.f32.s32 v7  }
0x836: {  	v18 =	vld [tilespmem:s14+$0xC040];
	v13 =	vmul.f32 $2.560000000e+02, v13;
	v5 =	vshll.u32 v5, $0x4;
	v14 =	vor.u32 v1, v4  }
0x837: {  	v15 =	vor.u32 v1, v5;
	v7 =	vld [tilespmem:s14+$0xC000];
	v3 =	vshll.u32 v3, $0x4;
	v4 =	vshll.u32 v6, $0x4  }
0x838: {  	v6 =	vshll.u32 v8, $0x4;
	v8 =	vld [tilespmem:s14+$0xC030];
	v17 =	vor.u32 v1, v3;
	v3 =	vmul.f32 $2.560000000e+02, v11  }
0x839: {  	v20 =	vld [tilespmem:s14+$0xC050];
	v16 =	vshll.u32 v9, $0x4;
	v10 =	vshll.u32 v10, $0x4;
	v19 =	vor.u32 v1, v4  }
0x83a: {  	v9 =	vld [tilespmem:s14+$0xC060];
	v5 =	vor.u32 v1, v6;
	v6 =	vmul.f32 $2.560000000e+02, v12;
	v3 =	vtrunc.f32 v3  }
0x83b: {  	[tilespmem:v14+s10+$0x0] =	vst.idx.add.f32.msk $0xffff, v2;
	v4 =	vor.u32 v1, v16;
	v11 =	vmul.f32 $2.560000000e+02, v18;
	v63 =	vcvt.f32.s32 v3  }
0x83c: {  	[tilespmem:v15+s10+$0x0] =	vst.idx.add.f32.msk $0xffff, v2;
	v7 =	vmul.f32 $2.560000000e+02, v7;
	v3 =	vor.u32 v1, v10;
	v10 =	vtrunc.f32 v13  }
0x83d: {  	v12 =	vmul.f32 $2.560000000e+02, v8;
	v8 =	vtrunc.f32 v6;
	v6 =	vshll.u32 v63, $0x4;
	[tilespmem:v17+s10+$0x0] =	vst.idx.add.f32.msk $0xffff, v2  }
0x83e: {  	s15 =	simm.s32 $0x800;
	s16 =	simm.s32 $0x100;
	s14 =	simm.s32 $0x8;
	v13 =	vmul.f32 $2.560000000e+02, v20;
	v7 =	vtrunc.f32 v7;
	[tilespmem:v19+s10+$0x0] =	vst.idx.add.f32.msk $0xffff, v2;
	v6 =	vor.u32 v1, v6  }
.LBB2_66:
0x83f: {  	s17 =	sand.u32 $0xF000, s16;
	s18 =	sand.u32 $0xC00, s15;
	v12 =	vtrunc.f32 v12;
	v9 =	vmul.f32 $2.560000000e+02, v9;
	s13 =	sadd.s32 $0x20, s13;
	[tilespmem:v5+s10+$0x0] =	vst.idx.add.f32.msk $0xffff, v2  }
0x840: {  	s14 =	sadd.s32 $0x8, s14;
	v5 =	vtrunc.f32 v11;
	s19 =	sand.u32 $0x380, s13;
	s17 =	sor.u32 s18, s17;
	v11 =	vtrunc.f32 v13;
	[tilespmem:v4+s10+$0x0] =	vst.idx.add.f32.msk $0xffff, v2  }
0x841: {  	p0 =	slt.u32 s14, $0xBF8;
	v4 =	vcvt.f32.s32 v7;
	s17 =	sor.u32 s19, s17;
	v7 =	vtrunc.f32 v9;
	[tilespmem:v3+s10+$0x0] =	vst.idx.add.f32.msk $0xffff, v2  }
0x842: {  	v8 =	vcvt.f32.s32 v8;
	v9 =	vcvt.f32.s32 v10;
	v3 =	vld [tilespmem:s17+$0xC070]  }
0x843: {  	v5 =	vcvt.f32.s32 v5;
	v10 =	vcvt.f32.s32 v12;
	v4 =	vshll.u32 v4, $0x4;
	[tilespmem:v6+s10+$0x0] =	vst.idx.add.f32.msk $0xffff, v2  }
0x844: {  	v8 =	vshll.u32 v8, $0x4;
	v11 =	vcvt.f32.s32 v11;
	v7 =	vcvt.f32.s32 v7;
	v6 =	vld [tilespmem:s17+$0xC000]  }
0x845: {  	v5 =	vshll.u32 v5, $0x4;
	v9 =	vshll.u32 v9, $0x4;
	v10 =	vshll.u32 v10, $0x4;
	v12 =	vld [tilespmem:s17+$0xC010]  }
0x846: {  	v14 =	vor.u32 v1, v4;
	v4 =	vshll.u32 v11, $0x4;
	v7 =	vshll.u32 v7, $0x4;
	v13 =	vld [tilespmem:s17+$0xC020]  }
0x847: {  	v8 =	vor.u32 v1, v8;
	v15 =	vor.u32 v1, v9;
	v16 =	vor.u32 v1, v10;
	v11 =	vld [tilespmem:s17+$0xC030]  }
0x848: {  	v5 =	vor.u32 v1, v5;
	v4 =	vor.u32 v1, v4;
	v17 =	vmul.f32 $2.560000000e+02, v3;
	v10 =	vld [tilespmem:s17+$0xC040]  }
0x849: {  	v3 =	vor.u32 v1, v7;
	v6 =	vmul.f32 $2.560000000e+02, v6;
	v18 =	vld [tilespmem:s17+$0xC050]  }
.Ltmp32:
0x84a: {  	v7 =	vtrunc.f32 v17;
	v19 =	vmul.f32 $2.560000000e+02, v12;
	v9 =	vld [tilespmem:s17+$0xC060];
	(pc) =	sbr.rel @p0 .LBB2_66-.Ltmp32, $4  }
0x84b: {  	v17 =	vcvt.f32.s32 v7;
	v13 =	vmul.f32 $2.560000000e+02, v13;
	[tilespmem:v14+s10+$0x0] =	vst.idx.add.f32.msk $0xffff, v2  }
0x84c: {  	v7 =	vtrunc.f32 v6;
	v12 =	vmul.f32 $2.560000000e+02, v11;
	[tilespmem:v8+s10+$0x0] =	vst.idx.add.f32.msk $0xffff, v2  }
0x84d: {  	v8 =	vtrunc.f32 v19;
	v6 =	vshll.u32 v17, $0x4;
	v11 =	vmul.f32 $2.560000000e+02, v10;
	[tilespmem:v15+s10+$0x0] =	vst.idx.add.f32.msk $0xffff, v2  }
0x84e: {  	s15 =	sadd.s32 $0x400, s15;
	s16 =	sadd.s32 $0x80, s16;
	v10 =	vtrunc.f32 v13;
	v6 =	vor.u32 v1, v6;
	v13 =	vmul.f32 $2.560000000e+02, v18;
	[tilespmem:v16+s10+$0x0] =	vst.idx.add.f32.msk $0xffff, v2  }
0x84f: {  	v12 =	vtrunc.f32 v12;
	v9 =	vmul.f32 $2.560000000e+02, v9  }
0x850: {  	v11 =	vtrunc.f32 v11;
	v7 =	vcvt.f32.s32 v7  }
0x851: {  	v8 =	vcvt.f32.s32 v8;
	v10 =	vcvt.f32.s32 v10  }
0x852: {  	v13 =	vtrunc.f32 v13;
	v12 =	vcvt.f32.s32 v12;
	v7 =	vshll.u32 v7, $0x4  }
0x853: {  	v60 =	vcvt.f32.s32 v11;
	v8 =	vshll.u32 v8, $0x4;
	v7 =	vor.u32 v1, v7  }
0x854: {  	[tilespmem:v5+s10+$0x0] =	vst.idx.add.f32.msk $0xffff, v2;
	v9 =	vtrunc.f32 v9;
	v10 =	vshll.u32 v10, $0x4;
	v8 =	vor.u32 v1, v8  }
0x855: {  	[tilespmem:v4+s10+$0x0] =	vst.idx.add.f32.msk $0xffff, v2;
	v61 =	vcvt.f32.s32 v13;
	v62 =	vshll.u32 v12, $0x4;
	v10 =	vor.u32 v1, v10  }
0x856: {  	[tilespmem:v3+s10+$0x0] =	vst.idx.add.f32.msk $0xffff, v2;
	v3 =	vcvt.f32.s32 v9;
	v5 =	vshll.u32 v60, $0x4;
	v63 =	vor.u32 v1, v62  }
0x857: {  	[tilespmem:v6+s10+$0x0] =	vst.idx.add.f32.msk $0xffff, v2;
	v4 =	vshll.u32 v61, $0x4;
	v5 =	vor.u32 v1, v5  }
0x858: {  	v3 =	vshll.u32 v3, $0x4;
	v4 =	vor.u32 v1, v4;
	[tilespmem:v7+s10+$0x0] =	vst.idx.add.f32.msk $0xffff, v2  }
0x859: {  	v3 =	vor.u32 v1, v3;
	[tilespmem:v8+s10+$0x0] =	vst.idx.add.f32.msk $0xffff, v2  }
0x85a: {  	[tilespmem:v10+s10+$0x0] =	vst.idx.add.f32.msk $0xffff, v2  }
0x85b: {  	[tilespmem:v63+s10+$0x0] =	vst.idx.add.f32.msk $0xffff, v2  }
0x85c: {  	s2 =	sadd.s32 $0x1, s2;
	[tilespmem:v5+s10+$0x0] =	vst.idx.add.f32.msk $0xffff, v2  }
0x85d: {  	p0 =	sne.s32 s2, s26;
	[tilespmem:v4+s10+$0x0] =	vst.idx.add.f32.msk $0xffff, v2  }
.Ltmp33:
0x85e: {  	s13 =	simm.s32 $0x80;
	s14 =	simm.s32 $0x400;
	[tilespmem:v3+s10+$0x0] =	vst.idx.add.f32.msk $0xffff, v2;
	(pc) =	sbr.rel @p0 .LBB2_1-.Ltmp33, $4  }
0x85f: {  	[hbm4b:s22+s13] =	stream.strided.scatter [tilespmem:s10], [sflag:$0x3], $0x1000, s14, s13, $0x38;
	[tilespmem:$0x19000] =	vst v63  }
0x860: {  	_ =	swait.ge [sflag:s12], $0x1000  }
0x861: {  	[sflag:s12] =	ssyncset.done $0x0  }
0x862: {  	[sflag:s12] =	ssyncadd.s32 $0xFFFFF000  }
0x863: {  	_ =	sfence.sel $0x180000  }
0x864: {  	[bflag:$0x0] =	sbarrier.arrive $0xFFFF  }
0x865: {  	_ =	strace $0x90000047  }
0x866: {  	s0 =	stileid.u32;
	[bflag:$0x2] =	sbarrier.arrive $0xFFFF  }
0x867: {  	p0 =	sne.s32 s0, $0x0;
	s0 =	rddreg [dreg:$0x2]  }
0x868: {  	s0 =	sadd.s32 @!p0 $0x100000, s0  }
0x869: {  	[sflag:s0] =	ssyncadd.tile.s32 @!p0 $0x1;
	_ =	shalt  }
.Lfunc_end2:
_tile_overlayer_lowered:
.L_overlay_start_2:
0x86a: {  	(tag) =	ssettag $0x2  }
0x86b: {  	s0 =	rddreg [dreg:$0x0];
	s2 =	stileid.u32  }
0x86c: {  	s1 =	rddreg [dreg:$0x1];
	p0 =	sne.s32 s2, $0x0  }
0x86d: {  	s3 =	rddreg [dreg:$0x2];
	[bflag:$0x3] =	sbarrier.arrive $0xFFFF;
	s2 =	simm.s32 @!p0 $0x1C03  }
0x86e: {  	[timem:s3], [sflag:s2] =	dma.local @!p0 [hbm:s0], s1  }
0x86f: {  	s0 =	simm.s32 @!p0 $0x3  }
0x870: {  	_ =	swait.ge @!p0 [sflag:s0], s1  }
0x871: {  	s1 =	ssub.s32 @!p0 $0x0, s1;
	[sflag:s0] =	ssyncset.done @!p0 $0x0  }
0x872: {  	[sflag:s0] =	ssyncadd.s32 @!p0 s1  }
0x873: {  	[bflag:$0x3] =	sbarrier.arrive $0xFFFF  }
0x874: {  	_ =	shalt  }

</sc_bundles>
